<compile_context>
chip_gen: v7x
topology: tpu7x:2x2x1
jax: 0.10.2.dev20260603
libtpu: 0.0.44.dev20260713+nightly
codegen_flags: <defaults>
</compile_context>

<pallas_src>
import functools

import jax
import jax.numpy as jnp
from jax import lax
from jax.experimental import pallas as pl
from jax.experimental.pallas import tpu as pltpu
from jax.experimental.pallas import tpu_sc as plsc

VOCAB = 8352
EMBED_DIM = 3
SEQ = 200
BATCH = 16384
NUM_WORKERS = 32
BCOLS_PER_W = BATCH // NUM_WORKERS
BLK_T = 8
BLK_B = 256
N_TROWS = SEQ // BLK_T
BLKS_PER_ROW = BCOLS_PER_W // BLK_B
N_BLKS = N_TROWS * BLKS_PER_ROW
GROUPS_PER_TROW = BLK_B // 16
EP_START = N_BLKS - 2 if N_BLKS % 2 == 0 else N_BLKS - 3
N_STEADY_PAIRS = (EP_START - 2) // 2

_mesh = plsc.VectorSubcoreMesh(core_axis_name="c", subcore_axis_name="s")


@functools.partial(
    pl.kernel,
    out_type=jax.ShapeDtypeStruct((EMBED_DIM, SEQ, BATCH), jnp.float32),
    mesh=_mesh,
    compiler_params=pltpu.CompilerParams(needs_layout_passes=False),
    scratch_types=[
        pltpu.VMEM((VOCAB,), jnp.float32),
        pltpu.VMEM((VOCAB,), jnp.float32),
        pltpu.VMEM((VOCAB,), jnp.float32),
        pltpu.VMEM((BLK_T, BLK_B), jnp.int32),
        pltpu.VMEM((BLK_T, BLK_B), jnp.int32),
        pltpu.VMEM((EMBED_DIM, BLK_T, BLK_B), jnp.float32),
        pltpu.VMEM((EMBED_DIM, BLK_T, BLK_B), jnp.float32),
        pltpu.SemaphoreType.DMA,
        pltpu.SemaphoreType.DMA,
        pltpu.SemaphoreType.DMA,
        pltpu.SemaphoreType.DMA,
        pltpu.SemaphoreType.DMA,
    ],
)
def _embed_sc(x_ref, tbl_ref, out_ref, t0c, t1c, t2c,
              idx0, idx1, out0, out1, si0, si1, so0, so1, stbl):
    wid = lax.axis_index("c") * 16 + lax.axis_index("s")
    wb = wid * BCOLS_PER_W

    idx_b = (idx0, idx1)
    out_b = (out0, out1)
    s_in = (si0, si1)
    s_out = (so0, so1)
    tcols = (t0c, t1c, t2c)

    def blk_pos(blk):
        trow = blk // BLKS_PER_ROW
        half = blk % BLKS_PER_ROW
        return trow * BLK_T, wb + half * BLK_B

    def start_in(b, blk):
        tt, bb = blk_pos(blk)
        pltpu.make_async_copy(
            x_ref.at[pl.ds(tt, BLK_T), pl.ds(bb, BLK_B)], idx_b[b], s_in[b]
        ).start()

    def wait_in(b):
        pltpu.make_async_copy(
            x_ref.at[pl.ds(0, BLK_T), pl.ds(0, BLK_B)], idx_b[b], s_in[b]
        ).wait()

    def start_out(b, blk):
        tt, bb = blk_pos(blk)
        pltpu.make_async_copy(
            out_b[b], out_ref.at[:, pl.ds(tt, BLK_T), pl.ds(bb, BLK_B)], s_out[b]
        ).start()

    def wait_out(b):
        pltpu.make_async_copy(
            out_b[b], out_ref.at[:, pl.ds(0, BLK_T), pl.ds(0, BLK_B)], s_out[b]
        ).wait()

    def compute(b):
        @plsc.parallel_loop(0, BLK_T, unroll=4)
        def _(t):
            for j in range(GROUPS_PER_TROW):
                c = j * 16
                idx = idx_b[b][t, pl.ds(c, 16)]
                for d in range(EMBED_DIM):
                    out_b[b][d, t, pl.ds(c, 16)] = plsc.load_gather(
                        tcols[d], [idx]
                    )

    for d in range(EMBED_DIM):
        pltpu.make_async_copy(
            tbl_ref.at[pl.ds(d * VOCAB, VOCAB)], tcols[d], stbl
        ).start()
    start_in(0, 0)
    start_in(1, 1)
    for d in range(EMBED_DIM):
        pltpu.make_async_copy(
            tbl_ref.at[pl.ds(0, VOCAB)], tcols[d], stbl
        ).wait()

    for b in range(2):
        wait_in(b)
        compute(b)
        start_out(b, b)
        start_in(b, b + 2)

    @pl.loop(0, N_STEADY_PAIRS)
    def _(i):
        for b in range(2):
            blk = 2 + i * 2 + b
            wait_in(b)
            wait_out(b)
            compute(b)
            start_out(b, blk)
            start_in(b, blk + 2)

    for blk in range(2 + 2 * N_STEADY_PAIRS, N_BLKS):
        b = blk % 2
        wait_in(b)
        wait_out(b)
        compute(b)
        start_out(b, blk)
        if blk + 2 < N_BLKS:
            start_in(b, blk + 2)
    wait_out(0)
    wait_out(1)


def kernel(x, table):
    xt = x.astype(jnp.int32).T
    tbl_t = table.T.reshape(EMBED_DIM * VOCAB)
    out = _embed_sc(xt, tbl_t)
    return out.transpose(2, 1, 0)

# --- scband reference (transcript-rebuilt; emitter-appended) ---
"""Pipeline reference for scband-random-word-vec-23493471109454 (READ-ONLY COPY).

The authoritative reference and input builder live on the scoring server;
editing this copy changes nothing except your own understanding.
"""

import jax, jax.numpy as jnp
import numpy as np

VOCAB = 8352
EMBED_DIM = 3

def setup_inputs(seed: int = 0) -> dict:
    key = jax.random.key(seed)
    k1, k2 = jax.random.split(key)
    x = jax.random.randint(k1, (16384, 200), 0, VOCAB, dtype=jnp.int64 if jax.config.jax_enable_x64 else jnp.int32)
    table = jax.random.normal(k2, (VOCAB, EMBED_DIM), dtype=jnp.float32)
    return {"x": x, "table": table}

def reference(x, table):
    # nn.Embedding forward: gather rows of the embedding table
    return jnp.take(table, x, axis=0)

if __name__ == "__main__":
    import jax
    _d = setup_inputs()
    print(jax.jit(kernel)(*tuple(_d.values())))

</pallas_src>

<mosaic_0001>
#map = affine_map<(d0, d1) -> (0, 0)>
#map1 = affine_map<(d0, d1) -> (0)>
#map2 = affine_map<(d0, d1) -> (0, 0, 0)>
module attributes {stable_mosaic.version = 14 : i64} {
  func.func @_embed_sc(%arg0: i32, %arg1: i32, %arg2: memref<200x16384xi32, #tpu.memory_space<hbm>>, %arg3: memref<25056xf32, #tpu.memory_space<hbm>>, %arg4: memref<3x200x16384xf32, #tpu.memory_space<hbm>>, %arg5: memref<8352xf32, #tpu.memory_space<vmem>>, %arg6: memref<8352xf32, #tpu.memory_space<vmem>>, %arg7: memref<8352xf32, #tpu.memory_space<vmem>>, %arg8: memref<8x256xi32, #tpu.memory_space<vmem>>, %arg9: memref<8x256xi32, #tpu.memory_space<vmem>>, %arg10: memref<3x8x256xf32, #tpu.memory_space<vmem>>, %arg11: memref<3x8x256xf32, #tpu.memory_space<vmem>>, %arg12: memref<!tpu.dma_semaphore, #tpu.memory_space<semaphore_mem>>, %arg13: memref<!tpu.dma_semaphore, #tpu.memory_space<semaphore_mem>>, %arg14: memref<!tpu.dma_semaphore, #tpu.memory_space<semaphore_mem>>, %arg15: memref<!tpu.dma_semaphore, #tpu.memory_space<semaphore_mem>>, %arg16: memref<!tpu.dma_semaphore, #tpu.memory_space<semaphore_mem>>) attributes {dimension_semantics = [#tpu.dimension_semantics<core_parallel>, #tpu.dimension_semantics<subcore_parallel>], iteration_bounds = array<i64: 2, 16>, scalar_prefetch = 0 : i64, scratch_operands = 12 : i64, tpu.core_type = #tpu.core_type<sc_vector_subcore>, window_params = [{transform_indices = #map}, {transform_indices = #map1}, {transform_indices = #map2}]} {
    %mul3A = arith.constant 16 : i32
    %mul3A_0 = arith.muli %arg0, %mul3A : i32
    %add3A = arith.addi %mul3A_0, %arg1 : i32
    %mul3A_1 = arith.constant 512 : i32
    %mul3A_2 = arith.muli %add3A, %mul3A_1 : i32
    %dma_start3A = arith.constant 0 : i32
    %dma_start3A_3 = tpu.memref_slice %arg3[%dma_start3A] : memref<25056xf32, #tpu.memory_space<hbm>> -> memref<8352xf32, #tpu.memory_space<hbm>>
    %dma_start3A_4 = arith.constant 0 : i32
    %dma_start3A_5 = tpu.memref_slice %arg3[%dma_start3A_4] : memref<25056xf32, #tpu.memory_space<hbm>> -> memref<8352xf32, #tpu.memory_space<hbm>>
    tpu.enqueue_dma source(%dma_start3A_5 : memref<8352xf32, #tpu.memory_space<hbm>>) target(%arg5 : memref<8352xf32, #tpu.memory_space<vmem>>) target_semaphore(%arg16 : memref<!tpu.dma_semaphore, #tpu.memory_space<semaphore_mem>>)
    %dma_start3A_6 = arith.constant 8352 : i32
    %dma_start3A_7 = tpu.memref_slice %arg3[%dma_start3A_6] : memref<25056xf32, #tpu.memory_space<hbm>> -> memref<8352xf32, #tpu.memory_space<hbm>>
    %dma_start3A_8 = arith.constant 8352 : i32
    %dma_start3A_9 = tpu.memref_slice %arg3[%dma_start3A_8] : memref<25056xf32, #tpu.memory_space<hbm>> -> memref<8352xf32, #tpu.memory_space<hbm>>
    tpu.enqueue_dma source(%dma_start3A_9 : memref<8352xf32, #tpu.memory_space<hbm>>) target(%arg6 : memref<8352xf32, #tpu.memory_space<vmem>>) target_semaphore(%arg16 : memref<!tpu.dma_semaphore, #tpu.memory_space<semaphore_mem>>)
    %dma_start3A_10 = arith.constant 16704 : i32
    %dma_start3A_11 = tpu.memref_slice %arg3[%dma_start3A_10] : memref<25056xf32, #tpu.memory_space<hbm>> -> memref<8352xf32, #tpu.memory_space<hbm>>
    %dma_start3A_12 = arith.constant 16704 : i32
    %dma_start3A_13 = tpu.memref_slice %arg3[%dma_start3A_12] : memref<25056xf32, #tpu.memory_space<hbm>> -> memref<8352xf32, #tpu.memory_space<hbm>>
    tpu.enqueue_dma source(%dma_start3A_13 : memref<8352xf32, #tpu.memory_space<hbm>>) target(%arg7 : memref<8352xf32, #tpu.memory_space<vmem>>) target_semaphore(%arg16 : memref<!tpu.dma_semaphore, #tpu.memory_space<semaphore_mem>>)
    %add3A_14 = arith.constant 0 : i32
    %add3A_15 = arith.addi %mul3A_2, %add3A_14 : i32
    %dma_start3A_16 = arith.constant 0 : i32
    %dma_start3A_17 = tpu.memref_slice %arg2[%dma_start3A_16, %add3A_15] : memref<200x16384xi32, #tpu.memory_space<hbm>> -> memref<8x256xi32, #tpu.memory_space<hbm>>
    %dma_start3A_18 = arith.constant 0 : i32
    %dma_start3A_19 = tpu.memref_slice %arg2[%dma_start3A_18, %add3A_15] : memref<200x16384xi32, #tpu.memory_space<hbm>> -> memref<8x256xi32, #tpu.memory_space<hbm>>
    tpu.enqueue_dma source(%dma_start3A_19 : memref<8x256xi32, #tpu.memory_space<hbm>>) target(%arg8 : memref<8x256xi32, #tpu.memory_space<vmem>>) target_semaphore(%arg12 : memref<!tpu.dma_semaphore, #tpu.memory_space<semaphore_mem>>)
    %add3A_20 = arith.constant 256 : i32
    %add3A_21 = arith.addi %mul3A_2, %add3A_20 : i32
    %dma_start3A_22 = arith.constant 0 : i32
    %dma_start3A_23 = tpu.memref_slice %arg2[%dma_start3A_22, %add3A_21] : memref<200x16384xi32, #tpu.memory_space<hbm>> -> memref<8x256xi32, #tpu.memory_space<hbm>>
    %dma_start3A_24 = arith.constant 0 : i32
    %dma_start3A_25 = tpu.memref_slice %arg2[%dma_start3A_24, %add3A_21] : memref<200x16384xi32, #tpu.memory_space<hbm>> -> memref<8x256xi32, #tpu.memory_space<hbm>>
    tpu.enqueue_dma source(%dma_start3A_25 : memref<8x256xi32, #tpu.memory_space<hbm>>) target(%arg9 : memref<8x256xi32, #tpu.memory_space<vmem>>) target_semaphore(%arg13 : memref<!tpu.dma_semaphore, #tpu.memory_space<semaphore_mem>>)
    %dma_wait3A = arith.constant 0 : i32
    %dma_wait3A_26 = tpu.memref_slice %arg3[%dma_wait3A] : memref<25056xf32, #tpu.memory_space<hbm>> -> memref<8352xf32, #tpu.memory_space<hbm>>
    %dma_wait3A_27 = arith.constant 0 : i32
    %dma_wait3A_28 = tpu.memref_slice %arg3[%dma_wait3A_27] : memref<25056xf32, #tpu.memory_space<hbm>> -> memref<8352xf32, #tpu.memory_space<hbm>>
    tpu.wait_dma2 semaphore(%arg16 : memref<!tpu.dma_semaphore, #tpu.memory_space<semaphore_mem>>) src(%dma_wait3A_28 : memref<8352xf32, #tpu.memory_space<hbm>>) dst(%arg5 : memref<8352xf32, #tpu.memory_space<vmem>>)
    %dma_wait3A_29 = arith.constant 0 : i32
    %dma_wait3A_30 = tpu.memref_slice %arg3[%dma_wait3A_29] : memref<25056xf32, #tpu.memory_space<hbm>> -> memref<8352xf32, #tpu.memory_space<hbm>>
    %dma_wait3A_31 = arith.constant 0 : i32
    %dma_wait3A_32 = tpu.memref_slice %arg3[%dma_wait3A_31] : memref<25056xf32, #tpu.memory_space<hbm>> -> memref<8352xf32, #tpu.memory_space<hbm>>
    tpu.wait_dma2 semaphore(%arg16 : memref<!tpu.dma_semaphore, #tpu.memory_space<semaphore_mem>>) src(%dma_wait3A_32 : memref<8352xf32, #tpu.memory_space<hbm>>) dst(%arg6 : memref<8352xf32, #tpu.memory_space<vmem>>)
    %dma_wait3A_33 = arith.constant 0 : i32
    %dma_wait3A_34 = tpu.memref_slice %arg3[%dma_wait3A_33] : memref<25056xf32, #tpu.memory_space<hbm>> -> memref<8352xf32, #tpu.memory_space<hbm>>
    %dma_wait3A_35 = arith.constant 0 : i32
    %dma_wait3A_36 = tpu.memref_slice %arg3[%dma_wait3A_35] : memref<25056xf32, #tpu.memory_space<hbm>> -> memref<8352xf32, #tpu.memory_space<hbm>>
    tpu.wait_dma2 semaphore(%arg16 : memref<!tpu.dma_semaphore, #tpu.memory_space<semaphore_mem>>) src(%dma_wait3A_36 : memref<8352xf32, #tpu.memory_space<hbm>>) dst(%arg7 : memref<8352xf32, #tpu.memory_space<vmem>>)
    %dma_wait3A_37 = arith.constant 0 : i32
    %dma_wait3A_38 = arith.constant 0 : i32
    %dma_wait3A_39 = tpu.memref_slice %arg2[%dma_wait3A_37, %dma_wait3A_38] : memref<200x16384xi32, #tpu.memory_space<hbm>> -> memref<8x256xi32, #tpu.memory_space<hbm>>
    %dma_wait3A_40 = arith.constant 0 : i32
    %dma_wait3A_41 = arith.constant 0 : i32
    %dma_wait3A_42 = tpu.memref_slice %arg2[%dma_wait3A_40, %dma_wait3A_41] : memref<200x16384xi32, #tpu.memory_space<hbm>> -> memref<8x256xi32, #tpu.memory_space<hbm>>
    tpu.wait_dma2 semaphore(%arg12 : memref<!tpu.dma_semaphore, #tpu.memory_space<semaphore_mem>>) src(%dma_wait3A_42 : memref<8x256xi32, #tpu.memory_space<hbm>>) dst(%arg8 : memref<8x256xi32, #tpu.memory_space<vmem>>)
    %parallel_loop3A = arith.constant 0 : i32
    %parallel_loop3A_43 = arith.constant 8 : i32
    %parallel_loop3A_44 = arith.constant 1 : i32
    scf.for %parallel_loop3A_152 = %parallel_loop3A to %parallel_loop3A_43 step %parallel_loop3A_44  : i32 {
      %parallel_loop3A_153 = arith.index_cast %parallel_loop3A_152 : i32 to index
      %parallel_loop3A_154 = arith.constant 0 : index
      %parallel_loop3A_155 = tpu.vector_load %arg8[%parallel_loop3A_153, %parallel_loop3A_154] {strides = array<i32>} : memref<8x256xi32, #tpu.memory_space<vmem>>, vector<16xi32>,
      %parallel_loop3A_156 = tpu.vector_load_idx %arg5[%parallel_loop3A_155] : memref<8352xf32, #tpu.memory_space<vmem>>[vector<16xi32>], vector<16xf32>,
      %parallel_loop3A_157 = arith.constant 0 : i32
      %parallel_loop3A_158 = arith.index_cast %parallel_loop3A_157 : i32 to index
      %parallel_loop3A_159 = arith.index_cast %parallel_loop3A_152 : i32 to index
      %parallel_loop3A_160 = arith.constant 0 : index
      %parallel_loop3A_161 = tpu.vector_load %arg10[%parallel_loop3A_158, %parallel_loop3A_159, %parallel_loop3A_160] {strides = array<i32>} : memref<3x8x256xf32, #tpu.memory_space<vmem>>, vector<16xf32>,
      tpu.vector_store %arg10[%parallel_loop3A_158, %parallel_loop3A_159, %parallel_loop3A_160], %parallel_loop3A_156 {strides = array<i32>} : memref<3x8x256xf32, #tpu.memory_space<vmem>>, vector<16xf32>,
      %parallel_loop3A_162 = tpu.vector_load_idx %arg6[%parallel_loop3A_155] : memref<8352xf32, #tpu.memory_space<vmem>>[vector<16xi32>], vector<16xf32>,
      %parallel_loop3A_163 = arith.constant 1 : i32
      %parallel_loop3A_164 = arith.index_cast %parallel_loop3A_163 : i32 to index
      %parallel_loop3A_165 = arith.index_cast %parallel_loop3A_152 : i32 to index
      %parallel_loop3A_166 = arith.constant 0 : index
      %parallel_loop3A_167 = tpu.vector_load %arg10[%parallel_loop3A_164, %parallel_loop3A_165, %parallel_loop3A_166] {strides = array<i32>} : memref<3x8x256xf32, #tpu.memory_space<vmem>>, vector<16xf32>,
      tpu.vector_store %arg10[%parallel_loop3A_164, %parallel_loop3A_165, %parallel_loop3A_166], %parallel_loop3A_162 {strides = array<i32>} : memref<3x8x256xf32, #tpu.memory_space<vmem>>, vector<16xf32>,
      %parallel_loop3A_168 = tpu.vector_load_idx %arg7[%parallel_loop3A_155] : memref<8352xf32, #tpu.memory_space<vmem>>[vector<16xi32>], vector<16xf32>,
      %parallel_loop3A_169 = arith.constant 2 : i32
      %parallel_loop3A_170 = arith.index_cast %parallel_loop3A_169 : i32 to index
      %parallel_loop3A_171 = arith.index_cast %parallel_loop3A_152 : i32 to index
      %parallel_loop3A_172 = arith.constant 0 : index
      %parallel_loop3A_173 = tpu.vector_load %arg10[%parallel_loop3A_170, %parallel_loop3A_171, %parallel_loop3A_172] {strides = array<i32>} : memref<3x8x256xf32, #tpu.memory_space<vmem>>, vector<16xf32>,
      tpu.vector_store %arg10[%parallel_loop3A_170, %parallel_loop3A_171, %parallel_loop3A_172], %parallel_loop3A_168 {strides = array<i32>} : memref<3x8x256xf32, #tpu.memory_space<vmem>>, vector<16xf32>,
      %parallel_loop3A_174 = arith.index_cast %parallel_loop3A_152 : i32 to index
      %parallel_loop3A_175 = arith.constant 16 : index
      %parallel_loop3A_176 = tpu.vector_load %arg8[%parallel_loop3A_174, %parallel_loop3A_175] {strides = array<i32>} : memref<8x256xi32, #tpu.memory_space<vmem>>, vector<16xi32>,
      %parallel_loop3A_177 = tpu.vector_load_idx %arg5[%parallel_loop3A_176] : memref<8352xf32, #tpu.memory_space<vmem>>[vector<16xi32>], vector<16xf32>,
      %parallel_loop3A_178 = arith.constant 0 : i32
      %parallel_loop3A_179 = arith.index_cast %parallel_loop3A_178 : i32 to index
      %parallel_loop3A_180 = arith.index_cast %parallel_loop3A_152 : i32 to index
      %parallel_loop3A_181 = arith.constant 16 : index
      %parallel_loop3A_182 = tpu.vector_load %arg10[%parallel_loop3A_179, %parallel_loop3A_180, %parallel_loop3A_181] {strides = array<i32>} : memref<3x8x256xf32, #tpu.memory_space<vmem>>, vector<16xf32>,
      tpu.vector_store %arg10[%parallel_loop3A_179, %parallel_loop3A_180, %parallel_loop3A_181], %parallel_loop3A_177 {strides = array<i32>} : memref<3x8x256xf32, #tpu.memory_space<vmem>>, vector<16xf32>,
      %parallel_loop3A_183 = tpu.vector_load_idx %arg6[%parallel_loop3A_176] : memref<8352xf32, #tpu.memory_space<vmem>>[vector<16xi32>], vector<16xf32>,
      %parallel_loop3A_184 = arith.constant 1 : i32
      %parallel_loop3A_185 = arith.index_cast %parallel_loop3A_184 : i32 to index
      %parallel_loop3A_186 = arith.index_cast %parallel_loop3A_152 : i32 to index
      %parallel_loop3A_187 = arith.constant 16 : index
      %parallel_loop3A_188 = tpu.vector_load %arg10[%parallel_loop3A_185, %parallel_loop3A_186, %parallel_loop3A_187] {strides = array<i32>} : memref<3x8x256xf32, #tpu.memory_space<vmem>>, vector<16xf32>,
      tpu.vector_store %arg10[%parallel_loop3A_185, %parallel_loop3A_186, %parallel_loop3A_187], %parallel_loop3A_183 {strides = array<i32>} : memref<3x8x256xf32, #tpu.memory_space<vmem>>, vector<16xf32>,
      %parallel_loop3A_189 = tpu.vector_load_idx %arg7[%parallel_loop3A_176] : memref<8352xf32, #tpu.memory_space<vmem>>[vector<16xi32>], vector<16xf32>,
      %parallel_loop3A_190 = arith.constant 2 : i32
      %parallel_loop3A_191 = arith.index_cast %parallel_loop3A_190 : i32 to index
      %parallel_loop3A_192 = arith.index_cast %parallel_loop3A_152 : i32 to index
      %parallel_loop3A_193 = arith.constant 16 : index
      %parallel_loop3A_194 = tpu.vector_load %arg10[%parallel_loop3A_191, %parallel_loop3A_192, %parallel_loop3A_193] {strides = array<i32>} : memref<3x8x256xf32, #tpu.memory_space<vmem>>, vector<16xf32>,
      tpu.vector_store %arg10[%parallel_loop3A_191, %parallel_loop3A_192, %parallel_loop3A_193], %parallel_loop3A_189 {strides = array<i32>} : memref<3x8x256xf32, #tpu.memory_space<vmem>>, vector<16xf32>,
      %parallel_loop3A_195 = arith.index_cast %parallel_loop3A_152 : i32 to index
      %parallel_loop3A_196 = arith.constant 32 : index
      %parallel_loop3A_197 = tpu.vector_load %arg8[%parallel_loop3A_195, %parallel_loop3A_196] {strides = array<i32>} : memref<8x256xi32, #tpu.memory_space<vmem>>, vector<16xi32>,
      %parallel_loop3A_198 = tpu.vector_load_idx %arg5[%parallel_loop3A_197] : memref<8352xf32, #tpu.memory_space<vmem>>[vector<16xi32>], vector<16xf32>,
      %parallel_loop3A_199 = arith.constant 0 : i32
      %parallel_loop3A_200 = arith.index_cast %parallel_loop3A_199 : i32 to index
      %parallel_loop3A_201 = arith.index_cast %parallel_loop3A_152 : i32 to index
      %parallel_loop3A_202 = arith.constant 32 : index
      %parallel_loop3A_203 = tpu.vector_load %arg10[%parallel_loop3A_200, %parallel_loop3A_201, %parallel_loop3A_202] {strides = array<i32>} : memref<3x8x256xf32, #tpu.memory_space<vmem>>, vector<16xf32>,
      tpu.vector_store %arg10[%parallel_loop3A_200, %parallel_loop3A_201, %parallel_loop3A_202], %parallel_loop3A_198 {strides = array<i32>} : memref<3x8x256xf32, #tpu.memory_space<vmem>>, vector<16xf32>,
      %parallel_loop3A_204 = tpu.vector_load_idx %arg6[%parallel_loop3A_197] : memref<8352xf32, #tpu.memory_space<vmem>>[vector<16xi32>], vector<16xf32>,
      %parallel_loop3A_205 = arith.constant 1 : i32
      %parallel_loop3A_206 = arith.index_cast %parallel_loop3A_205 : i32 to index
      %parallel_loop3A_207 = arith.index_cast %parallel_loop3A_152 : i32 to index
      %parallel_loop3A_208 = arith.constant 32 : index
      %parallel_loop3A_209 = tpu.vector_load %arg10[%parallel_loop3A_206, %parallel_loop3A_207, %parallel_loop3A_208] {strides = array<i32>} : memref<3x8x256xf32, #tpu.memory_space<vmem>>, vector<16xf32>,
      tpu.vector_store %arg10[%parallel_loop3A_206, %parallel_loop3A_207, %parallel_loop3A_208], %parallel_loop3A_204 {strides = array<i32>} : memref<3x8x256xf32, #tpu.memory_space<vmem>>, vector<16xf32>,
      %parallel_loop3A_210 = tpu.vector_load_idx %arg7[%parallel_loop3A_197] : memref<8352xf32, #tpu.memory_space<vmem>>[vector<16xi32>], vector<16xf32>,
      %parallel_loop3A_211 = arith.constant 2 : i32
      %parallel_loop3A_212 = arith.index_cast %parallel_loop3A_211 : i32 to index
      %parallel_loop3A_213 = arith.index_cast %parallel_loop3A_152 : i32 to index
      %parallel_loop3A_214 = arith.constant 32 : index
      %parallel_loop3A_215 = tpu.vector_load %arg10[%parallel_loop3A_212, %parallel_loop3A_213, %parallel_loop3A_214] {strides = array<i32>} : memref<3x8x256xf32, #tpu.memory_space<vmem>>, vector<16xf32>,
      tpu.vector_store %arg10[%parallel_loop3A_212, %parallel_loop3A_213, %parallel_loop3A_214], %parallel_loop3A_210 {strides = array<i32>} : memref<3x8x256xf32, #tpu.memory_space<vmem>>, vector<16xf32>,
      %parallel_loop3A_216 = arith.index_cast %parallel_loop3A_152 : i32 to index
      %parallel_loop3A_217 = arith.constant 48 : index
      %parallel_loop3A_218 = tpu.vector_load %arg8[%parallel_loop3A_216, %parallel_loop3A_217] {strides = array<i32>} : memref<8x256xi32, #tpu.memory_space<vmem>>, vector<16xi32>,
      %parallel_loop3A_219 = tpu.vector_load_idx %arg5[%parallel_loop3A_218] : memref<8352xf32, #tpu.memory_space<vmem>>[vector<16xi32>], vector<16xf32>,
      %parallel_loop3A_220 = arith.constant 0 : i32
      %parallel_loop3A_221 = arith.index_cast %parallel_loop3A_220 : i32 to index
      %parallel_loop3A_222 = arith.index_cast %parallel_loop3A_152 : i32 to index
      %parallel_loop3A_223 = arith.constant 48 : index
      %parallel_loop3A_224 = tpu.vector_load %arg10[%parallel_loop3A_221, %parallel_loop3A_222, %parallel_loop3A_223] {strides = array<i32>} : memref<3x8x256xf32, #tpu.memory_space<vmem>>, vector<16xf32>,
      tpu.vector_store %arg10[%parallel_loop3A_221, %parallel_loop3A_222, %parallel_loop3A_223], %parallel_loop3A_219 {strides = array<i32>} : memref<3x8x256xf32, #tpu.memory_space<vmem>>, vector<16xf32>,
      %parallel_loop3A_225 = tpu.vector_load_idx %arg6[%parallel_loop3A_218] : memref<8352xf32, #tpu.memory_space<vmem>>[vector<16xi32>], vector<16xf32>,
      %parallel_loop3A_226 = arith.constant 1 : i32
      %parallel_loop3A_227 = arith.index_cast %parallel_loop3A_226 : i32 to index
      %parallel_loop3A_228 = arith.index_cast %parallel_loop3A_152 : i32 to index
      %parallel_loop3A_229 = arith.constant 48 : index
      %parallel_loop3A_230 = tpu.vector_load %arg10[%parallel_loop3A_227, %parallel_loop3A_228, %parallel_loop3A_229] {strides = array<i32>} : memref<3x8x256xf32, #tpu.memory_space<vmem>>, vector<16xf32>,
      tpu.vector_store %arg10[%parallel_loop3A_227, %parallel_loop3A_228, %parallel_loop3A_229], %parallel_loop3A_225 {strides = array<i32>} : memref<3x8x256xf32, #tpu.memory_space<vmem>>, vector<16xf32>,
      %parallel_loop3A_231 = tpu.vector_load_idx %arg7[%parallel_loop3A_218] : memref<8352xf32, #tpu.memory_space<vmem>>[vector<16xi32>], vector<16xf32>,
      %parallel_loop3A_232 = arith.constant 2 : i32
      %parallel_loop3A_233 = arith.index_cast %parallel_loop3A_232 : i32 to index
      %parallel_loop3A_234 = arith.index_cast %parallel_loop3A_152 : i32 to index
      %parallel_loop3A_235 = arith.constant 48 : index
      %parallel_loop3A_236 = tpu.vector_load %arg10[%parallel_loop3A_233, %parallel_loop3A_234, %parallel_loop3A_235] {strides = array<i32>} : memref<3x8x256xf32, #tpu.memory_space<vmem>>, vector<16xf32>,
      tpu.vector_store %arg10[%parallel_loop3A_233, %parallel_loop3A_234, %parallel_loop3A_235], %parallel_loop3A_231 {strides = array<i32>} : memref<3x8x256xf32, #tpu.memory_space<vmem>>, vector<16xf32>,
      %parallel_loop3A_237 = arith.index_cast %parallel_loop3A_152 : i32 to index
      %parallel_loop3A_238 = arith.constant 64 : index
      %parallel_loop3A_239 = tpu.vector_load %arg8[%parallel_loop3A_237, %parallel_loop3A_238] {strides = array<i32>} : memref<8x256xi32, #tpu.memory_space<vmem>>, vector<16xi32>,
      %parallel_loop3A_240 = tpu.vector_load_idx %arg5[%parallel_loop3A_239] : memref<8352xf32, #tpu.memory_space<vmem>>[vector<16xi32>], vector<16xf32>,
      %parallel_loop3A_241 = arith.constant 0 : i32
      %parallel_loop3A_242 = arith.index_cast %parallel_loop3A_241 : i32 to index
      %parallel_loop3A_243 = arith.index_cast %parallel_loop3A_152 : i32 to index
      %parallel_loop3A_244 = arith.constant 64 : index
      %parallel_loop3A_245 = tpu.vector_load %arg10[%parallel_loop3A_242, %parallel_loop3A_243, %parallel_loop3A_244] {strides = array<i32>} : memref<3x8x256xf32, #tpu.memory_space<vmem>>, vector<16xf32>,
      tpu.vector_store %arg10[%parallel_loop3A_242, %parallel_loop3A_243, %parallel_loop3A_244], %parallel_loop3A_240 {strides = array<i32>} : memref<3x8x256xf32, #tpu.memory_space<vmem>>, vector<16xf32>,
      %parallel_loop3A_246 = tpu.vector_load_idx %arg6[%parallel_loop3A_239] : memref<8352xf32, #tpu.memory_space<vmem>>[vector<16xi32>], vector<16xf32>,
      %parallel_loop3A_247 = arith.constant 1 : i32
      %parallel_loop3A_248 = arith.index_cast %parallel_loop3A_247 : i32 to index
      %parallel_loop3A_249 = arith.index_cast %parallel_loop3A_152 : i32 to index
      %parallel_loop3A_250 = arith.constant 64 : index
      %parallel_loop3A_251 = tpu.vector_load %arg10[%parallel_loop3A_248, %parallel_loop3A_249, %parallel_loop3A_250] {strides = array<i32>} : memref<3x8x256xf32, #tpu.memory_space<vmem>>, vector<16xf32>,
      tpu.vector_store %arg10[%parallel_loop3A_248, %parallel_loop3A_249, %parallel_loop3A_250], %parallel_loop3A_246 {strides = array<i32>} : memref<3x8x256xf32, #tpu.memory_space<vmem>>, vector<16xf32>,
      %parallel_loop3A_252 = tpu.vector_load_idx %arg7[%parallel_loop3A_239] : memref<8352xf32, #tpu.memory_space<vmem>>[vector<16xi32>], vector<16xf32>,
      %parallel_loop3A_253 = arith.constant 2 : i32
      %parallel_loop3A_254 = arith.index_cast %parallel_loop3A_253 : i32 to index
      %parallel_loop3A_255 = arith.index_cast %parallel_loop3A_152 : i32 to index
      %parallel_loop3A_256 = arith.constant 64 : index
      %parallel_loop3A_257 = tpu.vector_load %arg10[%parallel_loop3A_254, %parallel_loop3A_255, %parallel_loop3A_256] {strides = array<i32>} : memref<3x8x256xf32, #tpu.memory_space<vmem>>, vector<16xf32>,
      tpu.vector_store %arg10[%parallel_loop3A_254, %parallel_loop3A_255, %parallel_loop3A_256], %parallel_loop3A_252 {strides = array<i32>} : memref<3x8x256xf32, #tpu.memory_space<vmem>>, vector<16xf32>,
      %parallel_loop3A_258 = arith.index_cast %parallel_loop3A_152 : i32 to index
      %parallel_loop3A_259 = arith.constant 80 : index
      %parallel_loop3A_260 = tpu.vector_load %arg8[%parallel_loop3A_258, %parallel_loop3A_259] {strides = array<i32>} : memref<8x256xi32, #tpu.memory_space<vmem>>, vector<16xi32>,
      %parallel_loop3A_261 = tpu.vector_load_idx %arg5[%parallel_loop3A_260] : memref<8352xf32, #tpu.memory_space<vmem>>[vector<16xi32>], vector<16xf32>,
      %parallel_loop3A_262 = arith.constant 0 : i32
      %parallel_loop3A_263 = arith.index_cast %parallel_loop3A_262 : i32 to index
      %parallel_loop3A_264 = arith.index_cast %parallel_loop3A_152 : i32 to index
      %parallel_loop3A_265 = arith.constant 80 : index
      %parallel_loop3A_266 = tpu.vector_load %arg10[%parallel_loop3A_263, %parallel_loop3A_264, %parallel_loop3A_265] {strides = array<i32>} : memref<3x8x256xf32, #tpu.memory_space<vmem>>, vector<16xf32>,
      tpu.vector_store %arg10[%parallel_loop3A_263, %parallel_loop3A_264, %parallel_loop3A_265], %parallel_loop3A_261 {strides = array<i32>} : memref<3x8x256xf32, #tpu.memory_space<vmem>>, vector<16xf32>,
      %parallel_loop3A_267 = tpu.vector_load_idx %arg6[%parallel_loop3A_260] : memref<8352xf32, #tpu.memory_space<vmem>>[vector<16xi32>], vector<16xf32>,
      %parallel_loop3A_268 = arith.constant 1 : i32
      %parallel_loop3A_269 = arith.index_cast %parallel_loop3A_268 : i32 to index
      %parallel_loop3A_270 = arith.index_cast %parallel_loop3A_152 : i32 to index
      %parallel_loop3A_271 = arith.constant 80 : index
      %parallel_loop3A_272 = tpu.vector_load %arg10[%parallel_loop3A_269, %parallel_loop3A_270, %parallel_loop3A_271] {strides = array<i32>} : memref<3x8x256xf32, #tpu.memory_space<vmem>>, vector<16xf32>,
      tpu.vector_store %arg10[%parallel_loop3A_269, %parallel_loop3A_270, %parallel_loop3A_271], %parallel_loop3A_267 {strides = array<i32>} : memref<3x8x256xf32, #tpu.memory_space<vmem>>, vector<16xf32>,
      %parallel_loop3A_273 = tpu.vector_load_idx %arg7[%parallel_loop3A_260] : memref<8352xf32, #tpu.memory_space<vmem>>[vector<16xi32>], vector<16xf32>,
      %parallel_loop3A_274 = arith.constant 2 : i32
      %parallel_loop3A_275 = arith.index_cast %parallel_loop3A_274 : i32 to index
      %parallel_loop3A_276 = arith.index_cast %parallel_loop3A_152 : i32 to index
      %parallel_loop3A_277 = arith.constant 80 : index
      %parallel_loop3A_278 = tpu.vector_load %arg10[%parallel_loop3A_275, %parallel_loop3A_276, %parallel_loop3A_277] {strides = array<i32>} : memref<3x8x256xf32, #tpu.memory_space<vmem>>, vector<16xf32>,
      tpu.vector_store %arg10[%parallel_loop3A_275, %parallel_loop3A_276, %parallel_loop3A_277], %parallel_loop3A_273 {strides = array<i32>} : memref<3x8x256xf32, #tpu.memory_space<vmem>>, vector<16xf32>,
      %parallel_loop3A_279 = arith.index_cast %parallel_loop3A_152 : i32 to index
      %parallel_loop3A_280 = arith.constant 96 : index
      %parallel_loop3A_281 = tpu.vector_load %arg8[%parallel_loop3A_279, %parallel_loop3A_280] {strides = array<i32>} : memref<8x256xi32, #tpu.memory_space<vmem>>, vector<16xi32>,
      %parallel_loop3A_282 = tpu.vector_load_idx %arg5[%parallel_loop3A_281] : memref<8352xf32, #tpu.memory_space<vmem>>[vector<16xi32>], vector<16xf32>,
      %parallel_loop3A_283 = arith.constant 0 : i32
      %parallel_loop3A_284 = arith.index_cast %parallel_loop3A_283 : i32 to index
      %parallel_loop3A_285 = arith.index_cast %parallel_loop3A_152 : i32 to index
      %parallel_loop3A_286 = arith.constant 96 : index
      %parallel_loop3A_287 = tpu.vector_load %arg10[%parallel_loop3A_284, %parallel_loop3A_285, %parallel_loop3A_286] {strides = array<i32>} : memref<3x8x256xf32, #tpu.memory_space<vmem>>, vector<16xf32>,
      tpu.vector_store %arg10[%parallel_loop3A_284, %parallel_loop3A_285, %parallel_loop3A_286], %parallel_loop3A_282 {strides = array<i32>} : memref<3x8x256xf32, #tpu.memory_space<vmem>>, vector<16xf32>,
      %parallel_loop3A_288 = tpu.vector_load_idx %arg6[%parallel_loop3A_281] : memref<8352xf32, #tpu.memory_space<vmem>>[vector<16xi32>], vector<16xf32>,
      %parallel_loop3A_289 = arith.constant 1 : i32
      %parallel_loop3A_290 = arith.index_cast %parallel_loop3A_289 : i32 to index
      %parallel_loop3A_291 = arith.index_cast %parallel_loop3A_152 : i32 to index
      %parallel_loop3A_292 = arith.constant 96 : index
      %parallel_loop3A_293 = tpu.vector_load %arg10[%parallel_loop3A_290, %parallel_loop3A_291, %parallel_loop3A_292] {strides = array<i32>} : memref<3x8x256xf32, #tpu.memory_space<vmem>>, vector<16xf32>,
      tpu.vector_store %arg10[%parallel_loop3A_290, %parallel_loop3A_291, %parallel_loop3A_292], %parallel_loop3A_288 {strides = array<i32>} : memref<3x8x256xf32, #tpu.memory_space<vmem>>, vector<16xf32>,
      %parallel_loop3A_294 = tpu.vector_load_idx %arg7[%parallel_loop3A_281] : memref<8352xf32, #tpu.memory_space<vmem>>[vector<16xi32>], vector<16xf32>,
      %parallel_loop3A_295 = arith.constant 2 : i32
      %parallel_loop3A_296 = arith.index_cast %parallel_loop3A_295 : i32 to index
      %parallel_loop3A_297 = arith.index_cast %parallel_loop3A_152 : i32 to index
      %parallel_loop3A_298 = arith.constant 96 : index
      %parallel_loop3A_299 = tpu.vector_load %arg10[%parallel_loop3A_296, %parallel_loop3A_297, %parallel_loop3A_298] {strides = array<i32>} : memref<3x8x256xf32, #tpu.memory_space<vmem>>, vector<16xf32>,
      tpu.vector_store %arg10[%parallel_loop3A_296, %parallel_loop3A_297, %parallel_loop3A_298], %parallel_loop3A_294 {strides = array<i32>} : memref<3x8x256xf32, #tpu.memory_space<vmem>>, vector<16xf32>,
      %parallel_loop3A_300 = arith.index_cast %parallel_loop3A_152 : i32 to index
      %parallel_loop3A_301 = arith.constant 112 : index
      %parallel_loop3A_302 = tpu.vector_load %arg8[%parallel_loop3A_300, %parallel_loop3A_301] {strides = array<i32>} : memref<8x256xi32, #tpu.memory_space<vmem>>, vector<16xi32>,
      %parallel_loop3A_303 = tpu.vector_load_idx %arg5[%parallel_loop3A_302] : memref<8352xf32, #tpu.memory_space<vmem>>[vector<16xi32>], vector<16xf32>,
      %parallel_loop3A_304 = arith.constant 0 : i32
      %parallel_loop3A_305 = arith.index_cast %parallel_loop3A_304 : i32 to index
      %parallel_loop3A_306 = arith.index_cast %parallel_loop3A_152 : i32 to index
      %parallel_loop3A_307 = arith.constant 112 : index
      %parallel_loop3A_308 = tpu.vector_load %arg10[%parallel_loop3A_305, %parallel_loop3A_306, %parallel_loop3A_307] {strides = array<i32>} : memref<3x8x256xf32, #tpu.memory_space<vmem>>, vector<16xf32>,
      tpu.vector_store %arg10[%parallel_loop3A_305, %parallel_loop3A_306, %parallel_loop3A_307], %parallel_loop3A_303 {strides = array<i32>} : memref<3x8x256xf32, #tpu.memory_space<vmem>>, vector<16xf32>,
      %parallel_loop3A_309 = tpu.vector_load_idx %arg6[%parallel_loop3A_302] : memref<8352xf32, #tpu.memory_space<vmem>>[vector<16xi32>], vector<16xf32>,
      %parallel_loop3A_310 = arith.constant 1 : i32
      %parallel_loop3A_311 = arith.index_cast %parallel_loop3A_310 : i32 to index
      %parallel_loop3A_312 = arith.index_cast %parallel_loop3A_152 : i32 to index
      %parallel_loop3A_313 = arith.constant 112 : index
      %parallel_loop3A_314 = tpu.vector_load %arg10[%parallel_loop3A_311, %parallel_loop3A_312, %parallel_loop3A_313] {strides = array<i32>} : memref<3x8x256xf32, #tpu.memory_space<vmem>>, vector<16xf32>,
      tpu.vector_store %arg10[%parallel_loop3A_311, %parallel_loop3A_312, %parallel_loop3A_313], %parallel_loop3A_309 {strides = array<i32>} : memref<3x8x256xf32, #tpu.memory_space<vmem>>, vector<16xf32>,
      %parallel_loop3A_315 = tpu.vector_load_idx %arg7[%parallel_loop3A_302] : memref<8352xf32, #tpu.memory_space<vmem>>[vector<16xi32>], vector<16xf32>,
      %parallel_loop3A_316 = arith.constant 2 : i32
      %parallel_loop3A_317 = arith.index_cast %parallel_loop3A_316 : i32 to index
      %parallel_loop3A_318 = arith.index_cast %parallel_loop3A_152 : i32 to index
      %parallel_loop3A_319 = arith.constant 112 : index
      %parallel_loop3A_320 = tpu.vector_load %arg10[%parallel_loop3A_317, %parallel_loop3A_318, %parallel_loop3A_319] {strides = array<i32>} : memref<3x8x256xf32, #tpu.memory_space<vmem>>, vector<16xf32>,
      tpu.vector_store %arg10[%parallel_loop3A_317, %parallel_loop3A_318, %parallel_loop3A_319], %parallel_loop3A_315 {strides = array<i32>} : memref<3x8x256xf32, #tpu.memory_space<vmem>>, vector<16xf32>,
      %parallel_loop3A_321 = arith.index_cast %parallel_loop3A_152 : i32 to index
      %parallel_loop3A_322 = arith.constant 128 : index
      %parallel_loop3A_323 = tpu.vector_load %arg8[%parallel_loop3A_321, %parallel_loop3A_322] {strides = array<i32>} : memref<8x256xi32, #tpu.memory_space<vmem>>, vector<16xi32>,
      %parallel_loop3A_324 = tpu.vector_load_idx %arg5[%parallel_loop3A_323] : memref<8352xf32, #tpu.memory_space<vmem>>[vector<16xi32>], vector<16xf32>,
      %parallel_loop3A_325 = arith.constant 0 : i32
      %parallel_loop3A_326 = arith.index_cast %parallel_loop3A_325 : i32 to index
      %parallel_loop3A_327 = arith.index_cast %parallel_loop3A_152 : i32 to index
      %parallel_loop3A_328 = arith.constant 128 : index
      %parallel_loop3A_329 = tpu.vector_load %arg10[%parallel_loop3A_326, %parallel_loop3A_327, %parallel_loop3A_328] {strides = array<i32>} : memref<3x8x256xf32, #tpu.memory_space<vmem>>, vector<16xf32>,
      tpu.vector_store %arg10[%parallel_loop3A_326, %parallel_loop3A_327, %parallel_loop3A_328], %parallel_loop3A_324 {strides = array<i32>} : memref<3x8x256xf32, #tpu.memory_space<vmem>>, vector<16xf32>,
      %parallel_loop3A_330 = tpu.vector_load_idx %arg6[%parallel_loop3A_323] : memref<8352xf32, #tpu.memory_space<vmem>>[vector<16xi32>], vector<16xf32>,
      %parallel_loop3A_331 = arith.constant 1 : i32
      %parallel_loop3A_332 = arith.index_cast %parallel_loop3A_331 : i32 to index
      %parallel_loop3A_333 = arith.index_cast %parallel_loop3A_152 : i32 to index
      %parallel_loop3A_334 = arith.constant 128 : index
      %parallel_loop3A_335 = tpu.vector_load %arg10[%parallel_loop3A_332, %parallel_loop3A_333, %parallel_loop3A_334] {strides = array<i32>} : memref<3x8x256xf32, #tpu.memory_space<vmem>>, vector<16xf32>,
      tpu.vector_store %arg10[%parallel_loop3A_332, %parallel_loop3A_333, %parallel_loop3A_334], %parallel_loop3A_330 {strides = array<i32>} : memref<3x8x256xf32, #tpu.memory_space<vmem>>, vector<16xf32>,
      %parallel_loop3A_336 = tpu.vector_load_idx %arg7[%parallel_loop3A_323] : memref<8352xf32, #tpu.memory_space<vmem>>[vector<16xi32>], vector<16xf32>,
      %parallel_loop3A_337 = arith.constant 2 : i32
      %parallel_loop3A_338 = arith.index_cast %parallel_loop3A_337 : i32 to index
      %parallel_loop3A_339 = arith.index_cast %parallel_loop3A_152 : i32 to index
      %parallel_loop3A_340 = arith.constant 128 : index
      %parallel_loop3A_341 = tpu.vector_load %arg10[%parallel_loop3A_338, %parallel_loop3A_339, %parallel_loop3A_340] {strides = array<i32>} : memref<3x8x256xf32, #tpu.memory_space<vmem>>, vector<16xf32>,
      tpu.vector_store %arg10[%parallel_loop3A_338, %parallel_loop3A_339, %parallel_loop3A_340], %parallel_loop3A_336 {strides = array<i32>} : memref<3x8x256xf32, #tpu.memory_space<vmem>>, vector<16xf32>,
      %parallel_loop3A_342 = arith.index_cast %parallel_loop3A_152 : i32 to index
      %parallel_loop3A_343 = arith.constant 144 : index
      %parallel_loop3A_344 = tpu.vector_load %arg8[%parallel_loop3A_342, %parallel_loop3A_343] {strides = array<i32>} : memref<8x256xi32, #tpu.memory_space<vmem>>, vector<16xi32>,
      %parallel_loop3A_345 = tpu.vector_load_idx %arg5[%parallel_loop3A_344] : memref<8352xf32, #tpu.memory_space<vmem>>[vector<16xi32>], vector<16xf32>,
      %parallel_loop3A_346 = arith.constant 0 : i32
      %parallel_loop3A_347 = arith.index_cast %parallel_loop3A_346 : i32 to index
      %parallel_loop3A_348 = arith.index_cast %parallel_loop3A_152 : i32 to index
      %parallel_loop3A_349 = arith.constant 144 : index
      %parallel_loop3A_350 = tpu.vector_load %arg10[%parallel_loop3A_347, %parallel_loop3A_348, %parallel_loop3A_349] {strides = array<i32>} : memref<3x8x256xf32, #tpu.memory_space<vmem>>, vector<16xf32>,
      tpu.vector_store %arg10[%parallel_loop3A_347, %parallel_loop3A_348, %parallel_loop3A_349], %parallel_loop3A_345 {strides = array<i32>} : memref<3x8x256xf32, #tpu.memory_space<vmem>>, vector<16xf32>,
      %parallel_loop3A_351 = tpu.vector_load_idx %arg6[%parallel_loop3A_344] : memref<8352xf32, #tpu.memory_space<vmem>>[vector<16xi32>], vector<16xf32>,
      %parallel_loop3A_352 = arith.constant 1 : i32
      %parallel_loop3A_353 = arith.index_cast %parallel_loop3A_352 : i32 to index
      %parallel_loop3A_354 = arith.index_cast %parallel_loop3A_152 : i32 to index
      %parallel_loop3A_355 = arith.constant 144 : index
      %parallel_loop3A_356 = tpu.vector_load %arg10[%parallel_loop3A_353, %parallel_loop3A_354, %parallel_loop3A_355] {strides = array<i32>} : memref<3x8x256xf32, #tpu.memory_space<vmem>>, vector<16xf32>,
      tpu.vector_store %arg10[%parallel_loop3A_353, %parallel_loop3A_354, %parallel_loop3A_355], %parallel_loop3A_351 {strides = array<i32>} : memref<3x8x256xf32, #tpu.memory_space<vmem>>, vector<16xf32>,
      %parallel_loop3A_357 = tpu.vector_load_idx %arg7[%parallel_loop3A_344] : memref<8352xf32, #tpu.memory_space<vmem>>[vector<16xi32>], vector<16xf32>,
      %parallel_loop3A_358 = arith.constant 2 : i32
      %parallel_loop3A_359 = arith.index_cast %parallel_loop3A_358 : i32 to index
      %parallel_loop3A_360 = arith.index_cast %parallel_loop3A_152 : i32 to index
      %parallel_loop3A_361 = arith.constant 144 : index
      %parallel_loop3A_362 = tpu.vector_load %arg10[%parallel_loop3A_359, %parallel_loop3A_360, %parallel_loop3A_361] {strides = array<i32>} : memref<3x8x256xf32, #tpu.memory_space<vmem>>, vector<16xf32>,
      tpu.vector_store %arg10[%parallel_loop3A_359, %parallel_loop3A_360, %parallel_loop3A_361], %parallel_loop3A_357 {strides = array<i32>} : memref<3x8x256xf32, #tpu.memory_space<vmem>>, vector<16xf32>,
      %parallel_loop3A_363 = arith.index_cast %parallel_loop3A_152 : i32 to index
      %parallel_loop3A_364 = arith.constant 160 : index
      %parallel_loop3A_365 = tpu.vector_load %arg8[%parallel_loop3A_363, %parallel_loop3A_364] {strides = array<i32>} : memref<8x256xi32, #tpu.memory_space<vmem>>, vector<16xi32>,
      %parallel_loop3A_366 = tpu.vector_load_idx %arg5[%parallel_loop3A_365] : memref<8352xf32, #tpu.memory_space<vmem>>[vector<16xi32>], vector<16xf32>,
      %parallel_loop3A_367 = arith.constant 0 : i32
      %parallel_loop3A_368 = arith.index_cast %parallel_loop3A_367 : i32 to index
      %parallel_loop3A_369 = arith.index_cast %parallel_loop3A_152 : i32 to index
      %parallel_loop3A_370 = arith.constant 160 : index
      %parallel_loop3A_371 = tpu.vector_load %arg10[%parallel_loop3A_368, %parallel_loop3A_369, %parallel_loop3A_370] {strides = array<i32>} : memref<3x8x256xf32, #tpu.memory_space<vmem>>, vector<16xf32>,
      tpu.vector_store %arg10[%parallel_loop3A_368, %parallel_loop3A_369, %parallel_loop3A_370], %parallel_loop3A_366 {strides = array<i32>} : memref<3x8x256xf32, #tpu.memory_space<vmem>>, vector<16xf32>,
      %parallel_loop3A_372 = tpu.vector_load_idx %arg6[%parallel_loop3A_365] : memref<8352xf32, #tpu.memory_space<vmem>>[vector<16xi32>], vector<16xf32>,
      %parallel_loop3A_373 = arith.constant 1 : i32
      %parallel_loop3A_374 = arith.index_cast %parallel_loop3A_373 : i32 to index
      %parallel_loop3A_375 = arith.index_cast %parallel_loop3A_152 : i32 to index
      %parallel_loop3A_376 = arith.constant 160 : index
      %parallel_loop3A_377 = tpu.vector_load %arg10[%parallel_loop3A_374, %parallel_loop3A_375, %parallel_loop3A_376] {strides = array<i32>} : memref<3x8x256xf32, #tpu.memory_space<vmem>>, vector<16xf32>,
      tpu.vector_store %arg10[%parallel_loop3A_374, %parallel_loop3A_375, %parallel_loop3A_376], %parallel_loop3A_372 {strides = array<i32>} : memref<3x8x256xf32, #tpu.memory_space<vmem>>, vector<16xf32>,
      %parallel_loop3A_378 = tpu.vector_load_idx %arg7[%parallel_loop3A_365] : memref<8352xf32, #tpu.memory_space<vmem>>[vector<16xi32>], vector<16xf32>,
      %parallel_loop3A_379 = arith.constant 2 : i32
      %parallel_loop3A_380 = arith.index_cast %parallel_loop3A_379 : i32 to index
      %parallel_loop3A_381 = arith.index_cast %parallel_loop3A_152 : i32 to index
      %parallel_loop3A_382 = arith.constant 160 : index
      %parallel_loop3A_383 = tpu.vector_load %arg10[%parallel_loop3A_380, %parallel_loop3A_381, %parallel_loop3A_382] {strides = array<i32>} : memref<3x8x256xf32, #tpu.memory_space<vmem>>, vector<16xf32>,
      tpu.vector_store %arg10[%parallel_loop3A_380, %parallel_loop3A_381, %parallel_loop3A_382], %parallel_loop3A_378 {strides = array<i32>} : memref<3x8x256xf32, #tpu.memory_space<vmem>>, vector<16xf32>,
      %parallel_loop3A_384 = arith.index_cast %parallel_loop3A_152 : i32 to index
      %parallel_loop3A_385 = arith.constant 176 : index
      %parallel_loop3A_386 = tpu.vector_load %arg8[%parallel_loop3A_384, %parallel_loop3A_385] {strides = array<i32>} : memref<8x256xi32, #tpu.memory_space<vmem>>, vector<16xi32>,
      %parallel_loop3A_387 = tpu.vector_load_idx %arg5[%parallel_loop3A_386] : memref<8352xf32, #tpu.memory_space<vmem>>[vector<16xi32>], vector<16xf32>,
      %parallel_loop3A_388 = arith.constant 0 : i32
      %parallel_loop3A_389 = arith.index_cast %parallel_loop3A_388 : i32 to index
      %parallel_loop3A_390 = arith.index_cast %parallel_loop3A_152 : i32 to index
      %parallel_loop3A_391 = arith.constant 176 : index
      %parallel_loop3A_392 = tpu.vector_load %arg10[%parallel_loop3A_389, %parallel_loop3A_390, %parallel_loop3A_391] {strides = array<i32>} : memref<3x8x256xf32, #tpu.memory_space<vmem>>, vector<16xf32>,
      tpu.vector_store %arg10[%parallel_loop3A_389, %parallel_loop3A_390, %parallel_loop3A_391], %parallel_loop3A_387 {strides = array<i32>} : memref<3x8x256xf32, #tpu.memory_space<vmem>>, vector<16xf32>,
      %parallel_loop3A_393 = tpu.vector_load_idx %arg6[%parallel_loop3A_386] : memref<8352xf32, #tpu.memory_space<vmem>>[vector<16xi32>], vector<16xf32>,
      %parallel_loop3A_394 = arith.constant 1 : i32
      %parallel_loop3A_395 = arith.index_cast %parallel_loop3A_394 : i32 to index
      %parallel_loop3A_396 = arith.index_cast %parallel_loop3A_152 : i32 to index
      %parallel_loop3A_397 = arith.constant 176 : index
      %parallel_loop3A_398 = tpu.vector_load %arg10[%parallel_loop3A_395, %parallel_loop3A_396, %parallel_loop3A_397] {strides = array<i32>} : memref<3x8x256xf32, #tpu.memory_space<vmem>>, vector<16xf32>,
      tpu.vector_store %arg10[%parallel_loop3A_395, %parallel_loop3A_396, %parallel_loop3A_397], %parallel_loop3A_393 {strides = array<i32>} : memref<3x8x256xf32, #tpu.memory_space<vmem>>, vector<16xf32>,
      %parallel_loop3A_399 = tpu.vector_load_idx %arg7[%parallel_loop3A_386] : memref<8352xf32, #tpu.memory_space<vmem>>[vector<16xi32>], vector<16xf32>,
      %parallel_loop3A_400 = arith.constant 2 : i32
      %parallel_loop3A_401 = arith.index_cast %parallel_loop3A_400 : i32 to index
      %parallel_loop3A_402 = arith.index_cast %parallel_loop3A_152 : i32 to index
      %parallel_loop3A_403 = arith.constant 176 : index
      %parallel_loop3A_404 = tpu.vector_load %arg10[%parallel_loop3A_401, %parallel_loop3A_402, %parallel_loop3A_403] {strides = array<i32>} : memref<3x8x256xf32, #tpu.memory_space<vmem>>, vector<16xf32>,
      tpu.vector_store %arg10[%parallel_loop3A_401, %parallel_loop3A_402, %parallel_loop3A_403], %parallel_loop3A_399 {strides = array<i32>} : memref<3x8x256xf32, #tpu.memory_space<vmem>>, vector<16xf32>,
      %parallel_loop3A_405 = arith.index_cast %parallel_loop3A_152 : i32 to index
      %parallel_loop3A_406 = arith.constant 192 : index
      %parallel_loop3A_407 = tpu.vector_load %arg8[%parallel_loop3A_405, %parallel_loop3A_406] {strides = array<i32>} : memref<8x256xi32, #tpu.memory_space<vmem>>, vector<16xi32>,
      %parallel_loop3A_408 = tpu.vector_load_idx %arg5[%parallel_loop3A_407] : memref<8352xf32, #tpu.memory_space<vmem>>[vector<16xi32>], vector<16xf32>,
      %parallel_loop3A_409 = arith.constant 0 : i32
      %parallel_loop3A_410 = arith.index_cast %parallel_loop3A_409 : i32 to index
      %parallel_loop3A_411 = arith.index_cast %parallel_loop3A_152 : i32 to index
      %parallel_loop3A_412 = arith.constant 192 : index
      %parallel_loop3A_413 = tpu.vector_load %arg10[%parallel_loop3A_410, %parallel_loop3A_411, %parallel_loop3A_412] {strides = array<i32>} : memref<3x8x256xf32, #tpu.memory_space<vmem>>, vector<16xf32>,
      tpu.vector_store %arg10[%parallel_loop3A_410, %parallel_loop3A_411, %parallel_loop3A_412], %parallel_loop3A_408 {strides = array<i32>} : memref<3x8x256xf32, #tpu.memory_space<vmem>>, vector<16xf32>,
      %parallel_loop3A_414 = tpu.vector_load_idx %arg6[%parallel_loop3A_407] : memref<8352xf32, #tpu.memory_space<vmem>>[vector<16xi32>], vector<16xf32>,
      %parallel_loop3A_415 = arith.constant 1 : i32
      %parallel_loop3A_416 = arith.index_cast %parallel_loop3A_415 : i32 to index
      %parallel_loop3A_417 = arith.index_cast %parallel_loop3A_152 : i32 to index
      %parallel_loop3A_418 = arith.constant 192 : index
      %parallel_loop3A_419 = tpu.vector_load %arg10[%parallel_loop3A_416, %parallel_loop3A_417, %parallel_loop3A_418] {strides = array<i32>} : memref<3x8x256xf32, #tpu.memory_space<vmem>>, vector<16xf32>,
      tpu.vector_store %arg10[%parallel_loop3A_416, %parallel_loop3A_417, %parallel_loop3A_418], %parallel_loop3A_414 {strides = array<i32>} : memref<3x8x256xf32, #tpu.memory_space<vmem>>, vector<16xf32>,
      %parallel_loop3A_420 = tpu.vector_load_idx %arg7[%parallel_loop3A_407] : memref<8352xf32, #tpu.memory_space<vmem>>[vector<16xi32>], vector<16xf32>,
      %parallel_loop3A_421 = arith.constant 2 : i32
      %parallel_loop3A_422 = arith.index_cast %parallel_loop3A_421 : i32 to index
      %parallel_loop3A_423 = arith.index_cast %parallel_loop3A_152 : i32 to index
      %parallel_loop3A_424 = arith.constant 192 : index
      %parallel_loop3A_425 = tpu.vector_load %arg10[%parallel_loop3A_422, %parallel_loop3A_423, %parallel_loop3A_424] {strides = array<i32>} : memref<3x8x256xf32, #tpu.memory_space<vmem>>, vector<16xf32>,
      tpu.vector_store %arg10[%parallel_loop3A_422, %parallel_loop3A_423, %parallel_loop3A_424], %parallel_loop3A_420 {strides = array<i32>} : memref<3x8x256xf32, #tpu.memory_space<vmem>>, vector<16xf32>,
      %parallel_loop3A_426 = arith.index_cast %parallel_loop3A_152 : i32 to index
      %parallel_loop3A_427 = arith.constant 208 : index
      %parallel_loop3A_428 = tpu.vector_load %arg8[%parallel_loop3A_426, %parallel_loop3A_427] {strides = array<i32>} : memref<8x256xi32, #tpu.memory_space<vmem>>, vector<16xi32>,
      %parallel_loop3A_429 = tpu.vector_load_idx %arg5[%parallel_loop3A_428] : memref<8352xf32, #tpu.memory_space<vmem>>[vector<16xi32>], vector<16xf32>,
      %parallel_loop3A_430 = arith.constant 0 : i32
      %parallel_loop3A_431 = arith.index_cast %parallel_loop3A_430 : i32 to index
      %parallel_loop3A_432 = arith.index_cast %parallel_loop3A_152 : i32 to index
      %parallel_loop3A_433 = arith.constant 208 : index
      %parallel_loop3A_434 = tpu.vector_load %arg10[%parallel_loop3A_431, %parallel_loop3A_432, %parallel_loop3A_433] {strides = array<i32>} : memref<3x8x256xf32, #tpu.memory_space<vmem>>, vector<16xf32>,
      tpu.vector_store %arg10[%parallel_loop3A_431, %parallel_loop3A_432, %parallel_loop3A_433], %parallel_loop3A_429 {strides = array<i32>} : memref<3x8x256xf32, #tpu.memory_space<vmem>>, vector<16xf32>,
      %parallel_loop3A_435 = tpu.vector_load_idx %arg6[%parallel_loop3A_428] : memref<8352xf32, #tpu.memory_space<vmem>>[vector<16xi32>], vector<16xf32>,
      %parallel_loop3A_436 = arith.constant 1 : i32
      %parallel_loop3A_437 = arith.index_cast %parallel_loop3A_436 : i32 to index
      %parallel_loop3A_438 = arith.index_cast %parallel_loop3A_152 : i32 to index
      %parallel_loop3A_439 = arith.constant 208 : index
      %parallel_loop3A_440 = tpu.vector_load %arg10[%parallel_loop3A_437, %parallel_loop3A_438, %parallel_loop3A_439] {strides = array<i32>} : memref<3x8x256xf32, #tpu.memory_space<vmem>>, vector<16xf32>,
      tpu.vector_store %arg10[%parallel_loop3A_437, %parallel_loop3A_438, %parallel_loop3A_439], %parallel_loop3A_435 {strides = array<i32>} : memref<3x8x256xf32, #tpu.memory_space<vmem>>, vector<16xf32>,
      %parallel_loop3A_441 = tpu.vector_load_idx %arg7[%parallel_loop3A_428] : memref<8352xf32, #tpu.memory_space<vmem>>[vector<16xi32>], vector<16xf32>,
      %parallel_loop3A_442 = arith.constant 2 : i32
      %parallel_loop3A_443 = arith.index_cast %parallel_loop3A_442 : i32 to index
      %parallel_loop3A_444 = arith.index_cast %parallel_loop3A_152 : i32 to index
      %parallel_loop3A_445 = arith.constant 208 : index
      %parallel_loop3A_446 = tpu.vector_load %arg10[%parallel_loop3A_443, %parallel_loop3A_444, %parallel_loop3A_445] {strides = array<i32>} : memref<3x8x256xf32, #tpu.memory_space<vmem>>, vector<16xf32>,
      tpu.vector_store %arg10[%parallel_loop3A_443, %parallel_loop3A_444, %parallel_loop3A_445], %parallel_loop3A_441 {strides = array<i32>} : memref<3x8x256xf32, #tpu.memory_space<vmem>>, vector<16xf32>,
      %parallel_loop3A_447 = arith.index_cast %parallel_loop3A_152 : i32 to index
      %parallel_loop3A_448 = arith.constant 224 : index
      %parallel_loop3A_449 = tpu.vector_load %arg8[%parallel_loop3A_447, %parallel_loop3A_448] {strides = array<i32>} : memref<8x256xi32, #tpu.memory_space<vmem>>, vector<16xi32>,
      %parallel_loop3A_450 = tpu.vector_load_idx %arg5[%parallel_loop3A_449] : memref<8352xf32, #tpu.memory_space<vmem>>[vector<16xi32>], vector<16xf32>,
      %parallel_loop3A_451 = arith.constant 0 : i32
      %parallel_loop3A_452 = arith.index_cast %parallel_loop3A_451 : i32 to index
      %parallel_loop3A_453 = arith.index_cast %parallel_loop3A_152 : i32 to index
      %parallel_loop3A_454 = arith.constant 224 : index
      %parallel_loop3A_455 = tpu.vector_load %arg10[%parallel_loop3A_452, %parallel_loop3A_453, %parallel_loop3A_454] {strides = array<i32>} : memref<3x8x256xf32, #tpu.memory_space<vmem>>, vector<16xf32>,
      tpu.vector_store %arg10[%parallel_loop3A_452, %parallel_loop3A_453, %parallel_loop3A_454], %parallel_loop3A_450 {strides = array<i32>} : memref<3x8x256xf32, #tpu.memory_space<vmem>>, vector<16xf32>,
      %parallel_loop3A_456 = tpu.vector_load_idx %arg6[%parallel_loop3A_449] : memref<8352xf32, #tpu.memory_space<vmem>>[vector<16xi32>], vector<16xf32>,
      %parallel_loop3A_457 = arith.constant 1 : i32
      %parallel_loop3A_458 = arith.index_cast %parallel_loop3A_457 : i32 to index
      %parallel_loop3A_459 = arith.index_cast %parallel_loop3A_152 : i32 to index
      %parallel_loop3A_460 = arith.constant 224 : index
      %parallel_loop3A_461 = tpu.vector_load %arg10[%parallel_loop3A_458, %parallel_loop3A_459, %parallel_loop3A_460] {strides = array<i32>} : memref<3x8x256xf32, #tpu.memory_space<vmem>>, vector<16xf32>,
      tpu.vector_store %arg10[%parallel_loop3A_458, %parallel_loop3A_459, %parallel_loop3A_460], %parallel_loop3A_456 {strides = array<i32>} : memref<3x8x256xf32, #tpu.memory_space<vmem>>, vector<16xf32>,
      %parallel_loop3A_462 = tpu.vector_load_idx %arg7[%parallel_loop3A_449] : memref<8352xf32, #tpu.memory_space<vmem>>[vector<16xi32>], vector<16xf32>,
      %parallel_loop3A_463 = arith.constant 2 : i32
      %parallel_loop3A_464 = arith.index_cast %parallel_loop3A_463 : i32 to index
      %parallel_loop3A_465 = arith.index_cast %parallel_loop3A_152 : i32 to index
      %parallel_loop3A_466 = arith.constant 224 : index
      %parallel_loop3A_467 = tpu.vector_load %arg10[%parallel_loop3A_464, %parallel_loop3A_465, %parallel_loop3A_466] {strides = array<i32>} : memref<3x8x256xf32, #tpu.memory_space<vmem>>, vector<16xf32>,
      tpu.vector_store %arg10[%parallel_loop3A_464, %parallel_loop3A_465, %parallel_loop3A_466], %parallel_loop3A_462 {strides = array<i32>} : memref<3x8x256xf32, #tpu.memory_space<vmem>>, vector<16xf32>,
      %parallel_loop3A_468 = arith.index_cast %parallel_loop3A_152 : i32 to index
      %parallel_loop3A_469 = arith.constant 240 : index
      %parallel_loop3A_470 = tpu.vector_load %arg8[%parallel_loop3A_468, %parallel_loop3A_469] {strides = array<i32>} : memref<8x256xi32, #tpu.memory_space<vmem>>, vector<16xi32>,
      %parallel_loop3A_471 = tpu.vector_load_idx %arg5[%parallel_loop3A_470] : memref<8352xf32, #tpu.memory_space<vmem>>[vector<16xi32>], vector<16xf32>,
      %parallel_loop3A_472 = arith.constant 0 : i32
      %parallel_loop3A_473 = arith.index_cast %parallel_loop3A_472 : i32 to index
      %parallel_loop3A_474 = arith.index_cast %parallel_loop3A_152 : i32 to index
      %parallel_loop3A_475 = arith.constant 240 : index
      %parallel_loop3A_476 = tpu.vector_load %arg10[%parallel_loop3A_473, %parallel_loop3A_474, %parallel_loop3A_475] {strides = array<i32>} : memref<3x8x256xf32, #tpu.memory_space<vmem>>, vector<16xf32>,
      tpu.vector_store %arg10[%parallel_loop3A_473, %parallel_loop3A_474, %parallel_loop3A_475], %parallel_loop3A_471 {strides = array<i32>} : memref<3x8x256xf32, #tpu.memory_space<vmem>>, vector<16xf32>,
      %parallel_loop3A_477 = tpu.vector_load_idx %arg6[%parallel_loop3A_470] : memref<8352xf32, #tpu.memory_space<vmem>>[vector<16xi32>], vector<16xf32>,
      %parallel_loop3A_478 = arith.constant 1 : i32
      %parallel_loop3A_479 = arith.index_cast %parallel_loop3A_478 : i32 to index
      %parallel_loop3A_480 = arith.index_cast %parallel_loop3A_152 : i32 to index
      %parallel_loop3A_481 = arith.constant 240 : index
      %parallel_loop3A_482 = tpu.vector_load %arg10[%parallel_loop3A_479, %parallel_loop3A_480, %parallel_loop3A_481] {strides = array<i32>} : memref<3x8x256xf32, #tpu.memory_space<vmem>>, vector<16xf32>,
      tpu.vector_store %arg10[%parallel_loop3A_479, %parallel_loop3A_480, %parallel_loop3A_481], %parallel_loop3A_477 {strides = array<i32>} : memref<3x8x256xf32, #tpu.memory_space<vmem>>, vector<16xf32>,
      %parallel_loop3A_483 = tpu.vector_load_idx %arg7[%parallel_loop3A_470] : memref<8352xf32, #tpu.memory_space<vmem>>[vector<16xi32>], vector<16xf32>,
      %parallel_loop3A_484 = arith.constant 2 : i32
      %parallel_loop3A_485 = arith.index_cast %parallel_loop3A_484 : i32 to index
      %parallel_loop3A_486 = arith.index_cast %parallel_loop3A_152 : i32 to index
      %parallel_loop3A_487 = arith.constant 240 : index
      %parallel_loop3A_488 = tpu.vector_load %arg10[%parallel_loop3A_485, %parallel_loop3A_486, %parallel_loop3A_487] {strides = array<i32>} : memref<3x8x256xf32, #tpu.memory_space<vmem>>, vector<16xf32>,
      tpu.vector_store %arg10[%parallel_loop3A_485, %parallel_loop3A_486, %parallel_loop3A_487], %parallel_loop3A_483 {strides = array<i32>} : memref<3x8x256xf32, #tpu.memory_space<vmem>>, vector<16xf32>,
    } {sc.loop_unroll_factor = 4 : i64, sc.parallel_access}
    %add3A_45 = arith.constant 0 : i32
    %add3A_46 = arith.addi %mul3A_2, %add3A_45 : i32
    %dma_start3A_47 = arith.constant 0 : i32
    %dma_start3A_48 = arith.constant 0 : i32
    %dma_start3A_49 = tpu.memref_slice %arg4[%dma_start3A_47, %dma_start3A_48, %add3A_46] : memref<3x200x16384xf32, #tpu.memory_space<hbm>> -> memref<3x8x256xf32, #tpu.memory_space<hbm>>
    %dma_start3A_50 = arith.constant 0 : i32
    %dma_start3A_51 = arith.constant 0 : i32
    %dma_start3A_52 = tpu.memref_slice %arg4[%dma_start3A_50, %dma_start3A_51, %add3A_46] : memref<3x200x16384xf32, #tpu.memory_space<hbm>> -> memref<3x8x256xf32, #tpu.memory_space<hbm>>
    tpu.enqueue_dma source(%arg10 : memref<3x8x256xf32, #tpu.memory_space<vmem>>) target(%dma_start3A_52 : memref<3x8x256xf32, #tpu.memory_space<hbm>>) target_semaphore(%arg14 : memref<!tpu.dma_semaphore, #tpu.memory_space<semaphore_mem>>)
    %add3A_53 = arith.constant 0 : i32
    %add3A_54 = arith.addi %mul3A_2, %add3A_53 : i32
    %dma_start3A_55 = arith.constant 8 : i32
    %dma_start3A_56 = tpu.memref_slice %arg2[%dma_start3A_55, %add3A_54] : memref<200x16384xi32, #tpu.memory_space<hbm>> -> memref<8x256xi32, #tpu.memory_space<hbm>>
    %dma_start3A_57 = arith.constant 8 : i32
    %dma_start3A_58 = tpu.memref_slice %arg2[%dma_start3A_57, %add3A_54] : memref<200x16384xi32, #tpu.memory_space<hbm>> -> memref<8x256xi32, #tpu.memory_space<hbm>>
    tpu.enqueue_dma source(%dma_start3A_58 : memref<8x256xi32, #tpu.memory_space<hbm>>) target(%arg8 : memref<8x256xi32, #tpu.memory_space<vmem>>) target_semaphore(%arg12 : memref<!tpu.dma_semaphore, #tpu.memory_space<semaphore_mem>>)
    %dma_wait3A_59 = arith.constant 0 : i32
    %dma_wait3A_60 = arith.constant 0 : i32
    %dma_wait3A_61 = tpu.memref_slice %arg2[%dma_wait3A_59, %dma_wait3A_60] : memref<200x16384xi32, #tpu.memory_space<hbm>> -> memref<8x256xi32, #tpu.memory_space<hbm>>
    %dma_wait3A_62 = arith.constant 0 : i32
    %dma_wait3A_63 = arith.constant 0 : i32
    %dma_wait3A_64 = tpu.memref_slice %arg2[%dma_wait3A_62, %dma_wait3A_63] : memref<200x16384xi32, #tpu.memory_space<hbm>> -> memref<8x256xi32, #tpu.memory_space<hbm>>
    tpu.wait_dma2 semaphore(%arg13 : memref<!tpu.dma_semaphore, #tpu.memory_space<semaphore_mem>>) src(%dma_wait3A_64 : memref<8x256xi32, #tpu.memory_space<hbm>>) dst(%arg9 : memref<8x256xi32, #tpu.memory_space<vmem>>)
    %parallel_loop3A_65 = arith.constant 0 : i32
    %parallel_loop3A_66 = arith.constant 8 : i32
    %parallel_loop3A_67 = arith.constant 1 : i32
    scf.for %parallel_loop3A_152 = %parallel_loop3A_65 to %parallel_loop3A_66 step %parallel_loop3A_67  : i32 {
      %parallel_loop3A_153 = arith.index_cast %parallel_loop3A_152 : i32 to index
      %parallel_loop3A_154 = arith.constant 0 : index
      %parallel_loop3A_155 = tpu.vector_load %arg9[%parallel_loop3A_153, %parallel_loop3A_154] {strides = array<i32>} : memref<8x256xi32, #tpu.memory_space<vmem>>, vector<16xi32>,
      %parallel_loop3A_156 = tpu.vector_load_idx %arg5[%parallel_loop3A_155] : memref<8352xf32, #tpu.memory_space<vmem>>[vector<16xi32>], vector<16xf32>,
      %parallel_loop3A_157 = arith.constant 0 : i32
      %parallel_loop3A_158 = arith.index_cast %parallel_loop3A_157 : i32 to index
      %parallel_loop3A_159 = arith.index_cast %parallel_loop3A_152 : i32 to index
      %parallel_loop3A_160 = arith.constant 0 : index
      %parallel_loop3A_161 = tpu.vector_load %arg11[%parallel_loop3A_158, %parallel_loop3A_159, %parallel_loop3A_160] {strides = array<i32>} : memref<3x8x256xf32, #tpu.memory_space<vmem>>, vector<16xf32>,
      tpu.vector_store %arg11[%parallel_loop3A_158, %parallel_loop3A_159, %parallel_loop3A_160], %parallel_loop3A_156 {strides = array<i32>} : memref<3x8x256xf32, #tpu.memory_space<vmem>>, vector<16xf32>,
      %parallel_loop3A_162 = tpu.vector_load_idx %arg6[%parallel_loop3A_155] : memref<8352xf32, #tpu.memory_space<vmem>>[vector<16xi32>], vector<16xf32>,
      %parallel_loop3A_163 = arith.constant 1 : i32
      %parallel_loop3A_164 = arith.index_cast %parallel_loop3A_163 : i32 to index
      %parallel_loop3A_165 = arith.index_cast %parallel_loop3A_152 : i32 to index
      %parallel_loop3A_166 = arith.constant 0 : index
      %parallel_loop3A_167 = tpu.vector_load %arg11[%parallel_loop3A_164, %parallel_loop3A_165, %parallel_loop3A_166] {strides = array<i32>} : memref<3x8x256xf32, #tpu.memory_space<vmem>>, vector<16xf32>,
      tpu.vector_store %arg11[%parallel_loop3A_164, %parallel_loop3A_165, %parallel_loop3A_166], %parallel_loop3A_162 {strides = array<i32>} : memref<3x8x256xf32, #tpu.memory_space<vmem>>, vector<16xf32>,
      %parallel_loop3A_168 = tpu.vector_load_idx %arg7[%parallel_loop3A_155] : memref<8352xf32, #tpu.memory_space<vmem>>[vector<16xi32>], vector<16xf32>,
      %parallel_loop3A_169 = arith.constant 2 : i32
      %parallel_loop3A_170 = arith.index_cast %parallel_loop3A_169 : i32 to index
      %parallel_loop3A_171 = arith.index_cast %parallel_loop3A_152 : i32 to index
      %parallel_loop3A_172 = arith.constant 0 : index
      %parallel_loop3A_173 = tpu.vector_load %arg11[%parallel_loop3A_170, %parallel_loop3A_171, %parallel_loop3A_172] {strides = array<i32>} : memref<3x8x256xf32, #tpu.memory_space<vmem>>, vector<16xf32>,
      tpu.vector_store %arg11[%parallel_loop3A_170, %parallel_loop3A_171, %parallel_loop3A_172], %parallel_loop3A_168 {strides = array<i32>} : memref<3x8x256xf32, #tpu.memory_space<vmem>>, vector<16xf32>,
      %parallel_loop3A_174 = arith.index_cast %parallel_loop3A_152 : i32 to index
      %parallel_loop3A_175 = arith.constant 16 : index
      %parallel_loop3A_176 = tpu.vector_load %arg9[%parallel_loop3A_174, %parallel_loop3A_175] {strides = array<i32>} : memref<8x256xi32, #tpu.memory_space<vmem>>, vector<16xi32>,
      %parallel_loop3A_177 = tpu.vector_load_idx %arg5[%parallel_loop3A_176] : memref<8352xf32, #tpu.memory_space<vmem>>[vector<16xi32>], vector<16xf32>,
      %parallel_loop3A_178 = arith.constant 0 : i32
      %parallel_loop3A_179 = arith.index_cast %parallel_loop3A_178 : i32 to index
      %parallel_loop3A_180 = arith.index_cast %parallel_loop3A_152 : i32 to index
      %parallel_loop3A_181 = arith.constant 16 : index
      %parallel_loop3A_182 = tpu.vector_load %arg11[%parallel_loop3A_179, %parallel_loop3A_180, %parallel_loop3A_181] {strides = array<i32>} : memref<3x8x256xf32, #tpu.memory_space<vmem>>, vector<16xf32>,
      tpu.vector_store %arg11[%parallel_loop3A_179, %parallel_loop3A_180, %parallel_loop3A_181], %parallel_loop3A_177 {strides = array<i32>} : memref<3x8x256xf32, #tpu.memory_space<vmem>>, vector<16xf32>,
      %parallel_loop3A_183 = tpu.vector_load_idx %arg6[%parallel_loop3A_176] : memref<8352xf32, #tpu.memory_space<vmem>>[vector<16xi32>], vector<16xf32>,
      %parallel_loop3A_184 = arith.constant 1 : i32
      %parallel_loop3A_185 = arith.index_cast %parallel_loop3A_184 : i32 to index
      %parallel_loop3A_186 = arith.index_cast %parallel_loop3A_152 : i32 to index
      %parallel_loop3A_187 = arith.constant 16 : index
      %parallel_loop3A_188 = tpu.vector_load %arg11[%parallel_loop3A_185, %parallel_loop3A_186, %parallel_loop3A_187] {strides = array<i32>} : memref<3x8x256xf32, #tpu.memory_space<vmem>>, vector<16xf32>,
      tpu.vector_store %arg11[%parallel_loop3A_185, %parallel_loop3A_186, %parallel_loop3A_187], %parallel_loop3A_183 {strides = array<i32>} : memref<3x8x256xf32, #tpu.memory_space<vmem>>, vector<16xf32>,
      %parallel_loop3A_189 = tpu.vector_load_idx %arg7[%parallel_loop3A_176] : memref<8352xf32, #tpu.memory_space<vmem>>[vector<16xi32>], vector<16xf32>,
      %parallel_loop3A_190 = arith.constant 2 : i32
      %parallel_loop3A_191 = arith.index_cast %parallel_loop3A_190 : i32 to index
      %parallel_loop3A_192 = arith.index_cast %parallel_loop3A_152 : i32 to index
      %parallel_loop3A_193 = arith.constant 16 : index
      %parallel_loop3A_194 = tpu.vector_load %arg11[%parallel_loop3A_191, %parallel_loop3A_192, %parallel_loop3A_193] {strides = array<i32>} : memref<3x8x256xf32, #tpu.memory_space<vmem>>, vector<16xf32>,
      tpu.vector_store %arg11[%parallel_loop3A_191, %parallel_loop3A_192, %parallel_loop3A_193], %parallel_loop3A_189 {strides = array<i32>} : memref<3x8x256xf32, #tpu.memory_space<vmem>>, vector<16xf32>,
      %parallel_loop3A_195 = arith.index_cast %parallel_loop3A_152 : i32 to index
      %parallel_loop3A_196 = arith.constant 32 : index
      %parallel_loop3A_197 = tpu.vector_load %arg9[%parallel_loop3A_195, %parallel_loop3A_196] {strides = array<i32>} : memref<8x256xi32, #tpu.memory_space<vmem>>, vector<16xi32>,
      %parallel_loop3A_198 = tpu.vector_load_idx %arg5[%parallel_loop3A_197] : memref<8352xf32, #tpu.memory_space<vmem>>[vector<16xi32>], vector<16xf32>,
      %parallel_loop3A_199 = arith.constant 0 : i32
      %parallel_loop3A_200 = arith.index_cast %parallel_loop3A_199 : i32 to index
      %parallel_loop3A_201 = arith.index_cast %parallel_loop3A_152 : i32 to index
      %parallel_loop3A_202 = arith.constant 32 : index
      %parallel_loop3A_203 = tpu.vector_load %arg11[%parallel_loop3A_200, %parallel_loop3A_201, %parallel_loop3A_202] {strides = array<i32>} : memref<3x8x256xf32, #tpu.memory_space<vmem>>, vector<16xf32>,
      tpu.vector_store %arg11[%parallel_loop3A_200, %parallel_loop3A_201, %parallel_loop3A_202], %parallel_loop3A_198 {strides = array<i32>} : memref<3x8x256xf32, #tpu.memory_space<vmem>>, vector<16xf32>,
      %parallel_loop3A_204 = tpu.vector_load_idx %arg6[%parallel_loop3A_197] : memref<8352xf32, #tpu.memory_space<vmem>>[vector<16xi32>], vector<16xf32>,
      %parallel_loop3A_205 = arith.constant 1 : i32
      %parallel_loop3A_206 = arith.index_cast %parallel_loop3A_205 : i32 to index
      %parallel_loop3A_207 = arith.index_cast %parallel_loop3A_152 : i32 to index
      %parallel_loop3A_208 = arith.constant 32 : index
      %parallel_loop3A_209 = tpu.vector_load %arg11[%parallel_loop3A_206, %parallel_loop3A_207, %parallel_loop3A_208] {strides = array<i32>} : memref<3x8x256xf32, #tpu.memory_space<vmem>>, vector<16xf32>,
      tpu.vector_store %arg11[%parallel_loop3A_206, %parallel_loop3A_207, %parallel_loop3A_208], %parallel_loop3A_204 {strides = array<i32>} : memref<3x8x256xf32, #tpu.memory_space<vmem>>, vector<16xf32>,
      %parallel_loop3A_210 = tpu.vector_load_idx %arg7[%parallel_loop3A_197] : memref<8352xf32, #tpu.memory_space<vmem>>[vector<16xi32>], vector<16xf32>,
      %parallel_loop3A_211 = arith.constant 2 : i32
      %parallel_loop3A_212 = arith.index_cast %parallel_loop3A_211 : i32 to index
      %parallel_loop3A_213 = arith.index_cast %parallel_loop3A_152 : i32 to index
      %parallel_loop3A_214 = arith.constant 32 : index
      %parallel_loop3A_215 = tpu.vector_load %arg11[%parallel_loop3A_212, %parallel_loop3A_213, %parallel_loop3A_214] {strides = array<i32>} : memref<3x8x256xf32, #tpu.memory_space<vmem>>, vector<16xf32>,
      tpu.vector_store %arg11[%parallel_loop3A_212, %parallel_loop3A_213, %parallel_loop3A_214], %parallel_loop3A_210 {strides = array<i32>} : memref<3x8x256xf32, #tpu.memory_space<vmem>>, vector<16xf32>,
      %parallel_loop3A_216 = arith.index_cast %parallel_loop3A_152 : i32 to index
      %parallel_loop3A_217 = arith.constant 48 : index
      %parallel_loop3A_218 = tpu.vector_load %arg9[%parallel_loop3A_216, %parallel_loop3A_217] {strides = array<i32>} : memref<8x256xi32, #tpu.memory_space<vmem>>, vector<16xi32>,
      %parallel_loop3A_219 = tpu.vector_load_idx %arg5[%parallel_loop3A_218] : memref<8352xf32, #tpu.memory_space<vmem>>[vector<16xi32>], vector<16xf32>,
      %parallel_loop3A_220 = arith.constant 0 : i32
      %parallel_loop3A_221 = arith.index_cast %parallel_loop3A_220 : i32 to index
      %parallel_loop3A_222 = arith.index_cast %parallel_loop3A_152 : i32 to index
      %parallel_loop3A_223 = arith.constant 48 : index
      %parallel_loop3A_224 = tpu.vector_load %arg11[%parallel_loop3A_221, %parallel_loop3A_222, %parallel_loop3A_223] {strides = array<i32>} : memref<3x8x256xf32, #tpu.memory_space<vmem>>, vector<16xf32>,
      tpu.vector_store %arg11[%parallel_loop3A_221, %parallel_loop3A_222, %parallel_loop3A_223], %parallel_loop3A_219 {strides = array<i32>} : memref<3x8x256xf32, #tpu.memory_space<vmem>>, vector<16xf32>,
      %parallel_loop3A_225 = tpu.vector_load_idx %arg6[%parallel_loop3A_218] : memref<8352xf32, #tpu.memory_space<vmem>>[vector<16xi32>], vector<16xf32>,
      %parallel_loop3A_226 = arith.constant 1 : i32
      %parallel_loop3A_227 = arith.index_cast %parallel_loop3A_226 : i32 to index
      %parallel_loop3A_228 = arith.index_cast %parallel_loop3A_152 : i32 to index
      %parallel_loop3A_229 = arith.constant 48 : index
      %parallel_loop3A_230 = tpu.vector_load %arg11[%parallel_loop3A_227, %parallel_loop3A_228, %parallel_loop3A_229] {strides = array<i32>} : memref<3x8x256xf32, #tpu.memory_space<vmem>>, vector<16xf32>,
      tpu.vector_store %arg11[%parallel_loop3A_227, %parallel_loop3A_228, %parallel_loop3A_229], %parallel_loop3A_225 {strides = array<i32>} : memref<3x8x256xf32, #tpu.memory_space<vmem>>, vector<16xf32>,
      %parallel_loop3A_231 = tpu.vector_load_idx %arg7[%parallel_loop3A_218] : memref<8352xf32, #tpu.memory_space<vmem>>[vector<16xi32>], vector<16xf32>,
      %parallel_loop3A_232 = arith.constant 2 : i32
      %parallel_loop3A_233 = arith.index_cast %parallel_loop3A_232 : i32 to index
      %parallel_loop3A_234 = arith.index_cast %parallel_loop3A_152 : i32 to index
      %parallel_loop3A_235 = arith.constant 48 : index
      %parallel_loop3A_236 = tpu.vector_load %arg11[%parallel_loop3A_233, %parallel_loop3A_234, %parallel_loop3A_235] {strides = array<i32>} : memref<3x8x256xf32, #tpu.memory_space<vmem>>, vector<16xf32>,
      tpu.vector_store %arg11[%parallel_loop3A_233, %parallel_loop3A_234, %parallel_loop3A_235], %parallel_loop3A_231 {strides = array<i32>} : memref<3x8x256xf32, #tpu.memory_space<vmem>>, vector<16xf32>,
      %parallel_loop3A_237 = arith.index_cast %parallel_loop3A_152 : i32 to index
      %parallel_loop3A_238 = arith.constant 64 : index
      %parallel_loop3A_239 = tpu.vector_load %arg9[%parallel_loop3A_237, %parallel_loop3A_238] {strides = array<i32>} : memref<8x256xi32, #tpu.memory_space<vmem>>, vector<16xi32>,
      %parallel_loop3A_240 = tpu.vector_load_idx %arg5[%parallel_loop3A_239] : memref<8352xf32, #tpu.memory_space<vmem>>[vector<16xi32>], vector<16xf32>,
      %parallel_loop3A_241 = arith.constant 0 : i32
      %parallel_loop3A_242 = arith.index_cast %parallel_loop3A_241 : i32 to index
      %parallel_loop3A_243 = arith.index_cast %parallel_loop3A_152 : i32 to index
      %parallel_loop3A_244 = arith.constant 64 : index
      %parallel_loop3A_245 = tpu.vector_load %arg11[%parallel_loop3A_242, %parallel_loop3A_243, %parallel_loop3A_244] {strides = array<i32>} : memref<3x8x256xf32, #tpu.memory_space<vmem>>, vector<16xf32>,
      tpu.vector_store %arg11[%parallel_loop3A_242, %parallel_loop3A_243, %parallel_loop3A_244], %parallel_loop3A_240 {strides = array<i32>} : memref<3x8x256xf32, #tpu.memory_space<vmem>>, vector<16xf32>,
      %parallel_loop3A_246 = tpu.vector_load_idx %arg6[%parallel_loop3A_239] : memref<8352xf32, #tpu.memory_space<vmem>>[vector<16xi32>], vector<16xf32>,
      %parallel_loop3A_247 = arith.constant 1 : i32
      %parallel_loop3A_248 = arith.index_cast %parallel_loop3A_247 : i32 to index
      %parallel_loop3A_249 = arith.index_cast %parallel_loop3A_152 : i32 to index
      %parallel_loop3A_250 = arith.constant 64 : index
      %parallel_loop3A_251 = tpu.vector_load %arg11[%parallel_loop3A_248, %parallel_loop3A_249, %parallel_loop3A_250] {strides = array<i32>} : memref<3x8x256xf32, #tpu.memory_space<vmem>>, vector<16xf32>,
      tpu.vector_store %arg11[%parallel_loop3A_248, %parallel_loop3A_249, %parallel_loop3A_250], %parallel_loop3A_246 {strides = array<i32>} : memref<3x8x256xf32, #tpu.memory_space<vmem>>, vector<16xf32>,
      %parallel_loop3A_252 = tpu.vector_load_idx %arg7[%parallel_loop3A_239] : memref<8352xf32, #tpu.memory_space<vmem>>[vector<16xi32>], vector<16xf32>,
      %parallel_loop3A_253 = arith.constant 2 : i32
      %parallel_loop3A_254 = arith.index_cast %parallel_loop3A_253 : i32 to index
      %parallel_loop3A_255 = arith.index_cast %parallel_loop3A_152 : i32 to index
      %parallel_loop3A_256 = arith.constant 64 : index
      %parallel_loop3A_257 = tpu.vector_load %arg11[%parallel_loop3A_254, %parallel_loop3A_255, %parallel_loop3A_256] {strides = array<i32>} : memref<3x8x256xf32, #tpu.memory_space<vmem>>, vector<16xf32>,
      tpu.vector_store %arg11[%parallel_loop3A_254, %parallel_loop3A_255, %parallel_loop3A_256], %parallel_loop3A_252 {strides = array<i32>} : memref<3x8x256xf32, #tpu.memory_space<vmem>>, vector<16xf32>,
      %parallel_loop3A_258 = arith.index_cast %parallel_loop3A_152 : i32 to index
      %parallel_loop3A_259 = arith.constant 80 : index
      %parallel_loop3A_260 = tpu.vector_load %arg9[%parallel_loop3A_258, %parallel_loop3A_259] {strides = array<i32>} : memref<8x256xi32, #tpu.memory_space<vmem>>, vector<16xi32>,
      %parallel_loop3A_261 = tpu.vector_load_idx %arg5[%parallel_loop3A_260] : memref<8352xf32, #tpu.memory_space<vmem>>[vector<16xi32>], vector<16xf32>,
      %parallel_loop3A_262 = arith.constant 0 : i32
      %parallel_loop3A_263 = arith.index_cast %parallel_loop3A_262 : i32 to index
      %parallel_loop3A_264 = arith.index_cast %parallel_loop3A_152 : i32 to index
      %parallel_loop3A_265 = arith.constant 80 : index
      %parallel_loop3A_266 = tpu.vector_load %arg11[%parallel_loop3A_263, %parallel_loop3A_264, %parallel_loop3A_265] {strides = array<i32>} : memref<3x8x256xf32, #tpu.memory_space<vmem>>, vector<16xf32>,
      tpu.vector_store %arg11[%parallel_loop3A_263, %parallel_loop3A_264, %parallel_loop3A_265], %parallel_loop3A_261 {strides = array<i32>} : memref<3x8x256xf32, #tpu.memory_space<vmem>>, vector<16xf32>,
      %parallel_loop3A_267 = tpu.vector_load_idx %arg6[%parallel_loop3A_260] : memref<8352xf32, #tpu.memory_space<vmem>>[vector<16xi32>], vector<16xf32>,
      %parallel_loop3A_268 = arith.constant 1 : i32
      %parallel_loop3A_269 = arith.index_cast %parallel_loop3A_268 : i32 to index
      %parallel_loop3A_270 = arith.index_cast %parallel_loop3A_152 : i32 to index
      %parallel_loop3A_271 = arith.constant 80 : index
      %parallel_loop3A_272 = tpu.vector_load %arg11[%parallel_loop3A_269, %parallel_loop3A_270, %parallel_loop3A_271] {strides = array<i32>} : memref<3x8x256xf32, #tpu.memory_space<vmem>>, vector<16xf32>,
      tpu.vector_store %arg11[%parallel_loop3A_269, %parallel_loop3A_270, %parallel_loop3A_271], %parallel_loop3A_267 {strides = array<i32>} : memref<3x8x256xf32, #tpu.memory_space<vmem>>, vector<16xf32>,
      %parallel_loop3A_273 = tpu.vector_load_idx %arg7[%parallel_loop3A_260] : memref<8352xf32, #tpu.memory_space<vmem>>[vector<16xi32>], vector<16xf32>,
      %parallel_loop3A_274 = arith.constant 2 : i32
      %parallel_loop3A_275 = arith.index_cast %parallel_loop3A_274 : i32 to index
      %parallel_loop3A_276 = arith.index_cast %parallel_loop3A_152 : i32 to index
      %parallel_loop3A_277 = arith.constant 80 : index
      %parallel_loop3A_278 = tpu.vector_load %arg11[%parallel_loop3A_275, %parallel_loop3A_276, %parallel_loop3A_277] {strides = array<i32>} : memref<3x8x256xf32, #tpu.memory_space<vmem>>, vector<16xf32>,
      tpu.vector_store %arg11[%parallel_loop3A_275, %parallel_loop3A_276, %parallel_loop3A_277], %parallel_loop3A_273 {strides = array<i32>} : memref<3x8x256xf32, #tpu.memory_space<vmem>>, vector<16xf32>,
      %parallel_loop3A_279 = arith.index_cast %parallel_loop3A_152 : i32 to index
      %parallel_loop3A_280 = arith.constant 96 : index
      %parallel_loop3A_281 = tpu.vector_load %arg9[%parallel_loop3A_279, %parallel_loop3A_280] {strides = array<i32>} : memref<8x256xi32, #tpu.memory_space<vmem>>, vector<16xi32>,
      %parallel_loop3A_282 = tpu.vector_load_idx %arg5[%parallel_loop3A_281] : memref<8352xf32, #tpu.memory_space<vmem>>[vector<16xi32>], vector<16xf32>,
      %parallel_loop3A_283 = arith.constant 0 : i32
      %parallel_loop3A_284 = arith.index_cast %parallel_loop3A_283 : i32 to index
      %parallel_loop3A_285 = arith.index_cast %parallel_loop3A_152 : i32 to index
      %parallel_loop3A_286 = arith.constant 96 : index
      %parallel_loop3A_287 = tpu.vector_load %arg11[%parallel_loop3A_284, %parallel_loop3A_285, %parallel_loop3A_286] {strides = array<i32>} : memref<3x8x256xf32, #tpu.memory_space<vmem>>, vector<16xf32>,
      tpu.vector_store %arg11[%parallel_loop3A_284, %parallel_loop3A_285, %parallel_loop3A_286], %parallel_loop3A_282 {strides = array<i32>} : memref<3x8x256xf32, #tpu.memory_space<vmem>>, vector<16xf32>,
      %parallel_loop3A_288 = tpu.vector_load_idx %arg6[%parallel_loop3A_281] : memref<8352xf32, #tpu.memory_space<vmem>>[vector<16xi32>], vector<16xf32>,
      %parallel_loop3A_289 = arith.constant 1 : i32
      %parallel_loop3A_290 = arith.index_cast %parallel_loop3A_289 : i32 to index
      %parallel_loop3A_291 = arith.index_cast %parallel_loop3A_152 : i32 to index
      %parallel_loop3A_292 = arith.constant 96 : index
      %parallel_loop3A_293 = tpu.vector_load %arg11[%parallel_loop3A_290, %parallel_loop3A_291, %parallel_loop3A_292] {strides = array<i32>} : memref<3x8x256xf32, #tpu.memory_space<vmem>>, vector<16xf32>,
      tpu.vector_store %arg11[%parallel_loop3A_290, %parallel_loop3A_291, %parallel_loop3A_292], %parallel_loop3A_288 {strides = array<i32>} : memref<3x8x256xf32, #tpu.memory_space<vmem>>, vector<16xf32>,
      %parallel_loop3A_294 = tpu.vector_load_idx %arg7[%parallel_loop3A_281] : memref<8352xf32, #tpu.memory_space<vmem>>[vector<16xi32>], vector<16xf32>,
      %parallel_loop3A_295 = arith.constant 2 : i32
      %parallel_loop3A_296 = arith.index_cast %parallel_loop3A_295 : i32 to index
      %parallel_loop3A_297 = arith.index_cast %parallel_loop3A_152 : i32 to index
      %parallel_loop3A_298 = arith.constant 96 : index
      %parallel_loop3A_299 = tpu.vector_load %arg11[%parallel_loop3A_296, %parallel_loop3A_297, %parallel_loop3A_298] {strides = array<i32>} : memref<3x8x256xf32, #tpu.memory_space<vmem>>, vector<16xf32>,
      tpu.vector_store %arg11[%parallel_loop3A_296, %parallel_loop3A_297, %parallel_loop3A_298], %parallel_loop3A_294 {strides = array<i32>} : memref<3x8x256xf32, #tpu.memory_space<vmem>>, vector<16xf32>,
      %parallel_loop3A_300 = arith.index_cast %parallel_loop3A_152 : i32 to index
      %parallel_loop3A_301 = arith.constant 112 : index
      %parallel_loop3A_302 = tpu.vector_load %arg9[%parallel_loop3A_300, %parallel_loop3A_301] {strides = array<i32>} : memref<8x256xi32, #tpu.memory_space<vmem>>, vector<16xi32>,
      %parallel_loop3A_303 = tpu.vector_load_idx %arg5[%parallel_loop3A_302] : memref<8352xf32, #tpu.memory_space<vmem>>[vector<16xi32>], vector<16xf32>,
      %parallel_loop3A_304 = arith.constant 0 : i32
      %parallel_loop3A_305 = arith.index_cast %parallel_loop3A_304 : i32 to index
      %parallel_loop3A_306 = arith.index_cast %parallel_loop3A_152 : i32 to index
      %parallel_loop3A_307 = arith.constant 112 : index
      %parallel_loop3A_308 = tpu.vector_load %arg11[%parallel_loop3A_305, %parallel_loop3A_306, %parallel_loop3A_307] {strides = array<i32>} : memref<3x8x256xf32, #tpu.memory_space<vmem>>, vector<16xf32>,
      tpu.vector_store %arg11[%parallel_loop3A_305, %parallel_loop3A_306, %parallel_loop3A_307], %parallel_loop3A_303 {strides = array<i32>} : memref<3x8x256xf32, #tpu.memory_space<vmem>>, vector<16xf32>,
      %parallel_loop3A_309 = tpu.vector_load_idx %arg6[%parallel_loop3A_302] : memref<8352xf32, #tpu.memory_space<vmem>>[vector<16xi32>], vector<16xf32>,
      %parallel_loop3A_310 = arith.constant 1 : i32
      %parallel_loop3A_311 = arith.index_cast %parallel_loop3A_310 : i32 to index
      %parallel_loop3A_312 = arith.index_cast %parallel_loop3A_152 : i32 to index
      %parallel_loop3A_313 = arith.constant 112 : index
      %parallel_loop3A_314 = tpu.vector_load %arg11[%parallel_loop3A_311, %parallel_loop3A_312, %parallel_loop3A_313] {strides = array<i32>} : memref<3x8x256xf32, #tpu.memory_space<vmem>>, vector<16xf32>,
      tpu.vector_store %arg11[%parallel_loop3A_311, %parallel_loop3A_312, %parallel_loop3A_313], %parallel_loop3A_309 {strides = array<i32>} : memref<3x8x256xf32, #tpu.memory_space<vmem>>, vector<16xf32>,
      %parallel_loop3A_315 = tpu.vector_load_idx %arg7[%parallel_loop3A_302] : memref<8352xf32, #tpu.memory_space<vmem>>[vector<16xi32>], vector<16xf32>,
      %parallel_loop3A_316 = arith.constant 2 : i32
      %parallel_loop3A_317 = arith.index_cast %parallel_loop3A_316 : i32 to index
      %parallel_loop3A_318 = arith.index_cast %parallel_loop3A_152 : i32 to index
      %parallel_loop3A_319 = arith.constant 112 : index
      %parallel_loop3A_320 = tpu.vector_load %arg11[%parallel_loop3A_317, %parallel_loop3A_318, %parallel_loop3A_319] {strides = array<i32>} : memref<3x8x256xf32, #tpu.memory_space<vmem>>, vector<16xf32>,
      tpu.vector_store %arg11[%parallel_loop3A_317, %parallel_loop3A_318, %parallel_loop3A_319], %parallel_loop3A_315 {strides = array<i32>} : memref<3x8x256xf32, #tpu.memory_space<vmem>>, vector<16xf32>,
      %parallel_loop3A_321 = arith.index_cast %parallel_loop3A_152 : i32 to index
      %parallel_loop3A_322 = arith.constant 128 : index
      %parallel_loop3A_323 = tpu.vector_load %arg9[%parallel_loop3A_321, %parallel_loop3A_322] {strides = array<i32>} : memref<8x256xi32, #tpu.memory_space<vmem>>, vector<16xi32>,
      %parallel_loop3A_324 = tpu.vector_load_idx %arg5[%parallel_loop3A_323] : memref<8352xf32, #tpu.memory_space<vmem>>[vector<16xi32>], vector<16xf32>,
      %parallel_loop3A_325 = arith.constant 0 : i32
      %parallel_loop3A_326 = arith.index_cast %parallel_loop3A_325 : i32 to index
      %parallel_loop3A_327 = arith.index_cast %parallel_loop3A_152 : i32 to index
      %parallel_loop3A_328 = arith.constant 128 : index
      %parallel_loop3A_329 = tpu.vector_load %arg11[%parallel_loop3A_326, %parallel_loop3A_327, %parallel_loop3A_328] {strides = array<i32>} : memref<3x8x256xf32, #tpu.memory_space<vmem>>, vector<16xf32>,
      tpu.vector_store %arg11[%parallel_loop3A_326, %parallel_loop3A_327, %parallel_loop3A_328], %parallel_loop3A_324 {strides = array<i32>} : memref<3x8x256xf32, #tpu.memory_space<vmem>>, vector<16xf32>,
      %parallel_loop3A_330 = tpu.vector_load_idx %arg6[%parallel_loop3A_323] : memref<8352xf32, #tpu.memory_space<vmem>>[vector<16xi32>], vector<16xf32>,
      %parallel_loop3A_331 = arith.constant 1 : i32
      %parallel_loop3A_332 = arith.index_cast %parallel_loop3A_331 : i32 to index
      %parallel_loop3A_333 = arith.index_cast %parallel_loop3A_152 : i32 to index
      %parallel_loop3A_334 = arith.constant 128 : index
      %parallel_loop3A_335 = tpu.vector_load %arg11[%parallel_loop3A_332, %parallel_loop3A_333, %parallel_loop3A_334] {strides = array<i32>} : memref<3x8x256xf32, #tpu.memory_space<vmem>>, vector<16xf32>,
      tpu.vector_store %arg11[%parallel_loop3A_332, %parallel_loop3A_333, %parallel_loop3A_334], %parallel_loop3A_330 {strides = array<i32>} : memref<3x8x256xf32, #tpu.memory_space<vmem>>, vector<16xf32>,
      %parallel_loop3A_336 = tpu.vector_load_idx %arg7[%parallel_loop3A_323] : memref<8352xf32, #tpu.memory_space<vmem>>[vector<16xi32>], vector<16xf32>,
      %parallel_loop3A_337 = arith.constant 2 : i32
      %parallel_loop3A_338 = arith.index_cast %parallel_loop3A_337 : i32 to index
      %parallel_loop3A_339 = arith.index_cast %parallel_loop3A_152 : i32 to index
      %parallel_loop3A_340 = arith.constant 128 : index
      %parallel_loop3A_341 = tpu.vector_load %arg11[%parallel_loop3A_338, %parallel_loop3A_339, %parallel_loop3A_340] {strides = array<i32>} : memref<3x8x256xf32, #tpu.memory_space<vmem>>, vector<16xf32>,
      tpu.vector_store %arg11[%parallel_loop3A_338, %parallel_loop3A_339, %parallel_loop3A_340], %parallel_loop3A_336 {strides = array<i32>} : memref<3x8x256xf32, #tpu.memory_space<vmem>>, vector<16xf32>,
      %parallel_loop3A_342 = arith.index_cast %parallel_loop3A_152 : i32 to index
      %parallel_loop3A_343 = arith.constant 144 : index
      %parallel_loop3A_344 = tpu.vector_load %arg9[%parallel_loop3A_342, %parallel_loop3A_343] {strides = array<i32>} : memref<8x256xi32, #tpu.memory_space<vmem>>, vector<16xi32>,
      %parallel_loop3A_345 = tpu.vector_load_idx %arg5[%parallel_loop3A_344] : memref<8352xf32, #tpu.memory_space<vmem>>[vector<16xi32>], vector<16xf32>,
      %parallel_loop3A_346 = arith.constant 0 : i32
      %parallel_loop3A_347 = arith.index_cast %parallel_loop3A_346 : i32 to index
      %parallel_loop3A_348 = arith.index_cast %parallel_loop3A_152 : i32 to index
      %parallel_loop3A_349 = arith.constant 144 : index
      %parallel_loop3A_350 = tpu.vector_load %arg11[%parallel_loop3A_347, %parallel_loop3A_348, %parallel_loop3A_349] {strides = array<i32>} : memref<3x8x256xf32, #tpu.memory_space<vmem>>, vector<16xf32>,
      tpu.vector_store %arg11[%parallel_loop3A_347, %parallel_loop3A_348, %parallel_loop3A_349], %parallel_loop3A_345 {strides = array<i32>} : memref<3x8x256xf32, #tpu.memory_space<vmem>>, vector<16xf32>,
      %parallel_loop3A_351 = tpu.vector_load_idx %arg6[%parallel_loop3A_344] : memref<8352xf32, #tpu.memory_space<vmem>>[vector<16xi32>], vector<16xf32>,
      %parallel_loop3A_352 = arith.constant 1 : i32
      %parallel_loop3A_353 = arith.index_cast %parallel_loop3A_352 : i32 to index
      %parallel_loop3A_354 = arith.index_cast %parallel_loop3A_152 : i32 to index
      %parallel_loop3A_355 = arith.constant 144 : index
      %parallel_loop3A_356 = tpu.vector_load %arg11[%parallel_loop3A_353, %parallel_loop3A_354, %parallel_loop3A_355] {strides = array<i32>} : memref<3x8x256xf32, #tpu.memory_space<vmem>>, vector<16xf32>,
      tpu.vector_store %arg11[%parallel_loop3A_353, %parallel_loop3A_354, %parallel_loop3A_355], %parallel_loop3A_351 {strides = array<i32>} : memref<3x8x256xf32, #tpu.memory_space<vmem>>, vector<16xf32>,
      %parallel_loop3A_357 = tpu.vector_load_idx %arg7[%parallel_loop3A_344] : memref<8352xf32, #tpu.memory_space<vmem>>[vector<16xi32>], vector<16xf32>,
      %parallel_loop3A_358 = arith.constant 2 : i32
      %parallel_loop3A_359 = arith.index_cast %parallel_loop3A_358 : i32 to index
      %parallel_loop3A_360 = arith.index_cast %parallel_loop3A_152 : i32 to index
      %parallel_loop3A_361 = arith.constant 144 : index
      %parallel_loop3A_362 = tpu.vector_load %arg11[%parallel_loop3A_359, %parallel_loop3A_360, %parallel_loop3A_361] {strides = array<i32>} : memref<3x8x256xf32, #tpu.memory_space<vmem>>, vector<16xf32>,
      tpu.vector_store %arg11[%parallel_loop3A_359, %parallel_loop3A_360, %parallel_loop3A_361], %parallel_loop3A_357 {strides = array<i32>} : memref<3x8x256xf32, #tpu.memory_space<vmem>>, vector<16xf32>,
      %parallel_loop3A_363 = arith.index_cast %parallel_loop3A_152 : i32 to index
      %parallel_loop3A_364 = arith.constant 160 : index
      %parallel_loop3A_365 = tpu.vector_load %arg9[%parallel_loop3A_363, %parallel_loop3A_364] {strides = array<i32>} : memref<8x256xi32, #tpu.memory_space<vmem>>, vector<16xi32>,
      %parallel_loop3A_366 = tpu.vector_load_idx %arg5[%parallel_loop3A_365] : memref<8352xf32, #tpu.memory_space<vmem>>[vector<16xi32>], vector<16xf32>,
      %parallel_loop3A_367 = arith.constant 0 : i32
      %parallel_loop3A_368 = arith.index_cast %parallel_loop3A_367 : i32 to index
      %parallel_loop3A_369 = arith.index_cast %parallel_loop3A_152 : i32 to index
      %parallel_loop3A_370 = arith.constant 160 : index
      %parallel_loop3A_371 = tpu.vector_load %arg11[%parallel_loop3A_368, %parallel_loop3A_369, %parallel_loop3A_370] {strides = array<i32>} : memref<3x8x256xf32, #tpu.memory_space<vmem>>, vector<16xf32>,
      tpu.vector_store %arg11[%parallel_loop3A_368, %parallel_loop3A_369, %parallel_loop3A_370], %parallel_loop3A_366 {strides = array<i32>} : memref<3x8x256xf32, #tpu.memory_space<vmem>>, vector<16xf32>,
      %parallel_loop3A_372 = tpu.vector_load_idx %arg6[%parallel_loop3A_365] : memref<8352xf32, #tpu.memory_space<vmem>>[vector<16xi32>], vector<16xf32>,
      %parallel_loop3A_373 = arith.constant 1 : i32
      %parallel_loop3A_374 = arith.index_cast %parallel_loop3A_373 : i32 to index
      %parallel_loop3A_375 = arith.index_cast %parallel_loop3A_152 : i32 to index
      %parallel_loop3A_376 = arith.constant 160 : index
      %parallel_loop3A_377 = tpu.vector_load %arg11[%parallel_loop3A_374, %parallel_loop3A_375, %parallel_loop3A_376] {strides = array<i32>} : memref<3x8x256xf32, #tpu.memory_space<vmem>>, vector<16xf32>,
      tpu.vector_store %arg11[%parallel_loop3A_374, %parallel_loop3A_375, %parallel_loop3A_376], %parallel_loop3A_372 {strides = array<i32>} : memref<3x8x256xf32, #tpu.memory_space<vmem>>, vector<16xf32>,
      %parallel_loop3A_378 = tpu.vector_load_idx %arg7[%parallel_loop3A_365] : memref<8352xf32, #tpu.memory_space<vmem>>[vector<16xi32>], vector<16xf32>,
      %parallel_loop3A_379 = arith.constant 2 : i32
      %parallel_loop3A_380 = arith.index_cast %parallel_loop3A_379 : i32 to index
      %parallel_loop3A_381 = arith.index_cast %parallel_loop3A_152 : i32 to index
      %parallel_loop3A_382 = arith.constant 160 : index
      %parallel_loop3A_383 = tpu.vector_load %arg11[%parallel_loop3A_380, %parallel_loop3A_381, %parallel_loop3A_382] {strides = array<i32>} : memref<3x8x256xf32, #tpu.memory_space<vmem>>, vector<16xf32>,
      tpu.vector_store %arg11[%parallel_loop3A_380, %parallel_loop3A_381, %parallel_loop3A_382], %parallel_loop3A_378 {strides = array<i32>} : memref<3x8x256xf32, #tpu.memory_space<vmem>>, vector<16xf32>,
      %parallel_loop3A_384 = arith.index_cast %parallel_loop3A_152 : i32 to index
      %parallel_loop3A_385 = arith.constant 176 : index
      %parallel_loop3A_386 = tpu.vector_load %arg9[%parallel_loop3A_384, %parallel_loop3A_385] {strides = array<i32>} : memref<8x256xi32, #tpu.memory_space<vmem>>, vector<16xi32>,
      %parallel_loop3A_387 = tpu.vector_load_idx %arg5[%parallel_loop3A_386] : memref<8352xf32, #tpu.memory_space<vmem>>[vector<16xi32>], vector<16xf32>,
      %parallel_loop3A_388 = arith.constant 0 : i32
      %parallel_loop3A_389 = arith.index_cast %parallel_loop3A_388 : i32 to index
      %parallel_loop3A_390 = arith.index_cast %parallel_loop3A_152 : i32 to index
      %parallel_loop3A_391 = arith.constant 176 : index
      %parallel_loop3A_392 = tpu.vector_load %arg11[%parallel_loop3A_389, %parallel_loop3A_390, %parallel_loop3A_391] {strides = array<i32>} : memref<3x8x256xf32, #tpu.memory_space<vmem>>, vector<16xf32>,
      tpu.vector_store %arg11[%parallel_loop3A_389, %parallel_loop3A_390, %parallel_loop3A_391], %parallel_loop3A_387 {strides = array<i32>} : memref<3x8x256xf32, #tpu.memory_space<vmem>>, vector<16xf32>,
      %parallel_loop3A_393 = tpu.vector_load_idx %arg6[%parallel_loop3A_386] : memref<8352xf32, #tpu.memory_space<vmem>>[vector<16xi32>], vector<16xf32>,
      %parallel_loop3A_394 = arith.constant 1 : i32
      %parallel_loop3A_395 = arith.index_cast %parallel_loop3A_394 : i32 to index
      %parallel_loop3A_396 = arith.index_cast %parallel_loop3A_152 : i32 to index
      %parallel_loop3A_397 = arith.constant 176 : index
      %parallel_loop3A_398 = tpu.vector_load %arg11[%parallel_loop3A_395, %parallel_loop3A_396, %parallel_loop3A_397] {strides = array<i32>} : memref<3x8x256xf32, #tpu.memory_space<vmem>>, vector<16xf32>,
      tpu.vector_store %arg11[%parallel_loop3A_395, %parallel_loop3A_396, %parallel_loop3A_397], %parallel_loop3A_393 {strides = array<i32>} : memref<3x8x256xf32, #tpu.memory_space<vmem>>, vector<16xf32>,
      %parallel_loop3A_399 = tpu.vector_load_idx %arg7[%parallel_loop3A_386] : memref<8352xf32, #tpu.memory_space<vmem>>[vector<16xi32>], vector<16xf32>,
      %parallel_loop3A_400 = arith.constant 2 : i32
      %parallel_loop3A_401 = arith.index_cast %parallel_loop3A_400 : i32 to index
      %parallel_loop3A_402 = arith.index_cast %parallel_loop3A_152 : i32 to index
      %parallel_loop3A_403 = arith.constant 176 : index
      %parallel_loop3A_404 = tpu.vector_load %arg11[%parallel_loop3A_401, %parallel_loop3A_402, %parallel_loop3A_403] {strides = array<i32>} : memref<3x8x256xf32, #tpu.memory_space<vmem>>, vector<16xf32>,
      tpu.vector_store %arg11[%parallel_loop3A_401, %parallel_loop3A_402, %parallel_loop3A_403], %parallel_loop3A_399 {strides = array<i32>} : memref<3x8x256xf32, #tpu.memory_space<vmem>>, vector<16xf32>,
      %parallel_loop3A_405 = arith.index_cast %parallel_loop3A_152 : i32 to index
      %parallel_loop3A_406 = arith.constant 192 : index
      %parallel_loop3A_407 = tpu.vector_load %arg9[%parallel_loop3A_405, %parallel_loop3A_406] {strides = array<i32>} : memref<8x256xi32, #tpu.memory_space<vmem>>, vector<16xi32>,
      %parallel_loop3A_408 = tpu.vector_load_idx %arg5[%parallel_loop3A_407] : memref<8352xf32, #tpu.memory_space<vmem>>[vector<16xi32>], vector<16xf32>,
      %parallel_loop3A_409 = arith.constant 0 : i32
      %parallel_loop3A_410 = arith.index_cast %parallel_loop3A_409 : i32 to index
      %parallel_loop3A_411 = arith.index_cast %parallel_loop3A_152 : i32 to index
      %parallel_loop3A_412 = arith.constant 192 : index
      %parallel_loop3A_413 = tpu.vector_load %arg11[%parallel_loop3A_410, %parallel_loop3A_411, %parallel_loop3A_412] {strides = array<i32>} : memref<3x8x256xf32, #tpu.memory_space<vmem>>, vector<16xf32>,
      tpu.vector_store %arg11[%parallel_loop3A_410, %parallel_loop3A_411, %parallel_loop3A_412], %parallel_loop3A_408 {strides = array<i32>} : memref<3x8x256xf32, #tpu.memory_space<vmem>>, vector<16xf32>,
      %parallel_loop3A_414 = tpu.vector_load_idx %arg6[%parallel_loop3A_407] : memref<8352xf32, #tpu.memory_space<vmem>>[vector<16xi32>], vector<16xf32>,
      %parallel_loop3A_415 = arith.constant 1 : i32
      %parallel_loop3A_416 = arith.index_cast %parallel_loop3A_415 : i32 to index
      %parallel_loop3A_417 = arith.index_cast %parallel_loop3A_152 : i32 to index
      %parallel_loop3A_418 = arith.constant 192 : index
      %parallel_loop3A_419 = tpu.vector_load %arg11[%parallel_loop3A_416, %parallel_loop3A_417, %parallel_loop3A_418] {strides = array<i32>} : memref<3x8x256xf32, #tpu.memory_space<vmem>>, vector<16xf32>,
      tpu.vector_store %arg11[%parallel_loop3A_416, %parallel_loop3A_417, %parallel_loop3A_418], %parallel_loop3A_414 {strides = array<i32>} : memref<3x8x256xf32, #tpu.memory_space<vmem>>, vector<16xf32>,
      %parallel_loop3A_420 = tpu.vector_load_idx %arg7[%parallel_loop3A_407] : memref<8352xf32, #tpu.memory_space<vmem>>[vector<16xi32>], vector<16xf32>,
      %parallel_loop3A_421 = arith.constant 2 : i32
      %parallel_loop3A_422 = arith.index_cast %parallel_loop3A_421 : i32 to index
      %parallel_loop3A_423 = arith.index_cast %parallel_loop3A_152 : i32 to index
      %parallel_loop3A_424 = arith.constant 192 : index
      %parallel_loop3A_425 = tpu.vector_load %arg11[%parallel_loop3A_422, %parallel_loop3A_423, %parallel_loop3A_424] {strides = array<i32>} : memref<3x8x256xf32, #tpu.memory_space<vmem>>, vector<16xf32>,
      tpu.vector_store %arg11[%parallel_loop3A_422, %parallel_loop3A_423, %parallel_loop3A_424], %parallel_loop3A_420 {strides = array<i32>} : memref<3x8x256xf32, #tpu.memory_space<vmem>>, vector<16xf32>,
      %parallel_loop3A_426 = arith.index_cast %parallel_loop3A_152 : i32 to index
      %parallel_loop3A_427 = arith.constant 208 : index
      %parallel_loop3A_428 = tpu.vector_load %arg9[%parallel_loop3A_426, %parallel_loop3A_427] {strides = array<i32>} : memref<8x256xi32, #tpu.memory_space<vmem>>, vector<16xi32>,
      %parallel_loop3A_429 = tpu.vector_load_idx %arg5[%parallel_loop3A_428] : memref<8352xf32, #tpu.memory_space<vmem>>[vector<16xi32>], vector<16xf32>,
      %parallel_loop3A_430 = arith.constant 0 : i32
      %parallel_loop3A_431 = arith.index_cast %parallel_loop3A_430 : i32 to index
      %parallel_loop3A_432 = arith.index_cast %parallel_loop3A_152 : i32 to index
      %parallel_loop3A_433 = arith.constant 208 : index
      %parallel_loop3A_434 = tpu.vector_load %arg11[%parallel_loop3A_431, %parallel_loop3A_432, %parallel_loop3A_433] {strides = array<i32>} : memref<3x8x256xf32, #tpu.memory_space<vmem>>, vector<16xf32>,
      tpu.vector_store %arg11[%parallel_loop3A_431, %parallel_loop3A_432, %parallel_loop3A_433], %parallel_loop3A_429 {strides = array<i32>} : memref<3x8x256xf32, #tpu.memory_space<vmem>>, vector<16xf32>,
      %parallel_loop3A_435 = tpu.vector_load_idx %arg6[%parallel_loop3A_428] : memref<8352xf32, #tpu.memory_space<vmem>>[vector<16xi32>], vector<16xf32>,
      %parallel_loop3A_436 = arith.constant 1 : i32
      %parallel_loop3A_437 = arith.index_cast %parallel_loop3A_436 : i32 to index
      %parallel_loop3A_438 = arith.index_cast %parallel_loop3A_152 : i32 to index
      %parallel_loop3A_439 = arith.constant 208 : index
      %parallel_loop3A_440 = tpu.vector_load %arg11[%parallel_loop3A_437, %parallel_loop3A_438, %parallel_loop3A_439] {strides = array<i32>} : memref<3x8x256xf32, #tpu.memory_space<vmem>>, vector<16xf32>,
      tpu.vector_store %arg11[%parallel_loop3A_437, %parallel_loop3A_438, %parallel_loop3A_439], %parallel_loop3A_435 {strides = array<i32>} : memref<3x8x256xf32, #tpu.memory_space<vmem>>, vector<16xf32>,
      %parallel_loop3A_441 = tpu.vector_load_idx %arg7[%parallel_loop3A_428] : memref<8352xf32, #tpu.memory_space<vmem>>[vector<16xi32>], vector<16xf32>,
      %parallel_loop3A_442 = arith.constant 2 : i32
      %parallel_loop3A_443 = arith.index_cast %parallel_loop3A_442 : i32 to index
      %parallel_loop3A_444 = arith.index_cast %parallel_loop3A_152 : i32 to index
      %parallel_loop3A_445 = arith.constant 208 : index
      %parallel_loop3A_446 = tpu.vector_load %arg11[%parallel_loop3A_443, %parallel_loop3A_444, %parallel_loop3A_445] {strides = array<i32>} : memref<3x8x256xf32, #tpu.memory_space<vmem>>, vector<16xf32>,
      tpu.vector_store %arg11[%parallel_loop3A_443, %parallel_loop3A_444, %parallel_loop3A_445], %parallel_loop3A_441 {strides = array<i32>} : memref<3x8x256xf32, #tpu.memory_space<vmem>>, vector<16xf32>,
      %parallel_loop3A_447 = arith.index_cast %parallel_loop3A_152 : i32 to index
      %parallel_loop3A_448 = arith.constant 224 : index
      %parallel_loop3A_449 = tpu.vector_load %arg9[%parallel_loop3A_447, %parallel_loop3A_448] {strides = array<i32>} : memref<8x256xi32, #tpu.memory_space<vmem>>, vector<16xi32>,
      %parallel_loop3A_450 = tpu.vector_load_idx %arg5[%parallel_loop3A_449] : memref<8352xf32, #tpu.memory_space<vmem>>[vector<16xi32>], vector<16xf32>,
      %parallel_loop3A_451 = arith.constant 0 : i32
      %parallel_loop3A_452 = arith.index_cast %parallel_loop3A_451 : i32 to index
      %parallel_loop3A_453 = arith.index_cast %parallel_loop3A_152 : i32 to index
      %parallel_loop3A_454 = arith.constant 224 : index
      %parallel_loop3A_455 = tpu.vector_load %arg11[%parallel_loop3A_452, %parallel_loop3A_453, %parallel_loop3A_454] {strides = array<i32>} : memref<3x8x256xf32, #tpu.memory_space<vmem>>, vector<16xf32>,
      tpu.vector_store %arg11[%parallel_loop3A_452, %parallel_loop3A_453, %parallel_loop3A_454], %parallel_loop3A_450 {strides = array<i32>} : memref<3x8x256xf32, #tpu.memory_space<vmem>>, vector<16xf32>,
      %parallel_loop3A_456 = tpu.vector_load_idx %arg6[%parallel_loop3A_449] : memref<8352xf32, #tpu.memory_space<vmem>>[vector<16xi32>], vector<16xf32>,
      %parallel_loop3A_457 = arith.constant 1 : i32
      %parallel_loop3A_458 = arith.index_cast %parallel_loop3A_457 : i32 to index
      %parallel_loop3A_459 = arith.index_cast %parallel_loop3A_152 : i32 to index
      %parallel_loop3A_460 = arith.constant 224 : index
      %parallel_loop3A_461 = tpu.vector_load %arg11[%parallel_loop3A_458, %parallel_loop3A_459, %parallel_loop3A_460] {strides = array<i32>} : memref<3x8x256xf32, #tpu.memory_space<vmem>>, vector<16xf32>,
      tpu.vector_store %arg11[%parallel_loop3A_458, %parallel_loop3A_459, %parallel_loop3A_460], %parallel_loop3A_456 {strides = array<i32>} : memref<3x8x256xf32, #tpu.memory_space<vmem>>, vector<16xf32>,
      %parallel_loop3A_462 = tpu.vector_load_idx %arg7[%parallel_loop3A_449] : memref<8352xf32, #tpu.memory_space<vmem>>[vector<16xi32>], vector<16xf32>,
      %parallel_loop3A_463 = arith.constant 2 : i32
      %parallel_loop3A_464 = arith.index_cast %parallel_loop3A_463 : i32 to index
      %parallel_loop3A_465 = arith.index_cast %parallel_loop3A_152 : i32 to index
      %parallel_loop3A_466 = arith.constant 224 : index
      %parallel_loop3A_467 = tpu.vector_load %arg11[%parallel_loop3A_464, %parallel_loop3A_465, %parallel_loop3A_466] {strides = array<i32>} : memref<3x8x256xf32, #tpu.memory_space<vmem>>, vector<16xf32>,
      tpu.vector_store %arg11[%parallel_loop3A_464, %parallel_loop3A_465, %parallel_loop3A_466], %parallel_loop3A_462 {strides = array<i32>} : memref<3x8x256xf32, #tpu.memory_space<vmem>>, vector<16xf32>,
      %parallel_loop3A_468 = arith.index_cast %parallel_loop3A_152 : i32 to index
      %parallel_loop3A_469 = arith.constant 240 : index
      %parallel_loop3A_470 = tpu.vector_load %arg9[%parallel_loop3A_468, %parallel_loop3A_469] {strides = array<i32>} : memref<8x256xi32, #tpu.memory_space<vmem>>, vector<16xi32>,
      %parallel_loop3A_471 = tpu.vector_load_idx %arg5[%parallel_loop3A_470] : memref<8352xf32, #tpu.memory_space<vmem>>[vector<16xi32>], vector<16xf32>,
      %parallel_loop3A_472 = arith.constant 0 : i32
      %parallel_loop3A_473 = arith.index_cast %parallel_loop3A_472 : i32 to index
      %parallel_loop3A_474 = arith.index_cast %parallel_loop3A_152 : i32 to index
      %parallel_loop3A_475 = arith.constant 240 : index
      %parallel_loop3A_476 = tpu.vector_load %arg11[%parallel_loop3A_473, %parallel_loop3A_474, %parallel_loop3A_475] {strides = array<i32>} : memref<3x8x256xf32, #tpu.memory_space<vmem>>, vector<16xf32>,
      tpu.vector_store %arg11[%parallel_loop3A_473, %parallel_loop3A_474, %parallel_loop3A_475], %parallel_loop3A_471 {strides = array<i32>} : memref<3x8x256xf32, #tpu.memory_space<vmem>>, vector<16xf32>,
      %parallel_loop3A_477 = tpu.vector_load_idx %arg6[%parallel_loop3A_470] : memref<8352xf32, #tpu.memory_space<vmem>>[vector<16xi32>], vector<16xf32>,
      %parallel_loop3A_478 = arith.constant 1 : i32
      %parallel_loop3A_479 = arith.index_cast %parallel_loop3A_478 : i32 to index
      %parallel_loop3A_480 = arith.index_cast %parallel_loop3A_152 : i32 to index
      %parallel_loop3A_481 = arith.constant 240 : index
      %parallel_loop3A_482 = tpu.vector_load %arg11[%parallel_loop3A_479, %parallel_loop3A_480, %parallel_loop3A_481] {strides = array<i32>} : memref<3x8x256xf32, #tpu.memory_space<vmem>>, vector<16xf32>,
      tpu.vector_store %arg11[%parallel_loop3A_479, %parallel_loop3A_480, %parallel_loop3A_481], %parallel_loop3A_477 {strides = array<i32>} : memref<3x8x256xf32, #tpu.memory_space<vmem>>, vector<16xf32>,
      %parallel_loop3A_483 = tpu.vector_load_idx %arg7[%parallel_loop3A_470] : memref<8352xf32, #tpu.memory_space<vmem>>[vector<16xi32>], vector<16xf32>,
      %parallel_loop3A_484 = arith.constant 2 : i32
      %parallel_loop3A_485 = arith.index_cast %parallel_loop3A_484 : i32 to index
      %parallel_loop3A_486 = arith.index_cast %parallel_loop3A_152 : i32 to index
      %parallel_loop3A_487 = arith.constant 240 : index
      %parallel_loop3A_488 = tpu.vector_load %arg11[%parallel_loop3A_485, %parallel_loop3A_486, %parallel_loop3A_487] {strides = array<i32>} : memref<3x8x256xf32, #tpu.memory_space<vmem>>, vector<16xf32>,
      tpu.vector_store %arg11[%parallel_loop3A_485, %parallel_loop3A_486, %parallel_loop3A_487], %parallel_loop3A_483 {strides = array<i32>} : memref<3x8x256xf32, #tpu.memory_space<vmem>>, vector<16xf32>,
    } {sc.loop_unroll_factor = 4 : i64, sc.parallel_access}
    %add3A_68 = arith.constant 256 : i32
    %add3A_69 = arith.addi %mul3A_2, %add3A_68 : i32
    %dma_start3A_70 = arith.constant 0 : i32
    %dma_start3A_71 = arith.constant 0 : i32
    %dma_start3A_72 = tpu.memref_slice %arg4[%dma_start3A_70, %dma_start3A_71, %add3A_69] : memref<3x200x16384xf32, #tpu.memory_space<hbm>> -> memref<3x8x256xf32, #tpu.memory_space<hbm>>
    %dma_start3A_73 = arith.constant 0 : i32
    %dma_start3A_74 = arith.constant 0 : i32
    %dma_start3A_75 = tpu.memref_slice %arg4[%dma_start3A_73, %dma_start3A_74, %add3A_69] : memref<3x200x16384xf32, #tpu.memory_space<hbm>> -> memref<3x8x256xf32, #tpu.memory_space<hbm>>
    tpu.enqueue_dma source(%arg11 : memref<3x8x256xf32, #tpu.memory_space<vmem>>) target(%dma_start3A_75 : memref<3x8x256xf32, #tpu.memory_space<hbm>>) target_semaphore(%arg15 : memref<!tpu.dma_semaphore, #tpu.memory_space<semaphore_mem>>)
    %add3A_76 = arith.constant 256 : i32
    %add3A_77 = arith.addi %mul3A_2, %add3A_76 : i32
    %dma_start3A_78 = arith.constant 8 : i32
    %dma_start3A_79 = tpu.memref_slice %arg2[%dma_start3A_78, %add3A_77] : memref<200x16384xi32, #tpu.memory_space<hbm>> -> memref<8x256xi32, #tpu.memory_space<hbm>>
    %dma_start3A_80 = arith.constant 8 : i32
    %dma_start3A_81 = tpu.memref_slice %arg2[%dma_start3A_80, %add3A_77] : memref<200x16384xi32, #tpu.memory_space<hbm>> -> memref<8x256xi32, #tpu.memory_space<hbm>>
    tpu.enqueue_dma source(%dma_start3A_81 : memref<8x256xi32, #tpu.memory_space<hbm>>) target(%arg9 : memref<8x256xi32, #tpu.memory_space<vmem>>) target_semaphore(%arg13 : memref<!tpu.dma_semaphore, #tpu.memory_space<semaphore_mem>>)
    %scan3A = arith.constant 0 : i32
    %scan3A_82 = arith.constant 23 : i32
    %scan3A_83 = arith.addi %scan3A, %scan3A_82 : i32
    %scan3A_84 = arith.constant 1 : i32
    scf.for %scan3A_152 = %scan3A to %scan3A_83 step %scan3A_84  : i32 {
      %mul3A_153 = arith.constant 1 : i32
      %mul3A_154 = arith.muli %scan3A_152, %mul3A_153 : i32
      %add3A_155 = arith.constant 0 : i32
      %add3A_156 = arith.addi %add3A_155, %mul3A_154 : i32
      %mul3A_157 = arith.constant 2 : i32
      %mul3A_158 = arith.muli %add3A_156, %mul3A_157 : i32
      %add3A_159 = arith.constant 2 : i32
      %add3A_160 = arith.addi %add3A_159, %mul3A_158 : i32
      %add3A_161 = arith.constant 0 : i32
      %add3A_162 = arith.addi %add3A_160, %add3A_161 : i32
      %dma_wait3A_163 = arith.constant 0 : i32
      %dma_wait3A_164 = arith.constant 0 : i32
      %dma_wait3A_165 = tpu.memref_slice %arg2[%dma_wait3A_163, %dma_wait3A_164] : memref<200x16384xi32, #tpu.memory_space<hbm>> -> memref<8x256xi32, #tpu.memory_space<hbm>>
      %dma_wait3A_166 = arith.constant 0 : i32
      %dma_wait3A_167 = arith.constant 0 : i32
      %dma_wait3A_168 = tpu.memref_slice %arg2[%dma_wait3A_166, %dma_wait3A_167] : memref<200x16384xi32, #tpu.memory_space<hbm>> -> memref<8x256xi32, #tpu.memory_space<hbm>>
      tpu.wait_dma2 semaphore(%arg12 : memref<!tpu.dma_semaphore, #tpu.memory_space<semaphore_mem>>) src(%dma_wait3A_168 : memref<8x256xi32, #tpu.memory_space<hbm>>) dst(%arg8 : memref<8x256xi32, #tpu.memory_space<vmem>>)
      %dma_wait3A_169 = arith.constant 0 : i32
      %dma_wait3A_170 = arith.constant 0 : i32
      %dma_wait3A_171 = arith.constant 0 : i32
      %dma_wait3A_172 = tpu.memref_slice %arg4[%dma_wait3A_169, %dma_wait3A_170, %dma_wait3A_171] : memref<3x200x16384xf32, #tpu.memory_space<hbm>> -> memref<3x8x256xf32, #tpu.memory_space<hbm>>
      %dma_wait3A_173 = arith.constant 0 : i32
      %dma_wait3A_174 = arith.constant 0 : i32
      %dma_wait3A_175 = arith.constant 0 : i32
      %dma_wait3A_176 = tpu.memref_slice %arg4[%dma_wait3A_173, %dma_wait3A_174, %dma_wait3A_175] : memref<3x200x16384xf32, #tpu.memory_space<hbm>> -> memref<3x8x256xf32, #tpu.memory_space<hbm>>
      tpu.wait_dma2 semaphore(%arg14 : memref<!tpu.dma_semaphore, #tpu.memory_space<semaphore_mem>>) src(%arg10 : memref<3x8x256xf32, #tpu.memory_space<vmem>>) dst(%dma_wait3A_176 : memref<3x8x256xf32, #tpu.memory_space<hbm>>)
      %parallel_loop3A_177 = arith.constant 0 : i32
      %parallel_loop3A_178 = arith.constant 8 : i32
      %parallel_loop3A_179 = arith.constant 1 : i32
      scf.for %parallel_loop3A_389 = %parallel_loop3A_177 to %parallel_loop3A_178 step %parallel_loop3A_179  : i32 {
        %parallel_loop3A_390 = arith.index_cast %parallel_loop3A_389 : i32 to index
        %parallel_loop3A_391 = arith.constant 0 : index
        %parallel_loop3A_392 = tpu.vector_load %arg8[%parallel_loop3A_390, %parallel_loop3A_391] {strides = array<i32>} : memref<8x256xi32, #tpu.memory_space<vmem>>, vector<16xi32>,
        %parallel_loop3A_393 = tpu.vector_load_idx %arg5[%parallel_loop3A_392] : memref<8352xf32, #tpu.memory_space<vmem>>[vector<16xi32>], vector<16xf32>,
        %parallel_loop3A_394 = arith.constant 0 : i32
        %parallel_loop3A_395 = arith.index_cast %parallel_loop3A_394 : i32 to index
        %parallel_loop3A_396 = arith.index_cast %parallel_loop3A_389 : i32 to index
        %parallel_loop3A_397 = arith.constant 0 : index
        %parallel_loop3A_398 = tpu.vector_load %arg10[%parallel_loop3A_395, %parallel_loop3A_396, %parallel_loop3A_397] {strides = array<i32>} : memref<3x8x256xf32, #tpu.memory_space<vmem>>, vector<16xf32>,
        tpu.vector_store %arg10[%parallel_loop3A_395, %parallel_loop3A_396, %parallel_loop3A_397], %parallel_loop3A_393 {strides = array<i32>} : memref<3x8x256xf32, #tpu.memory_space<vmem>>, vector<16xf32>,
        %parallel_loop3A_399 = tpu.vector_load_idx %arg6[%parallel_loop3A_392] : memref<8352xf32, #tpu.memory_space<vmem>>[vector<16xi32>], vector<16xf32>,
        %parallel_loop3A_400 = arith.constant 1 : i32
        %parallel_loop3A_401 = arith.index_cast %parallel_loop3A_400 : i32 to index
        %parallel_loop3A_402 = arith.index_cast %parallel_loop3A_389 : i32 to index
        %parallel_loop3A_403 = arith.constant 0 : index
        %parallel_loop3A_404 = tpu.vector_load %arg10[%parallel_loop3A_401, %parallel_loop3A_402, %parallel_loop3A_403] {strides = array<i32>} : memref<3x8x256xf32, #tpu.memory_space<vmem>>, vector<16xf32>,
        tpu.vector_store %arg10[%parallel_loop3A_401, %parallel_loop3A_402, %parallel_loop3A_403], %parallel_loop3A_399 {strides = array<i32>} : memref<3x8x256xf32, #tpu.memory_space<vmem>>, vector<16xf32>,
        %parallel_loop3A_405 = tpu.vector_load_idx %arg7[%parallel_loop3A_392] : memref<8352xf32, #tpu.memory_space<vmem>>[vector<16xi32>], vector<16xf32>,
        %parallel_loop3A_406 = arith.constant 2 : i32
        %parallel_loop3A_407 = arith.index_cast %parallel_loop3A_406 : i32 to index
        %parallel_loop3A_408 = arith.index_cast %parallel_loop3A_389 : i32 to index
        %parallel_loop3A_409 = arith.constant 0 : index
        %parallel_loop3A_410 = tpu.vector_load %arg10[%parallel_loop3A_407, %parallel_loop3A_408, %parallel_loop3A_409] {strides = array<i32>} : memref<3x8x256xf32, #tpu.memory_space<vmem>>, vector<16xf32>,
        tpu.vector_store %arg10[%parallel_loop3A_407, %parallel_loop3A_408, %parallel_loop3A_409], %parallel_loop3A_405 {strides = array<i32>} : memref<3x8x256xf32, #tpu.memory_space<vmem>>, vector<16xf32>,
        %parallel_loop3A_411 = arith.index_cast %parallel_loop3A_389 : i32 to index
        %parallel_loop3A_412 = arith.constant 16 : index
        %parallel_loop3A_413 = tpu.vector_load %arg8[%parallel_loop3A_411, %parallel_loop3A_412] {strides = array<i32>} : memref<8x256xi32, #tpu.memory_space<vmem>>, vector<16xi32>,
        %parallel_loop3A_414 = tpu.vector_load_idx %arg5[%parallel_loop3A_413] : memref<8352xf32, #tpu.memory_space<vmem>>[vector<16xi32>], vector<16xf32>,
        %parallel_loop3A_415 = arith.constant 0 : i32
        %parallel_loop3A_416 = arith.index_cast %parallel_loop3A_415 : i32 to index
        %parallel_loop3A_417 = arith.index_cast %parallel_loop3A_389 : i32 to index
        %parallel_loop3A_418 = arith.constant 16 : index
        %parallel_loop3A_419 = tpu.vector_load %arg10[%parallel_loop3A_416, %parallel_loop3A_417, %parallel_loop3A_418] {strides = array<i32>} : memref<3x8x256xf32, #tpu.memory_space<vmem>>, vector<16xf32>,
        tpu.vector_store %arg10[%parallel_loop3A_416, %parallel_loop3A_417, %parallel_loop3A_418], %parallel_loop3A_414 {strides = array<i32>} : memref<3x8x256xf32, #tpu.memory_space<vmem>>, vector<16xf32>,
        %parallel_loop3A_420 = tpu.vector_load_idx %arg6[%parallel_loop3A_413] : memref<8352xf32, #tpu.memory_space<vmem>>[vector<16xi32>], vector<16xf32>,
        %parallel_loop3A_421 = arith.constant 1 : i32
        %parallel_loop3A_422 = arith.index_cast %parallel_loop3A_421 : i32 to index
        %parallel_loop3A_423 = arith.index_cast %parallel_loop3A_389 : i32 to index
        %parallel_loop3A_424 = arith.constant 16 : index
        %parallel_loop3A_425 = tpu.vector_load %arg10[%parallel_loop3A_422, %parallel_loop3A_423, %parallel_loop3A_424] {strides = array<i32>} : memref<3x8x256xf32, #tpu.memory_space<vmem>>, vector<16xf32>,
        tpu.vector_store %arg10[%parallel_loop3A_422, %parallel_loop3A_423, %parallel_loop3A_424], %parallel_loop3A_420 {strides = array<i32>} : memref<3x8x256xf32, #tpu.memory_space<vmem>>, vector<16xf32>,
        %parallel_loop3A_426 = tpu.vector_load_idx %arg7[%parallel_loop3A_413] : memref<8352xf32, #tpu.memory_space<vmem>>[vector<16xi32>], vector<16xf32>,
        %parallel_loop3A_427 = arith.constant 2 : i32
        %parallel_loop3A_428 = arith.index_cast %parallel_loop3A_427 : i32 to index
        %parallel_loop3A_429 = arith.index_cast %parallel_loop3A_389 : i32 to index
        %parallel_loop3A_430 = arith.constant 16 : index
        %parallel_loop3A_431 = tpu.vector_load %arg10[%parallel_loop3A_428, %parallel_loop3A_429, %parallel_loop3A_430] {strides = array<i32>} : memref<3x8x256xf32, #tpu.memory_space<vmem>>, vector<16xf32>,
        tpu.vector_store %arg10[%parallel_loop3A_428, %parallel_loop3A_429, %parallel_loop3A_430], %parallel_loop3A_426 {strides = array<i32>} : memref<3x8x256xf32, #tpu.memory_space<vmem>>, vector<16xf32>,
        %parallel_loop3A_432 = arith.index_cast %parallel_loop3A_389 : i32 to index
        %parallel_loop3A_433 = arith.constant 32 : index
        %parallel_loop3A_434 = tpu.vector_load %arg8[%parallel_loop3A_432, %parallel_loop3A_433] {strides = array<i32>} : memref<8x256xi32, #tpu.memory_space<vmem>>, vector<16xi32>,
        %parallel_loop3A_435 = tpu.vector_load_idx %arg5[%parallel_loop3A_434] : memref<8352xf32, #tpu.memory_space<vmem>>[vector<16xi32>], vector<16xf32>,
        %parallel_loop3A_436 = arith.constant 0 : i32
        %parallel_loop3A_437 = arith.index_cast %parallel_loop3A_436 : i32 to index
        %parallel_loop3A_438 = arith.index_cast %parallel_loop3A_389 : i32 to index
        %parallel_loop3A_439 = arith.constant 32 : index
        %parallel_loop3A_440 = tpu.vector_load %arg10[%parallel_loop3A_437, %parallel_loop3A_438, %parallel_loop3A_439] {strides = array<i32>} : memref<3x8x256xf32, #tpu.memory_space<vmem>>, vector<16xf32>,
        tpu.vector_store %arg10[%parallel_loop3A_437, %parallel_loop3A_438, %parallel_loop3A_439], %parallel_loop3A_435 {strides = array<i32>} : memref<3x8x256xf32, #tpu.memory_space<vmem>>, vector<16xf32>,
        %parallel_loop3A_441 = tpu.vector_load_idx %arg6[%parallel_loop3A_434] : memref<8352xf32, #tpu.memory_space<vmem>>[vector<16xi32>], vector<16xf32>,
        %parallel_loop3A_442 = arith.constant 1 : i32
        %parallel_loop3A_443 = arith.index_cast %parallel_loop3A_442 : i32 to index
        %parallel_loop3A_444 = arith.index_cast %parallel_loop3A_389 : i32 to index
        %parallel_loop3A_445 = arith.constant 32 : index
        %parallel_loop3A_446 = tpu.vector_load %arg10[%parallel_loop3A_443, %parallel_loop3A_444, %parallel_loop3A_445] {strides = array<i32>} : memref<3x8x256xf32, #tpu.memory_space<vmem>>, vector<16xf32>,
        tpu.vector_store %arg10[%parallel_loop3A_443, %parallel_loop3A_444, %parallel_loop3A_445], %parallel_loop3A_441 {strides = array<i32>} : memref<3x8x256xf32, #tpu.memory_space<vmem>>, vector<16xf32>,
        %parallel_loop3A_447 = tpu.vector_load_idx %arg7[%parallel_loop3A_434] : memref<8352xf32, #tpu.memory_space<vmem>>[vector<16xi32>], vector<16xf32>,
        %parallel_loop3A_448 = arith.constant 2 : i32
        %parallel_loop3A_449 = arith.index_cast %parallel_loop3A_448 : i32 to index
        %parallel_loop3A_450 = arith.index_cast %parallel_loop3A_389 : i32 to index
        %parallel_loop3A_451 = arith.constant 32 : index
        %parallel_loop3A_452 = tpu.vector_load %arg10[%parallel_loop3A_449, %parallel_loop3A_450, %parallel_loop3A_451] {strides = array<i32>} : memref<3x8x256xf32, #tpu.memory_space<vmem>>, vector<16xf32>,
        tpu.vector_store %arg10[%parallel_loop3A_449, %parallel_loop3A_450, %parallel_loop3A_451], %parallel_loop3A_447 {strides = array<i32>} : memref<3x8x256xf32, #tpu.memory_space<vmem>>, vector<16xf32>,
        %parallel_loop3A_453 = arith.index_cast %parallel_loop3A_389 : i32 to index
        %parallel_loop3A_454 = arith.constant 48 : index
        %parallel_loop3A_455 = tpu.vector_load %arg8[%parallel_loop3A_453, %parallel_loop3A_454] {strides = array<i32>} : memref<8x256xi32, #tpu.memory_space<vmem>>, vector<16xi32>,
        %parallel_loop3A_456 = tpu.vector_load_idx %arg5[%parallel_loop3A_455] : memref<8352xf32, #tpu.memory_space<vmem>>[vector<16xi32>], vector<16xf32>,
        %parallel_loop3A_457 = arith.constant 0 : i32
        %parallel_loop3A_458 = arith.index_cast %parallel_loop3A_457 : i32 to index
        %parallel_loop3A_459 = arith.index_cast %parallel_loop3A_389 : i32 to index
        %parallel_loop3A_460 = arith.constant 48 : index
        %parallel_loop3A_461 = tpu.vector_load %arg10[%parallel_loop3A_458, %parallel_loop3A_459, %parallel_loop3A_460] {strides = array<i32>} : memref<3x8x256xf32, #tpu.memory_space<vmem>>, vector<16xf32>,
        tpu.vector_store %arg10[%parallel_loop3A_458, %parallel_loop3A_459, %parallel_loop3A_460], %parallel_loop3A_456 {strides = array<i32>} : memref<3x8x256xf32, #tpu.memory_space<vmem>>, vector<16xf32>,
        %parallel_loop3A_462 = tpu.vector_load_idx %arg6[%parallel_loop3A_455] : memref<8352xf32, #tpu.memory_space<vmem>>[vector<16xi32>], vector<16xf32>,
        %parallel_loop3A_463 = arith.constant 1 : i32
        %parallel_loop3A_464 = arith.index_cast %parallel_loop3A_463 : i32 to index
        %parallel_loop3A_465 = arith.index_cast %parallel_loop3A_389 : i32 to index
        %parallel_loop3A_466 = arith.constant 48 : index
        %parallel_loop3A_467 = tpu.vector_load %arg10[%parallel_loop3A_464, %parallel_loop3A_465, %parallel_loop3A_466] {strides = array<i32>} : memref<3x8x256xf32, #tpu.memory_space<vmem>>, vector<16xf32>,
        tpu.vector_store %arg10[%parallel_loop3A_464, %parallel_loop3A_465, %parallel_loop3A_466], %parallel_loop3A_462 {strides = array<i32>} : memref<3x8x256xf32, #tpu.memory_space<vmem>>, vector<16xf32>,
        %parallel_loop3A_468 = tpu.vector_load_idx %arg7[%parallel_loop3A_455] : memref<8352xf32, #tpu.memory_space<vmem>>[vector<16xi32>], vector<16xf32>,
        %parallel_loop3A_469 = arith.constant 2 : i32
        %parallel_loop3A_470 = arith.index_cast %parallel_loop3A_469 : i32 to index
        %parallel_loop3A_471 = arith.index_cast %parallel_loop3A_389 : i32 to index
        %parallel_loop3A_472 = arith.constant 48 : index
        %parallel_loop3A_473 = tpu.vector_load %arg10[%parallel_loop3A_470, %parallel_loop3A_471, %parallel_loop3A_472] {strides = array<i32>} : memref<3x8x256xf32, #tpu.memory_space<vmem>>, vector<16xf32>,
        tpu.vector_store %arg10[%parallel_loop3A_470, %parallel_loop3A_471, %parallel_loop3A_472], %parallel_loop3A_468 {strides = array<i32>} : memref<3x8x256xf32, #tpu.memory_space<vmem>>, vector<16xf32>,
        %parallel_loop3A_474 = arith.index_cast %parallel_loop3A_389 : i32 to index
        %parallel_loop3A_475 = arith.constant 64 : index
        %parallel_loop3A_476 = tpu.vector_load %arg8[%parallel_loop3A_474, %parallel_loop3A_475] {strides = array<i32>} : memref<8x256xi32, #tpu.memory_space<vmem>>, vector<16xi32>,
        %parallel_loop3A_477 = tpu.vector_load_idx %arg5[%parallel_loop3A_476] : memref<8352xf32, #tpu.memory_space<vmem>>[vector<16xi32>], vector<16xf32>,
        %parallel_loop3A_478 = arith.constant 0 : i32
        %parallel_loop3A_479 = arith.index_cast %parallel_loop3A_478 : i32 to index
        %parallel_loop3A_480 = arith.index_cast %parallel_loop3A_389 : i32 to index
        %parallel_loop3A_481 = arith.constant 64 : index
        %parallel_loop3A_482 = tpu.vector_load %arg10[%parallel_loop3A_479, %parallel_loop3A_480, %parallel_loop3A_481] {strides = array<i32>} : memref<3x8x256xf32, #tpu.memory_space<vmem>>, vector<16xf32>,
        tpu.vector_store %arg10[%parallel_loop3A_479, %parallel_loop3A_480, %parallel_loop3A_481], %parallel_loop3A_477 {strides = array<i32>} : memref<3x8x256xf32, #tpu.memory_space<vmem>>, vector<16xf32>,
        %parallel_loop3A_483 = tpu.vector_load_idx %arg6[%parallel_loop3A_476] : memref<8352xf32, #tpu.memory_space<vmem>>[vector<16xi32>], vector<16xf32>,
        %parallel_loop3A_484 = arith.constant 1 : i32
        %parallel_loop3A_485 = arith.index_cast %parallel_loop3A_484 : i32 to index
        %parallel_loop3A_486 = arith.index_cast %parallel_loop3A_389 : i32 to index
        %parallel_loop3A_487 = arith.constant 64 : index
        %parallel_loop3A_488 = tpu.vector_load %arg10[%parallel_loop3A_485, %parallel_loop3A_486, %parallel_loop3A_487] {strides = array<i32>} : memref<3x8x256xf32, #tpu.memory_space<vmem>>, vector<16xf32>,
        tpu.vector_store %arg10[%parallel_loop3A_485, %parallel_loop3A_486, %parallel_loop3A_487], %parallel_loop3A_483 {strides = array<i32>} : memref<3x8x256xf32, #tpu.memory_space<vmem>>, vector<16xf32>,
        %parallel_loop3A_489 = tpu.vector_load_idx %arg7[%parallel_loop3A_476] : memref<8352xf32, #tpu.memory_space<vmem>>[vector<16xi32>], vector<16xf32>,
        %parallel_loop3A_490 = arith.constant 2 : i32
        %parallel_loop3A_491 = arith.index_cast %parallel_loop3A_490 : i32 to index
        %parallel_loop3A_492 = arith.index_cast %parallel_loop3A_389 : i32 to index
        %parallel_loop3A_493 = arith.constant 64 : index
        %parallel_loop3A_494 = tpu.vector_load %arg10[%parallel_loop3A_491, %parallel_loop3A_492, %parallel_loop3A_493] {strides = array<i32>} : memref<3x8x256xf32, #tpu.memory_space<vmem>>, vector<16xf32>,
        tpu.vector_store %arg10[%parallel_loop3A_491, %parallel_loop3A_492, %parallel_loop3A_493], %parallel_loop3A_489 {strides = array<i32>} : memref<3x8x256xf32, #tpu.memory_space<vmem>>, vector<16xf32>,
        %parallel_loop3A_495 = arith.index_cast %parallel_loop3A_389 : i32 to index
        %parallel_loop3A_496 = arith.constant 80 : index
        %parallel_loop3A_497 = tpu.vector_load %arg8[%parallel_loop3A_495, %parallel_loop3A_496] {strides = array<i32>} : memref<8x256xi32, #tpu.memory_space<vmem>>, vector<16xi32>,
        %parallel_loop3A_498 = tpu.vector_load_idx %arg5[%parallel_loop3A_497] : memref<8352xf32, #tpu.memory_space<vmem>>[vector<16xi32>], vector<16xf32>,
        %parallel_loop3A_499 = arith.constant 0 : i32
        %parallel_loop3A_500 = arith.index_cast %parallel_loop3A_499 : i32 to index
        %parallel_loop3A_501 = arith.index_cast %parallel_loop3A_389 : i32 to index
        %parallel_loop3A_502 = arith.constant 80 : index
        %parallel_loop3A_503 = tpu.vector_load %arg10[%parallel_loop3A_500, %parallel_loop3A_501, %parallel_loop3A_502] {strides = array<i32>} : memref<3x8x256xf32, #tpu.memory_space<vmem>>, vector<16xf32>,
        tpu.vector_store %arg10[%parallel_loop3A_500, %parallel_loop3A_501, %parallel_loop3A_502], %parallel_loop3A_498 {strides = array<i32>} : memref<3x8x256xf32, #tpu.memory_space<vmem>>, vector<16xf32>,
        %parallel_loop3A_504 = tpu.vector_load_idx %arg6[%parallel_loop3A_497] : memref<8352xf32, #tpu.memory_space<vmem>>[vector<16xi32>], vector<16xf32>,
        %parallel_loop3A_505 = arith.constant 1 : i32
        %parallel_loop3A_506 = arith.index_cast %parallel_loop3A_505 : i32 to index
        %parallel_loop3A_507 = arith.index_cast %parallel_loop3A_389 : i32 to index
        %parallel_loop3A_508 = arith.constant 80 : index
        %parallel_loop3A_509 = tpu.vector_load %arg10[%parallel_loop3A_506, %parallel_loop3A_507, %parallel_loop3A_508] {strides = array<i32>} : memref<3x8x256xf32, #tpu.memory_space<vmem>>, vector<16xf32>,
        tpu.vector_store %arg10[%parallel_loop3A_506, %parallel_loop3A_507, %parallel_loop3A_508], %parallel_loop3A_504 {strides = array<i32>} : memref<3x8x256xf32, #tpu.memory_space<vmem>>, vector<16xf32>,
        %parallel_loop3A_510 = tpu.vector_load_idx %arg7[%parallel_loop3A_497] : memref<8352xf32, #tpu.memory_space<vmem>>[vector<16xi32>], vector<16xf32>,
        %parallel_loop3A_511 = arith.constant 2 : i32
        %parallel_loop3A_512 = arith.index_cast %parallel_loop3A_511 : i32 to index
        %parallel_loop3A_513 = arith.index_cast %parallel_loop3A_389 : i32 to index
        %parallel_loop3A_514 = arith.constant 80 : index
        %parallel_loop3A_515 = tpu.vector_load %arg10[%parallel_loop3A_512, %parallel_loop3A_513, %parallel_loop3A_514] {strides = array<i32>} : memref<3x8x256xf32, #tpu.memory_space<vmem>>, vector<16xf32>,
        tpu.vector_store %arg10[%parallel_loop3A_512, %parallel_loop3A_513, %parallel_loop3A_514], %parallel_loop3A_510 {strides = array<i32>} : memref<3x8x256xf32, #tpu.memory_space<vmem>>, vector<16xf32>,
        %parallel_loop3A_516 = arith.index_cast %parallel_loop3A_389 : i32 to index
        %parallel_loop3A_517 = arith.constant 96 : index
        %parallel_loop3A_518 = tpu.vector_load %arg8[%parallel_loop3A_516, %parallel_loop3A_517] {strides = array<i32>} : memref<8x256xi32, #tpu.memory_space<vmem>>, vector<16xi32>,
        %parallel_loop3A_519 = tpu.vector_load_idx %arg5[%parallel_loop3A_518] : memref<8352xf32, #tpu.memory_space<vmem>>[vector<16xi32>], vector<16xf32>,
        %parallel_loop3A_520 = arith.constant 0 : i32
        %parallel_loop3A_521 = arith.index_cast %parallel_loop3A_520 : i32 to index
        %parallel_loop3A_522 = arith.index_cast %parallel_loop3A_389 : i32 to index
        %parallel_loop3A_523 = arith.constant 96 : index
        %parallel_loop3A_524 = tpu.vector_load %arg10[%parallel_loop3A_521, %parallel_loop3A_522, %parallel_loop3A_523] {strides = array<i32>} : memref<3x8x256xf32, #tpu.memory_space<vmem>>, vector<16xf32>,
        tpu.vector_store %arg10[%parallel_loop3A_521, %parallel_loop3A_522, %parallel_loop3A_523], %parallel_loop3A_519 {strides = array<i32>} : memref<3x8x256xf32, #tpu.memory_space<vmem>>, vector<16xf32>,
        %parallel_loop3A_525 = tpu.vector_load_idx %arg6[%parallel_loop3A_518] : memref<8352xf32, #tpu.memory_space<vmem>>[vector<16xi32>], vector<16xf32>,
        %parallel_loop3A_526 = arith.constant 1 : i32
        %parallel_loop3A_527 = arith.index_cast %parallel_loop3A_526 : i32 to index
        %parallel_loop3A_528 = arith.index_cast %parallel_loop3A_389 : i32 to index
        %parallel_loop3A_529 = arith.constant 96 : index
        %parallel_loop3A_530 = tpu.vector_load %arg10[%parallel_loop3A_527, %parallel_loop3A_528, %parallel_loop3A_529] {strides = array<i32>} : memref<3x8x256xf32, #tpu.memory_space<vmem>>, vector<16xf32>,
        tpu.vector_store %arg10[%parallel_loop3A_527, %parallel_loop3A_528, %parallel_loop3A_529], %parallel_loop3A_525 {strides = array<i32>} : memref<3x8x256xf32, #tpu.memory_space<vmem>>, vector<16xf32>,
        %parallel_loop3A_531 = tpu.vector_load_idx %arg7[%parallel_loop3A_518] : memref<8352xf32, #tpu.memory_space<vmem>>[vector<16xi32>], vector<16xf32>,
        %parallel_loop3A_532 = arith.constant 2 : i32
        %parallel_loop3A_533 = arith.index_cast %parallel_loop3A_532 : i32 to index
        %parallel_loop3A_534 = arith.index_cast %parallel_loop3A_389 : i32 to index
        %parallel_loop3A_535 = arith.constant 96 : index
        %parallel_loop3A_536 = tpu.vector_load %arg10[%parallel_loop3A_533, %parallel_loop3A_534, %parallel_loop3A_535] {strides = array<i32>} : memref<3x8x256xf32, #tpu.memory_space<vmem>>, vector<16xf32>,
        tpu.vector_store %arg10[%parallel_loop3A_533, %parallel_loop3A_534, %parallel_loop3A_535], %parallel_loop3A_531 {strides = array<i32>} : memref<3x8x256xf32, #tpu.memory_space<vmem>>, vector<16xf32>,
        %parallel_loop3A_537 = arith.index_cast %parallel_loop3A_389 : i32 to index
        %parallel_loop3A_538 = arith.constant 112 : index
        %parallel_loop3A_539 = tpu.vector_load %arg8[%parallel_loop3A_537, %parallel_loop3A_538] {strides = array<i32>} : memref<8x256xi32, #tpu.memory_space<vmem>>, vector<16xi32>,
        %parallel_loop3A_540 = tpu.vector_load_idx %arg5[%parallel_loop3A_539] : memref<8352xf32, #tpu.memory_space<vmem>>[vector<16xi32>], vector<16xf32>,
        %parallel_loop3A_541 = arith.constant 0 : i32
        %parallel_loop3A_542 = arith.index_cast %parallel_loop3A_541 : i32 to index
        %parallel_loop3A_543 = arith.index_cast %parallel_loop3A_389 : i32 to index
        %parallel_loop3A_544 = arith.constant 112 : index
        %parallel_loop3A_545 = tpu.vector_load %arg10[%parallel_loop3A_542, %parallel_loop3A_543, %parallel_loop3A_544] {strides = array<i32>} : memref<3x8x256xf32, #tpu.memory_space<vmem>>, vector<16xf32>,
        tpu.vector_store %arg10[%parallel_loop3A_542, %parallel_loop3A_543, %parallel_loop3A_544], %parallel_loop3A_540 {strides = array<i32>} : memref<3x8x256xf32, #tpu.memory_space<vmem>>, vector<16xf32>,
        %parallel_loop3A_546 = tpu.vector_load_idx %arg6[%parallel_loop3A_539] : memref<8352xf32, #tpu.memory_space<vmem>>[vector<16xi32>], vector<16xf32>,
        %parallel_loop3A_547 = arith.constant 1 : i32
        %parallel_loop3A_548 = arith.index_cast %parallel_loop3A_547 : i32 to index
        %parallel_loop3A_549 = arith.index_cast %parallel_loop3A_389 : i32 to index
        %parallel_loop3A_550 = arith.constant 112 : index
        %parallel_loop3A_551 = tpu.vector_load %arg10[%parallel_loop3A_548, %parallel_loop3A_549, %parallel_loop3A_550] {strides = array<i32>} : memref<3x8x256xf32, #tpu.memory_space<vmem>>, vector<16xf32>,
        tpu.vector_store %arg10[%parallel_loop3A_548, %parallel_loop3A_549, %parallel_loop3A_550], %parallel_loop3A_546 {strides = array<i32>} : memref<3x8x256xf32, #tpu.memory_space<vmem>>, vector<16xf32>,
        %parallel_loop3A_552 = tpu.vector_load_idx %arg7[%parallel_loop3A_539] : memref<8352xf32, #tpu.memory_space<vmem>>[vector<16xi32>], vector<16xf32>,
        %parallel_loop3A_553 = arith.constant 2 : i32
        %parallel_loop3A_554 = arith.index_cast %parallel_loop3A_553 : i32 to index
        %parallel_loop3A_555 = arith.index_cast %parallel_loop3A_389 : i32 to index
        %parallel_loop3A_556 = arith.constant 112 : index
        %parallel_loop3A_557 = tpu.vector_load %arg10[%parallel_loop3A_554, %parallel_loop3A_555, %parallel_loop3A_556] {strides = array<i32>} : memref<3x8x256xf32, #tpu.memory_space<vmem>>, vector<16xf32>,
        tpu.vector_store %arg10[%parallel_loop3A_554, %parallel_loop3A_555, %parallel_loop3A_556], %parallel_loop3A_552 {strides = array<i32>} : memref<3x8x256xf32, #tpu.memory_space<vmem>>, vector<16xf32>,
        %parallel_loop3A_558 = arith.index_cast %parallel_loop3A_389 : i32 to index
        %parallel_loop3A_559 = arith.constant 128 : index
        %parallel_loop3A_560 = tpu.vector_load %arg8[%parallel_loop3A_558, %parallel_loop3A_559] {strides = array<i32>} : memref<8x256xi32, #tpu.memory_space<vmem>>, vector<16xi32>,
        %parallel_loop3A_561 = tpu.vector_load_idx %arg5[%parallel_loop3A_560] : memref<8352xf32, #tpu.memory_space<vmem>>[vector<16xi32>], vector<16xf32>,
        %parallel_loop3A_562 = arith.constant 0 : i32
        %parallel_loop3A_563 = arith.index_cast %parallel_loop3A_562 : i32 to index
        %parallel_loop3A_564 = arith.index_cast %parallel_loop3A_389 : i32 to index
        %parallel_loop3A_565 = arith.constant 128 : index
        %parallel_loop3A_566 = tpu.vector_load %arg10[%parallel_loop3A_563, %parallel_loop3A_564, %parallel_loop3A_565] {strides = array<i32>} : memref<3x8x256xf32, #tpu.memory_space<vmem>>, vector<16xf32>,
        tpu.vector_store %arg10[%parallel_loop3A_563, %parallel_loop3A_564, %parallel_loop3A_565], %parallel_loop3A_561 {strides = array<i32>} : memref<3x8x256xf32, #tpu.memory_space<vmem>>, vector<16xf32>,
        %parallel_loop3A_567 = tpu.vector_load_idx %arg6[%parallel_loop3A_560] : memref<8352xf32, #tpu.memory_space<vmem>>[vector<16xi32>], vector<16xf32>,
        %parallel_loop3A_568 = arith.constant 1 : i32
        %parallel_loop3A_569 = arith.index_cast %parallel_loop3A_568 : i32 to index
        %parallel_loop3A_570 = arith.index_cast %parallel_loop3A_389 : i32 to index
        %parallel_loop3A_571 = arith.constant 128 : index
        %parallel_loop3A_572 = tpu.vector_load %arg10[%parallel_loop3A_569, %parallel_loop3A_570, %parallel_loop3A_571] {strides = array<i32>} : memref<3x8x256xf32, #tpu.memory_space<vmem>>, vector<16xf32>,
        tpu.vector_store %arg10[%parallel_loop3A_569, %parallel_loop3A_570, %parallel_loop3A_571], %parallel_loop3A_567 {strides = array<i32>} : memref<3x8x256xf32, #tpu.memory_space<vmem>>, vector<16xf32>,
        %parallel_loop3A_573 = tpu.vector_load_idx %arg7[%parallel_loop3A_560] : memref<8352xf32, #tpu.memory_space<vmem>>[vector<16xi32>], vector<16xf32>,
        %parallel_loop3A_574 = arith.constant 2 : i32
        %parallel_loop3A_575 = arith.index_cast %parallel_loop3A_574 : i32 to index
        %parallel_loop3A_576 = arith.index_cast %parallel_loop3A_389 : i32 to index
        %parallel_loop3A_577 = arith.constant 128 : index
        %parallel_loop3A_578 = tpu.vector_load %arg10[%parallel_loop3A_575, %parallel_loop3A_576, %parallel_loop3A_577] {strides = array<i32>} : memref<3x8x256xf32, #tpu.memory_space<vmem>>, vector<16xf32>,
        tpu.vector_store %arg10[%parallel_loop3A_575, %parallel_loop3A_576, %parallel_loop3A_577], %parallel_loop3A_573 {strides = array<i32>} : memref<3x8x256xf32, #tpu.memory_space<vmem>>, vector<16xf32>,
        %parallel_loop3A_579 = arith.index_cast %parallel_loop3A_389 : i32 to index
        %parallel_loop3A_580 = arith.constant 144 : index
        %parallel_loop3A_581 = tpu.vector_load %arg8[%parallel_loop3A_579, %parallel_loop3A_580] {strides = array<i32>} : memref<8x256xi32, #tpu.memory_space<vmem>>, vector<16xi32>,
        %parallel_loop3A_582 = tpu.vector_load_idx %arg5[%parallel_loop3A_581] : memref<8352xf32, #tpu.memory_space<vmem>>[vector<16xi32>], vector<16xf32>,
        %parallel_loop3A_583 = arith.constant 0 : i32
        %parallel_loop3A_584 = arith.index_cast %parallel_loop3A_583 : i32 to index
        %parallel_loop3A_585 = arith.index_cast %parallel_loop3A_389 : i32 to index
        %parallel_loop3A_586 = arith.constant 144 : index
        %parallel_loop3A_587 = tpu.vector_load %arg10[%parallel_loop3A_584, %parallel_loop3A_585, %parallel_loop3A_586] {strides = array<i32>} : memref<3x8x256xf32, #tpu.memory_space<vmem>>, vector<16xf32>,
        tpu.vector_store %arg10[%parallel_loop3A_584, %parallel_loop3A_585, %parallel_loop3A_586], %parallel_loop3A_582 {strides = array<i32>} : memref<3x8x256xf32, #tpu.memory_space<vmem>>, vector<16xf32>,
        %parallel_loop3A_588 = tpu.vector_load_idx %arg6[%parallel_loop3A_581] : memref<8352xf32, #tpu.memory_space<vmem>>[vector<16xi32>], vector<16xf32>,
        %parallel_loop3A_589 = arith.constant 1 : i32
        %parallel_loop3A_590 = arith.index_cast %parallel_loop3A_589 : i32 to index
        %parallel_loop3A_591 = arith.index_cast %parallel_loop3A_389 : i32 to index
        %parallel_loop3A_592 = arith.constant 144 : index
        %parallel_loop3A_593 = tpu.vector_load %arg10[%parallel_loop3A_590, %parallel_loop3A_591, %parallel_loop3A_592] {strides = array<i32>} : memref<3x8x256xf32, #tpu.memory_space<vmem>>, vector<16xf32>,
        tpu.vector_store %arg10[%parallel_loop3A_590, %parallel_loop3A_591, %parallel_loop3A_592], %parallel_loop3A_588 {strides = array<i32>} : memref<3x8x256xf32, #tpu.memory_space<vmem>>, vector<16xf32>,
        %parallel_loop3A_594 = tpu.vector_load_idx %arg7[%parallel_loop3A_581] : memref<8352xf32, #tpu.memory_space<vmem>>[vector<16xi32>], vector<16xf32>,
        %parallel_loop3A_595 = arith.constant 2 : i32
        %parallel_loop3A_596 = arith.index_cast %parallel_loop3A_595 : i32 to index
        %parallel_loop3A_597 = arith.index_cast %parallel_loop3A_389 : i32 to index
        %parallel_loop3A_598 = arith.constant 144 : index
        %parallel_loop3A_599 = tpu.vector_load %arg10[%parallel_loop3A_596, %parallel_loop3A_597, %parallel_loop3A_598] {strides = array<i32>} : memref<3x8x256xf32, #tpu.memory_space<vmem>>, vector<16xf32>,
        tpu.vector_store %arg10[%parallel_loop3A_596, %parallel_loop3A_597, %parallel_loop3A_598], %parallel_loop3A_594 {strides = array<i32>} : memref<3x8x256xf32, #tpu.memory_space<vmem>>, vector<16xf32>,
        %parallel_loop3A_600 = arith.index_cast %parallel_loop3A_389 : i32 to index
        %parallel_loop3A_601 = arith.constant 160 : index
        %parallel_loop3A_602 = tpu.vector_load %arg8[%parallel_loop3A_600, %parallel_loop3A_601] {strides = array<i32>} : memref<8x256xi32, #tpu.memory_space<vmem>>, vector<16xi32>,
        %parallel_loop3A_603 = tpu.vector_load_idx %arg5[%parallel_loop3A_602] : memref<8352xf32, #tpu.memory_space<vmem>>[vector<16xi32>], vector<16xf32>,
        %parallel_loop3A_604 = arith.constant 0 : i32
        %parallel_loop3A_605 = arith.index_cast %parallel_loop3A_604 : i32 to index
        %parallel_loop3A_606 = arith.index_cast %parallel_loop3A_389 : i32 to index
        %parallel_loop3A_607 = arith.constant 160 : index
        %parallel_loop3A_608 = tpu.vector_load %arg10[%parallel_loop3A_605, %parallel_loop3A_606, %parallel_loop3A_607] {strides = array<i32>} : memref<3x8x256xf32, #tpu.memory_space<vmem>>, vector<16xf32>,
        tpu.vector_store %arg10[%parallel_loop3A_605, %parallel_loop3A_606, %parallel_loop3A_607], %parallel_loop3A_603 {strides = array<i32>} : memref<3x8x256xf32, #tpu.memory_space<vmem>>, vector<16xf32>,
        %parallel_loop3A_609 = tpu.vector_load_idx %arg6[%parallel_loop3A_602] : memref<8352xf32, #tpu.memory_space<vmem>>[vector<16xi32>], vector<16xf32>,
        %parallel_loop3A_610 = arith.constant 1 : i32
        %parallel_loop3A_611 = arith.index_cast %parallel_loop3A_610 : i32 to index
        %parallel_loop3A_612 = arith.index_cast %parallel_loop3A_389 : i32 to index
        %parallel_loop3A_613 = arith.constant 160 : index
        %parallel_loop3A_614 = tpu.vector_load %arg10[%parallel_loop3A_611, %parallel_loop3A_612, %parallel_loop3A_613] {strides = array<i32>} : memref<3x8x256xf32, #tpu.memory_space<vmem>>, vector<16xf32>,
        tpu.vector_store %arg10[%parallel_loop3A_611, %parallel_loop3A_612, %parallel_loop3A_613], %parallel_loop3A_609 {strides = array<i32>} : memref<3x8x256xf32, #tpu.memory_space<vmem>>, vector<16xf32>,
        %parallel_loop3A_615 = tpu.vector_load_idx %arg7[%parallel_loop3A_602] : memref<8352xf32, #tpu.memory_space<vmem>>[vector<16xi32>], vector<16xf32>,
        %parallel_loop3A_616 = arith.constant 2 : i32
        %parallel_loop3A_617 = arith.index_cast %parallel_loop3A_616 : i32 to index
        %parallel_loop3A_618 = arith.index_cast %parallel_loop3A_389 : i32 to index
        %parallel_loop3A_619 = arith.constant 160 : index
        %parallel_loop3A_620 = tpu.vector_load %arg10[%parallel_loop3A_617, %parallel_loop3A_618, %parallel_loop3A_619] {strides = array<i32>} : memref<3x8x256xf32, #tpu.memory_space<vmem>>, vector<16xf32>,
        tpu.vector_store %arg10[%parallel_loop3A_617, %parallel_loop3A_618, %parallel_loop3A_619], %parallel_loop3A_615 {strides = array<i32>} : memref<3x8x256xf32, #tpu.memory_space<vmem>>, vector<16xf32>,
        %parallel_loop3A_621 = arith.index_cast %parallel_loop3A_389 : i32 to index
        %parallel_loop3A_622 = arith.constant 176 : index
        %parallel_loop3A_623 = tpu.vector_load %arg8[%parallel_loop3A_621, %parallel_loop3A_622] {strides = array<i32>} : memref<8x256xi32, #tpu.memory_space<vmem>>, vector<16xi32>,
        %parallel_loop3A_624 = tpu.vector_load_idx %arg5[%parallel_loop3A_623] : memref<8352xf32, #tpu.memory_space<vmem>>[vector<16xi32>], vector<16xf32>,
        %parallel_loop3A_625 = arith.constant 0 : i32
        %parallel_loop3A_626 = arith.index_cast %parallel_loop3A_625 : i32 to index
        %parallel_loop3A_627 = arith.index_cast %parallel_loop3A_389 : i32 to index
        %parallel_loop3A_628 = arith.constant 176 : index
        %parallel_loop3A_629 = tpu.vector_load %arg10[%parallel_loop3A_626, %parallel_loop3A_627, %parallel_loop3A_628] {strides = array<i32>} : memref<3x8x256xf32, #tpu.memory_space<vmem>>, vector<16xf32>,
        tpu.vector_store %arg10[%parallel_loop3A_626, %parallel_loop3A_627, %parallel_loop3A_628], %parallel_loop3A_624 {strides = array<i32>} : memref<3x8x256xf32, #tpu.memory_space<vmem>>, vector<16xf32>,
        %parallel_loop3A_630 = tpu.vector_load_idx %arg6[%parallel_loop3A_623] : memref<8352xf32, #tpu.memory_space<vmem>>[vector<16xi32>], vector<16xf32>,
        %parallel_loop3A_631 = arith.constant 1 : i32
        %parallel_loop3A_632 = arith.index_cast %parallel_loop3A_631 : i32 to index
        %parallel_loop3A_633 = arith.index_cast %parallel_loop3A_389 : i32 to index
        %parallel_loop3A_634 = arith.constant 176 : index
        %parallel_loop3A_635 = tpu.vector_load %arg10[%parallel_loop3A_632, %parallel_loop3A_633, %parallel_loop3A_634] {strides = array<i32>} : memref<3x8x256xf32, #tpu.memory_space<vmem>>, vector<16xf32>,
        tpu.vector_store %arg10[%parallel_loop3A_632, %parallel_loop3A_633, %parallel_loop3A_634], %parallel_loop3A_630 {strides = array<i32>} : memref<3x8x256xf32, #tpu.memory_space<vmem>>, vector<16xf32>,
        %parallel_loop3A_636 = tpu.vector_load_idx %arg7[%parallel_loop3A_623] : memref<8352xf32, #tpu.memory_space<vmem>>[vector<16xi32>], vector<16xf32>,
        %parallel_loop3A_637 = arith.constant 2 : i32
        %parallel_loop3A_638 = arith.index_cast %parallel_loop3A_637 : i32 to index
        %parallel_loop3A_639 = arith.index_cast %parallel_loop3A_389 : i32 to index
        %parallel_loop3A_640 = arith.constant 176 : index
        %parallel_loop3A_641 = tpu.vector_load %arg10[%parallel_loop3A_638, %parallel_loop3A_639, %parallel_loop3A_640] {strides = array<i32>} : memref<3x8x256xf32, #tpu.memory_space<vmem>>, vector<16xf32>,
        tpu.vector_store %arg10[%parallel_loop3A_638, %parallel_loop3A_639, %parallel_loop3A_640], %parallel_loop3A_636 {strides = array<i32>} : memref<3x8x256xf32, #tpu.memory_space<vmem>>, vector<16xf32>,
        %parallel_loop3A_642 = arith.index_cast %parallel_loop3A_389 : i32 to index
        %parallel_loop3A_643 = arith.constant 192 : index
        %parallel_loop3A_644 = tpu.vector_load %arg8[%parallel_loop3A_642, %parallel_loop3A_643] {strides = array<i32>} : memref<8x256xi32, #tpu.memory_space<vmem>>, vector<16xi32>,
        %parallel_loop3A_645 = tpu.vector_load_idx %arg5[%parallel_loop3A_644] : memref<8352xf32, #tpu.memory_space<vmem>>[vector<16xi32>], vector<16xf32>,
        %parallel_loop3A_646 = arith.constant 0 : i32
        %parallel_loop3A_647 = arith.index_cast %parallel_loop3A_646 : i32 to index
        %parallel_loop3A_648 = arith.index_cast %parallel_loop3A_389 : i32 to index
        %parallel_loop3A_649 = arith.constant 192 : index
        %parallel_loop3A_650 = tpu.vector_load %arg10[%parallel_loop3A_647, %parallel_loop3A_648, %parallel_loop3A_649] {strides = array<i32>} : memref<3x8x256xf32, #tpu.memory_space<vmem>>, vector<16xf32>,
        tpu.vector_store %arg10[%parallel_loop3A_647, %parallel_loop3A_648, %parallel_loop3A_649], %parallel_loop3A_645 {strides = array<i32>} : memref<3x8x256xf32, #tpu.memory_space<vmem>>, vector<16xf32>,
        %parallel_loop3A_651 = tpu.vector_load_idx %arg6[%parallel_loop3A_644] : memref<8352xf32, #tpu.memory_space<vmem>>[vector<16xi32>], vector<16xf32>,
        %parallel_loop3A_652 = arith.constant 1 : i32
        %parallel_loop3A_653 = arith.index_cast %parallel_loop3A_652 : i32 to index
        %parallel_loop3A_654 = arith.index_cast %parallel_loop3A_389 : i32 to index
        %parallel_loop3A_655 = arith.constant 192 : index
        %parallel_loop3A_656 = tpu.vector_load %arg10[%parallel_loop3A_653, %parallel_loop3A_654, %parallel_loop3A_655] {strides = array<i32>} : memref<3x8x256xf32, #tpu.memory_space<vmem>>, vector<16xf32>,
        tpu.vector_store %arg10[%parallel_loop3A_653, %parallel_loop3A_654, %parallel_loop3A_655], %parallel_loop3A_651 {strides = array<i32>} : memref<3x8x256xf32, #tpu.memory_space<vmem>>, vector<16xf32>,
        %parallel_loop3A_657 = tpu.vector_load_idx %arg7[%parallel_loop3A_644] : memref<8352xf32, #tpu.memory_space<vmem>>[vector<16xi32>], vector<16xf32>,
        %parallel_loop3A_658 = arith.constant 2 : i32
        %parallel_loop3A_659 = arith.index_cast %parallel_loop3A_658 : i32 to index
        %parallel_loop3A_660 = arith.index_cast %parallel_loop3A_389 : i32 to index
        %parallel_loop3A_661 = arith.constant 192 : index
        %parallel_loop3A_662 = tpu.vector_load %arg10[%parallel_loop3A_659, %parallel_loop3A_660, %parallel_loop3A_661] {strides = array<i32>} : memref<3x8x256xf32, #tpu.memory_space<vmem>>, vector<16xf32>,
        tpu.vector_store %arg10[%parallel_loop3A_659, %parallel_loop3A_660, %parallel_loop3A_661], %parallel_loop3A_657 {strides = array<i32>} : memref<3x8x256xf32, #tpu.memory_space<vmem>>, vector<16xf32>,
        %parallel_loop3A_663 = arith.index_cast %parallel_loop3A_389 : i32 to index
        %parallel_loop3A_664 = arith.constant 208 : index
        %parallel_loop3A_665 = tpu.vector_load %arg8[%parallel_loop3A_663, %parallel_loop3A_664] {strides = array<i32>} : memref<8x256xi32, #tpu.memory_space<vmem>>, vector<16xi32>,
        %parallel_loop3A_666 = tpu.vector_load_idx %arg5[%parallel_loop3A_665] : memref<8352xf32, #tpu.memory_space<vmem>>[vector<16xi32>], vector<16xf32>,
        %parallel_loop3A_667 = arith.constant 0 : i32
        %parallel_loop3A_668 = arith.index_cast %parallel_loop3A_667 : i32 to index
        %parallel_loop3A_669 = arith.index_cast %parallel_loop3A_389 : i32 to index
        %parallel_loop3A_670 = arith.constant 208 : index
        %parallel_loop3A_671 = tpu.vector_load %arg10[%parallel_loop3A_668, %parallel_loop3A_669, %parallel_loop3A_670] {strides = array<i32>} : memref<3x8x256xf32, #tpu.memory_space<vmem>>, vector<16xf32>,
        tpu.vector_store %arg10[%parallel_loop3A_668, %parallel_loop3A_669, %parallel_loop3A_670], %parallel_loop3A_666 {strides = array<i32>} : memref<3x8x256xf32, #tpu.memory_space<vmem>>, vector<16xf32>,
        %parallel_loop3A_672 = tpu.vector_load_idx %arg6[%parallel_loop3A_665] : memref<8352xf32, #tpu.memory_space<vmem>>[vector<16xi32>], vector<16xf32>,
        %parallel_loop3A_673 = arith.constant 1 : i32
        %parallel_loop3A_674 = arith.index_cast %parallel_loop3A_673 : i32 to index
        %parallel_loop3A_675 = arith.index_cast %parallel_loop3A_389 : i32 to index
        %parallel_loop3A_676 = arith.constant 208 : index
        %parallel_loop3A_677 = tpu.vector_load %arg10[%parallel_loop3A_674, %parallel_loop3A_675, %parallel_loop3A_676] {strides = array<i32>} : memref<3x8x256xf32, #tpu.memory_space<vmem>>, vector<16xf32>,
        tpu.vector_store %arg10[%parallel_loop3A_674, %parallel_loop3A_675, %parallel_loop3A_676], %parallel_loop3A_672 {strides = array<i32>} : memref<3x8x256xf32, #tpu.memory_space<vmem>>, vector<16xf32>,
        %parallel_loop3A_678 = tpu.vector_load_idx %arg7[%parallel_loop3A_665] : memref<8352xf32, #tpu.memory_space<vmem>>[vector<16xi32>], vector<16xf32>,
        %parallel_loop3A_679 = arith.constant 2 : i32
        %parallel_loop3A_680 = arith.index_cast %parallel_loop3A_679 : i32 to index
        %parallel_loop3A_681 = arith.index_cast %parallel_loop3A_389 : i32 to index
        %parallel_loop3A_682 = arith.constant 208 : index
        %parallel_loop3A_683 = tpu.vector_load %arg10[%parallel_loop3A_680, %parallel_loop3A_681, %parallel_loop3A_682] {strides = array<i32>} : memref<3x8x256xf32, #tpu.memory_space<vmem>>, vector<16xf32>,
        tpu.vector_store %arg10[%parallel_loop3A_680, %parallel_loop3A_681, %parallel_loop3A_682], %parallel_loop3A_678 {strides = array<i32>} : memref<3x8x256xf32, #tpu.memory_space<vmem>>, vector<16xf32>,
        %parallel_loop3A_684 = arith.index_cast %parallel_loop3A_389 : i32 to index
        %parallel_loop3A_685 = arith.constant 224 : index
        %parallel_loop3A_686 = tpu.vector_load %arg8[%parallel_loop3A_684, %parallel_loop3A_685] {strides = array<i32>} : memref<8x256xi32, #tpu.memory_space<vmem>>, vector<16xi32>,
        %parallel_loop3A_687 = tpu.vector_load_idx %arg5[%parallel_loop3A_686] : memref<8352xf32, #tpu.memory_space<vmem>>[vector<16xi32>], vector<16xf32>,
        %parallel_loop3A_688 = arith.constant 0 : i32
        %parallel_loop3A_689 = arith.index_cast %parallel_loop3A_688 : i32 to index
        %parallel_loop3A_690 = arith.index_cast %parallel_loop3A_389 : i32 to index
        %parallel_loop3A_691 = arith.constant 224 : index
        %parallel_loop3A_692 = tpu.vector_load %arg10[%parallel_loop3A_689, %parallel_loop3A_690, %parallel_loop3A_691] {strides = array<i32>} : memref<3x8x256xf32, #tpu.memory_space<vmem>>, vector<16xf32>,
        tpu.vector_store %arg10[%parallel_loop3A_689, %parallel_loop3A_690, %parallel_loop3A_691], %parallel_loop3A_687 {strides = array<i32>} : memref<3x8x256xf32, #tpu.memory_space<vmem>>, vector<16xf32>,
        %parallel_loop3A_693 = tpu.vector_load_idx %arg6[%parallel_loop3A_686] : memref<8352xf32, #tpu.memory_space<vmem>>[vector<16xi32>], vector<16xf32>,
        %parallel_loop3A_694 = arith.constant 1 : i32
        %parallel_loop3A_695 = arith.index_cast %parallel_loop3A_694 : i32 to index
        %parallel_loop3A_696 = arith.index_cast %parallel_loop3A_389 : i32 to index
        %parallel_loop3A_697 = arith.constant 224 : index
        %parallel_loop3A_698 = tpu.vector_load %arg10[%parallel_loop3A_695, %parallel_loop3A_696, %parallel_loop3A_697] {strides = array<i32>} : memref<3x8x256xf32, #tpu.memory_space<vmem>>, vector<16xf32>,
        tpu.vector_store %arg10[%parallel_loop3A_695, %parallel_loop3A_696, %parallel_loop3A_697], %parallel_loop3A_693 {strides = array<i32>} : memref<3x8x256xf32, #tpu.memory_space<vmem>>, vector<16xf32>,
        %parallel_loop3A_699 = tpu.vector_load_idx %arg7[%parallel_loop3A_686] : memref<8352xf32, #tpu.memory_space<vmem>>[vector<16xi32>], vector<16xf32>,
        %parallel_loop3A_700 = arith.constant 2 : i32
        %parallel_loop3A_701 = arith.index_cast %parallel_loop3A_700 : i32 to index
        %parallel_loop3A_702 = arith.index_cast %parallel_loop3A_389 : i32 to index
        %parallel_loop3A_703 = arith.constant 224 : index
        %parallel_loop3A_704 = tpu.vector_load %arg10[%parallel_loop3A_701, %parallel_loop3A_702, %parallel_loop3A_703] {strides = array<i32>} : memref<3x8x256xf32, #tpu.memory_space<vmem>>, vector<16xf32>,
        tpu.vector_store %arg10[%parallel_loop3A_701, %parallel_loop3A_702, %parallel_loop3A_703], %parallel_loop3A_699 {strides = array<i32>} : memref<3x8x256xf32, #tpu.memory_space<vmem>>, vector<16xf32>,
        %parallel_loop3A_705 = arith.index_cast %parallel_loop3A_389 : i32 to index
        %parallel_loop3A_706 = arith.constant 240 : index
        %parallel_loop3A_707 = tpu.vector_load %arg8[%parallel_loop3A_705, %parallel_loop3A_706] {strides = array<i32>} : memref<8x256xi32, #tpu.memory_space<vmem>>, vector<16xi32>,
        %parallel_loop3A_708 = tpu.vector_load_idx %arg5[%parallel_loop3A_707] : memref<8352xf32, #tpu.memory_space<vmem>>[vector<16xi32>], vector<16xf32>,
        %parallel_loop3A_709 = arith.constant 0 : i32
        %parallel_loop3A_710 = arith.index_cast %parallel_loop3A_709 : i32 to index
        %parallel_loop3A_711 = arith.index_cast %parallel_loop3A_389 : i32 to index
        %parallel_loop3A_712 = arith.constant 240 : index
        %parallel_loop3A_713 = tpu.vector_load %arg10[%parallel_loop3A_710, %parallel_loop3A_711, %parallel_loop3A_712] {strides = array<i32>} : memref<3x8x256xf32, #tpu.memory_space<vmem>>, vector<16xf32>,
        tpu.vector_store %arg10[%parallel_loop3A_710, %parallel_loop3A_711, %parallel_loop3A_712], %parallel_loop3A_708 {strides = array<i32>} : memref<3x8x256xf32, #tpu.memory_space<vmem>>, vector<16xf32>,
        %parallel_loop3A_714 = tpu.vector_load_idx %arg6[%parallel_loop3A_707] : memref<8352xf32, #tpu.memory_space<vmem>>[vector<16xi32>], vector<16xf32>,
        %parallel_loop3A_715 = arith.constant 1 : i32
        %parallel_loop3A_716 = arith.index_cast %parallel_loop3A_715 : i32 to index
        %parallel_loop3A_717 = arith.index_cast %parallel_loop3A_389 : i32 to index
        %parallel_loop3A_718 = arith.constant 240 : index
        %parallel_loop3A_719 = tpu.vector_load %arg10[%parallel_loop3A_716, %parallel_loop3A_717, %parallel_loop3A_718] {strides = array<i32>} : memref<3x8x256xf32, #tpu.memory_space<vmem>>, vector<16xf32>,
        tpu.vector_store %arg10[%parallel_loop3A_716, %parallel_loop3A_717, %parallel_loop3A_718], %parallel_loop3A_714 {strides = array<i32>} : memref<3x8x256xf32, #tpu.memory_space<vmem>>, vector<16xf32>,
        %parallel_loop3A_720 = tpu.vector_load_idx %arg7[%parallel_loop3A_707] : memref<8352xf32, #tpu.memory_space<vmem>>[vector<16xi32>], vector<16xf32>,
        %parallel_loop3A_721 = arith.constant 2 : i32
        %parallel_loop3A_722 = arith.index_cast %parallel_loop3A_721 : i32 to index
        %parallel_loop3A_723 = arith.index_cast %parallel_loop3A_389 : i32 to index
        %parallel_loop3A_724 = arith.constant 240 : index
        %parallel_loop3A_725 = tpu.vector_load %arg10[%parallel_loop3A_722, %parallel_loop3A_723, %parallel_loop3A_724] {strides = array<i32>} : memref<3x8x256xf32, #tpu.memory_space<vmem>>, vector<16xf32>,
        tpu.vector_store %arg10[%parallel_loop3A_722, %parallel_loop3A_723, %parallel_loop3A_724], %parallel_loop3A_720 {strides = array<i32>} : memref<3x8x256xf32, #tpu.memory_space<vmem>>, vector<16xf32>,
      } {sc.loop_unroll_factor = 4 : i64, sc.parallel_access}
      %jit3A = arith.constant 2 : i32
      %div3A = arith.divsi %add3A_162, %jit3A : i32
      %sign3A = arith.constant 0 : i32
      %sign3A_180 = arith.cmpi sgt, %add3A_162, %sign3A : i32
      %sign3A_181 = arith.extui %sign3A_180 : i1 to i32
      %sign3A_182 = arith.constant 0 : i32
      %sign3A_183 = arith.cmpi slt, %add3A_162, %sign3A_182 : i32
      %sign3A_184 = arith.extui %sign3A_183 : i1 to i32
      %sign3A_185 = arith.subi %sign3A_181, %sign3A_184 : i32
      %sign3A_186 = arith.constant 0 : i32
      %sign3A_187 = arith.cmpi sgt, %jit3A, %sign3A_186 : i32
      %sign3A_188 = arith.extui %sign3A_187 : i1 to i32
      %sign3A_189 = arith.constant 0 : i32
      %sign3A_190 = arith.cmpi slt, %jit3A, %sign3A_189 : i32
      %sign3A_191 = arith.extui %sign3A_190 : i1 to i32
      %sign3A_192 = arith.subi %sign3A_188, %sign3A_191 : i32
      %ne3A = arith.cmpi ne, %sign3A_185, %sign3A_192 : i32
      %rem3A = arith.remsi %add3A_162, %jit3A : i32
      %ne3A_193 = arith.constant 0 : i32
      %ne3A_194 = arith.cmpi ne, %rem3A, %ne3A_193 : i32
      %and3A = arith.andi %ne3A, %ne3A_194 : i1
      %sub3A = arith.constant 1 : i32
      %sub3A_195 = arith.subi %div3A, %sub3A : i32
      %select_n3A = arith.select %and3A, %sub3A_195, %div3A : i32
      %jit3A_196 = arith.constant 2 : i32
      %eq3A = arith.constant 0 : i32
      %eq3A_197 = arith.cmpi eq, %jit3A_196, %eq3A : i32
      %jit3A_198 = arith.constant 1 : i32
      %select_n3A_199 = arith.select %eq3A_197, %jit3A_198, %jit3A_196 : i32
      %rem3A_200 = arith.remsi %add3A_162, %select_n3A_199 : i32
      %ne3A_201 = arith.constant 0 : i32
      %ne3A_202 = arith.cmpi ne, %rem3A_200, %ne3A_201 : i32
      %lt3A = arith.constant 0 : i32
      %lt3A_203 = arith.cmpi slt, %rem3A_200, %lt3A : i32
      %lt3A_204 = arith.constant 0 : i32
      %lt3A_205 = arith.cmpi slt, %select_n3A_199, %lt3A_204 : i32
      %ne3A_206 = arith.xori %lt3A_203, %lt3A_205 : i1
      %and3A_207 = arith.andi %ne3A_206, %ne3A_202 : i1
      %add3A_208 = arith.addi %rem3A_200, %select_n3A_199 : i32
      %select_n3A_209 = arith.select %and3A_207, %add3A_208, %rem3A_200 : i32
      %mul3A_210 = arith.constant 8 : i32
      %mul3A_211 = arith.muli %select_n3A, %mul3A_210 : i32
      %mul3A_212 = arith.constant 256 : i32
      %mul3A_213 = arith.muli %select_n3A_209, %mul3A_212 : i32
      %add3A_214 = arith.addi %mul3A_2, %mul3A_213 : i32
      %dma_start3A_215 = arith.constant 0 : i32
      %dma_start3A_216 = tpu.memref_slice %arg4[%dma_start3A_215, %mul3A_211, %add3A_214] : memref<3x200x16384xf32, #tpu.memory_space<hbm>> -> memref<3x8x256xf32, #tpu.memory_space<hbm>>
      %dma_start3A_217 = arith.constant 0 : i32
      %dma_start3A_218 = tpu.memref_slice %arg4[%dma_start3A_217, %mul3A_211, %add3A_214] : memref<3x200x16384xf32, #tpu.memory_space<hbm>> -> memref<3x8x256xf32, #tpu.memory_space<hbm>>
      tpu.enqueue_dma source(%arg10 : memref<3x8x256xf32, #tpu.memory_space<vmem>>) target(%dma_start3A_218 : memref<3x8x256xf32, #tpu.memory_space<hbm>>) target_semaphore(%arg14 : memref<!tpu.dma_semaphore, #tpu.memory_space<semaphore_mem>>)
      %add3A_219 = arith.constant 2 : i32
      %add3A_220 = arith.addi %add3A_162, %add3A_219 : i32
      %jit3A_221 = arith.constant 2 : i32
      %div3A_222 = arith.divsi %add3A_220, %jit3A_221 : i32
      %sign3A_223 = arith.constant 0 : i32
      %sign3A_224 = arith.cmpi sgt, %add3A_220, %sign3A_223 : i32
      %sign3A_225 = arith.extui %sign3A_224 : i1 to i32
      %sign3A_226 = arith.constant 0 : i32
      %sign3A_227 = arith.cmpi slt, %add3A_220, %sign3A_226 : i32
      %sign3A_228 = arith.extui %sign3A_227 : i1 to i32
      %sign3A_229 = arith.subi %sign3A_225, %sign3A_228 : i32
      %sign3A_230 = arith.constant 0 : i32
      %sign3A_231 = arith.cmpi sgt, %jit3A_221, %sign3A_230 : i32
      %sign3A_232 = arith.extui %sign3A_231 : i1 to i32
      %sign3A_233 = arith.constant 0 : i32
      %sign3A_234 = arith.cmpi slt, %jit3A_221, %sign3A_233 : i32
      %sign3A_235 = arith.extui %sign3A_234 : i1 to i32
      %sign3A_236 = arith.subi %sign3A_232, %sign3A_235 : i32
      %ne3A_237 = arith.cmpi ne, %sign3A_229, %sign3A_236 : i32
      %rem3A_238 = arith.remsi %add3A_220, %jit3A_221 : i32
      %ne3A_239 = arith.constant 0 : i32
      %ne3A_240 = arith.cmpi ne, %rem3A_238, %ne3A_239 : i32
      %and3A_241 = arith.andi %ne3A_237, %ne3A_240 : i1
      %sub3A_242 = arith.constant 1 : i32
      %sub3A_243 = arith.subi %div3A_222, %sub3A_242 : i32
      %select_n3A_244 = arith.select %and3A_241, %sub3A_243, %div3A_222 : i32
      %jit3A_245 = arith.constant 2 : i32
      %eq3A_246 = arith.constant 0 : i32
      %eq3A_247 = arith.cmpi eq, %jit3A_245, %eq3A_246 : i32
      %jit3A_248 = arith.constant 1 : i32
      %select_n3A_249 = arith.select %eq3A_247, %jit3A_248, %jit3A_245 : i32
      %rem3A_250 = arith.remsi %add3A_220, %select_n3A_249 : i32
      %ne3A_251 = arith.constant 0 : i32
      %ne3A_252 = arith.cmpi ne, %rem3A_250, %ne3A_251 : i32
      %lt3A_253 = arith.constant 0 : i32
      %lt3A_254 = arith.cmpi slt, %rem3A_250, %lt3A_253 : i32
      %lt3A_255 = arith.constant 0 : i32
      %lt3A_256 = arith.cmpi slt, %select_n3A_249, %lt3A_255 : i32
      %ne3A_257 = arith.xori %lt3A_254, %lt3A_256 : i1
      %and3A_258 = arith.andi %ne3A_257, %ne3A_252 : i1
      %add3A_259 = arith.addi %rem3A_250, %select_n3A_249 : i32
      %select_n3A_260 = arith.select %and3A_258, %add3A_259, %rem3A_250 : i32
      %mul3A_261 = arith.constant 8 : i32
      %mul3A_262 = arith.muli %select_n3A_244, %mul3A_261 : i32
      %mul3A_263 = arith.constant 256 : i32
      %mul3A_264 = arith.muli %select_n3A_260, %mul3A_263 : i32
      %add3A_265 = arith.addi %mul3A_2, %mul3A_264 : i32
      %dma_start3A_266 = tpu.memref_slice %arg2[%mul3A_262, %add3A_265] : memref<200x16384xi32, #tpu.memory_space<hbm>> -> memref<8x256xi32, #tpu.memory_space<hbm>>
      %dma_start3A_267 = tpu.memref_slice %arg2[%mul3A_262, %add3A_265] : memref<200x16384xi32, #tpu.memory_space<hbm>> -> memref<8x256xi32, #tpu.memory_space<hbm>>
      tpu.enqueue_dma source(%dma_start3A_267 : memref<8x256xi32, #tpu.memory_space<hbm>>) target(%arg8 : memref<8x256xi32, #tpu.memory_space<vmem>>) target_semaphore(%arg12 : memref<!tpu.dma_semaphore, #tpu.memory_space<semaphore_mem>>)
      %mul3A_268 = arith.constant 2 : i32
      %mul3A_269 = arith.muli %add3A_156, %mul3A_268 : i32
      %add3A_270 = arith.constant 2 : i32
      %add3A_271 = arith.addi %add3A_270, %mul3A_269 : i32
      %add3A_272 = arith.constant 1 : i32
      %add3A_273 = arith.addi %add3A_271, %add3A_272 : i32
      %dma_wait3A_274 = arith.constant 0 : i32
      %dma_wait3A_275 = arith.constant 0 : i32
      %dma_wait3A_276 = tpu.memref_slice %arg2[%dma_wait3A_274, %dma_wait3A_275] : memref<200x16384xi32, #tpu.memory_space<hbm>> -> memref<8x256xi32, #tpu.memory_space<hbm>>
      %dma_wait3A_277 = arith.constant 0 : i32
      %dma_wait3A_278 = arith.constant 0 : i32
      %dma_wait3A_279 = tpu.memref_slice %arg2[%dma_wait3A_277, %dma_wait3A_278] : memref<200x16384xi32, #tpu.memory_space<hbm>> -> memref<8x256xi32, #tpu.memory_space<hbm>>
      tpu.wait_dma2 semaphore(%arg13 : memref<!tpu.dma_semaphore, #tpu.memory_space<semaphore_mem>>) src(%dma_wait3A_279 : memref<8x256xi32, #tpu.memory_space<hbm>>) dst(%arg9 : memref<8x256xi32, #tpu.memory_space<vmem>>)
      %dma_wait3A_280 = arith.constant 0 : i32
      %dma_wait3A_281 = arith.constant 0 : i32
      %dma_wait3A_282 = arith.constant 0 : i32
      %dma_wait3A_283 = tpu.memref_slice %arg4[%dma_wait3A_280, %dma_wait3A_281, %dma_wait3A_282] : memref<3x200x16384xf32, #tpu.memory_space<hbm>> -> memref<3x8x256xf32, #tpu.memory_space<hbm>>
      %dma_wait3A_284 = arith.constant 0 : i32
      %dma_wait3A_285 = arith.constant 0 : i32
      %dma_wait3A_286 = arith.constant 0 : i32
      %dma_wait3A_287 = tpu.memref_slice %arg4[%dma_wait3A_284, %dma_wait3A_285, %dma_wait3A_286] : memref<3x200x16384xf32, #tpu.memory_space<hbm>> -> memref<3x8x256xf32, #tpu.memory_space<hbm>>
      tpu.wait_dma2 semaphore(%arg15 : memref<!tpu.dma_semaphore, #tpu.memory_space<semaphore_mem>>) src(%arg11 : memref<3x8x256xf32, #tpu.memory_space<vmem>>) dst(%dma_wait3A_287 : memref<3x8x256xf32, #tpu.memory_space<hbm>>)
      %parallel_loop3A_288 = arith.constant 0 : i32
      %parallel_loop3A_289 = arith.constant 8 : i32
      %parallel_loop3A_290 = arith.constant 1 : i32
      scf.for %parallel_loop3A_389 = %parallel_loop3A_288 to %parallel_loop3A_289 step %parallel_loop3A_290  : i32 {
        %parallel_loop3A_390 = arith.index_cast %parallel_loop3A_389 : i32 to index
        %parallel_loop3A_391 = arith.constant 0 : index
        %parallel_loop3A_392 = tpu.vector_load %arg9[%parallel_loop3A_390, %parallel_loop3A_391] {strides = array<i32>} : memref<8x256xi32, #tpu.memory_space<vmem>>, vector<16xi32>,
        %parallel_loop3A_393 = tpu.vector_load_idx %arg5[%parallel_loop3A_392] : memref<8352xf32, #tpu.memory_space<vmem>>[vector<16xi32>], vector<16xf32>,
        %parallel_loop3A_394 = arith.constant 0 : i32
        %parallel_loop3A_395 = arith.index_cast %parallel_loop3A_394 : i32 to index
        %parallel_loop3A_396 = arith.index_cast %parallel_loop3A_389 : i32 to index
        %parallel_loop3A_397 = arith.constant 0 : index
        %parallel_loop3A_398 = tpu.vector_load %arg11[%parallel_loop3A_395, %parallel_loop3A_396, %parallel_loop3A_397] {strides = array<i32>} : memref<3x8x256xf32, #tpu.memory_space<vmem>>, vector<16xf32>,
        tpu.vector_store %arg11[%parallel_loop3A_395, %parallel_loop3A_396, %parallel_loop3A_397], %parallel_loop3A_393 {strides = array<i32>} : memref<3x8x256xf32, #tpu.memory_space<vmem>>, vector<16xf32>,
        %parallel_loop3A_399 = tpu.vector_load_idx %arg6[%parallel_loop3A_392] : memref<8352xf32, #tpu.memory_space<vmem>>[vector<16xi32>], vector<16xf32>,
        %parallel_loop3A_400 = arith.constant 1 : i32
        %parallel_loop3A_401 = arith.index_cast %parallel_loop3A_400 : i32 to index
        %parallel_loop3A_402 = arith.index_cast %parallel_loop3A_389 : i32 to index
        %parallel_loop3A_403 = arith.constant 0 : index
        %parallel_loop3A_404 = tpu.vector_load %arg11[%parallel_loop3A_401, %parallel_loop3A_402, %parallel_loop3A_403] {strides = array<i32>} : memref<3x8x256xf32, #tpu.memory_space<vmem>>, vector<16xf32>,
        tpu.vector_store %arg11[%parallel_loop3A_401, %parallel_loop3A_402, %parallel_loop3A_403], %parallel_loop3A_399 {strides = array<i32>} : memref<3x8x256xf32, #tpu.memory_space<vmem>>, vector<16xf32>,
        %parallel_loop3A_405 = tpu.vector_load_idx %arg7[%parallel_loop3A_392] : memref<8352xf32, #tpu.memory_space<vmem>>[vector<16xi32>], vector<16xf32>,
        %parallel_loop3A_406 = arith.constant 2 : i32
        %parallel_loop3A_407 = arith.index_cast %parallel_loop3A_406 : i32 to index
        %parallel_loop3A_408 = arith.index_cast %parallel_loop3A_389 : i32 to index
        %parallel_loop3A_409 = arith.constant 0 : index
        %parallel_loop3A_410 = tpu.vector_load %arg11[%parallel_loop3A_407, %parallel_loop3A_408, %parallel_loop3A_409] {strides = array<i32>} : memref<3x8x256xf32, #tpu.memory_space<vmem>>, vector<16xf32>,
        tpu.vector_store %arg11[%parallel_loop3A_407, %parallel_loop3A_408, %parallel_loop3A_409], %parallel_loop3A_405 {strides = array<i32>} : memref<3x8x256xf32, #tpu.memory_space<vmem>>, vector<16xf32>,
        %parallel_loop3A_411 = arith.index_cast %parallel_loop3A_389 : i32 to index
        %parallel_loop3A_412 = arith.constant 16 : index
        %parallel_loop3A_413 = tpu.vector_load %arg9[%parallel_loop3A_411, %parallel_loop3A_412] {strides = array<i32>} : memref<8x256xi32, #tpu.memory_space<vmem>>, vector<16xi32>,
        %parallel_loop3A_414 = tpu.vector_load_idx %arg5[%parallel_loop3A_413] : memref<8352xf32, #tpu.memory_space<vmem>>[vector<16xi32>], vector<16xf32>,
        %parallel_loop3A_415 = arith.constant 0 : i32
        %parallel_loop3A_416 = arith.index_cast %parallel_loop3A_415 : i32 to index
        %parallel_loop3A_417 = arith.index_cast %parallel_loop3A_389 : i32 to index
        %parallel_loop3A_418 = arith.constant 16 : index
        %parallel_loop3A_419 = tpu.vector_load %arg11[%parallel_loop3A_416, %parallel_loop3A_417, %parallel_loop3A_418] {strides = array<i32>} : memref<3x8x256xf32, #tpu.memory_space<vmem>>, vector<16xf32>,
        tpu.vector_store %arg11[%parallel_loop3A_416, %parallel_loop3A_417, %parallel_loop3A_418], %parallel_loop3A_414 {strides = array<i32>} : memref<3x8x256xf32, #tpu.memory_space<vmem>>, vector<16xf32>,
        %parallel_loop3A_420 = tpu.vector_load_idx %arg6[%parallel_loop3A_413] : memref<8352xf32, #tpu.memory_space<vmem>>[vector<16xi32>], vector<16xf32>,
        %parallel_loop3A_421 = arith.constant 1 : i32
        %parallel_loop3A_422 = arith.index_cast %parallel_loop3A_421 : i32 to index
        %parallel_loop3A_423 = arith.index_cast %parallel_loop3A_389 : i32 to index
        %parallel_loop3A_424 = arith.constant 16 : index
        %parallel_loop3A_425 = tpu.vector_load %arg11[%parallel_loop3A_422, %parallel_loop3A_423, %parallel_loop3A_424] {strides = array<i32>} : memref<3x8x256xf32, #tpu.memory_space<vmem>>, vector<16xf32>,
        tpu.vector_store %arg11[%parallel_loop3A_422, %parallel_loop3A_423, %parallel_loop3A_424], %parallel_loop3A_420 {strides = array<i32>} : memref<3x8x256xf32, #tpu.memory_space<vmem>>, vector<16xf32>,
        %parallel_loop3A_426 = tpu.vector_load_idx %arg7[%parallel_loop3A_413] : memref<8352xf32, #tpu.memory_space<vmem>>[vector<16xi32>], vector<16xf32>,
        %parallel_loop3A_427 = arith.constant 2 : i32
        %parallel_loop3A_428 = arith.index_cast %parallel_loop3A_427 : i32 to index
        %parallel_loop3A_429 = arith.index_cast %parallel_loop3A_389 : i32 to index
        %parallel_loop3A_430 = arith.constant 16 : index
        %parallel_loop3A_431 = tpu.vector_load %arg11[%parallel_loop3A_428, %parallel_loop3A_429, %parallel_loop3A_430] {strides = array<i32>} : memref<3x8x256xf32, #tpu.memory_space<vmem>>, vector<16xf32>,
        tpu.vector_store %arg11[%parallel_loop3A_428, %parallel_loop3A_429, %parallel_loop3A_430], %parallel_loop3A_426 {strides = array<i32>} : memref<3x8x256xf32, #tpu.memory_space<vmem>>, vector<16xf32>,
        %parallel_loop3A_432 = arith.index_cast %parallel_loop3A_389 : i32 to index
        %parallel_loop3A_433 = arith.constant 32 : index
        %parallel_loop3A_434 = tpu.vector_load %arg9[%parallel_loop3A_432, %parallel_loop3A_433] {strides = array<i32>} : memref<8x256xi32, #tpu.memory_space<vmem>>, vector<16xi32>,
        %parallel_loop3A_435 = tpu.vector_load_idx %arg5[%parallel_loop3A_434] : memref<8352xf32, #tpu.memory_space<vmem>>[vector<16xi32>], vector<16xf32>,
        %parallel_loop3A_436 = arith.constant 0 : i32
        %parallel_loop3A_437 = arith.index_cast %parallel_loop3A_436 : i32 to index
        %parallel_loop3A_438 = arith.index_cast %parallel_loop3A_389 : i32 to index
        %parallel_loop3A_439 = arith.constant 32 : index
        %parallel_loop3A_440 = tpu.vector_load %arg11[%parallel_loop3A_437, %parallel_loop3A_438, %parallel_loop3A_439] {strides = array<i32>} : memref<3x8x256xf32, #tpu.memory_space<vmem>>, vector<16xf32>,
        tpu.vector_store %arg11[%parallel_loop3A_437, %parallel_loop3A_438, %parallel_loop3A_439], %parallel_loop3A_435 {strides = array<i32>} : memref<3x8x256xf32, #tpu.memory_space<vmem>>, vector<16xf32>,
        %parallel_loop3A_441 = tpu.vector_load_idx %arg6[%parallel_loop3A_434] : memref<8352xf32, #tpu.memory_space<vmem>>[vector<16xi32>], vector<16xf32>,
        %parallel_loop3A_442 = arith.constant 1 : i32
        %parallel_loop3A_443 = arith.index_cast %parallel_loop3A_442 : i32 to index
        %parallel_loop3A_444 = arith.index_cast %parallel_loop3A_389 : i32 to index
        %parallel_loop3A_445 = arith.constant 32 : index
        %parallel_loop3A_446 = tpu.vector_load %arg11[%parallel_loop3A_443, %parallel_loop3A_444, %parallel_loop3A_445] {strides = array<i32>} : memref<3x8x256xf32, #tpu.memory_space<vmem>>, vector<16xf32>,
        tpu.vector_store %arg11[%parallel_loop3A_443, %parallel_loop3A_444, %parallel_loop3A_445], %parallel_loop3A_441 {strides = array<i32>} : memref<3x8x256xf32, #tpu.memory_space<vmem>>, vector<16xf32>,
        %parallel_loop3A_447 = tpu.vector_load_idx %arg7[%parallel_loop3A_434] : memref<8352xf32, #tpu.memory_space<vmem>>[vector<16xi32>], vector<16xf32>,
        %parallel_loop3A_448 = arith.constant 2 : i32
        %parallel_loop3A_449 = arith.index_cast %parallel_loop3A_448 : i32 to index
        %parallel_loop3A_450 = arith.index_cast %parallel_loop3A_389 : i32 to index
        %parallel_loop3A_451 = arith.constant 32 : index
        %parallel_loop3A_452 = tpu.vector_load %arg11[%parallel_loop3A_449, %parallel_loop3A_450, %parallel_loop3A_451] {strides = array<i32>} : memref<3x8x256xf32, #tpu.memory_space<vmem>>, vector<16xf32>,
        tpu.vector_store %arg11[%parallel_loop3A_449, %parallel_loop3A_450, %parallel_loop3A_451], %parallel_loop3A_447 {strides = array<i32>} : memref<3x8x256xf32, #tpu.memory_space<vmem>>, vector<16xf32>,
        %parallel_loop3A_453 = arith.index_cast %parallel_loop3A_389 : i32 to index
        %parallel_loop3A_454 = arith.constant 48 : index
        %parallel_loop3A_455 = tpu.vector_load %arg9[%parallel_loop3A_453, %parallel_loop3A_454] {strides = array<i32>} : memref<8x256xi32, #tpu.memory_space<vmem>>, vector<16xi32>,
        %parallel_loop3A_456 = tpu.vector_load_idx %arg5[%parallel_loop3A_455] : memref<8352xf32, #tpu.memory_space<vmem>>[vector<16xi32>], vector<16xf32>,
        %parallel_loop3A_457 = arith.constant 0 : i32
        %parallel_loop3A_458 = arith.index_cast %parallel_loop3A_457 : i32 to index
        %parallel_loop3A_459 = arith.index_cast %parallel_loop3A_389 : i32 to index
        %parallel_loop3A_460 = arith.constant 48 : index
        %parallel_loop3A_461 = tpu.vector_load %arg11[%parallel_loop3A_458, %parallel_loop3A_459, %parallel_loop3A_460] {strides = array<i32>} : memref<3x8x256xf32, #tpu.memory_space<vmem>>, vector<16xf32>,
        tpu.vector_store %arg11[%parallel_loop3A_458, %parallel_loop3A_459, %parallel_loop3A_460], %parallel_loop3A_456 {strides = array<i32>} : memref<3x8x256xf32, #tpu.memory_space<vmem>>, vector<16xf32>,
        %parallel_loop3A_462 = tpu.vector_load_idx %arg6[%parallel_loop3A_455] : memref<8352xf32, #tpu.memory_space<vmem>>[vector<16xi32>], vector<16xf32>,
        %parallel_loop3A_463 = arith.constant 1 : i32
        %parallel_loop3A_464 = arith.index_cast %parallel_loop3A_463 : i32 to index
        %parallel_loop3A_465 = arith.index_cast %parallel_loop3A_389 : i32 to index
        %parallel_loop3A_466 = arith.constant 48 : index
        %parallel_loop3A_467 = tpu.vector_load %arg11[%parallel_loop3A_464, %parallel_loop3A_465, %parallel_loop3A_466] {strides = array<i32>} : memref<3x8x256xf32, #tpu.memory_space<vmem>>, vector<16xf32>,
        tpu.vector_store %arg11[%parallel_loop3A_464, %parallel_loop3A_465, %parallel_loop3A_466], %parallel_loop3A_462 {strides = array<i32>} : memref<3x8x256xf32, #tpu.memory_space<vmem>>, vector<16xf32>,
        %parallel_loop3A_468 = tpu.vector_load_idx %arg7[%parallel_loop3A_455] : memref<8352xf32, #tpu.memory_space<vmem>>[vector<16xi32>], vector<16xf32>,
        %parallel_loop3A_469 = arith.constant 2 : i32
        %parallel_loop3A_470 = arith.index_cast %parallel_loop3A_469 : i32 to index
        %parallel_loop3A_471 = arith.index_cast %parallel_loop3A_389 : i32 to index
        %parallel_loop3A_472 = arith.constant 48 : index
        %parallel_loop3A_473 = tpu.vector_load %arg11[%parallel_loop3A_470, %parallel_loop3A_471, %parallel_loop3A_472] {strides = array<i32>} : memref<3x8x256xf32, #tpu.memory_space<vmem>>, vector<16xf32>,
        tpu.vector_store %arg11[%parallel_loop3A_470, %parallel_loop3A_471, %parallel_loop3A_472], %parallel_loop3A_468 {strides = array<i32>} : memref<3x8x256xf32, #tpu.memory_space<vmem>>, vector<16xf32>,
        %parallel_loop3A_474 = arith.index_cast %parallel_loop3A_389 : i32 to index
        %parallel_loop3A_475 = arith.constant 64 : index
        %parallel_loop3A_476 = tpu.vector_load %arg9[%parallel_loop3A_474, %parallel_loop3A_475] {strides = array<i32>} : memref<8x256xi32, #tpu.memory_space<vmem>>, vector<16xi32>,
        %parallel_loop3A_477 = tpu.vector_load_idx %arg5[%parallel_loop3A_476] : memref<8352xf32, #tpu.memory_space<vmem>>[vector<16xi32>], vector<16xf32>,
        %parallel_loop3A_478 = arith.constant 0 : i32
        %parallel_loop3A_479 = arith.index_cast %parallel_loop3A_478 : i32 to index
        %parallel_loop3A_480 = arith.index_cast %parallel_loop3A_389 : i32 to index
        %parallel_loop3A_481 = arith.constant 64 : index
        %parallel_loop3A_482 = tpu.vector_load %arg11[%parallel_loop3A_479, %parallel_loop3A_480, %parallel_loop3A_481] {strides = array<i32>} : memref<3x8x256xf32, #tpu.memory_space<vmem>>, vector<16xf32>,
        tpu.vector_store %arg11[%parallel_loop3A_479, %parallel_loop3A_480, %parallel_loop3A_481], %parallel_loop3A_477 {strides = array<i32>} : memref<3x8x256xf32, #tpu.memory_space<vmem>>, vector<16xf32>,
        %parallel_loop3A_483 = tpu.vector_load_idx %arg6[%parallel_loop3A_476] : memref<8352xf32, #tpu.memory_space<vmem>>[vector<16xi32>], vector<16xf32>,
        %parallel_loop3A_484 = arith.constant 1 : i32
        %parallel_loop3A_485 = arith.index_cast %parallel_loop3A_484 : i32 to index
        %parallel_loop3A_486 = arith.index_cast %parallel_loop3A_389 : i32 to index
        %parallel_loop3A_487 = arith.constant 64 : index
        %parallel_loop3A_488 = tpu.vector_load %arg11[%parallel_loop3A_485, %parallel_loop3A_486, %parallel_loop3A_487] {strides = array<i32>} : memref<3x8x256xf32, #tpu.memory_space<vmem>>, vector<16xf32>,
        tpu.vector_store %arg11[%parallel_loop3A_485, %parallel_loop3A_486, %parallel_loop3A_487], %parallel_loop3A_483 {strides = array<i32>} : memref<3x8x256xf32, #tpu.memory_space<vmem>>, vector<16xf32>,
        %parallel_loop3A_489 = tpu.vector_load_idx %arg7[%parallel_loop3A_476] : memref<8352xf32, #tpu.memory_space<vmem>>[vector<16xi32>], vector<16xf32>,
        %parallel_loop3A_490 = arith.constant 2 : i32
        %parallel_loop3A_491 = arith.index_cast %parallel_loop3A_490 : i32 to index
        %parallel_loop3A_492 = arith.index_cast %parallel_loop3A_389 : i32 to index
        %parallel_loop3A_493 = arith.constant 64 : index
        %parallel_loop3A_494 = tpu.vector_load %arg11[%parallel_loop3A_491, %parallel_loop3A_492, %parallel_loop3A_493] {strides = array<i32>} : memref<3x8x256xf32, #tpu.memory_space<vmem>>, vector<16xf32>,
        tpu.vector_store %arg11[%parallel_loop3A_491, %parallel_loop3A_492, %parallel_loop3A_493], %parallel_loop3A_489 {strides = array<i32>} : memref<3x8x256xf32, #tpu.memory_space<vmem>>, vector<16xf32>,
        %parallel_loop3A_495 = arith.index_cast %parallel_loop3A_389 : i32 to index
        %parallel_loop3A_496 = arith.constant 80 : index
        %parallel_loop3A_497 = tpu.vector_load %arg9[%parallel_loop3A_495, %parallel_loop3A_496] {strides = array<i32>} : memref<8x256xi32, #tpu.memory_space<vmem>>, vector<16xi32>,
        %parallel_loop3A_498 = tpu.vector_load_idx %arg5[%parallel_loop3A_497] : memref<8352xf32, #tpu.memory_space<vmem>>[vector<16xi32>], vector<16xf32>,
        %parallel_loop3A_499 = arith.constant 0 : i32
        %parallel_loop3A_500 = arith.index_cast %parallel_loop3A_499 : i32 to index
        %parallel_loop3A_501 = arith.index_cast %parallel_loop3A_389 : i32 to index
        %parallel_loop3A_502 = arith.constant 80 : index
        %parallel_loop3A_503 = tpu.vector_load %arg11[%parallel_loop3A_500, %parallel_loop3A_501, %parallel_loop3A_502] {strides = array<i32>} : memref<3x8x256xf32, #tpu.memory_space<vmem>>, vector<16xf32>,
        tpu.vector_store %arg11[%parallel_loop3A_500, %parallel_loop3A_501, %parallel_loop3A_502], %parallel_loop3A_498 {strides = array<i32>} : memref<3x8x256xf32, #tpu.memory_space<vmem>>, vector<16xf32>,
        %parallel_loop3A_504 = tpu.vector_load_idx %arg6[%parallel_loop3A_497] : memref<8352xf32, #tpu.memory_space<vmem>>[vector<16xi32>], vector<16xf32>,
        %parallel_loop3A_505 = arith.constant 1 : i32
        %parallel_loop3A_506 = arith.index_cast %parallel_loop3A_505 : i32 to index
        %parallel_loop3A_507 = arith.index_cast %parallel_loop3A_389 : i32 to index
        %parallel_loop3A_508 = arith.constant 80 : index
        %parallel_loop3A_509 = tpu.vector_load %arg11[%parallel_loop3A_506, %parallel_loop3A_507, %parallel_loop3A_508] {strides = array<i32>} : memref<3x8x256xf32, #tpu.memory_space<vmem>>, vector<16xf32>,
        tpu.vector_store %arg11[%parallel_loop3A_506, %parallel_loop3A_507, %parallel_loop3A_508], %parallel_loop3A_504 {strides = array<i32>} : memref<3x8x256xf32, #tpu.memory_space<vmem>>, vector<16xf32>,
        %parallel_loop3A_510 = tpu.vector_load_idx %arg7[%parallel_loop3A_497] : memref<8352xf32, #tpu.memory_space<vmem>>[vector<16xi32>], vector<16xf32>,
        %parallel_loop3A_511 = arith.constant 2 : i32
        %parallel_loop3A_512 = arith.index_cast %parallel_loop3A_511 : i32 to index
        %parallel_loop3A_513 = arith.index_cast %parallel_loop3A_389 : i32 to index
        %parallel_loop3A_514 = arith.constant 80 : index
        %parallel_loop3A_515 = tpu.vector_load %arg11[%parallel_loop3A_512, %parallel_loop3A_513, %parallel_loop3A_514] {strides = array<i32>} : memref<3x8x256xf32, #tpu.memory_space<vmem>>, vector<16xf32>,
        tpu.vector_store %arg11[%parallel_loop3A_512, %parallel_loop3A_513, %parallel_loop3A_514], %parallel_loop3A_510 {strides = array<i32>} : memref<3x8x256xf32, #tpu.memory_space<vmem>>, vector<16xf32>,
        %parallel_loop3A_516 = arith.index_cast %parallel_loop3A_389 : i32 to index
        %parallel_loop3A_517 = arith.constant 96 : index
        %parallel_loop3A_518 = tpu.vector_load %arg9[%parallel_loop3A_516, %parallel_loop3A_517] {strides = array<i32>} : memref<8x256xi32, #tpu.memory_space<vmem>>, vector<16xi32>,
        %parallel_loop3A_519 = tpu.vector_load_idx %arg5[%parallel_loop3A_518] : memref<8352xf32, #tpu.memory_space<vmem>>[vector<16xi32>], vector<16xf32>,
        %parallel_loop3A_520 = arith.constant 0 : i32
        %parallel_loop3A_521 = arith.index_cast %parallel_loop3A_520 : i32 to index
        %parallel_loop3A_522 = arith.index_cast %parallel_loop3A_389 : i32 to index
        %parallel_loop3A_523 = arith.constant 96 : index
        %parallel_loop3A_524 = tpu.vector_load %arg11[%parallel_loop3A_521, %parallel_loop3A_522, %parallel_loop3A_523] {strides = array<i32>} : memref<3x8x256xf32, #tpu.memory_space<vmem>>, vector<16xf32>,
        tpu.vector_store %arg11[%parallel_loop3A_521, %parallel_loop3A_522, %parallel_loop3A_523], %parallel_loop3A_519 {strides = array<i32>} : memref<3x8x256xf32, #tpu.memory_space<vmem>>, vector<16xf32>,
        %parallel_loop3A_525 = tpu.vector_load_idx %arg6[%parallel_loop3A_518] : memref<8352xf32, #tpu.memory_space<vmem>>[vector<16xi32>], vector<16xf32>,
        %parallel_loop3A_526 = arith.constant 1 : i32
        %parallel_loop3A_527 = arith.index_cast %parallel_loop3A_526 : i32 to index
        %parallel_loop3A_528 = arith.index_cast %parallel_loop3A_389 : i32 to index
        %parallel_loop3A_529 = arith.constant 96 : index
        %parallel_loop3A_530 = tpu.vector_load %arg11[%parallel_loop3A_527, %parallel_loop3A_528, %parallel_loop3A_529] {strides = array<i32>} : memref<3x8x256xf32, #tpu.memory_space<vmem>>, vector<16xf32>,
        tpu.vector_store %arg11[%parallel_loop3A_527, %parallel_loop3A_528, %parallel_loop3A_529], %parallel_loop3A_525 {strides = array<i32>} : memref<3x8x256xf32, #tpu.memory_space<vmem>>, vector<16xf32>,
        %parallel_loop3A_531 = tpu.vector_load_idx %arg7[%parallel_loop3A_518] : memref<8352xf32, #tpu.memory_space<vmem>>[vector<16xi32>], vector<16xf32>,
        %parallel_loop3A_532 = arith.constant 2 : i32
        %parallel_loop3A_533 = arith.index_cast %parallel_loop3A_532 : i32 to index
        %parallel_loop3A_534 = arith.index_cast %parallel_loop3A_389 : i32 to index
        %parallel_loop3A_535 = arith.constant 96 : index
        %parallel_loop3A_536 = tpu.vector_load %arg11[%parallel_loop3A_533, %parallel_loop3A_534, %parallel_loop3A_535] {strides = array<i32>} : memref<3x8x256xf32, #tpu.memory_space<vmem>>, vector<16xf32>,
        tpu.vector_store %arg11[%parallel_loop3A_533, %parallel_loop3A_534, %parallel_loop3A_535], %parallel_loop3A_531 {strides = array<i32>} : memref<3x8x256xf32, #tpu.memory_space<vmem>>, vector<16xf32>,
        %parallel_loop3A_537 = arith.index_cast %parallel_loop3A_389 : i32 to index
        %parallel_loop3A_538 = arith.constant 112 : index
        %parallel_loop3A_539 = tpu.vector_load %arg9[%parallel_loop3A_537, %parallel_loop3A_538] {strides = array<i32>} : memref<8x256xi32, #tpu.memory_space<vmem>>, vector<16xi32>,
        %parallel_loop3A_540 = tpu.vector_load_idx %arg5[%parallel_loop3A_539] : memref<8352xf32, #tpu.memory_space<vmem>>[vector<16xi32>], vector<16xf32>,
        %parallel_loop3A_541 = arith.constant 0 : i32
        %parallel_loop3A_542 = arith.index_cast %parallel_loop3A_541 : i32 to index
        %parallel_loop3A_543 = arith.index_cast %parallel_loop3A_389 : i32 to index
        %parallel_loop3A_544 = arith.constant 112 : index
        %parallel_loop3A_545 = tpu.vector_load %arg11[%parallel_loop3A_542, %parallel_loop3A_543, %parallel_loop3A_544] {strides = array<i32>} : memref<3x8x256xf32, #tpu.memory_space<vmem>>, vector<16xf32>,
        tpu.vector_store %arg11[%parallel_loop3A_542, %parallel_loop3A_543, %parallel_loop3A_544], %parallel_loop3A_540 {strides = array<i32>} : memref<3x8x256xf32, #tpu.memory_space<vmem>>, vector<16xf32>,
        %parallel_loop3A_546 = tpu.vector_load_idx %arg6[%parallel_loop3A_539] : memref<8352xf32, #tpu.memory_space<vmem>>[vector<16xi32>], vector<16xf32>,
        %parallel_loop3A_547 = arith.constant 1 : i32
        %parallel_loop3A_548 = arith.index_cast %parallel_loop3A_547 : i32 to index
        %parallel_loop3A_549 = arith.index_cast %parallel_loop3A_389 : i32 to index
        %parallel_loop3A_550 = arith.constant 112 : index
        %parallel_loop3A_551 = tpu.vector_load %arg11[%parallel_loop3A_548, %parallel_loop3A_549, %parallel_loop3A_550] {strides = array<i32>} : memref<3x8x256xf32, #tpu.memory_space<vmem>>, vector<16xf32>,
        tpu.vector_store %arg11[%parallel_loop3A_548, %parallel_loop3A_549, %parallel_loop3A_550], %parallel_loop3A_546 {strides = array<i32>} : memref<3x8x256xf32, #tpu.memory_space<vmem>>, vector<16xf32>,
        %parallel_loop3A_552 = tpu.vector_load_idx %arg7[%parallel_loop3A_539] : memref<8352xf32, #tpu.memory_space<vmem>>[vector<16xi32>], vector<16xf32>,
        %parallel_loop3A_553 = arith.constant 2 : i32
        %parallel_loop3A_554 = arith.index_cast %parallel_loop3A_553 : i32 to index
        %parallel_loop3A_555 = arith.index_cast %parallel_loop3A_389 : i32 to index
        %parallel_loop3A_556 = arith.constant 112 : index
        %parallel_loop3A_557 = tpu.vector_load %arg11[%parallel_loop3A_554, %parallel_loop3A_555, %parallel_loop3A_556] {strides = array<i32>} : memref<3x8x256xf32, #tpu.memory_space<vmem>>, vector<16xf32>,
        tpu.vector_store %arg11[%parallel_loop3A_554, %parallel_loop3A_555, %parallel_loop3A_556], %parallel_loop3A_552 {strides = array<i32>} : memref<3x8x256xf32, #tpu.memory_space<vmem>>, vector<16xf32>,
        %parallel_loop3A_558 = arith.index_cast %parallel_loop3A_389 : i32 to index
        %parallel_loop3A_559 = arith.constant 128 : index
        %parallel_loop3A_560 = tpu.vector_load %arg9[%parallel_loop3A_558, %parallel_loop3A_559] {strides = array<i32>} : memref<8x256xi32, #tpu.memory_space<vmem>>, vector<16xi32>,
        %parallel_loop3A_561 = tpu.vector_load_idx %arg5[%parallel_loop3A_560] : memref<8352xf32, #tpu.memory_space<vmem>>[vector<16xi32>], vector<16xf32>,
        %parallel_loop3A_562 = arith.constant 0 : i32
        %parallel_loop3A_563 = arith.index_cast %parallel_loop3A_562 : i32 to index
        %parallel_loop3A_564 = arith.index_cast %parallel_loop3A_389 : i32 to index
        %parallel_loop3A_565 = arith.constant 128 : index
        %parallel_loop3A_566 = tpu.vector_load %arg11[%parallel_loop3A_563, %parallel_loop3A_564, %parallel_loop3A_565] {strides = array<i32>} : memref<3x8x256xf32, #tpu.memory_space<vmem>>, vector<16xf32>,
        tpu.vector_store %arg11[%parallel_loop3A_563, %parallel_loop3A_564, %parallel_loop3A_565], %parallel_loop3A_561 {strides = array<i32>} : memref<3x8x256xf32, #tpu.memory_space<vmem>>, vector<16xf32>,
        %parallel_loop3A_567 = tpu.vector_load_idx %arg6[%parallel_loop3A_560] : memref<8352xf32, #tpu.memory_space<vmem>>[vector<16xi32>], vector<16xf32>,
        %parallel_loop3A_568 = arith.constant 1 : i32
        %parallel_loop3A_569 = arith.index_cast %parallel_loop3A_568 : i32 to index
        %parallel_loop3A_570 = arith.index_cast %parallel_loop3A_389 : i32 to index
        %parallel_loop3A_571 = arith.constant 128 : index
        %parallel_loop3A_572 = tpu.vector_load %arg11[%parallel_loop3A_569, %parallel_loop3A_570, %parallel_loop3A_571] {strides = array<i32>} : memref<3x8x256xf32, #tpu.memory_space<vmem>>, vector<16xf32>,
        tpu.vector_store %arg11[%parallel_loop3A_569, %parallel_loop3A_570, %parallel_loop3A_571], %parallel_loop3A_567 {strides = array<i32>} : memref<3x8x256xf32, #tpu.memory_space<vmem>>, vector<16xf32>,
        %parallel_loop3A_573 = tpu.vector_load_idx %arg7[%parallel_loop3A_560] : memref<8352xf32, #tpu.memory_space<vmem>>[vector<16xi32>], vector<16xf32>,
        %parallel_loop3A_574 = arith.constant 2 : i32
        %parallel_loop3A_575 = arith.index_cast %parallel_loop3A_574 : i32 to index
        %parallel_loop3A_576 = arith.index_cast %parallel_loop3A_389 : i32 to index
        %parallel_loop3A_577 = arith.constant 128 : index
        %parallel_loop3A_578 = tpu.vector_load %arg11[%parallel_loop3A_575, %parallel_loop3A_576, %parallel_loop3A_577] {strides = array<i32>} : memref<3x8x256xf32, #tpu.memory_space<vmem>>, vector<16xf32>,
        tpu.vector_store %arg11[%parallel_loop3A_575, %parallel_loop3A_576, %parallel_loop3A_577], %parallel_loop3A_573 {strides = array<i32>} : memref<3x8x256xf32, #tpu.memory_space<vmem>>, vector<16xf32>,
        %parallel_loop3A_579 = arith.index_cast %parallel_loop3A_389 : i32 to index
        %parallel_loop3A_580 = arith.constant 144 : index
        %parallel_loop3A_581 = tpu.vector_load %arg9[%parallel_loop3A_579, %parallel_loop3A_580] {strides = array<i32>} : memref<8x256xi32, #tpu.memory_space<vmem>>, vector<16xi32>,
        %parallel_loop3A_582 = tpu.vector_load_idx %arg5[%parallel_loop3A_581] : memref<8352xf32, #tpu.memory_space<vmem>>[vector<16xi32>], vector<16xf32>,
        %parallel_loop3A_583 = arith.constant 0 : i32
        %parallel_loop3A_584 = arith.index_cast %parallel_loop3A_583 : i32 to index
        %parallel_loop3A_585 = arith.index_cast %parallel_loop3A_389 : i32 to index
        %parallel_loop3A_586 = arith.constant 144 : index
        %parallel_loop3A_587 = tpu.vector_load %arg11[%parallel_loop3A_584, %parallel_loop3A_585, %parallel_loop3A_586] {strides = array<i32>} : memref<3x8x256xf32, #tpu.memory_space<vmem>>, vector<16xf32>,
        tpu.vector_store %arg11[%parallel_loop3A_584, %parallel_loop3A_585, %parallel_loop3A_586], %parallel_loop3A_582 {strides = array<i32>} : memref<3x8x256xf32, #tpu.memory_space<vmem>>, vector<16xf32>,
        %parallel_loop3A_588 = tpu.vector_load_idx %arg6[%parallel_loop3A_581] : memref<8352xf32, #tpu.memory_space<vmem>>[vector<16xi32>], vector<16xf32>,
        %parallel_loop3A_589 = arith.constant 1 : i32
        %parallel_loop3A_590 = arith.index_cast %parallel_loop3A_589 : i32 to index
        %parallel_loop3A_591 = arith.index_cast %parallel_loop3A_389 : i32 to index
        %parallel_loop3A_592 = arith.constant 144 : index
        %parallel_loop3A_593 = tpu.vector_load %arg11[%parallel_loop3A_590, %parallel_loop3A_591, %parallel_loop3A_592] {strides = array<i32>} : memref<3x8x256xf32, #tpu.memory_space<vmem>>, vector<16xf32>,
        tpu.vector_store %arg11[%parallel_loop3A_590, %parallel_loop3A_591, %parallel_loop3A_592], %parallel_loop3A_588 {strides = array<i32>} : memref<3x8x256xf32, #tpu.memory_space<vmem>>, vector<16xf32>,
        %parallel_loop3A_594 = tpu.vector_load_idx %arg7[%parallel_loop3A_581] : memref<8352xf32, #tpu.memory_space<vmem>>[vector<16xi32>], vector<16xf32>,
        %parallel_loop3A_595 = arith.constant 2 : i32
        %parallel_loop3A_596 = arith.index_cast %parallel_loop3A_595 : i32 to index
        %parallel_loop3A_597 = arith.index_cast %parallel_loop3A_389 : i32 to index
        %parallel_loop3A_598 = arith.constant 144 : index
        %parallel_loop3A_599 = tpu.vector_load %arg11[%parallel_loop3A_596, %parallel_loop3A_597, %parallel_loop3A_598] {strides = array<i32>} : memref<3x8x256xf32, #tpu.memory_space<vmem>>, vector<16xf32>,
        tpu.vector_store %arg11[%parallel_loop3A_596, %parallel_loop3A_597, %parallel_loop3A_598], %parallel_loop3A_594 {strides = array<i32>} : memref<3x8x256xf32, #tpu.memory_space<vmem>>, vector<16xf32>,
        %parallel_loop3A_600 = arith.index_cast %parallel_loop3A_389 : i32 to index
        %parallel_loop3A_601 = arith.constant 160 : index
        %parallel_loop3A_602 = tpu.vector_load %arg9[%parallel_loop3A_600, %parallel_loop3A_601] {strides = array<i32>} : memref<8x256xi32, #tpu.memory_space<vmem>>, vector<16xi32>,
        %parallel_loop3A_603 = tpu.vector_load_idx %arg5[%parallel_loop3A_602] : memref<8352xf32, #tpu.memory_space<vmem>>[vector<16xi32>], vector<16xf32>,
        %parallel_loop3A_604 = arith.constant 0 : i32
        %parallel_loop3A_605 = arith.index_cast %parallel_loop3A_604 : i32 to index
        %parallel_loop3A_606 = arith.index_cast %parallel_loop3A_389 : i32 to index
        %parallel_loop3A_607 = arith.constant 160 : index
        %parallel_loop3A_608 = tpu.vector_load %arg11[%parallel_loop3A_605, %parallel_loop3A_606, %parallel_loop3A_607] {strides = array<i32>} : memref<3x8x256xf32, #tpu.memory_space<vmem>>, vector<16xf32>,
        tpu.vector_store %arg11[%parallel_loop3A_605, %parallel_loop3A_606, %parallel_loop3A_607], %parallel_loop3A_603 {strides = array<i32>} : memref<3x8x256xf32, #tpu.memory_space<vmem>>, vector<16xf32>,
        %parallel_loop3A_609 = tpu.vector_load_idx %arg6[%parallel_loop3A_602] : memref<8352xf32, #tpu.memory_space<vmem>>[vector<16xi32>], vector<16xf32>,
        %parallel_loop3A_610 = arith.constant 1 : i32
        %parallel_loop3A_611 = arith.index_cast %parallel_loop3A_610 : i32 to index
        %parallel_loop3A_612 = arith.index_cast %parallel_loop3A_389 : i32 to index
        %parallel_loop3A_613 = arith.constant 160 : index
        %parallel_loop3A_614 = tpu.vector_load %arg11[%parallel_loop3A_611, %parallel_loop3A_612, %parallel_loop3A_613] {strides = array<i32>} : memref<3x8x256xf32, #tpu.memory_space<vmem>>, vector<16xf32>,
        tpu.vector_store %arg11[%parallel_loop3A_611, %parallel_loop3A_612, %parallel_loop3A_613], %parallel_loop3A_609 {strides = array<i32>} : memref<3x8x256xf32, #tpu.memory_space<vmem>>, vector<16xf32>,
        %parallel_loop3A_615 = tpu.vector_load_idx %arg7[%parallel_loop3A_602] : memref<8352xf32, #tpu.memory_space<vmem>>[vector<16xi32>], vector<16xf32>,
        %parallel_loop3A_616 = arith.constant 2 : i32
        %parallel_loop3A_617 = arith.index_cast %parallel_loop3A_616 : i32 to index
        %parallel_loop3A_618 = arith.index_cast %parallel_loop3A_389 : i32 to index
        %parallel_loop3A_619 = arith.constant 160 : index
        %parallel_loop3A_620 = tpu.vector_load %arg11[%parallel_loop3A_617, %parallel_loop3A_618, %parallel_loop3A_619] {strides = array<i32>} : memref<3x8x256xf32, #tpu.memory_space<vmem>>, vector<16xf32>,
        tpu.vector_store %arg11[%parallel_loop3A_617, %parallel_loop3A_618, %parallel_loop3A_619], %parallel_loop3A_615 {strides = array<i32>} : memref<3x8x256xf32, #tpu.memory_space<vmem>>, vector<16xf32>,
        %parallel_loop3A_621 = arith.index_cast %parallel_loop3A_389 : i32 to index
        %parallel_loop3A_622 = arith.constant 176 : index
        %parallel_loop3A_623 = tpu.vector_load %arg9[%parallel_loop3A_621, %parallel_loop3A_622] {strides = array<i32>} : memref<8x256xi32, #tpu.memory_space<vmem>>, vector<16xi32>,
        %parallel_loop3A_624 = tpu.vector_load_idx %arg5[%parallel_loop3A_623] : memref<8352xf32, #tpu.memory_space<vmem>>[vector<16xi32>], vector<16xf32>,
        %parallel_loop3A_625 = arith.constant 0 : i32
        %parallel_loop3A_626 = arith.index_cast %parallel_loop3A_625 : i32 to index
        %parallel_loop3A_627 = arith.index_cast %parallel_loop3A_389 : i32 to index
        %parallel_loop3A_628 = arith.constant 176 : index
        %parallel_loop3A_629 = tpu.vector_load %arg11[%parallel_loop3A_626, %parallel_loop3A_627, %parallel_loop3A_628] {strides = array<i32>} : memref<3x8x256xf32, #tpu.memory_space<vmem>>, vector<16xf32>,
        tpu.vector_store %arg11[%parallel_loop3A_626, %parallel_loop3A_627, %parallel_loop3A_628], %parallel_loop3A_624 {strides = array<i32>} : memref<3x8x256xf32, #tpu.memory_space<vmem>>, vector<16xf32>,
        %parallel_loop3A_630 = tpu.vector_load_idx %arg6[%parallel_loop3A_623] : memref<8352xf32, #tpu.memory_space<vmem>>[vector<16xi32>], vector<16xf32>,
        %parallel_loop3A_631 = arith.constant 1 : i32
        %parallel_loop3A_632 = arith.index_cast %parallel_loop3A_631 : i32 to index
        %parallel_loop3A_633 = arith.index_cast %parallel_loop3A_389 : i32 to index
        %parallel_loop3A_634 = arith.constant 176 : index
        %parallel_loop3A_635 = tpu.vector_load %arg11[%parallel_loop3A_632, %parallel_loop3A_633, %parallel_loop3A_634] {strides = array<i32>} : memref<3x8x256xf32, #tpu.memory_space<vmem>>, vector<16xf32>,
        tpu.vector_store %arg11[%parallel_loop3A_632, %parallel_loop3A_633, %parallel_loop3A_634], %parallel_loop3A_630 {strides = array<i32>} : memref<3x8x256xf32, #tpu.memory_space<vmem>>, vector<16xf32>,
        %parallel_loop3A_636 = tpu.vector_load_idx %arg7[%parallel_loop3A_623] : memref<8352xf32, #tpu.memory_space<vmem>>[vector<16xi32>], vector<16xf32>,
        %parallel_loop3A_637 = arith.constant 2 : i32
        %parallel_loop3A_638 = arith.index_cast %parallel_loop3A_637 : i32 to index
        %parallel_loop3A_639 = arith.index_cast %parallel_loop3A_389 : i32 to index
        %parallel_loop3A_640 = arith.constant 176 : index
        %parallel_loop3A_641 = tpu.vector_load %arg11[%parallel_loop3A_638, %parallel_loop3A_639, %parallel_loop3A_640] {strides = array<i32>} : memref<3x8x256xf32, #tpu.memory_space<vmem>>, vector<16xf32>,
        tpu.vector_store %arg11[%parallel_loop3A_638, %parallel_loop3A_639, %parallel_loop3A_640], %parallel_loop3A_636 {strides = array<i32>} : memref<3x8x256xf32, #tpu.memory_space<vmem>>, vector<16xf32>,
        %parallel_loop3A_642 = arith.index_cast %parallel_loop3A_389 : i32 to index
        %parallel_loop3A_643 = arith.constant 192 : index
        %parallel_loop3A_644 = tpu.vector_load %arg9[%parallel_loop3A_642, %parallel_loop3A_643] {strides = array<i32>} : memref<8x256xi32, #tpu.memory_space<vmem>>, vector<16xi32>,
        %parallel_loop3A_645 = tpu.vector_load_idx %arg5[%parallel_loop3A_644] : memref<8352xf32, #tpu.memory_space<vmem>>[vector<16xi32>], vector<16xf32>,
        %parallel_loop3A_646 = arith.constant 0 : i32
        %parallel_loop3A_647 = arith.index_cast %parallel_loop3A_646 : i32 to index
        %parallel_loop3A_648 = arith.index_cast %parallel_loop3A_389 : i32 to index
        %parallel_loop3A_649 = arith.constant 192 : index
        %parallel_loop3A_650 = tpu.vector_load %arg11[%parallel_loop3A_647, %parallel_loop3A_648, %parallel_loop3A_649] {strides = array<i32>} : memref<3x8x256xf32, #tpu.memory_space<vmem>>, vector<16xf32>,
        tpu.vector_store %arg11[%parallel_loop3A_647, %parallel_loop3A_648, %parallel_loop3A_649], %parallel_loop3A_645 {strides = array<i32>} : memref<3x8x256xf32, #tpu.memory_space<vmem>>, vector<16xf32>,
        %parallel_loop3A_651 = tpu.vector_load_idx %arg6[%parallel_loop3A_644] : memref<8352xf32, #tpu.memory_space<vmem>>[vector<16xi32>], vector<16xf32>,
        %parallel_loop3A_652 = arith.constant 1 : i32
        %parallel_loop3A_653 = arith.index_cast %parallel_loop3A_652 : i32 to index
        %parallel_loop3A_654 = arith.index_cast %parallel_loop3A_389 : i32 to index
        %parallel_loop3A_655 = arith.constant 192 : index
        %parallel_loop3A_656 = tpu.vector_load %arg11[%parallel_loop3A_653, %parallel_loop3A_654, %parallel_loop3A_655] {strides = array<i32>} : memref<3x8x256xf32, #tpu.memory_space<vmem>>, vector<16xf32>,
        tpu.vector_store %arg11[%parallel_loop3A_653, %parallel_loop3A_654, %parallel_loop3A_655], %parallel_loop3A_651 {strides = array<i32>} : memref<3x8x256xf32, #tpu.memory_space<vmem>>, vector<16xf32>,
        %parallel_loop3A_657 = tpu.vector_load_idx %arg7[%parallel_loop3A_644] : memref<8352xf32, #tpu.memory_space<vmem>>[vector<16xi32>], vector<16xf32>,
        %parallel_loop3A_658 = arith.constant 2 : i32
        %parallel_loop3A_659 = arith.index_cast %parallel_loop3A_658 : i32 to index
        %parallel_loop3A_660 = arith.index_cast %parallel_loop3A_389 : i32 to index
        %parallel_loop3A_661 = arith.constant 192 : index
        %parallel_loop3A_662 = tpu.vector_load %arg11[%parallel_loop3A_659, %parallel_loop3A_660, %parallel_loop3A_661] {strides = array<i32>} : memref<3x8x256xf32, #tpu.memory_space<vmem>>, vector<16xf32>,
        tpu.vector_store %arg11[%parallel_loop3A_659, %parallel_loop3A_660, %parallel_loop3A_661], %parallel_loop3A_657 {strides = array<i32>} : memref<3x8x256xf32, #tpu.memory_space<vmem>>, vector<16xf32>,
        %parallel_loop3A_663 = arith.index_cast %parallel_loop3A_389 : i32 to index
        %parallel_loop3A_664 = arith.constant 208 : index
        %parallel_loop3A_665 = tpu.vector_load %arg9[%parallel_loop3A_663, %parallel_loop3A_664] {strides = array<i32>} : memref<8x256xi32, #tpu.memory_space<vmem>>, vector<16xi32>,
        %parallel_loop3A_666 = tpu.vector_load_idx %arg5[%parallel_loop3A_665] : memref<8352xf32, #tpu.memory_space<vmem>>[vector<16xi32>], vector<16xf32>,
        %parallel_loop3A_667 = arith.constant 0 : i32
        %parallel_loop3A_668 = arith.index_cast %parallel_loop3A_667 : i32 to index
        %parallel_loop3A_669 = arith.index_cast %parallel_loop3A_389 : i32 to index
        %parallel_loop3A_670 = arith.constant 208 : index
        %parallel_loop3A_671 = tpu.vector_load %arg11[%parallel_loop3A_668, %parallel_loop3A_669, %parallel_loop3A_670] {strides = array<i32>} : memref<3x8x256xf32, #tpu.memory_space<vmem>>, vector<16xf32>,
        tpu.vector_store %arg11[%parallel_loop3A_668, %parallel_loop3A_669, %parallel_loop3A_670], %parallel_loop3A_666 {strides = array<i32>} : memref<3x8x256xf32, #tpu.memory_space<vmem>>, vector<16xf32>,
        %parallel_loop3A_672 = tpu.vector_load_idx %arg6[%parallel_loop3A_665] : memref<8352xf32, #tpu.memory_space<vmem>>[vector<16xi32>], vector<16xf32>,
        %parallel_loop3A_673 = arith.constant 1 : i32
        %parallel_loop3A_674 = arith.index_cast %parallel_loop3A_673 : i32 to index
        %parallel_loop3A_675 = arith.index_cast %parallel_loop3A_389 : i32 to index
        %parallel_loop3A_676 = arith.constant 208 : index
        %parallel_loop3A_677 = tpu.vector_load %arg11[%parallel_loop3A_674, %parallel_loop3A_675, %parallel_loop3A_676] {strides = array<i32>} : memref<3x8x256xf32, #tpu.memory_space<vmem>>, vector<16xf32>,
        tpu.vector_store %arg11[%parallel_loop3A_674, %parallel_loop3A_675, %parallel_loop3A_676], %parallel_loop3A_672 {strides = array<i32>} : memref<3x8x256xf32, #tpu.memory_space<vmem>>, vector<16xf32>,
        %parallel_loop3A_678 = tpu.vector_load_idx %arg7[%parallel_loop3A_665] : memref<8352xf32, #tpu.memory_space<vmem>>[vector<16xi32>], vector<16xf32>,
        %parallel_loop3A_679 = arith.constant 2 : i32
        %parallel_loop3A_680 = arith.index_cast %parallel_loop3A_679 : i32 to index
        %parallel_loop3A_681 = arith.index_cast %parallel_loop3A_389 : i32 to index
        %parallel_loop3A_682 = arith.constant 208 : index
        %parallel_loop3A_683 = tpu.vector_load %arg11[%parallel_loop3A_680, %parallel_loop3A_681, %parallel_loop3A_682] {strides = array<i32>} : memref<3x8x256xf32, #tpu.memory_space<vmem>>, vector<16xf32>,
        tpu.vector_store %arg11[%parallel_loop3A_680, %parallel_loop3A_681, %parallel_loop3A_682], %parallel_loop3A_678 {strides = array<i32>} : memref<3x8x256xf32, #tpu.memory_space<vmem>>, vector<16xf32>,
        %parallel_loop3A_684 = arith.index_cast %parallel_loop3A_389 : i32 to index
        %parallel_loop3A_685 = arith.constant 224 : index
        %parallel_loop3A_686 = tpu.vector_load %arg9[%parallel_loop3A_684, %parallel_loop3A_685] {strides = array<i32>} : memref<8x256xi32, #tpu.memory_space<vmem>>, vector<16xi32>,
        %parallel_loop3A_687 = tpu.vector_load_idx %arg5[%parallel_loop3A_686] : memref<8352xf32, #tpu.memory_space<vmem>>[vector<16xi32>], vector<16xf32>,
        %parallel_loop3A_688 = arith.constant 0 : i32
        %parallel_loop3A_689 = arith.index_cast %parallel_loop3A_688 : i32 to index
        %parallel_loop3A_690 = arith.index_cast %parallel_loop3A_389 : i32 to index
        %parallel_loop3A_691 = arith.constant 224 : index
        %parallel_loop3A_692 = tpu.vector_load %arg11[%parallel_loop3A_689, %parallel_loop3A_690, %parallel_loop3A_691] {strides = array<i32>} : memref<3x8x256xf32, #tpu.memory_space<vmem>>, vector<16xf32>,
        tpu.vector_store %arg11[%parallel_loop3A_689, %parallel_loop3A_690, %parallel_loop3A_691], %parallel_loop3A_687 {strides = array<i32>} : memref<3x8x256xf32, #tpu.memory_space<vmem>>, vector<16xf32>,
        %parallel_loop3A_693 = tpu.vector_load_idx %arg6[%parallel_loop3A_686] : memref<8352xf32, #tpu.memory_space<vmem>>[vector<16xi32>], vector<16xf32>,
        %parallel_loop3A_694 = arith.constant 1 : i32
        %parallel_loop3A_695 = arith.index_cast %parallel_loop3A_694 : i32 to index
        %parallel_loop3A_696 = arith.index_cast %parallel_loop3A_389 : i32 to index
        %parallel_loop3A_697 = arith.constant 224 : index
        %parallel_loop3A_698 = tpu.vector_load %arg11[%parallel_loop3A_695, %parallel_loop3A_696, %parallel_loop3A_697] {strides = array<i32>} : memref<3x8x256xf32, #tpu.memory_space<vmem>>, vector<16xf32>,
        tpu.vector_store %arg11[%parallel_loop3A_695, %parallel_loop3A_696, %parallel_loop3A_697], %parallel_loop3A_693 {strides = array<i32>} : memref<3x8x256xf32, #tpu.memory_space<vmem>>, vector<16xf32>,
        %parallel_loop3A_699 = tpu.vector_load_idx %arg7[%parallel_loop3A_686] : memref<8352xf32, #tpu.memory_space<vmem>>[vector<16xi32>], vector<16xf32>,
        %parallel_loop3A_700 = arith.constant 2 : i32
        %parallel_loop3A_701 = arith.index_cast %parallel_loop3A_700 : i32 to index
        %parallel_loop3A_702 = arith.index_cast %parallel_loop3A_389 : i32 to index
        %parallel_loop3A_703 = arith.constant 224 : index
        %parallel_loop3A_704 = tpu.vector_load %arg11[%parallel_loop3A_701, %parallel_loop3A_702, %parallel_loop3A_703] {strides = array<i32>} : memref<3x8x256xf32, #tpu.memory_space<vmem>>, vector<16xf32>,
        tpu.vector_store %arg11[%parallel_loop3A_701, %parallel_loop3A_702, %parallel_loop3A_703], %parallel_loop3A_699 {strides = array<i32>} : memref<3x8x256xf32, #tpu.memory_space<vmem>>, vector<16xf32>,
        %parallel_loop3A_705 = arith.index_cast %parallel_loop3A_389 : i32 to index
        %parallel_loop3A_706 = arith.constant 240 : index
        %parallel_loop3A_707 = tpu.vector_load %arg9[%parallel_loop3A_705, %parallel_loop3A_706] {strides = array<i32>} : memref<8x256xi32, #tpu.memory_space<vmem>>, vector<16xi32>,
        %parallel_loop3A_708 = tpu.vector_load_idx %arg5[%parallel_loop3A_707] : memref<8352xf32, #tpu.memory_space<vmem>>[vector<16xi32>], vector<16xf32>,
        %parallel_loop3A_709 = arith.constant 0 : i32
        %parallel_loop3A_710 = arith.index_cast %parallel_loop3A_709 : i32 to index
        %parallel_loop3A_711 = arith.index_cast %parallel_loop3A_389 : i32 to index
        %parallel_loop3A_712 = arith.constant 240 : index
        %parallel_loop3A_713 = tpu.vector_load %arg11[%parallel_loop3A_710, %parallel_loop3A_711, %parallel_loop3A_712] {strides = array<i32>} : memref<3x8x256xf32, #tpu.memory_space<vmem>>, vector<16xf32>,
        tpu.vector_store %arg11[%parallel_loop3A_710, %parallel_loop3A_711, %parallel_loop3A_712], %parallel_loop3A_708 {strides = array<i32>} : memref<3x8x256xf32, #tpu.memory_space<vmem>>, vector<16xf32>,
        %parallel_loop3A_714 = tpu.vector_load_idx %arg6[%parallel_loop3A_707] : memref<8352xf32, #tpu.memory_space<vmem>>[vector<16xi32>], vector<16xf32>,
        %parallel_loop3A_715 = arith.constant 1 : i32
        %parallel_loop3A_716 = arith.index_cast %parallel_loop3A_715 : i32 to index
        %parallel_loop3A_717 = arith.index_cast %parallel_loop3A_389 : i32 to index
        %parallel_loop3A_718 = arith.constant 240 : index
        %parallel_loop3A_719 = tpu.vector_load %arg11[%parallel_loop3A_716, %parallel_loop3A_717, %parallel_loop3A_718] {strides = array<i32>} : memref<3x8x256xf32, #tpu.memory_space<vmem>>, vector<16xf32>,
        tpu.vector_store %arg11[%parallel_loop3A_716, %parallel_loop3A_717, %parallel_loop3A_718], %parallel_loop3A_714 {strides = array<i32>} : memref<3x8x256xf32, #tpu.memory_space<vmem>>, vector<16xf32>,
        %parallel_loop3A_720 = tpu.vector_load_idx %arg7[%parallel_loop3A_707] : memref<8352xf32, #tpu.memory_space<vmem>>[vector<16xi32>], vector<16xf32>,
        %parallel_loop3A_721 = arith.constant 2 : i32
        %parallel_loop3A_722 = arith.index_cast %parallel_loop3A_721 : i32 to index
        %parallel_loop3A_723 = arith.index_cast %parallel_loop3A_389 : i32 to index
        %parallel_loop3A_724 = arith.constant 240 : index
        %parallel_loop3A_725 = tpu.vector_load %arg11[%parallel_loop3A_722, %parallel_loop3A_723, %parallel_loop3A_724] {strides = array<i32>} : memref<3x8x256xf32, #tpu.memory_space<vmem>>, vector<16xf32>,
        tpu.vector_store %arg11[%parallel_loop3A_722, %parallel_loop3A_723, %parallel_loop3A_724], %parallel_loop3A_720 {strides = array<i32>} : memref<3x8x256xf32, #tpu.memory_space<vmem>>, vector<16xf32>,
      } {sc.loop_unroll_factor = 4 : i64, sc.parallel_access}
      %jit3A_291 = arith.constant 2 : i32
      %div3A_292 = arith.divsi %add3A_273, %jit3A_291 : i32
      %sign3A_293 = arith.constant 0 : i32
      %sign3A_294 = arith.cmpi sgt, %add3A_273, %sign3A_293 : i32
      %sign3A_295 = arith.extui %sign3A_294 : i1 to i32
      %sign3A_296 = arith.constant 0 : i32
      %sign3A_297 = arith.cmpi slt, %add3A_273, %sign3A_296 : i32
      %sign3A_298 = arith.extui %sign3A_297 : i1 to i32
      %sign3A_299 = arith.subi %sign3A_295, %sign3A_298 : i32
      %sign3A_300 = arith.constant 0 : i32
      %sign3A_301 = arith.cmpi sgt, %jit3A_291, %sign3A_300 : i32
      %sign3A_302 = arith.extui %sign3A_301 : i1 to i32
      %sign3A_303 = arith.constant 0 : i32
      %sign3A_304 = arith.cmpi slt, %jit3A_291, %sign3A_303 : i32
      %sign3A_305 = arith.extui %sign3A_304 : i1 to i32
      %sign3A_306 = arith.subi %sign3A_302, %sign3A_305 : i32
      %ne3A_307 = arith.cmpi ne, %sign3A_299, %sign3A_306 : i32
      %rem3A_308 = arith.remsi %add3A_273, %jit3A_291 : i32
      %ne3A_309 = arith.constant 0 : i32
      %ne3A_310 = arith.cmpi ne, %rem3A_308, %ne3A_309 : i32
      %and3A_311 = arith.andi %ne3A_307, %ne3A_310 : i1
      %sub3A_312 = arith.constant 1 : i32
      %sub3A_313 = arith.subi %div3A_292, %sub3A_312 : i32
      %select_n3A_314 = arith.select %and3A_311, %sub3A_313, %div3A_292 : i32
      %jit3A_315 = arith.constant 2 : i32
      %eq3A_316 = arith.constant 0 : i32
      %eq3A_317 = arith.cmpi eq, %jit3A_315, %eq3A_316 : i32
      %jit3A_318 = arith.constant 1 : i32
      %select_n3A_319 = arith.select %eq3A_317, %jit3A_318, %jit3A_315 : i32
      %rem3A_320 = arith.remsi %add3A_273, %select_n3A_319 : i32
      %ne3A_321 = arith.constant 0 : i32
      %ne3A_322 = arith.cmpi ne, %rem3A_320, %ne3A_321 : i32
      %lt3A_323 = arith.constant 0 : i32
      %lt3A_324 = arith.cmpi slt, %rem3A_320, %lt3A_323 : i32
      %lt3A_325 = arith.constant 0 : i32
      %lt3A_326 = arith.cmpi slt, %select_n3A_319, %lt3A_325 : i32
      %ne3A_327 = arith.xori %lt3A_324, %lt3A_326 : i1
      %and3A_328 = arith.andi %ne3A_327, %ne3A_322 : i1
      %add3A_329 = arith.addi %rem3A_320, %select_n3A_319 : i32
      %select_n3A_330 = arith.select %and3A_328, %add3A_329, %rem3A_320 : i32
      %mul3A_331 = arith.constant 8 : i32
      %mul3A_332 = arith.muli %select_n3A_314, %mul3A_331 : i32
      %mul3A_333 = arith.constant 256 : i32
      %mul3A_334 = arith.muli %select_n3A_330, %mul3A_333 : i32
      %add3A_335 = arith.addi %mul3A_2, %mul3A_334 : i32
      %dma_start3A_336 = arith.constant 0 : i32
      %dma_start3A_337 = tpu.memref_slice %arg4[%dma_start3A_336, %mul3A_332, %add3A_335] : memref<3x200x16384xf32, #tpu.memory_space<hbm>> -> memref<3x8x256xf32, #tpu.memory_space<hbm>>
      %dma_start3A_338 = arith.constant 0 : i32
      %dma_start3A_339 = tpu.memref_slice %arg4[%dma_start3A_338, %mul3A_332, %add3A_335] : memref<3x200x16384xf32, #tpu.memory_space<hbm>> -> memref<3x8x256xf32, #tpu.memory_space<hbm>>
      tpu.enqueue_dma source(%arg11 : memref<3x8x256xf32, #tpu.memory_space<vmem>>) target(%dma_start3A_339 : memref<3x8x256xf32, #tpu.memory_space<hbm>>) target_semaphore(%arg15 : memref<!tpu.dma_semaphore, #tpu.memory_space<semaphore_mem>>)
      %add3A_340 = arith.constant 2 : i32
      %add3A_341 = arith.addi %add3A_273, %add3A_340 : i32
      %jit3A_342 = arith.constant 2 : i32
      %div3A_343 = arith.divsi %add3A_341, %jit3A_342 : i32
      %sign3A_344 = arith.constant 0 : i32
      %sign3A_345 = arith.cmpi sgt, %add3A_341, %sign3A_344 : i32
      %sign3A_346 = arith.extui %sign3A_345 : i1 to i32
      %sign3A_347 = arith.constant 0 : i32
      %sign3A_348 = arith.cmpi slt, %add3A_341, %sign3A_347 : i32
      %sign3A_349 = arith.extui %sign3A_348 : i1 to i32
      %sign3A_350 = arith.subi %sign3A_346, %sign3A_349 : i32
      %sign3A_351 = arith.constant 0 : i32
      %sign3A_352 = arith.cmpi sgt, %jit3A_342, %sign3A_351 : i32
      %sign3A_353 = arith.extui %sign3A_352 : i1 to i32
      %sign3A_354 = arith.constant 0 : i32
      %sign3A_355 = arith.cmpi slt, %jit3A_342, %sign3A_354 : i32
      %sign3A_356 = arith.extui %sign3A_355 : i1 to i32
      %sign3A_357 = arith.subi %sign3A_353, %sign3A_356 : i32
      %ne3A_358 = arith.cmpi ne, %sign3A_350, %sign3A_357 : i32
      %rem3A_359 = arith.remsi %add3A_341, %jit3A_342 : i32
      %ne3A_360 = arith.constant 0 : i32
      %ne3A_361 = arith.cmpi ne, %rem3A_359, %ne3A_360 : i32
      %and3A_362 = arith.andi %ne3A_358, %ne3A_361 : i1
      %sub3A_363 = arith.constant 1 : i32
      %sub3A_364 = arith.subi %div3A_343, %sub3A_363 : i32
      %select_n3A_365 = arith.select %and3A_362, %sub3A_364, %div3A_343 : i32
      %jit3A_366 = arith.constant 2 : i32
      %eq3A_367 = arith.constant 0 : i32
      %eq3A_368 = arith.cmpi eq, %jit3A_366, %eq3A_367 : i32
      %jit3A_369 = arith.constant 1 : i32
      %select_n3A_370 = arith.select %eq3A_368, %jit3A_369, %jit3A_366 : i32
      %rem3A_371 = arith.remsi %add3A_341, %select_n3A_370 : i32
      %ne3A_372 = arith.constant 0 : i32
      %ne3A_373 = arith.cmpi ne, %rem3A_371, %ne3A_372 : i32
      %lt3A_374 = arith.constant 0 : i32
      %lt3A_375 = arith.cmpi slt, %rem3A_371, %lt3A_374 : i32
      %lt3A_376 = arith.constant 0 : i32
      %lt3A_377 = arith.cmpi slt, %select_n3A_370, %lt3A_376 : i32
      %ne3A_378 = arith.xori %lt3A_375, %lt3A_377 : i1
      %and3A_379 = arith.andi %ne3A_378, %ne3A_373 : i1
      %add3A_380 = arith.addi %rem3A_371, %select_n3A_370 : i32
      %select_n3A_381 = arith.select %and3A_379, %add3A_380, %rem3A_371 : i32
      %mul3A_382 = arith.constant 8 : i32
      %mul3A_383 = arith.muli %select_n3A_365, %mul3A_382 : i32
      %mul3A_384 = arith.constant 256 : i32
      %mul3A_385 = arith.muli %select_n3A_381, %mul3A_384 : i32
      %add3A_386 = arith.addi %mul3A_2, %mul3A_385 : i32
      %dma_start3A_387 = tpu.memref_slice %arg2[%mul3A_383, %add3A_386] : memref<200x16384xi32, #tpu.memory_space<hbm>> -> memref<8x256xi32, #tpu.memory_space<hbm>>
      %dma_start3A_388 = tpu.memref_slice %arg2[%mul3A_383, %add3A_386] : memref<200x16384xi32, #tpu.memory_space<hbm>> -> memref<8x256xi32, #tpu.memory_space<hbm>>
      tpu.enqueue_dma source(%dma_start3A_388 : memref<8x256xi32, #tpu.memory_space<hbm>>) target(%arg9 : memref<8x256xi32, #tpu.memory_space<vmem>>) target_semaphore(%arg13 : memref<!tpu.dma_semaphore, #tpu.memory_space<semaphore_mem>>)
    }
    %scan3A_85 = arith.constant 23 : i32
    %dma_wait3A_86 = arith.constant 0 : i32
    %dma_wait3A_87 = arith.constant 0 : i32
    %dma_wait3A_88 = tpu.memref_slice %arg2[%dma_wait3A_86, %dma_wait3A_87] : memref<200x16384xi32, #tpu.memory_space<hbm>> -> memref<8x256xi32, #tpu.memory_space<hbm>>
    %dma_wait3A_89 = arith.constant 0 : i32
    %dma_wait3A_90 = arith.constant 0 : i32
    %dma_wait3A_91 = tpu.memref_slice %arg2[%dma_wait3A_89, %dma_wait3A_90] : memref<200x16384xi32, #tpu.memory_space<hbm>> -> memref<8x256xi32, #tpu.memory_space<hbm>>
    tpu.wait_dma2 semaphore(%arg12 : memref<!tpu.dma_semaphore, #tpu.memory_space<semaphore_mem>>) src(%dma_wait3A_91 : memref<8x256xi32, #tpu.memory_space<hbm>>) dst(%arg8 : memref<8x256xi32, #tpu.memory_space<vmem>>)
    %dma_wait3A_92 = arith.constant 0 : i32
    %dma_wait3A_93 = arith.constant 0 : i32
    %dma_wait3A_94 = arith.constant 0 : i32
    %dma_wait3A_95 = tpu.memref_slice %arg4[%dma_wait3A_92, %dma_wait3A_93, %dma_wait3A_94] : memref<3x200x16384xf32, #tpu.memory_space<hbm>> -> memref<3x8x256xf32, #tpu.memory_space<hbm>>
    %dma_wait3A_96 = arith.constant 0 : i32
    %dma_wait3A_97 = arith.constant 0 : i32
    %dma_wait3A_98 = arith.constant 0 : i32
    %dma_wait3A_99 = tpu.memref_slice %arg4[%dma_wait3A_96, %dma_wait3A_97, %dma_wait3A_98] : memref<3x200x16384xf32, #tpu.memory_space<hbm>> -> memref<3x8x256xf32, #tpu.memory_space<hbm>>
    tpu.wait_dma2 semaphore(%arg14 : memref<!tpu.dma_semaphore, #tpu.memory_space<semaphore_mem>>) src(%arg10 : memref<3x8x256xf32, #tpu.memory_space<vmem>>) dst(%dma_wait3A_99 : memref<3x8x256xf32, #tpu.memory_space<hbm>>)
    %parallel_loop3A_100 = arith.constant 0 : i32
    %parallel_loop3A_101 = arith.constant 8 : i32
    %parallel_loop3A_102 = arith.constant 1 : i32
    scf.for %parallel_loop3A_152 = %parallel_loop3A_100 to %parallel_loop3A_101 step %parallel_loop3A_102  : i32 {
      %parallel_loop3A_153 = arith.index_cast %parallel_loop3A_152 : i32 to index
      %parallel_loop3A_154 = arith.constant 0 : index
      %parallel_loop3A_155 = tpu.vector_load %arg8[%parallel_loop3A_153, %parallel_loop3A_154] {strides = array<i32>} : memref<8x256xi32, #tpu.memory_space<vmem>>, vector<16xi32>,
      %parallel_loop3A_156 = tpu.vector_load_idx %arg5[%parallel_loop3A_155] : memref<8352xf32, #tpu.memory_space<vmem>>[vector<16xi32>], vector<16xf32>,
      %parallel_loop3A_157 = arith.constant 0 : i32
      %parallel_loop3A_158 = arith.index_cast %parallel_loop3A_157 : i32 to index
      %parallel_loop3A_159 = arith.index_cast %parallel_loop3A_152 : i32 to index
      %parallel_loop3A_160 = arith.constant 0 : index
      %parallel_loop3A_161 = tpu.vector_load %arg10[%parallel_loop3A_158, %parallel_loop3A_159, %parallel_loop3A_160] {strides = array<i32>} : memref<3x8x256xf32, #tpu.memory_space<vmem>>, vector<16xf32>,
      tpu.vector_store %arg10[%parallel_loop3A_158, %parallel_loop3A_159, %parallel_loop3A_160], %parallel_loop3A_156 {strides = array<i32>} : memref<3x8x256xf32, #tpu.memory_space<vmem>>, vector<16xf32>,
      %parallel_loop3A_162 = tpu.vector_load_idx %arg6[%parallel_loop3A_155] : memref<8352xf32, #tpu.memory_space<vmem>>[vector<16xi32>], vector<16xf32>,
      %parallel_loop3A_163 = arith.constant 1 : i32
      %parallel_loop3A_164 = arith.index_cast %parallel_loop3A_163 : i32 to index
      %parallel_loop3A_165 = arith.index_cast %parallel_loop3A_152 : i32 to index
      %parallel_loop3A_166 = arith.constant 0 : index
      %parallel_loop3A_167 = tpu.vector_load %arg10[%parallel_loop3A_164, %parallel_loop3A_165, %parallel_loop3A_166] {strides = array<i32>} : memref<3x8x256xf32, #tpu.memory_space<vmem>>, vector<16xf32>,
      tpu.vector_store %arg10[%parallel_loop3A_164, %parallel_loop3A_165, %parallel_loop3A_166], %parallel_loop3A_162 {strides = array<i32>} : memref<3x8x256xf32, #tpu.memory_space<vmem>>, vector<16xf32>,
      %parallel_loop3A_168 = tpu.vector_load_idx %arg7[%parallel_loop3A_155] : memref<8352xf32, #tpu.memory_space<vmem>>[vector<16xi32>], vector<16xf32>,
      %parallel_loop3A_169 = arith.constant 2 : i32
      %parallel_loop3A_170 = arith.index_cast %parallel_loop3A_169 : i32 to index
      %parallel_loop3A_171 = arith.index_cast %parallel_loop3A_152 : i32 to index
      %parallel_loop3A_172 = arith.constant 0 : index
      %parallel_loop3A_173 = tpu.vector_load %arg10[%parallel_loop3A_170, %parallel_loop3A_171, %parallel_loop3A_172] {strides = array<i32>} : memref<3x8x256xf32, #tpu.memory_space<vmem>>, vector<16xf32>,
      tpu.vector_store %arg10[%parallel_loop3A_170, %parallel_loop3A_171, %parallel_loop3A_172], %parallel_loop3A_168 {strides = array<i32>} : memref<3x8x256xf32, #tpu.memory_space<vmem>>, vector<16xf32>,
      %parallel_loop3A_174 = arith.index_cast %parallel_loop3A_152 : i32 to index
      %parallel_loop3A_175 = arith.constant 16 : index
      %parallel_loop3A_176 = tpu.vector_load %arg8[%parallel_loop3A_174, %parallel_loop3A_175] {strides = array<i32>} : memref<8x256xi32, #tpu.memory_space<vmem>>, vector<16xi32>,
      %parallel_loop3A_177 = tpu.vector_load_idx %arg5[%parallel_loop3A_176] : memref<8352xf32, #tpu.memory_space<vmem>>[vector<16xi32>], vector<16xf32>,
      %parallel_loop3A_178 = arith.constant 0 : i32
      %parallel_loop3A_179 = arith.index_cast %parallel_loop3A_178 : i32 to index
      %parallel_loop3A_180 = arith.index_cast %parallel_loop3A_152 : i32 to index
      %parallel_loop3A_181 = arith.constant 16 : index
      %parallel_loop3A_182 = tpu.vector_load %arg10[%parallel_loop3A_179, %parallel_loop3A_180, %parallel_loop3A_181] {strides = array<i32>} : memref<3x8x256xf32, #tpu.memory_space<vmem>>, vector<16xf32>,
      tpu.vector_store %arg10[%parallel_loop3A_179, %parallel_loop3A_180, %parallel_loop3A_181], %parallel_loop3A_177 {strides = array<i32>} : memref<3x8x256xf32, #tpu.memory_space<vmem>>, vector<16xf32>,
      %parallel_loop3A_183 = tpu.vector_load_idx %arg6[%parallel_loop3A_176] : memref<8352xf32, #tpu.memory_space<vmem>>[vector<16xi32>], vector<16xf32>,
      %parallel_loop3A_184 = arith.constant 1 : i32
      %parallel_loop3A_185 = arith.index_cast %parallel_loop3A_184 : i32 to index
      %parallel_loop3A_186 = arith.index_cast %parallel_loop3A_152 : i32 to index
      %parallel_loop3A_187 = arith.constant 16 : index
      %parallel_loop3A_188 = tpu.vector_load %arg10[%parallel_loop3A_185, %parallel_loop3A_186, %parallel_loop3A_187] {strides = array<i32>} : memref<3x8x256xf32, #tpu.memory_space<vmem>>, vector<16xf32>,
      tpu.vector_store %arg10[%parallel_loop3A_185, %parallel_loop3A_186, %parallel_loop3A_187], %parallel_loop3A_183 {strides = array<i32>} : memref<3x8x256xf32, #tpu.memory_space<vmem>>, vector<16xf32>,
      %parallel_loop3A_189 = tpu.vector_load_idx %arg7[%parallel_loop3A_176] : memref<8352xf32, #tpu.memory_space<vmem>>[vector<16xi32>], vector<16xf32>,
      %parallel_loop3A_190 = arith.constant 2 : i32
      %parallel_loop3A_191 = arith.index_cast %parallel_loop3A_190 : i32 to index
      %parallel_loop3A_192 = arith.index_cast %parallel_loop3A_152 : i32 to index
      %parallel_loop3A_193 = arith.constant 16 : index
      %parallel_loop3A_194 = tpu.vector_load %arg10[%parallel_loop3A_191, %parallel_loop3A_192, %parallel_loop3A_193] {strides = array<i32>} : memref<3x8x256xf32, #tpu.memory_space<vmem>>, vector<16xf32>,
      tpu.vector_store %arg10[%parallel_loop3A_191, %parallel_loop3A_192, %parallel_loop3A_193], %parallel_loop3A_189 {strides = array<i32>} : memref<3x8x256xf32, #tpu.memory_space<vmem>>, vector<16xf32>,
      %parallel_loop3A_195 = arith.index_cast %parallel_loop3A_152 : i32 to index
      %parallel_loop3A_196 = arith.constant 32 : index
      %parallel_loop3A_197 = tpu.vector_load %arg8[%parallel_loop3A_195, %parallel_loop3A_196] {strides = array<i32>} : memref<8x256xi32, #tpu.memory_space<vmem>>, vector<16xi32>,
      %parallel_loop3A_198 = tpu.vector_load_idx %arg5[%parallel_loop3A_197] : memref<8352xf32, #tpu.memory_space<vmem>>[vector<16xi32>], vector<16xf32>,
      %parallel_loop3A_199 = arith.constant 0 : i32
      %parallel_loop3A_200 = arith.index_cast %parallel_loop3A_199 : i32 to index
      %parallel_loop3A_201 = arith.index_cast %parallel_loop3A_152 : i32 to index
      %parallel_loop3A_202 = arith.constant 32 : index
      %parallel_loop3A_203 = tpu.vector_load %arg10[%parallel_loop3A_200, %parallel_loop3A_201, %parallel_loop3A_202] {strides = array<i32>} : memref<3x8x256xf32, #tpu.memory_space<vmem>>, vector<16xf32>,
      tpu.vector_store %arg10[%parallel_loop3A_200, %parallel_loop3A_201, %parallel_loop3A_202], %parallel_loop3A_198 {strides = array<i32>} : memref<3x8x256xf32, #tpu.memory_space<vmem>>, vector<16xf32>,
      %parallel_loop3A_204 = tpu.vector_load_idx %arg6[%parallel_loop3A_197] : memref<8352xf32, #tpu.memory_space<vmem>>[vector<16xi32>], vector<16xf32>,
      %parallel_loop3A_205 = arith.constant 1 : i32
      %parallel_loop3A_206 = arith.index_cast %parallel_loop3A_205 : i32 to index
      %parallel_loop3A_207 = arith.index_cast %parallel_loop3A_152 : i32 to index
      %parallel_loop3A_208 = arith.constant 32 : index
      %parallel_loop3A_209 = tpu.vector_load %arg10[%parallel_loop3A_206, %parallel_loop3A_207, %parallel_loop3A_208] {strides = array<i32>} : memref<3x8x256xf32, #tpu.memory_space<vmem>>, vector<16xf32>,
      tpu.vector_store %arg10[%parallel_loop3A_206, %parallel_loop3A_207, %parallel_loop3A_208], %parallel_loop3A_204 {strides = array<i32>} : memref<3x8x256xf32, #tpu.memory_space<vmem>>, vector<16xf32>,
      %parallel_loop3A_210 = tpu.vector_load_idx %arg7[%parallel_loop3A_197] : memref<8352xf32, #tpu.memory_space<vmem>>[vector<16xi32>], vector<16xf32>,
      %parallel_loop3A_211 = arith.constant 2 : i32
      %parallel_loop3A_212 = arith.index_cast %parallel_loop3A_211 : i32 to index
      %parallel_loop3A_213 = arith.index_cast %parallel_loop3A_152 : i32 to index
      %parallel_loop3A_214 = arith.constant 32 : index
      %parallel_loop3A_215 = tpu.vector_load %arg10[%parallel_loop3A_212, %parallel_loop3A_213, %parallel_loop3A_214] {strides = array<i32>} : memref<3x8x256xf32, #tpu.memory_space<vmem>>, vector<16xf32>,
      tpu.vector_store %arg10[%parallel_loop3A_212, %parallel_loop3A_213, %parallel_loop3A_214], %parallel_loop3A_210 {strides = array<i32>} : memref<3x8x256xf32, #tpu.memory_space<vmem>>, vector<16xf32>,
      %parallel_loop3A_216 = arith.index_cast %parallel_loop3A_152 : i32 to index
      %parallel_loop3A_217 = arith.constant 48 : index
      %parallel_loop3A_218 = tpu.vector_load %arg8[%parallel_loop3A_216, %parallel_loop3A_217] {strides = array<i32>} : memref<8x256xi32, #tpu.memory_space<vmem>>, vector<16xi32>,
      %parallel_loop3A_219 = tpu.vector_load_idx %arg5[%parallel_loop3A_218] : memref<8352xf32, #tpu.memory_space<vmem>>[vector<16xi32>], vector<16xf32>,
      %parallel_loop3A_220 = arith.constant 0 : i32
      %parallel_loop3A_221 = arith.index_cast %parallel_loop3A_220 : i32 to index
      %parallel_loop3A_222 = arith.index_cast %parallel_loop3A_152 : i32 to index
      %parallel_loop3A_223 = arith.constant 48 : index
      %parallel_loop3A_224 = tpu.vector_load %arg10[%parallel_loop3A_221, %parallel_loop3A_222, %parallel_loop3A_223] {strides = array<i32>} : memref<3x8x256xf32, #tpu.memory_space<vmem>>, vector<16xf32>,
      tpu.vector_store %arg10[%parallel_loop3A_221, %parallel_loop3A_222, %parallel_loop3A_223], %parallel_loop3A_219 {strides = array<i32>} : memref<3x8x256xf32, #tpu.memory_space<vmem>>, vector<16xf32>,
      %parallel_loop3A_225 = tpu.vector_load_idx %arg6[%parallel_loop3A_218] : memref<8352xf32, #tpu.memory_space<vmem>>[vector<16xi32>], vector<16xf32>,
      %parallel_loop3A_226 = arith.constant 1 : i32
      %parallel_loop3A_227 = arith.index_cast %parallel_loop3A_226 : i32 to index
      %parallel_loop3A_228 = arith.index_cast %parallel_loop3A_152 : i32 to index
      %parallel_loop3A_229 = arith.constant 48 : index
      %parallel_loop3A_230 = tpu.vector_load %arg10[%parallel_loop3A_227, %parallel_loop3A_228, %parallel_loop3A_229] {strides = array<i32>} : memref<3x8x256xf32, #tpu.memory_space<vmem>>, vector<16xf32>,
      tpu.vector_store %arg10[%parallel_loop3A_227, %parallel_loop3A_228, %parallel_loop3A_229], %parallel_loop3A_225 {strides = array<i32>} : memref<3x8x256xf32, #tpu.memory_space<vmem>>, vector<16xf32>,
      %parallel_loop3A_231 = tpu.vector_load_idx %arg7[%parallel_loop3A_218] : memref<8352xf32, #tpu.memory_space<vmem>>[vector<16xi32>], vector<16xf32>,
      %parallel_loop3A_232 = arith.constant 2 : i32
      %parallel_loop3A_233 = arith.index_cast %parallel_loop3A_232 : i32 to index
      %parallel_loop3A_234 = arith.index_cast %parallel_loop3A_152 : i32 to index
      %parallel_loop3A_235 = arith.constant 48 : index
      %parallel_loop3A_236 = tpu.vector_load %arg10[%parallel_loop3A_233, %parallel_loop3A_234, %parallel_loop3A_235] {strides = array<i32>} : memref<3x8x256xf32, #tpu.memory_space<vmem>>, vector<16xf32>,
      tpu.vector_store %arg10[%parallel_loop3A_233, %parallel_loop3A_234, %parallel_loop3A_235], %parallel_loop3A_231 {strides = array<i32>} : memref<3x8x256xf32, #tpu.memory_space<vmem>>, vector<16xf32>,
      %parallel_loop3A_237 = arith.index_cast %parallel_loop3A_152 : i32 to index
      %parallel_loop3A_238 = arith.constant 64 : index
      %parallel_loop3A_239 = tpu.vector_load %arg8[%parallel_loop3A_237, %parallel_loop3A_238] {strides = array<i32>} : memref<8x256xi32, #tpu.memory_space<vmem>>, vector<16xi32>,
      %parallel_loop3A_240 = tpu.vector_load_idx %arg5[%parallel_loop3A_239] : memref<8352xf32, #tpu.memory_space<vmem>>[vector<16xi32>], vector<16xf32>,
      %parallel_loop3A_241 = arith.constant 0 : i32
      %parallel_loop3A_242 = arith.index_cast %parallel_loop3A_241 : i32 to index
      %parallel_loop3A_243 = arith.index_cast %parallel_loop3A_152 : i32 to index
      %parallel_loop3A_244 = arith.constant 64 : index
      %parallel_loop3A_245 = tpu.vector_load %arg10[%parallel_loop3A_242, %parallel_loop3A_243, %parallel_loop3A_244] {strides = array<i32>} : memref<3x8x256xf32, #tpu.memory_space<vmem>>, vector<16xf32>,
      tpu.vector_store %arg10[%parallel_loop3A_242, %parallel_loop3A_243, %parallel_loop3A_244], %parallel_loop3A_240 {strides = array<i32>} : memref<3x8x256xf32, #tpu.memory_space<vmem>>, vector<16xf32>,
      %parallel_loop3A_246 = tpu.vector_load_idx %arg6[%parallel_loop3A_239] : memref<8352xf32, #tpu.memory_space<vmem>>[vector<16xi32>], vector<16xf32>,
      %parallel_loop3A_247 = arith.constant 1 : i32
      %parallel_loop3A_248 = arith.index_cast %parallel_loop3A_247 : i32 to index
      %parallel_loop3A_249 = arith.index_cast %parallel_loop3A_152 : i32 to index
      %parallel_loop3A_250 = arith.constant 64 : index
      %parallel_loop3A_251 = tpu.vector_load %arg10[%parallel_loop3A_248, %parallel_loop3A_249, %parallel_loop3A_250] {strides = array<i32>} : memref<3x8x256xf32, #tpu.memory_space<vmem>>, vector<16xf32>,
      tpu.vector_store %arg10[%parallel_loop3A_248, %parallel_loop3A_249, %parallel_loop3A_250], %parallel_loop3A_246 {strides = array<i32>} : memref<3x8x256xf32, #tpu.memory_space<vmem>>, vector<16xf32>,
      %parallel_loop3A_252 = tpu.vector_load_idx %arg7[%parallel_loop3A_239] : memref<8352xf32, #tpu.memory_space<vmem>>[vector<16xi32>], vector<16xf32>,
      %parallel_loop3A_253 = arith.constant 2 : i32
      %parallel_loop3A_254 = arith.index_cast %parallel_loop3A_253 : i32 to index
      %parallel_loop3A_255 = arith.index_cast %parallel_loop3A_152 : i32 to index
      %parallel_loop3A_256 = arith.constant 64 : index
      %parallel_loop3A_257 = tpu.vector_load %arg10[%parallel_loop3A_254, %parallel_loop3A_255, %parallel_loop3A_256] {strides = array<i32>} : memref<3x8x256xf32, #tpu.memory_space<vmem>>, vector<16xf32>,
      tpu.vector_store %arg10[%parallel_loop3A_254, %parallel_loop3A_255, %parallel_loop3A_256], %parallel_loop3A_252 {strides = array<i32>} : memref<3x8x256xf32, #tpu.memory_space<vmem>>, vector<16xf32>,
      %parallel_loop3A_258 = arith.index_cast %parallel_loop3A_152 : i32 to index
      %parallel_loop3A_259 = arith.constant 80 : index
      %parallel_loop3A_260 = tpu.vector_load %arg8[%parallel_loop3A_258, %parallel_loop3A_259] {strides = array<i32>} : memref<8x256xi32, #tpu.memory_space<vmem>>, vector<16xi32>,
      %parallel_loop3A_261 = tpu.vector_load_idx %arg5[%parallel_loop3A_260] : memref<8352xf32, #tpu.memory_space<vmem>>[vector<16xi32>], vector<16xf32>,
      %parallel_loop3A_262 = arith.constant 0 : i32
      %parallel_loop3A_263 = arith.index_cast %parallel_loop3A_262 : i32 to index
      %parallel_loop3A_264 = arith.index_cast %parallel_loop3A_152 : i32 to index
      %parallel_loop3A_265 = arith.constant 80 : index
      %parallel_loop3A_266 = tpu.vector_load %arg10[%parallel_loop3A_263, %parallel_loop3A_264, %parallel_loop3A_265] {strides = array<i32>} : memref<3x8x256xf32, #tpu.memory_space<vmem>>, vector<16xf32>,
      tpu.vector_store %arg10[%parallel_loop3A_263, %parallel_loop3A_264, %parallel_loop3A_265], %parallel_loop3A_261 {strides = array<i32>} : memref<3x8x256xf32, #tpu.memory_space<vmem>>, vector<16xf32>,
      %parallel_loop3A_267 = tpu.vector_load_idx %arg6[%parallel_loop3A_260] : memref<8352xf32, #tpu.memory_space<vmem>>[vector<16xi32>], vector<16xf32>,
      %parallel_loop3A_268 = arith.constant 1 : i32
      %parallel_loop3A_269 = arith.index_cast %parallel_loop3A_268 : i32 to index
      %parallel_loop3A_270 = arith.index_cast %parallel_loop3A_152 : i32 to index
      %parallel_loop3A_271 = arith.constant 80 : index
      %parallel_loop3A_272 = tpu.vector_load %arg10[%parallel_loop3A_269, %parallel_loop3A_270, %parallel_loop3A_271] {strides = array<i32>} : memref<3x8x256xf32, #tpu.memory_space<vmem>>, vector<16xf32>,
      tpu.vector_store %arg10[%parallel_loop3A_269, %parallel_loop3A_270, %parallel_loop3A_271], %parallel_loop3A_267 {strides = array<i32>} : memref<3x8x256xf32, #tpu.memory_space<vmem>>, vector<16xf32>,
      %parallel_loop3A_273 = tpu.vector_load_idx %arg7[%parallel_loop3A_260] : memref<8352xf32, #tpu.memory_space<vmem>>[vector<16xi32>], vector<16xf32>,
      %parallel_loop3A_274 = arith.constant 2 : i32
      %parallel_loop3A_275 = arith.index_cast %parallel_loop3A_274 : i32 to index
      %parallel_loop3A_276 = arith.index_cast %parallel_loop3A_152 : i32 to index
      %parallel_loop3A_277 = arith.constant 80 : index
      %parallel_loop3A_278 = tpu.vector_load %arg10[%parallel_loop3A_275, %parallel_loop3A_276, %parallel_loop3A_277] {strides = array<i32>} : memref<3x8x256xf32, #tpu.memory_space<vmem>>, vector<16xf32>,
      tpu.vector_store %arg10[%parallel_loop3A_275, %parallel_loop3A_276, %parallel_loop3A_277], %parallel_loop3A_273 {strides = array<i32>} : memref<3x8x256xf32, #tpu.memory_space<vmem>>, vector<16xf32>,
      %parallel_loop3A_279 = arith.index_cast %parallel_loop3A_152 : i32 to index
      %parallel_loop3A_280 = arith.constant 96 : index
      %parallel_loop3A_281 = tpu.vector_load %arg8[%parallel_loop3A_279, %parallel_loop3A_280] {strides = array<i32>} : memref<8x256xi32, #tpu.memory_space<vmem>>, vector<16xi32>,
      %parallel_loop3A_282 = tpu.vector_load_idx %arg5[%parallel_loop3A_281] : memref<8352xf32, #tpu.memory_space<vmem>>[vector<16xi32>], vector<16xf32>,
      %parallel_loop3A_283 = arith.constant 0 : i32
      %parallel_loop3A_284 = arith.index_cast %parallel_loop3A_283 : i32 to index
      %parallel_loop3A_285 = arith.index_cast %parallel_loop3A_152 : i32 to index
      %parallel_loop3A_286 = arith.constant 96 : index
      %parallel_loop3A_287 = tpu.vector_load %arg10[%parallel_loop3A_284, %parallel_loop3A_285, %parallel_loop3A_286] {strides = array<i32>} : memref<3x8x256xf32, #tpu.memory_space<vmem>>, vector<16xf32>,
      tpu.vector_store %arg10[%parallel_loop3A_284, %parallel_loop3A_285, %parallel_loop3A_286], %parallel_loop3A_282 {strides = array<i32>} : memref<3x8x256xf32, #tpu.memory_space<vmem>>, vector<16xf32>,
      %parallel_loop3A_288 = tpu.vector_load_idx %arg6[%parallel_loop3A_281] : memref<8352xf32, #tpu.memory_space<vmem>>[vector<16xi32>], vector<16xf32>,
      %parallel_loop3A_289 = arith.constant 1 : i32
      %parallel_loop3A_290 = arith.index_cast %parallel_loop3A_289 : i32 to index
      %parallel_loop3A_291 = arith.index_cast %parallel_loop3A_152 : i32 to index
      %parallel_loop3A_292 = arith.constant 96 : index
      %parallel_loop3A_293 = tpu.vector_load %arg10[%parallel_loop3A_290, %parallel_loop3A_291, %parallel_loop3A_292] {strides = array<i32>} : memref<3x8x256xf32, #tpu.memory_space<vmem>>, vector<16xf32>,
      tpu.vector_store %arg10[%parallel_loop3A_290, %parallel_loop3A_291, %parallel_loop3A_292], %parallel_loop3A_288 {strides = array<i32>} : memref<3x8x256xf32, #tpu.memory_space<vmem>>, vector<16xf32>,
      %parallel_loop3A_294 = tpu.vector_load_idx %arg7[%parallel_loop3A_281] : memref<8352xf32, #tpu.memory_space<vmem>>[vector<16xi32>], vector<16xf32>,
      %parallel_loop3A_295 = arith.constant 2 : i32
      %parallel_loop3A_296 = arith.index_cast %parallel_loop3A_295 : i32 to index
      %parallel_loop3A_297 = arith.index_cast %parallel_loop3A_152 : i32 to index
      %parallel_loop3A_298 = arith.constant 96 : index
      %parallel_loop3A_299 = tpu.vector_load %arg10[%parallel_loop3A_296, %parallel_loop3A_297, %parallel_loop3A_298] {strides = array<i32>} : memref<3x8x256xf32, #tpu.memory_space<vmem>>, vector<16xf32>,
      tpu.vector_store %arg10[%parallel_loop3A_296, %parallel_loop3A_297, %parallel_loop3A_298], %parallel_loop3A_294 {strides = array<i32>} : memref<3x8x256xf32, #tpu.memory_space<vmem>>, vector<16xf32>,
      %parallel_loop3A_300 = arith.index_cast %parallel_loop3A_152 : i32 to index
      %parallel_loop3A_301 = arith.constant 112 : index
      %parallel_loop3A_302 = tpu.vector_load %arg8[%parallel_loop3A_300, %parallel_loop3A_301] {strides = array<i32>} : memref<8x256xi32, #tpu.memory_space<vmem>>, vector<16xi32>,
      %parallel_loop3A_303 = tpu.vector_load_idx %arg5[%parallel_loop3A_302] : memref<8352xf32, #tpu.memory_space<vmem>>[vector<16xi32>], vector<16xf32>,
      %parallel_loop3A_304 = arith.constant 0 : i32
      %parallel_loop3A_305 = arith.index_cast %parallel_loop3A_304 : i32 to index
      %parallel_loop3A_306 = arith.index_cast %parallel_loop3A_152 : i32 to index
      %parallel_loop3A_307 = arith.constant 112 : index
      %parallel_loop3A_308 = tpu.vector_load %arg10[%parallel_loop3A_305, %parallel_loop3A_306, %parallel_loop3A_307] {strides = array<i32>} : memref<3x8x256xf32, #tpu.memory_space<vmem>>, vector<16xf32>,
      tpu.vector_store %arg10[%parallel_loop3A_305, %parallel_loop3A_306, %parallel_loop3A_307], %parallel_loop3A_303 {strides = array<i32>} : memref<3x8x256xf32, #tpu.memory_space<vmem>>, vector<16xf32>,
      %parallel_loop3A_309 = tpu.vector_load_idx %arg6[%parallel_loop3A_302] : memref<8352xf32, #tpu.memory_space<vmem>>[vector<16xi32>], vector<16xf32>,
      %parallel_loop3A_310 = arith.constant 1 : i32
      %parallel_loop3A_311 = arith.index_cast %parallel_loop3A_310 : i32 to index
      %parallel_loop3A_312 = arith.index_cast %parallel_loop3A_152 : i32 to index
      %parallel_loop3A_313 = arith.constant 112 : index
      %parallel_loop3A_314 = tpu.vector_load %arg10[%parallel_loop3A_311, %parallel_loop3A_312, %parallel_loop3A_313] {strides = array<i32>} : memref<3x8x256xf32, #tpu.memory_space<vmem>>, vector<16xf32>,
      tpu.vector_store %arg10[%parallel_loop3A_311, %parallel_loop3A_312, %parallel_loop3A_313], %parallel_loop3A_309 {strides = array<i32>} : memref<3x8x256xf32, #tpu.memory_space<vmem>>, vector<16xf32>,
      %parallel_loop3A_315 = tpu.vector_load_idx %arg7[%parallel_loop3A_302] : memref<8352xf32, #tpu.memory_space<vmem>>[vector<16xi32>], vector<16xf32>,
      %parallel_loop3A_316 = arith.constant 2 : i32
      %parallel_loop3A_317 = arith.index_cast %parallel_loop3A_316 : i32 to index
      %parallel_loop3A_318 = arith.index_cast %parallel_loop3A_152 : i32 to index
      %parallel_loop3A_319 = arith.constant 112 : index
      %parallel_loop3A_320 = tpu.vector_load %arg10[%parallel_loop3A_317, %parallel_loop3A_318, %parallel_loop3A_319] {strides = array<i32>} : memref<3x8x256xf32, #tpu.memory_space<vmem>>, vector<16xf32>,
      tpu.vector_store %arg10[%parallel_loop3A_317, %parallel_loop3A_318, %parallel_loop3A_319], %parallel_loop3A_315 {strides = array<i32>} : memref<3x8x256xf32, #tpu.memory_space<vmem>>, vector<16xf32>,
      %parallel_loop3A_321 = arith.index_cast %parallel_loop3A_152 : i32 to index
      %parallel_loop3A_322 = arith.constant 128 : index
      %parallel_loop3A_323 = tpu.vector_load %arg8[%parallel_loop3A_321, %parallel_loop3A_322] {strides = array<i32>} : memref<8x256xi32, #tpu.memory_space<vmem>>, vector<16xi32>,
      %parallel_loop3A_324 = tpu.vector_load_idx %arg5[%parallel_loop3A_323] : memref<8352xf32, #tpu.memory_space<vmem>>[vector<16xi32>], vector<16xf32>,
      %parallel_loop3A_325 = arith.constant 0 : i32
      %parallel_loop3A_326 = arith.index_cast %parallel_loop3A_325 : i32 to index
      %parallel_loop3A_327 = arith.index_cast %parallel_loop3A_152 : i32 to index
      %parallel_loop3A_328 = arith.constant 128 : index
      %parallel_loop3A_329 = tpu.vector_load %arg10[%parallel_loop3A_326, %parallel_loop3A_327, %parallel_loop3A_328] {strides = array<i32>} : memref<3x8x256xf32, #tpu.memory_space<vmem>>, vector<16xf32>,
      tpu.vector_store %arg10[%parallel_loop3A_326, %parallel_loop3A_327, %parallel_loop3A_328], %parallel_loop3A_324 {strides = array<i32>} : memref<3x8x256xf32, #tpu.memory_space<vmem>>, vector<16xf32>,
      %parallel_loop3A_330 = tpu.vector_load_idx %arg6[%parallel_loop3A_323] : memref<8352xf32, #tpu.memory_space<vmem>>[vector<16xi32>], vector<16xf32>,
      %parallel_loop3A_331 = arith.constant 1 : i32
      %parallel_loop3A_332 = arith.index_cast %parallel_loop3A_331 : i32 to index
      %parallel_loop3A_333 = arith.index_cast %parallel_loop3A_152 : i32 to index
      %parallel_loop3A_334 = arith.constant 128 : index
      %parallel_loop3A_335 = tpu.vector_load %arg10[%parallel_loop3A_332, %parallel_loop3A_333, %parallel_loop3A_334] {strides = array<i32>} : memref<3x8x256xf32, #tpu.memory_space<vmem>>, vector<16xf32>,
      tpu.vector_store %arg10[%parallel_loop3A_332, %parallel_loop3A_333, %parallel_loop3A_334], %parallel_loop3A_330 {strides = array<i32>} : memref<3x8x256xf32, #tpu.memory_space<vmem>>, vector<16xf32>,
      %parallel_loop3A_336 = tpu.vector_load_idx %arg7[%parallel_loop3A_323] : memref<8352xf32, #tpu.memory_space<vmem>>[vector<16xi32>], vector<16xf32>,
      %parallel_loop3A_337 = arith.constant 2 : i32
      %parallel_loop3A_338 = arith.index_cast %parallel_loop3A_337 : i32 to index
      %parallel_loop3A_339 = arith.index_cast %parallel_loop3A_152 : i32 to index
      %parallel_loop3A_340 = arith.constant 128 : index
      %parallel_loop3A_341 = tpu.vector_load %arg10[%parallel_loop3A_338, %parallel_loop3A_339, %parallel_loop3A_340] {strides = array<i32>} : memref<3x8x256xf32, #tpu.memory_space<vmem>>, vector<16xf32>,
      tpu.vector_store %arg10[%parallel_loop3A_338, %parallel_loop3A_339, %parallel_loop3A_340], %parallel_loop3A_336 {strides = array<i32>} : memref<3x8x256xf32, #tpu.memory_space<vmem>>, vector<16xf32>,
      %parallel_loop3A_342 = arith.index_cast %parallel_loop3A_152 : i32 to index
      %parallel_loop3A_343 = arith.constant 144 : index
      %parallel_loop3A_344 = tpu.vector_load %arg8[%parallel_loop3A_342, %parallel_loop3A_343] {strides = array<i32>} : memref<8x256xi32, #tpu.memory_space<vmem>>, vector<16xi32>,
      %parallel_loop3A_345 = tpu.vector_load_idx %arg5[%parallel_loop3A_344] : memref<8352xf32, #tpu.memory_space<vmem>>[vector<16xi32>], vector<16xf32>,
      %parallel_loop3A_346 = arith.constant 0 : i32
      %parallel_loop3A_347 = arith.index_cast %parallel_loop3A_346 : i32 to index
      %parallel_loop3A_348 = arith.index_cast %parallel_loop3A_152 : i32 to index
      %parallel_loop3A_349 = arith.constant 144 : index
      %parallel_loop3A_350 = tpu.vector_load %arg10[%parallel_loop3A_347, %parallel_loop3A_348, %parallel_loop3A_349] {strides = array<i32>} : memref<3x8x256xf32, #tpu.memory_space<vmem>>, vector<16xf32>,
      tpu.vector_store %arg10[%parallel_loop3A_347, %parallel_loop3A_348, %parallel_loop3A_349], %parallel_loop3A_345 {strides = array<i32>} : memref<3x8x256xf32, #tpu.memory_space<vmem>>, vector<16xf32>,
      %parallel_loop3A_351 = tpu.vector_load_idx %arg6[%parallel_loop3A_344] : memref<8352xf32, #tpu.memory_space<vmem>>[vector<16xi32>], vector<16xf32>,
      %parallel_loop3A_352 = arith.constant 1 : i32
      %parallel_loop3A_353 = arith.index_cast %parallel_loop3A_352 : i32 to index
      %parallel_loop3A_354 = arith.index_cast %parallel_loop3A_152 : i32 to index
      %parallel_loop3A_355 = arith.constant 144 : index
      %parallel_loop3A_356 = tpu.vector_load %arg10[%parallel_loop3A_353, %parallel_loop3A_354, %parallel_loop3A_355] {strides = array<i32>} : memref<3x8x256xf32, #tpu.memory_space<vmem>>, vector<16xf32>,
      tpu.vector_store %arg10[%parallel_loop3A_353, %parallel_loop3A_354, %parallel_loop3A_355], %parallel_loop3A_351 {strides = array<i32>} : memref<3x8x256xf32, #tpu.memory_space<vmem>>, vector<16xf32>,
      %parallel_loop3A_357 = tpu.vector_load_idx %arg7[%parallel_loop3A_344] : memref<8352xf32, #tpu.memory_space<vmem>>[vector<16xi32>], vector<16xf32>,
      %parallel_loop3A_358 = arith.constant 2 : i32
      %parallel_loop3A_359 = arith.index_cast %parallel_loop3A_358 : i32 to index
      %parallel_loop3A_360 = arith.index_cast %parallel_loop3A_152 : i32 to index
      %parallel_loop3A_361 = arith.constant 144 : index
      %parallel_loop3A_362 = tpu.vector_load %arg10[%parallel_loop3A_359, %parallel_loop3A_360, %parallel_loop3A_361] {strides = array<i32>} : memref<3x8x256xf32, #tpu.memory_space<vmem>>, vector<16xf32>,
      tpu.vector_store %arg10[%parallel_loop3A_359, %parallel_loop3A_360, %parallel_loop3A_361], %parallel_loop3A_357 {strides = array<i32>} : memref<3x8x256xf32, #tpu.memory_space<vmem>>, vector<16xf32>,
      %parallel_loop3A_363 = arith.index_cast %parallel_loop3A_152 : i32 to index
      %parallel_loop3A_364 = arith.constant 160 : index
      %parallel_loop3A_365 = tpu.vector_load %arg8[%parallel_loop3A_363, %parallel_loop3A_364] {strides = array<i32>} : memref<8x256xi32, #tpu.memory_space<vmem>>, vector<16xi32>,
      %parallel_loop3A_366 = tpu.vector_load_idx %arg5[%parallel_loop3A_365] : memref<8352xf32, #tpu.memory_space<vmem>>[vector<16xi32>], vector<16xf32>,
      %parallel_loop3A_367 = arith.constant 0 : i32
      %parallel_loop3A_368 = arith.index_cast %parallel_loop3A_367 : i32 to index
      %parallel_loop3A_369 = arith.index_cast %parallel_loop3A_152 : i32 to index
      %parallel_loop3A_370 = arith.constant 160 : index
      %parallel_loop3A_371 = tpu.vector_load %arg10[%parallel_loop3A_368, %parallel_loop3A_369, %parallel_loop3A_370] {strides = array<i32>} : memref<3x8x256xf32, #tpu.memory_space<vmem>>, vector<16xf32>,
      tpu.vector_store %arg10[%parallel_loop3A_368, %parallel_loop3A_369, %parallel_loop3A_370], %parallel_loop3A_366 {strides = array<i32>} : memref<3x8x256xf32, #tpu.memory_space<vmem>>, vector<16xf32>,
      %parallel_loop3A_372 = tpu.vector_load_idx %arg6[%parallel_loop3A_365] : memref<8352xf32, #tpu.memory_space<vmem>>[vector<16xi32>], vector<16xf32>,
      %parallel_loop3A_373 = arith.constant 1 : i32
      %parallel_loop3A_374 = arith.index_cast %parallel_loop3A_373 : i32 to index
      %parallel_loop3A_375 = arith.index_cast %parallel_loop3A_152 : i32 to index
      %parallel_loop3A_376 = arith.constant 160 : index
      %parallel_loop3A_377 = tpu.vector_load %arg10[%parallel_loop3A_374, %parallel_loop3A_375, %parallel_loop3A_376] {strides = array<i32>} : memref<3x8x256xf32, #tpu.memory_space<vmem>>, vector<16xf32>,
      tpu.vector_store %arg10[%parallel_loop3A_374, %parallel_loop3A_375, %parallel_loop3A_376], %parallel_loop3A_372 {strides = array<i32>} : memref<3x8x256xf32, #tpu.memory_space<vmem>>, vector<16xf32>,
      %parallel_loop3A_378 = tpu.vector_load_idx %arg7[%parallel_loop3A_365] : memref<8352xf32, #tpu.memory_space<vmem>>[vector<16xi32>], vector<16xf32>,
      %parallel_loop3A_379 = arith.constant 2 : i32
      %parallel_loop3A_380 = arith.index_cast %parallel_loop3A_379 : i32 to index
      %parallel_loop3A_381 = arith.index_cast %parallel_loop3A_152 : i32 to index
      %parallel_loop3A_382 = arith.constant 160 : index
      %parallel_loop3A_383 = tpu.vector_load %arg10[%parallel_loop3A_380, %parallel_loop3A_381, %parallel_loop3A_382] {strides = array<i32>} : memref<3x8x256xf32, #tpu.memory_space<vmem>>, vector<16xf32>,
      tpu.vector_store %arg10[%parallel_loop3A_380, %parallel_loop3A_381, %parallel_loop3A_382], %parallel_loop3A_378 {strides = array<i32>} : memref<3x8x256xf32, #tpu.memory_space<vmem>>, vector<16xf32>,
      %parallel_loop3A_384 = arith.index_cast %parallel_loop3A_152 : i32 to index
      %parallel_loop3A_385 = arith.constant 176 : index
      %parallel_loop3A_386 = tpu.vector_load %arg8[%parallel_loop3A_384, %parallel_loop3A_385] {strides = array<i32>} : memref<8x256xi32, #tpu.memory_space<vmem>>, vector<16xi32>,
      %parallel_loop3A_387 = tpu.vector_load_idx %arg5[%parallel_loop3A_386] : memref<8352xf32, #tpu.memory_space<vmem>>[vector<16xi32>], vector<16xf32>,
      %parallel_loop3A_388 = arith.constant 0 : i32
      %parallel_loop3A_389 = arith.index_cast %parallel_loop3A_388 : i32 to index
      %parallel_loop3A_390 = arith.index_cast %parallel_loop3A_152 : i32 to index
      %parallel_loop3A_391 = arith.constant 176 : index
      %parallel_loop3A_392 = tpu.vector_load %arg10[%parallel_loop3A_389, %parallel_loop3A_390, %parallel_loop3A_391] {strides = array<i32>} : memref<3x8x256xf32, #tpu.memory_space<vmem>>, vector<16xf32>,
      tpu.vector_store %arg10[%parallel_loop3A_389, %parallel_loop3A_390, %parallel_loop3A_391], %parallel_loop3A_387 {strides = array<i32>} : memref<3x8x256xf32, #tpu.memory_space<vmem>>, vector<16xf32>,
      %parallel_loop3A_393 = tpu.vector_load_idx %arg6[%parallel_loop3A_386] : memref<8352xf32, #tpu.memory_space<vmem>>[vector<16xi32>], vector<16xf32>,
      %parallel_loop3A_394 = arith.constant 1 : i32
      %parallel_loop3A_395 = arith.index_cast %parallel_loop3A_394 : i32 to index
      %parallel_loop3A_396 = arith.index_cast %parallel_loop3A_152 : i32 to index
      %parallel_loop3A_397 = arith.constant 176 : index
      %parallel_loop3A_398 = tpu.vector_load %arg10[%parallel_loop3A_395, %parallel_loop3A_396, %parallel_loop3A_397] {strides = array<i32>} : memref<3x8x256xf32, #tpu.memory_space<vmem>>, vector<16xf32>,
      tpu.vector_store %arg10[%parallel_loop3A_395, %parallel_loop3A_396, %parallel_loop3A_397], %parallel_loop3A_393 {strides = array<i32>} : memref<3x8x256xf32, #tpu.memory_space<vmem>>, vector<16xf32>,
      %parallel_loop3A_399 = tpu.vector_load_idx %arg7[%parallel_loop3A_386] : memref<8352xf32, #tpu.memory_space<vmem>>[vector<16xi32>], vector<16xf32>,
      %parallel_loop3A_400 = arith.constant 2 : i32
      %parallel_loop3A_401 = arith.index_cast %parallel_loop3A_400 : i32 to index
      %parallel_loop3A_402 = arith.index_cast %parallel_loop3A_152 : i32 to index
      %parallel_loop3A_403 = arith.constant 176 : index
      %parallel_loop3A_404 = tpu.vector_load %arg10[%parallel_loop3A_401, %parallel_loop3A_402, %parallel_loop3A_403] {strides = array<i32>} : memref<3x8x256xf32, #tpu.memory_space<vmem>>, vector<16xf32>,
      tpu.vector_store %arg10[%parallel_loop3A_401, %parallel_loop3A_402, %parallel_loop3A_403], %parallel_loop3A_399 {strides = array<i32>} : memref<3x8x256xf32, #tpu.memory_space<vmem>>, vector<16xf32>,
      %parallel_loop3A_405 = arith.index_cast %parallel_loop3A_152 : i32 to index
      %parallel_loop3A_406 = arith.constant 192 : index
      %parallel_loop3A_407 = tpu.vector_load %arg8[%parallel_loop3A_405, %parallel_loop3A_406] {strides = array<i32>} : memref<8x256xi32, #tpu.memory_space<vmem>>, vector<16xi32>,
      %parallel_loop3A_408 = tpu.vector_load_idx %arg5[%parallel_loop3A_407] : memref<8352xf32, #tpu.memory_space<vmem>>[vector<16xi32>], vector<16xf32>,
      %parallel_loop3A_409 = arith.constant 0 : i32
      %parallel_loop3A_410 = arith.index_cast %parallel_loop3A_409 : i32 to index
      %parallel_loop3A_411 = arith.index_cast %parallel_loop3A_152 : i32 to index
      %parallel_loop3A_412 = arith.constant 192 : index
      %parallel_loop3A_413 = tpu.vector_load %arg10[%parallel_loop3A_410, %parallel_loop3A_411, %parallel_loop3A_412] {strides = array<i32>} : memref<3x8x256xf32, #tpu.memory_space<vmem>>, vector<16xf32>,
      tpu.vector_store %arg10[%parallel_loop3A_410, %parallel_loop3A_411, %parallel_loop3A_412], %parallel_loop3A_408 {strides = array<i32>} : memref<3x8x256xf32, #tpu.memory_space<vmem>>, vector<16xf32>,
      %parallel_loop3A_414 = tpu.vector_load_idx %arg6[%parallel_loop3A_407] : memref<8352xf32, #tpu.memory_space<vmem>>[vector<16xi32>], vector<16xf32>,
      %parallel_loop3A_415 = arith.constant 1 : i32
      %parallel_loop3A_416 = arith.index_cast %parallel_loop3A_415 : i32 to index
      %parallel_loop3A_417 = arith.index_cast %parallel_loop3A_152 : i32 to index
      %parallel_loop3A_418 = arith.constant 192 : index
      %parallel_loop3A_419 = tpu.vector_load %arg10[%parallel_loop3A_416, %parallel_loop3A_417, %parallel_loop3A_418] {strides = array<i32>} : memref<3x8x256xf32, #tpu.memory_space<vmem>>, vector<16xf32>,
      tpu.vector_store %arg10[%parallel_loop3A_416, %parallel_loop3A_417, %parallel_loop3A_418], %parallel_loop3A_414 {strides = array<i32>} : memref<3x8x256xf32, #tpu.memory_space<vmem>>, vector<16xf32>,
      %parallel_loop3A_420 = tpu.vector_load_idx %arg7[%parallel_loop3A_407] : memref<8352xf32, #tpu.memory_space<vmem>>[vector<16xi32>], vector<16xf32>,
      %parallel_loop3A_421 = arith.constant 2 : i32
      %parallel_loop3A_422 = arith.index_cast %parallel_loop3A_421 : i32 to index
      %parallel_loop3A_423 = arith.index_cast %parallel_loop3A_152 : i32 to index
      %parallel_loop3A_424 = arith.constant 192 : index
      %parallel_loop3A_425 = tpu.vector_load %arg10[%parallel_loop3A_422, %parallel_loop3A_423, %parallel_loop3A_424] {strides = array<i32>} : memref<3x8x256xf32, #tpu.memory_space<vmem>>, vector<16xf32>,
      tpu.vector_store %arg10[%parallel_loop3A_422, %parallel_loop3A_423, %parallel_loop3A_424], %parallel_loop3A_420 {strides = array<i32>} : memref<3x8x256xf32, #tpu.memory_space<vmem>>, vector<16xf32>,
      %parallel_loop3A_426 = arith.index_cast %parallel_loop3A_152 : i32 to index
      %parallel_loop3A_427 = arith.constant 208 : index
      %parallel_loop3A_428 = tpu.vector_load %arg8[%parallel_loop3A_426, %parallel_loop3A_427] {strides = array<i32>} : memref<8x256xi32, #tpu.memory_space<vmem>>, vector<16xi32>,
      %parallel_loop3A_429 = tpu.vector_load_idx %arg5[%parallel_loop3A_428] : memref<8352xf32, #tpu.memory_space<vmem>>[vector<16xi32>], vector<16xf32>,
      %parallel_loop3A_430 = arith.constant 0 : i32
      %parallel_loop3A_431 = arith.index_cast %parallel_loop3A_430 : i32 to index
      %parallel_loop3A_432 = arith.index_cast %parallel_loop3A_152 : i32 to index
      %parallel_loop3A_433 = arith.constant 208 : index
      %parallel_loop3A_434 = tpu.vector_load %arg10[%parallel_loop3A_431, %parallel_loop3A_432, %parallel_loop3A_433] {strides = array<i32>} : memref<3x8x256xf32, #tpu.memory_space<vmem>>, vector<16xf32>,
      tpu.vector_store %arg10[%parallel_loop3A_431, %parallel_loop3A_432, %parallel_loop3A_433], %parallel_loop3A_429 {strides = array<i32>} : memref<3x8x256xf32, #tpu.memory_space<vmem>>, vector<16xf32>,
      %parallel_loop3A_435 = tpu.vector_load_idx %arg6[%parallel_loop3A_428] : memref<8352xf32, #tpu.memory_space<vmem>>[vector<16xi32>], vector<16xf32>,
      %parallel_loop3A_436 = arith.constant 1 : i32
      %parallel_loop3A_437 = arith.index_cast %parallel_loop3A_436 : i32 to index
      %parallel_loop3A_438 = arith.index_cast %parallel_loop3A_152 : i32 to index
      %parallel_loop3A_439 = arith.constant 208 : index
      %parallel_loop3A_440 = tpu.vector_load %arg10[%parallel_loop3A_437, %parallel_loop3A_438, %parallel_loop3A_439] {strides = array<i32>} : memref<3x8x256xf32, #tpu.memory_space<vmem>>, vector<16xf32>,
      tpu.vector_store %arg10[%parallel_loop3A_437, %parallel_loop3A_438, %parallel_loop3A_439], %parallel_loop3A_435 {strides = array<i32>} : memref<3x8x256xf32, #tpu.memory_space<vmem>>, vector<16xf32>,
      %parallel_loop3A_441 = tpu.vector_load_idx %arg7[%parallel_loop3A_428] : memref<8352xf32, #tpu.memory_space<vmem>>[vector<16xi32>], vector<16xf32>,
      %parallel_loop3A_442 = arith.constant 2 : i32
      %parallel_loop3A_443 = arith.index_cast %parallel_loop3A_442 : i32 to index
      %parallel_loop3A_444 = arith.index_cast %parallel_loop3A_152 : i32 to index
      %parallel_loop3A_445 = arith.constant 208 : index
      %parallel_loop3A_446 = tpu.vector_load %arg10[%parallel_loop3A_443, %parallel_loop3A_444, %parallel_loop3A_445] {strides = array<i32>} : memref<3x8x256xf32, #tpu.memory_space<vmem>>, vector<16xf32>,
      tpu.vector_store %arg10[%parallel_loop3A_443, %parallel_loop3A_444, %parallel_loop3A_445], %parallel_loop3A_441 {strides = array<i32>} : memref<3x8x256xf32, #tpu.memory_space<vmem>>, vector<16xf32>,
      %parallel_loop3A_447 = arith.index_cast %parallel_loop3A_152 : i32 to index
      %parallel_loop3A_448 = arith.constant 224 : index
      %parallel_loop3A_449 = tpu.vector_load %arg8[%parallel_loop3A_447, %parallel_loop3A_448] {strides = array<i32>} : memref<8x256xi32, #tpu.memory_space<vmem>>, vector<16xi32>,
      %parallel_loop3A_450 = tpu.vector_load_idx %arg5[%parallel_loop3A_449] : memref<8352xf32, #tpu.memory_space<vmem>>[vector<16xi32>], vector<16xf32>,
      %parallel_loop3A_451 = arith.constant 0 : i32
      %parallel_loop3A_452 = arith.index_cast %parallel_loop3A_451 : i32 to index
      %parallel_loop3A_453 = arith.index_cast %parallel_loop3A_152 : i32 to index
      %parallel_loop3A_454 = arith.constant 224 : index
      %parallel_loop3A_455 = tpu.vector_load %arg10[%parallel_loop3A_452, %parallel_loop3A_453, %parallel_loop3A_454] {strides = array<i32>} : memref<3x8x256xf32, #tpu.memory_space<vmem>>, vector<16xf32>,
      tpu.vector_store %arg10[%parallel_loop3A_452, %parallel_loop3A_453, %parallel_loop3A_454], %parallel_loop3A_450 {strides = array<i32>} : memref<3x8x256xf32, #tpu.memory_space<vmem>>, vector<16xf32>,
      %parallel_loop3A_456 = tpu.vector_load_idx %arg6[%parallel_loop3A_449] : memref<8352xf32, #tpu.memory_space<vmem>>[vector<16xi32>], vector<16xf32>,
      %parallel_loop3A_457 = arith.constant 1 : i32
      %parallel_loop3A_458 = arith.index_cast %parallel_loop3A_457 : i32 to index
      %parallel_loop3A_459 = arith.index_cast %parallel_loop3A_152 : i32 to index
      %parallel_loop3A_460 = arith.constant 224 : index
      %parallel_loop3A_461 = tpu.vector_load %arg10[%parallel_loop3A_458, %parallel_loop3A_459, %parallel_loop3A_460] {strides = array<i32>} : memref<3x8x256xf32, #tpu.memory_space<vmem>>, vector<16xf32>,
      tpu.vector_store %arg10[%parallel_loop3A_458, %parallel_loop3A_459, %parallel_loop3A_460], %parallel_loop3A_456 {strides = array<i32>} : memref<3x8x256xf32, #tpu.memory_space<vmem>>, vector<16xf32>,
      %parallel_loop3A_462 = tpu.vector_load_idx %arg7[%parallel_loop3A_449] : memref<8352xf32, #tpu.memory_space<vmem>>[vector<16xi32>], vector<16xf32>,
      %parallel_loop3A_463 = arith.constant 2 : i32
      %parallel_loop3A_464 = arith.index_cast %parallel_loop3A_463 : i32 to index
      %parallel_loop3A_465 = arith.index_cast %parallel_loop3A_152 : i32 to index
      %parallel_loop3A_466 = arith.constant 224 : index
      %parallel_loop3A_467 = tpu.vector_load %arg10[%parallel_loop3A_464, %parallel_loop3A_465, %parallel_loop3A_466] {strides = array<i32>} : memref<3x8x256xf32, #tpu.memory_space<vmem>>, vector<16xf32>,
      tpu.vector_store %arg10[%parallel_loop3A_464, %parallel_loop3A_465, %parallel_loop3A_466], %parallel_loop3A_462 {strides = array<i32>} : memref<3x8x256xf32, #tpu.memory_space<vmem>>, vector<16xf32>,
      %parallel_loop3A_468 = arith.index_cast %parallel_loop3A_152 : i32 to index
      %parallel_loop3A_469 = arith.constant 240 : index
      %parallel_loop3A_470 = tpu.vector_load %arg8[%parallel_loop3A_468, %parallel_loop3A_469] {strides = array<i32>} : memref<8x256xi32, #tpu.memory_space<vmem>>, vector<16xi32>,
      %parallel_loop3A_471 = tpu.vector_load_idx %arg5[%parallel_loop3A_470] : memref<8352xf32, #tpu.memory_space<vmem>>[vector<16xi32>], vector<16xf32>,
      %parallel_loop3A_472 = arith.constant 0 : i32
      %parallel_loop3A_473 = arith.index_cast %parallel_loop3A_472 : i32 to index
      %parallel_loop3A_474 = arith.index_cast %parallel_loop3A_152 : i32 to index
      %parallel_loop3A_475 = arith.constant 240 : index
      %parallel_loop3A_476 = tpu.vector_load %arg10[%parallel_loop3A_473, %parallel_loop3A_474, %parallel_loop3A_475] {strides = array<i32>} : memref<3x8x256xf32, #tpu.memory_space<vmem>>, vector<16xf32>,
      tpu.vector_store %arg10[%parallel_loop3A_473, %parallel_loop3A_474, %parallel_loop3A_475], %parallel_loop3A_471 {strides = array<i32>} : memref<3x8x256xf32, #tpu.memory_space<vmem>>, vector<16xf32>,
      %parallel_loop3A_477 = tpu.vector_load_idx %arg6[%parallel_loop3A_470] : memref<8352xf32, #tpu.memory_space<vmem>>[vector<16xi32>], vector<16xf32>,
      %parallel_loop3A_478 = arith.constant 1 : i32
      %parallel_loop3A_479 = arith.index_cast %parallel_loop3A_478 : i32 to index
      %parallel_loop3A_480 = arith.index_cast %parallel_loop3A_152 : i32 to index
      %parallel_loop3A_481 = arith.constant 240 : index
      %parallel_loop3A_482 = tpu.vector_load %arg10[%parallel_loop3A_479, %parallel_loop3A_480, %parallel_loop3A_481] {strides = array<i32>} : memref<3x8x256xf32, #tpu.memory_space<vmem>>, vector<16xf32>,
      tpu.vector_store %arg10[%parallel_loop3A_479, %parallel_loop3A_480, %parallel_loop3A_481], %parallel_loop3A_477 {strides = array<i32>} : memref<3x8x256xf32, #tpu.memory_space<vmem>>, vector<16xf32>,
      %parallel_loop3A_483 = tpu.vector_load_idx %arg7[%parallel_loop3A_470] : memref<8352xf32, #tpu.memory_space<vmem>>[vector<16xi32>], vector<16xf32>,
      %parallel_loop3A_484 = arith.constant 2 : i32
      %parallel_loop3A_485 = arith.index_cast %parallel_loop3A_484 : i32 to index
      %parallel_loop3A_486 = arith.index_cast %parallel_loop3A_152 : i32 to index
      %parallel_loop3A_487 = arith.constant 240 : index
      %parallel_loop3A_488 = tpu.vector_load %arg10[%parallel_loop3A_485, %parallel_loop3A_486, %parallel_loop3A_487] {strides = array<i32>} : memref<3x8x256xf32, #tpu.memory_space<vmem>>, vector<16xf32>,
      tpu.vector_store %arg10[%parallel_loop3A_485, %parallel_loop3A_486, %parallel_loop3A_487], %parallel_loop3A_483 {strides = array<i32>} : memref<3x8x256xf32, #tpu.memory_space<vmem>>, vector<16xf32>,
    } {sc.loop_unroll_factor = 4 : i64, sc.parallel_access}
    %add3A_103 = arith.constant 0 : i32
    %add3A_104 = arith.addi %mul3A_2, %add3A_103 : i32
    %dma_start3A_105 = arith.constant 0 : i32
    %dma_start3A_106 = arith.constant 192 : i32
    %dma_start3A_107 = tpu.memref_slice %arg4[%dma_start3A_105, %dma_start3A_106, %add3A_104] : memref<3x200x16384xf32, #tpu.memory_space<hbm>> -> memref<3x8x256xf32, #tpu.memory_space<hbm>>
    %dma_start3A_108 = arith.constant 0 : i32
    %dma_start3A_109 = arith.constant 192 : i32
    %dma_start3A_110 = tpu.memref_slice %arg4[%dma_start3A_108, %dma_start3A_109, %add3A_104] : memref<3x200x16384xf32, #tpu.memory_space<hbm>> -> memref<3x8x256xf32, #tpu.memory_space<hbm>>
    tpu.enqueue_dma source(%arg10 : memref<3x8x256xf32, #tpu.memory_space<vmem>>) target(%dma_start3A_110 : memref<3x8x256xf32, #tpu.memory_space<hbm>>) target_semaphore(%arg14 : memref<!tpu.dma_semaphore, #tpu.memory_space<semaphore_mem>>)
    %dma_wait3A_111 = arith.constant 0 : i32
    %dma_wait3A_112 = arith.constant 0 : i32
    %dma_wait3A_113 = tpu.memref_slice %arg2[%dma_wait3A_111, %dma_wait3A_112] : memref<200x16384xi32, #tpu.memory_space<hbm>> -> memref<8x256xi32, #tpu.memory_space<hbm>>
    %dma_wait3A_114 = arith.constant 0 : i32
    %dma_wait3A_115 = arith.constant 0 : i32
    %dma_wait3A_116 = tpu.memref_slice %arg2[%dma_wait3A_114, %dma_wait3A_115] : memref<200x16384xi32, #tpu.memory_space<hbm>> -> memref<8x256xi32, #tpu.memory_space<hbm>>
    tpu.wait_dma2 semaphore(%arg13 : memref<!tpu.dma_semaphore, #tpu.memory_space<semaphore_mem>>) src(%dma_wait3A_116 : memref<8x256xi32, #tpu.memory_space<hbm>>) dst(%arg9 : memref<8x256xi32, #tpu.memory_space<vmem>>)
    %dma_wait3A_117 = arith.constant 0 : i32
    %dma_wait3A_118 = arith.constant 0 : i32
    %dma_wait3A_119 = arith.constant 0 : i32
    %dma_wait3A_120 = tpu.memref_slice %arg4[%dma_wait3A_117, %dma_wait3A_118, %dma_wait3A_119] : memref<3x200x16384xf32, #tpu.memory_space<hbm>> -> memref<3x8x256xf32, #tpu.memory_space<hbm>>
    %dma_wait3A_121 = arith.constant 0 : i32
    %dma_wait3A_122 = arith.constant 0 : i32
    %dma_wait3A_123 = arith.constant 0 : i32
    %dma_wait3A_124 = tpu.memref_slice %arg4[%dma_wait3A_121, %dma_wait3A_122, %dma_wait3A_123] : memref<3x200x16384xf32, #tpu.memory_space<hbm>> -> memref<3x8x256xf32, #tpu.memory_space<hbm>>
    tpu.wait_dma2 semaphore(%arg15 : memref<!tpu.dma_semaphore, #tpu.memory_space<semaphore_mem>>) src(%arg11 : memref<3x8x256xf32, #tpu.memory_space<vmem>>) dst(%dma_wait3A_124 : memref<3x8x256xf32, #tpu.memory_space<hbm>>)
    %parallel_loop3A_125 = arith.constant 0 : i32
    %parallel_loop3A_126 = arith.constant 8 : i32
    %parallel_loop3A_127 = arith.constant 1 : i32
    scf.for %parallel_loop3A_152 = %parallel_loop3A_125 to %parallel_loop3A_126 step %parallel_loop3A_127  : i32 {
      %parallel_loop3A_153 = arith.index_cast %parallel_loop3A_152 : i32 to index
      %parallel_loop3A_154 = arith.constant 0 : index
      %parallel_loop3A_155 = tpu.vector_load %arg9[%parallel_loop3A_153, %parallel_loop3A_154] {strides = array<i32>} : memref<8x256xi32, #tpu.memory_space<vmem>>, vector<16xi32>,
      %parallel_loop3A_156 = tpu.vector_load_idx %arg5[%parallel_loop3A_155] : memref<8352xf32, #tpu.memory_space<vmem>>[vector<16xi32>], vector<16xf32>,
      %parallel_loop3A_157 = arith.constant 0 : i32
      %parallel_loop3A_158 = arith.index_cast %parallel_loop3A_157 : i32 to index
      %parallel_loop3A_159 = arith.index_cast %parallel_loop3A_152 : i32 to index
      %parallel_loop3A_160 = arith.constant 0 : index
      %parallel_loop3A_161 = tpu.vector_load %arg11[%parallel_loop3A_158, %parallel_loop3A_159, %parallel_loop3A_160] {strides = array<i32>} : memref<3x8x256xf32, #tpu.memory_space<vmem>>, vector<16xf32>,
      tpu.vector_store %arg11[%parallel_loop3A_158, %parallel_loop3A_159, %parallel_loop3A_160], %parallel_loop3A_156 {strides = array<i32>} : memref<3x8x256xf32, #tpu.memory_space<vmem>>, vector<16xf32>,
      %parallel_loop3A_162 = tpu.vector_load_idx %arg6[%parallel_loop3A_155] : memref<8352xf32, #tpu.memory_space<vmem>>[vector<16xi32>], vector<16xf32>,
      %parallel_loop3A_163 = arith.constant 1 : i32
      %parallel_loop3A_164 = arith.index_cast %parallel_loop3A_163 : i32 to index
      %parallel_loop3A_165 = arith.index_cast %parallel_loop3A_152 : i32 to index
      %parallel_loop3A_166 = arith.constant 0 : index
      %parallel_loop3A_167 = tpu.vector_load %arg11[%parallel_loop3A_164, %parallel_loop3A_165, %parallel_loop3A_166] {strides = array<i32>} : memref<3x8x256xf32, #tpu.memory_space<vmem>>, vector<16xf32>,
      tpu.vector_store %arg11[%parallel_loop3A_164, %parallel_loop3A_165, %parallel_loop3A_166], %parallel_loop3A_162 {strides = array<i32>} : memref<3x8x256xf32, #tpu.memory_space<vmem>>, vector<16xf32>,
      %parallel_loop3A_168 = tpu.vector_load_idx %arg7[%parallel_loop3A_155] : memref<8352xf32, #tpu.memory_space<vmem>>[vector<16xi32>], vector<16xf32>,
      %parallel_loop3A_169 = arith.constant 2 : i32
      %parallel_loop3A_170 = arith.index_cast %parallel_loop3A_169 : i32 to index
      %parallel_loop3A_171 = arith.index_cast %parallel_loop3A_152 : i32 to index
      %parallel_loop3A_172 = arith.constant 0 : index
      %parallel_loop3A_173 = tpu.vector_load %arg11[%parallel_loop3A_170, %parallel_loop3A_171, %parallel_loop3A_172] {strides = array<i32>} : memref<3x8x256xf32, #tpu.memory_space<vmem>>, vector<16xf32>,
      tpu.vector_store %arg11[%parallel_loop3A_170, %parallel_loop3A_171, %parallel_loop3A_172], %parallel_loop3A_168 {strides = array<i32>} : memref<3x8x256xf32, #tpu.memory_space<vmem>>, vector<16xf32>,
      %parallel_loop3A_174 = arith.index_cast %parallel_loop3A_152 : i32 to index
      %parallel_loop3A_175 = arith.constant 16 : index
      %parallel_loop3A_176 = tpu.vector_load %arg9[%parallel_loop3A_174, %parallel_loop3A_175] {strides = array<i32>} : memref<8x256xi32, #tpu.memory_space<vmem>>, vector<16xi32>,
      %parallel_loop3A_177 = tpu.vector_load_idx %arg5[%parallel_loop3A_176] : memref<8352xf32, #tpu.memory_space<vmem>>[vector<16xi32>], vector<16xf32>,
      %parallel_loop3A_178 = arith.constant 0 : i32
      %parallel_loop3A_179 = arith.index_cast %parallel_loop3A_178 : i32 to index
      %parallel_loop3A_180 = arith.index_cast %parallel_loop3A_152 : i32 to index
      %parallel_loop3A_181 = arith.constant 16 : index
      %parallel_loop3A_182 = tpu.vector_load %arg11[%parallel_loop3A_179, %parallel_loop3A_180, %parallel_loop3A_181] {strides = array<i32>} : memref<3x8x256xf32, #tpu.memory_space<vmem>>, vector<16xf32>,
      tpu.vector_store %arg11[%parallel_loop3A_179, %parallel_loop3A_180, %parallel_loop3A_181], %parallel_loop3A_177 {strides = array<i32>} : memref<3x8x256xf32, #tpu.memory_space<vmem>>, vector<16xf32>,
      %parallel_loop3A_183 = tpu.vector_load_idx %arg6[%parallel_loop3A_176] : memref<8352xf32, #tpu.memory_space<vmem>>[vector<16xi32>], vector<16xf32>,
      %parallel_loop3A_184 = arith.constant 1 : i32
      %parallel_loop3A_185 = arith.index_cast %parallel_loop3A_184 : i32 to index
      %parallel_loop3A_186 = arith.index_cast %parallel_loop3A_152 : i32 to index
      %parallel_loop3A_187 = arith.constant 16 : index
      %parallel_loop3A_188 = tpu.vector_load %arg11[%parallel_loop3A_185, %parallel_loop3A_186, %parallel_loop3A_187] {strides = array<i32>} : memref<3x8x256xf32, #tpu.memory_space<vmem>>, vector<16xf32>,
      tpu.vector_store %arg11[%parallel_loop3A_185, %parallel_loop3A_186, %parallel_loop3A_187], %parallel_loop3A_183 {strides = array<i32>} : memref<3x8x256xf32, #tpu.memory_space<vmem>>, vector<16xf32>,
      %parallel_loop3A_189 = tpu.vector_load_idx %arg7[%parallel_loop3A_176] : memref<8352xf32, #tpu.memory_space<vmem>>[vector<16xi32>], vector<16xf32>,
      %parallel_loop3A_190 = arith.constant 2 : i32
      %parallel_loop3A_191 = arith.index_cast %parallel_loop3A_190 : i32 to index
      %parallel_loop3A_192 = arith.index_cast %parallel_loop3A_152 : i32 to index
      %parallel_loop3A_193 = arith.constant 16 : index
      %parallel_loop3A_194 = tpu.vector_load %arg11[%parallel_loop3A_191, %parallel_loop3A_192, %parallel_loop3A_193] {strides = array<i32>} : memref<3x8x256xf32, #tpu.memory_space<vmem>>, vector<16xf32>,
      tpu.vector_store %arg11[%parallel_loop3A_191, %parallel_loop3A_192, %parallel_loop3A_193], %parallel_loop3A_189 {strides = array<i32>} : memref<3x8x256xf32, #tpu.memory_space<vmem>>, vector<16xf32>,
      %parallel_loop3A_195 = arith.index_cast %parallel_loop3A_152 : i32 to index
      %parallel_loop3A_196 = arith.constant 32 : index
      %parallel_loop3A_197 = tpu.vector_load %arg9[%parallel_loop3A_195, %parallel_loop3A_196] {strides = array<i32>} : memref<8x256xi32, #tpu.memory_space<vmem>>, vector<16xi32>,
      %parallel_loop3A_198 = tpu.vector_load_idx %arg5[%parallel_loop3A_197] : memref<8352xf32, #tpu.memory_space<vmem>>[vector<16xi32>], vector<16xf32>,
      %parallel_loop3A_199 = arith.constant 0 : i32
      %parallel_loop3A_200 = arith.index_cast %parallel_loop3A_199 : i32 to index
      %parallel_loop3A_201 = arith.index_cast %parallel_loop3A_152 : i32 to index
      %parallel_loop3A_202 = arith.constant 32 : index
      %parallel_loop3A_203 = tpu.vector_load %arg11[%parallel_loop3A_200, %parallel_loop3A_201, %parallel_loop3A_202] {strides = array<i32>} : memref<3x8x256xf32, #tpu.memory_space<vmem>>, vector<16xf32>,
      tpu.vector_store %arg11[%parallel_loop3A_200, %parallel_loop3A_201, %parallel_loop3A_202], %parallel_loop3A_198 {strides = array<i32>} : memref<3x8x256xf32, #tpu.memory_space<vmem>>, vector<16xf32>,
      %parallel_loop3A_204 = tpu.vector_load_idx %arg6[%parallel_loop3A_197] : memref<8352xf32, #tpu.memory_space<vmem>>[vector<16xi32>], vector<16xf32>,
      %parallel_loop3A_205 = arith.constant 1 : i32
      %parallel_loop3A_206 = arith.index_cast %parallel_loop3A_205 : i32 to index
      %parallel_loop3A_207 = arith.index_cast %parallel_loop3A_152 : i32 to index
      %parallel_loop3A_208 = arith.constant 32 : index
      %parallel_loop3A_209 = tpu.vector_load %arg11[%parallel_loop3A_206, %parallel_loop3A_207, %parallel_loop3A_208] {strides = array<i32>} : memref<3x8x256xf32, #tpu.memory_space<vmem>>, vector<16xf32>,
      tpu.vector_store %arg11[%parallel_loop3A_206, %parallel_loop3A_207, %parallel_loop3A_208], %parallel_loop3A_204 {strides = array<i32>} : memref<3x8x256xf32, #tpu.memory_space<vmem>>, vector<16xf32>,
      %parallel_loop3A_210 = tpu.vector_load_idx %arg7[%parallel_loop3A_197] : memref<8352xf32, #tpu.memory_space<vmem>>[vector<16xi32>], vector<16xf32>,
      %parallel_loop3A_211 = arith.constant 2 : i32
      %parallel_loop3A_212 = arith.index_cast %parallel_loop3A_211 : i32 to index
      %parallel_loop3A_213 = arith.index_cast %parallel_loop3A_152 : i32 to index
      %parallel_loop3A_214 = arith.constant 32 : index
      %parallel_loop3A_215 = tpu.vector_load %arg11[%parallel_loop3A_212, %parallel_loop3A_213, %parallel_loop3A_214] {strides = array<i32>} : memref<3x8x256xf32, #tpu.memory_space<vmem>>, vector<16xf32>,
      tpu.vector_store %arg11[%parallel_loop3A_212, %parallel_loop3A_213, %parallel_loop3A_214], %parallel_loop3A_210 {strides = array<i32>} : memref<3x8x256xf32, #tpu.memory_space<vmem>>, vector<16xf32>,
      %parallel_loop3A_216 = arith.index_cast %parallel_loop3A_152 : i32 to index
      %parallel_loop3A_217 = arith.constant 48 : index
      %parallel_loop3A_218 = tpu.vector_load %arg9[%parallel_loop3A_216, %parallel_loop3A_217] {strides = array<i32>} : memref<8x256xi32, #tpu.memory_space<vmem>>, vector<16xi32>,
      %parallel_loop3A_219 = tpu.vector_load_idx %arg5[%parallel_loop3A_218] : memref<8352xf32, #tpu.memory_space<vmem>>[vector<16xi32>], vector<16xf32>,
      %parallel_loop3A_220 = arith.constant 0 : i32
      %parallel_loop3A_221 = arith.index_cast %parallel_loop3A_220 : i32 to index
      %parallel_loop3A_222 = arith.index_cast %parallel_loop3A_152 : i32 to index
      %parallel_loop3A_223 = arith.constant 48 : index
      %parallel_loop3A_224 = tpu.vector_load %arg11[%parallel_loop3A_221, %parallel_loop3A_222, %parallel_loop3A_223] {strides = array<i32>} : memref<3x8x256xf32, #tpu.memory_space<vmem>>, vector<16xf32>,
      tpu.vector_store %arg11[%parallel_loop3A_221, %parallel_loop3A_222, %parallel_loop3A_223], %parallel_loop3A_219 {strides = array<i32>} : memref<3x8x256xf32, #tpu.memory_space<vmem>>, vector<16xf32>,
      %parallel_loop3A_225 = tpu.vector_load_idx %arg6[%parallel_loop3A_218] : memref<8352xf32, #tpu.memory_space<vmem>>[vector<16xi32>], vector<16xf32>,
      %parallel_loop3A_226 = arith.constant 1 : i32
      %parallel_loop3A_227 = arith.index_cast %parallel_loop3A_226 : i32 to index
      %parallel_loop3A_228 = arith.index_cast %parallel_loop3A_152 : i32 to index
      %parallel_loop3A_229 = arith.constant 48 : index
      %parallel_loop3A_230 = tpu.vector_load %arg11[%parallel_loop3A_227, %parallel_loop3A_228, %parallel_loop3A_229] {strides = array<i32>} : memref<3x8x256xf32, #tpu.memory_space<vmem>>, vector<16xf32>,
      tpu.vector_store %arg11[%parallel_loop3A_227, %parallel_loop3A_228, %parallel_loop3A_229], %parallel_loop3A_225 {strides = array<i32>} : memref<3x8x256xf32, #tpu.memory_space<vmem>>, vector<16xf32>,
      %parallel_loop3A_231 = tpu.vector_load_idx %arg7[%parallel_loop3A_218] : memref<8352xf32, #tpu.memory_space<vmem>>[vector<16xi32>], vector<16xf32>,
      %parallel_loop3A_232 = arith.constant 2 : i32
      %parallel_loop3A_233 = arith.index_cast %parallel_loop3A_232 : i32 to index
      %parallel_loop3A_234 = arith.index_cast %parallel_loop3A_152 : i32 to index
      %parallel_loop3A_235 = arith.constant 48 : index
      %parallel_loop3A_236 = tpu.vector_load %arg11[%parallel_loop3A_233, %parallel_loop3A_234, %parallel_loop3A_235] {strides = array<i32>} : memref<3x8x256xf32, #tpu.memory_space<vmem>>, vector<16xf32>,
      tpu.vector_store %arg11[%parallel_loop3A_233, %parallel_loop3A_234, %parallel_loop3A_235], %parallel_loop3A_231 {strides = array<i32>} : memref<3x8x256xf32, #tpu.memory_space<vmem>>, vector<16xf32>,
      %parallel_loop3A_237 = arith.index_cast %parallel_loop3A_152 : i32 to index
      %parallel_loop3A_238 = arith.constant 64 : index
      %parallel_loop3A_239 = tpu.vector_load %arg9[%parallel_loop3A_237, %parallel_loop3A_238] {strides = array<i32>} : memref<8x256xi32, #tpu.memory_space<vmem>>, vector<16xi32>,
      %parallel_loop3A_240 = tpu.vector_load_idx %arg5[%parallel_loop3A_239] : memref<8352xf32, #tpu.memory_space<vmem>>[vector<16xi32>], vector<16xf32>,
      %parallel_loop3A_241 = arith.constant 0 : i32
      %parallel_loop3A_242 = arith.index_cast %parallel_loop3A_241 : i32 to index
      %parallel_loop3A_243 = arith.index_cast %parallel_loop3A_152 : i32 to index
      %parallel_loop3A_244 = arith.constant 64 : index
      %parallel_loop3A_245 = tpu.vector_load %arg11[%parallel_loop3A_242, %parallel_loop3A_243, %parallel_loop3A_244] {strides = array<i32>} : memref<3x8x256xf32, #tpu.memory_space<vmem>>, vector<16xf32>,
      tpu.vector_store %arg11[%parallel_loop3A_242, %parallel_loop3A_243, %parallel_loop3A_244], %parallel_loop3A_240 {strides = array<i32>} : memref<3x8x256xf32, #tpu.memory_space<vmem>>, vector<16xf32>,
      %parallel_loop3A_246 = tpu.vector_load_idx %arg6[%parallel_loop3A_239] : memref<8352xf32, #tpu.memory_space<vmem>>[vector<16xi32>], vector<16xf32>,
      %parallel_loop3A_247 = arith.constant 1 : i32
      %parallel_loop3A_248 = arith.index_cast %parallel_loop3A_247 : i32 to index
      %parallel_loop3A_249 = arith.index_cast %parallel_loop3A_152 : i32 to index
      %parallel_loop3A_250 = arith.constant 64 : index
      %parallel_loop3A_251 = tpu.vector_load %arg11[%parallel_loop3A_248, %parallel_loop3A_249, %parallel_loop3A_250] {strides = array<i32>} : memref<3x8x256xf32, #tpu.memory_space<vmem>>, vector<16xf32>,
      tpu.vector_store %arg11[%parallel_loop3A_248, %parallel_loop3A_249, %parallel_loop3A_250], %parallel_loop3A_246 {strides = array<i32>} : memref<3x8x256xf32, #tpu.memory_space<vmem>>, vector<16xf32>,
      %parallel_loop3A_252 = tpu.vector_load_idx %arg7[%parallel_loop3A_239] : memref<8352xf32, #tpu.memory_space<vmem>>[vector<16xi32>], vector<16xf32>,
      %parallel_loop3A_253 = arith.constant 2 : i32
      %parallel_loop3A_254 = arith.index_cast %parallel_loop3A_253 : i32 to index
      %parallel_loop3A_255 = arith.index_cast %parallel_loop3A_152 : i32 to index
      %parallel_loop3A_256 = arith.constant 64 : index
      %parallel_loop3A_257 = tpu.vector_load %arg11[%parallel_loop3A_254, %parallel_loop3A_255, %parallel_loop3A_256] {strides = array<i32>} : memref<3x8x256xf32, #tpu.memory_space<vmem>>, vector<16xf32>,
      tpu.vector_store %arg11[%parallel_loop3A_254, %parallel_loop3A_255, %parallel_loop3A_256], %parallel_loop3A_252 {strides = array<i32>} : memref<3x8x256xf32, #tpu.memory_space<vmem>>, vector<16xf32>,
      %parallel_loop3A_258 = arith.index_cast %parallel_loop3A_152 : i32 to index
      %parallel_loop3A_259 = arith.constant 80 : index
      %parallel_loop3A_260 = tpu.vector_load %arg9[%parallel_loop3A_258, %parallel_loop3A_259] {strides = array<i32>} : memref<8x256xi32, #tpu.memory_space<vmem>>, vector<16xi32>,
      %parallel_loop3A_261 = tpu.vector_load_idx %arg5[%parallel_loop3A_260] : memref<8352xf32, #tpu.memory_space<vmem>>[vector<16xi32>], vector<16xf32>,
      %parallel_loop3A_262 = arith.constant 0 : i32
      %parallel_loop3A_263 = arith.index_cast %parallel_loop3A_262 : i32 to index
      %parallel_loop3A_264 = arith.index_cast %parallel_loop3A_152 : i32 to index
      %parallel_loop3A_265 = arith.constant 80 : index
      %parallel_loop3A_266 = tpu.vector_load %arg11[%parallel_loop3A_263, %parallel_loop3A_264, %parallel_loop3A_265] {strides = array<i32>} : memref<3x8x256xf32, #tpu.memory_space<vmem>>, vector<16xf32>,
      tpu.vector_store %arg11[%parallel_loop3A_263, %parallel_loop3A_264, %parallel_loop3A_265], %parallel_loop3A_261 {strides = array<i32>} : memref<3x8x256xf32, #tpu.memory_space<vmem>>, vector<16xf32>,
      %parallel_loop3A_267 = tpu.vector_load_idx %arg6[%parallel_loop3A_260] : memref<8352xf32, #tpu.memory_space<vmem>>[vector<16xi32>], vector<16xf32>,
      %parallel_loop3A_268 = arith.constant 1 : i32
      %parallel_loop3A_269 = arith.index_cast %parallel_loop3A_268 : i32 to index
      %parallel_loop3A_270 = arith.index_cast %parallel_loop3A_152 : i32 to index
      %parallel_loop3A_271 = arith.constant 80 : index
      %parallel_loop3A_272 = tpu.vector_load %arg11[%parallel_loop3A_269, %parallel_loop3A_270, %parallel_loop3A_271] {strides = array<i32>} : memref<3x8x256xf32, #tpu.memory_space<vmem>>, vector<16xf32>,
      tpu.vector_store %arg11[%parallel_loop3A_269, %parallel_loop3A_270, %parallel_loop3A_271], %parallel_loop3A_267 {strides = array<i32>} : memref<3x8x256xf32, #tpu.memory_space<vmem>>, vector<16xf32>,
      %parallel_loop3A_273 = tpu.vector_load_idx %arg7[%parallel_loop3A_260] : memref<8352xf32, #tpu.memory_space<vmem>>[vector<16xi32>], vector<16xf32>,
      %parallel_loop3A_274 = arith.constant 2 : i32
      %parallel_loop3A_275 = arith.index_cast %parallel_loop3A_274 : i32 to index
      %parallel_loop3A_276 = arith.index_cast %parallel_loop3A_152 : i32 to index
      %parallel_loop3A_277 = arith.constant 80 : index
      %parallel_loop3A_278 = tpu.vector_load %arg11[%parallel_loop3A_275, %parallel_loop3A_276, %parallel_loop3A_277] {strides = array<i32>} : memref<3x8x256xf32, #tpu.memory_space<vmem>>, vector<16xf32>,
      tpu.vector_store %arg11[%parallel_loop3A_275, %parallel_loop3A_276, %parallel_loop3A_277], %parallel_loop3A_273 {strides = array<i32>} : memref<3x8x256xf32, #tpu.memory_space<vmem>>, vector<16xf32>,
      %parallel_loop3A_279 = arith.index_cast %parallel_loop3A_152 : i32 to index
      %parallel_loop3A_280 = arith.constant 96 : index
      %parallel_loop3A_281 = tpu.vector_load %arg9[%parallel_loop3A_279, %parallel_loop3A_280] {strides = array<i32>} : memref<8x256xi32, #tpu.memory_space<vmem>>, vector<16xi32>,
      %parallel_loop3A_282 = tpu.vector_load_idx %arg5[%parallel_loop3A_281] : memref<8352xf32, #tpu.memory_space<vmem>>[vector<16xi32>], vector<16xf32>,
      %parallel_loop3A_283 = arith.constant 0 : i32
      %parallel_loop3A_284 = arith.index_cast %parallel_loop3A_283 : i32 to index
      %parallel_loop3A_285 = arith.index_cast %parallel_loop3A_152 : i32 to index
      %parallel_loop3A_286 = arith.constant 96 : index
      %parallel_loop3A_287 = tpu.vector_load %arg11[%parallel_loop3A_284, %parallel_loop3A_285, %parallel_loop3A_286] {strides = array<i32>} : memref<3x8x256xf32, #tpu.memory_space<vmem>>, vector<16xf32>,
      tpu.vector_store %arg11[%parallel_loop3A_284, %parallel_loop3A_285, %parallel_loop3A_286], %parallel_loop3A_282 {strides = array<i32>} : memref<3x8x256xf32, #tpu.memory_space<vmem>>, vector<16xf32>,
      %parallel_loop3A_288 = tpu.vector_load_idx %arg6[%parallel_loop3A_281] : memref<8352xf32, #tpu.memory_space<vmem>>[vector<16xi32>], vector<16xf32>,
      %parallel_loop3A_289 = arith.constant 1 : i32
      %parallel_loop3A_290 = arith.index_cast %parallel_loop3A_289 : i32 to index
      %parallel_loop3A_291 = arith.index_cast %parallel_loop3A_152 : i32 to index
      %parallel_loop3A_292 = arith.constant 96 : index
      %parallel_loop3A_293 = tpu.vector_load %arg11[%parallel_loop3A_290, %parallel_loop3A_291, %parallel_loop3A_292] {strides = array<i32>} : memref<3x8x256xf32, #tpu.memory_space<vmem>>, vector<16xf32>,
      tpu.vector_store %arg11[%parallel_loop3A_290, %parallel_loop3A_291, %parallel_loop3A_292], %parallel_loop3A_288 {strides = array<i32>} : memref<3x8x256xf32, #tpu.memory_space<vmem>>, vector<16xf32>,
      %parallel_loop3A_294 = tpu.vector_load_idx %arg7[%parallel_loop3A_281] : memref<8352xf32, #tpu.memory_space<vmem>>[vector<16xi32>], vector<16xf32>,
      %parallel_loop3A_295 = arith.constant 2 : i32
      %parallel_loop3A_296 = arith.index_cast %parallel_loop3A_295 : i32 to index
      %parallel_loop3A_297 = arith.index_cast %parallel_loop3A_152 : i32 to index
      %parallel_loop3A_298 = arith.constant 96 : index
      %parallel_loop3A_299 = tpu.vector_load %arg11[%parallel_loop3A_296, %parallel_loop3A_297, %parallel_loop3A_298] {strides = array<i32>} : memref<3x8x256xf32, #tpu.memory_space<vmem>>, vector<16xf32>,
      tpu.vector_store %arg11[%parallel_loop3A_296, %parallel_loop3A_297, %parallel_loop3A_298], %parallel_loop3A_294 {strides = array<i32>} : memref<3x8x256xf32, #tpu.memory_space<vmem>>, vector<16xf32>,
      %parallel_loop3A_300 = arith.index_cast %parallel_loop3A_152 : i32 to index
      %parallel_loop3A_301 = arith.constant 112 : index
      %parallel_loop3A_302 = tpu.vector_load %arg9[%parallel_loop3A_300, %parallel_loop3A_301] {strides = array<i32>} : memref<8x256xi32, #tpu.memory_space<vmem>>, vector<16xi32>,
      %parallel_loop3A_303 = tpu.vector_load_idx %arg5[%parallel_loop3A_302] : memref<8352xf32, #tpu.memory_space<vmem>>[vector<16xi32>], vector<16xf32>,
      %parallel_loop3A_304 = arith.constant 0 : i32
      %parallel_loop3A_305 = arith.index_cast %parallel_loop3A_304 : i32 to index
      %parallel_loop3A_306 = arith.index_cast %parallel_loop3A_152 : i32 to index
      %parallel_loop3A_307 = arith.constant 112 : index
      %parallel_loop3A_308 = tpu.vector_load %arg11[%parallel_loop3A_305, %parallel_loop3A_306, %parallel_loop3A_307] {strides = array<i32>} : memref<3x8x256xf32, #tpu.memory_space<vmem>>, vector<16xf32>,
      tpu.vector_store %arg11[%parallel_loop3A_305, %parallel_loop3A_306, %parallel_loop3A_307], %parallel_loop3A_303 {strides = array<i32>} : memref<3x8x256xf32, #tpu.memory_space<vmem>>, vector<16xf32>,
      %parallel_loop3A_309 = tpu.vector_load_idx %arg6[%parallel_loop3A_302] : memref<8352xf32, #tpu.memory_space<vmem>>[vector<16xi32>], vector<16xf32>,
      %parallel_loop3A_310 = arith.constant 1 : i32
      %parallel_loop3A_311 = arith.index_cast %parallel_loop3A_310 : i32 to index
      %parallel_loop3A_312 = arith.index_cast %parallel_loop3A_152 : i32 to index
      %parallel_loop3A_313 = arith.constant 112 : index
      %parallel_loop3A_314 = tpu.vector_load %arg11[%parallel_loop3A_311, %parallel_loop3A_312, %parallel_loop3A_313] {strides = array<i32>} : memref<3x8x256xf32, #tpu.memory_space<vmem>>, vector<16xf32>,
      tpu.vector_store %arg11[%parallel_loop3A_311, %parallel_loop3A_312, %parallel_loop3A_313], %parallel_loop3A_309 {strides = array<i32>} : memref<3x8x256xf32, #tpu.memory_space<vmem>>, vector<16xf32>,
      %parallel_loop3A_315 = tpu.vector_load_idx %arg7[%parallel_loop3A_302] : memref<8352xf32, #tpu.memory_space<vmem>>[vector<16xi32>], vector<16xf32>,
      %parallel_loop3A_316 = arith.constant 2 : i32
      %parallel_loop3A_317 = arith.index_cast %parallel_loop3A_316 : i32 to index
      %parallel_loop3A_318 = arith.index_cast %parallel_loop3A_152 : i32 to index
      %parallel_loop3A_319 = arith.constant 112 : index
      %parallel_loop3A_320 = tpu.vector_load %arg11[%parallel_loop3A_317, %parallel_loop3A_318, %parallel_loop3A_319] {strides = array<i32>} : memref<3x8x256xf32, #tpu.memory_space<vmem>>, vector<16xf32>,
      tpu.vector_store %arg11[%parallel_loop3A_317, %parallel_loop3A_318, %parallel_loop3A_319], %parallel_loop3A_315 {strides = array<i32>} : memref<3x8x256xf32, #tpu.memory_space<vmem>>, vector<16xf32>,
      %parallel_loop3A_321 = arith.index_cast %parallel_loop3A_152 : i32 to index
      %parallel_loop3A_322 = arith.constant 128 : index
      %parallel_loop3A_323 = tpu.vector_load %arg9[%parallel_loop3A_321, %parallel_loop3A_322] {strides = array<i32>} : memref<8x256xi32, #tpu.memory_space<vmem>>, vector<16xi32>,
      %parallel_loop3A_324 = tpu.vector_load_idx %arg5[%parallel_loop3A_323] : memref<8352xf32, #tpu.memory_space<vmem>>[vector<16xi32>], vector<16xf32>,
      %parallel_loop3A_325 = arith.constant 0 : i32
      %parallel_loop3A_326 = arith.index_cast %parallel_loop3A_325 : i32 to index
      %parallel_loop3A_327 = arith.index_cast %parallel_loop3A_152 : i32 to index
      %parallel_loop3A_328 = arith.constant 128 : index
      %parallel_loop3A_329 = tpu.vector_load %arg11[%parallel_loop3A_326, %parallel_loop3A_327, %parallel_loop3A_328] {strides = array<i32>} : memref<3x8x256xf32, #tpu.memory_space<vmem>>, vector<16xf32>,
      tpu.vector_store %arg11[%parallel_loop3A_326, %parallel_loop3A_327, %parallel_loop3A_328], %parallel_loop3A_324 {strides = array<i32>} : memref<3x8x256xf32, #tpu.memory_space<vmem>>, vector<16xf32>,
      %parallel_loop3A_330 = tpu.vector_load_idx %arg6[%parallel_loop3A_323] : memref<8352xf32, #tpu.memory_space<vmem>>[vector<16xi32>], vector<16xf32>,
      %parallel_loop3A_331 = arith.constant 1 : i32
      %parallel_loop3A_332 = arith.index_cast %parallel_loop3A_331 : i32 to index
      %parallel_loop3A_333 = arith.index_cast %parallel_loop3A_152 : i32 to index
      %parallel_loop3A_334 = arith.constant 128 : index
      %parallel_loop3A_335 = tpu.vector_load %arg11[%parallel_loop3A_332, %parallel_loop3A_333, %parallel_loop3A_334] {strides = array<i32>} : memref<3x8x256xf32, #tpu.memory_space<vmem>>, vector<16xf32>,
      tpu.vector_store %arg11[%parallel_loop3A_332, %parallel_loop3A_333, %parallel_loop3A_334], %parallel_loop3A_330 {strides = array<i32>} : memref<3x8x256xf32, #tpu.memory_space<vmem>>, vector<16xf32>,
      %parallel_loop3A_336 = tpu.vector_load_idx %arg7[%parallel_loop3A_323] : memref<8352xf32, #tpu.memory_space<vmem>>[vector<16xi32>], vector<16xf32>,
      %parallel_loop3A_337 = arith.constant 2 : i32
      %parallel_loop3A_338 = arith.index_cast %parallel_loop3A_337 : i32 to index
      %parallel_loop3A_339 = arith.index_cast %parallel_loop3A_152 : i32 to index
      %parallel_loop3A_340 = arith.constant 128 : index
      %parallel_loop3A_341 = tpu.vector_load %arg11[%parallel_loop3A_338, %parallel_loop3A_339, %parallel_loop3A_340] {strides = array<i32>} : memref<3x8x256xf32, #tpu.memory_space<vmem>>, vector<16xf32>,
      tpu.vector_store %arg11[%parallel_loop3A_338, %parallel_loop3A_339, %parallel_loop3A_340], %parallel_loop3A_336 {strides = array<i32>} : memref<3x8x256xf32, #tpu.memory_space<vmem>>, vector<16xf32>,
      %parallel_loop3A_342 = arith.index_cast %parallel_loop3A_152 : i32 to index
      %parallel_loop3A_343 = arith.constant 144 : index
      %parallel_loop3A_344 = tpu.vector_load %arg9[%parallel_loop3A_342, %parallel_loop3A_343] {strides = array<i32>} : memref<8x256xi32, #tpu.memory_space<vmem>>, vector<16xi32>,
      %parallel_loop3A_345 = tpu.vector_load_idx %arg5[%parallel_loop3A_344] : memref<8352xf32, #tpu.memory_space<vmem>>[vector<16xi32>], vector<16xf32>,
      %parallel_loop3A_346 = arith.constant 0 : i32
      %parallel_loop3A_347 = arith.index_cast %parallel_loop3A_346 : i32 to index
      %parallel_loop3A_348 = arith.index_cast %parallel_loop3A_152 : i32 to index
      %parallel_loop3A_349 = arith.constant 144 : index
      %parallel_loop3A_350 = tpu.vector_load %arg11[%parallel_loop3A_347, %parallel_loop3A_348, %parallel_loop3A_349] {strides = array<i32>} : memref<3x8x256xf32, #tpu.memory_space<vmem>>, vector<16xf32>,
      tpu.vector_store %arg11[%parallel_loop3A_347, %parallel_loop3A_348, %parallel_loop3A_349], %parallel_loop3A_345 {strides = array<i32>} : memref<3x8x256xf32, #tpu.memory_space<vmem>>, vector<16xf32>,
      %parallel_loop3A_351 = tpu.vector_load_idx %arg6[%parallel_loop3A_344] : memref<8352xf32, #tpu.memory_space<vmem>>[vector<16xi32>], vector<16xf32>,
      %parallel_loop3A_352 = arith.constant 1 : i32
      %parallel_loop3A_353 = arith.index_cast %parallel_loop3A_352 : i32 to index
      %parallel_loop3A_354 = arith.index_cast %parallel_loop3A_152 : i32 to index
      %parallel_loop3A_355 = arith.constant 144 : index
      %parallel_loop3A_356 = tpu.vector_load %arg11[%parallel_loop3A_353, %parallel_loop3A_354, %parallel_loop3A_355] {strides = array<i32>} : memref<3x8x256xf32, #tpu.memory_space<vmem>>, vector<16xf32>,
      tpu.vector_store %arg11[%parallel_loop3A_353, %parallel_loop3A_354, %parallel_loop3A_355], %parallel_loop3A_351 {strides = array<i32>} : memref<3x8x256xf32, #tpu.memory_space<vmem>>, vector<16xf32>,
      %parallel_loop3A_357 = tpu.vector_load_idx %arg7[%parallel_loop3A_344] : memref<8352xf32, #tpu.memory_space<vmem>>[vector<16xi32>], vector<16xf32>,
      %parallel_loop3A_358 = arith.constant 2 : i32
      %parallel_loop3A_359 = arith.index_cast %parallel_loop3A_358 : i32 to index
      %parallel_loop3A_360 = arith.index_cast %parallel_loop3A_152 : i32 to index
      %parallel_loop3A_361 = arith.constant 144 : index
      %parallel_loop3A_362 = tpu.vector_load %arg11[%parallel_loop3A_359, %parallel_loop3A_360, %parallel_loop3A_361] {strides = array<i32>} : memref<3x8x256xf32, #tpu.memory_space<vmem>>, vector<16xf32>,
      tpu.vector_store %arg11[%parallel_loop3A_359, %parallel_loop3A_360, %parallel_loop3A_361], %parallel_loop3A_357 {strides = array<i32>} : memref<3x8x256xf32, #tpu.memory_space<vmem>>, vector<16xf32>,
      %parallel_loop3A_363 = arith.index_cast %parallel_loop3A_152 : i32 to index
      %parallel_loop3A_364 = arith.constant 160 : index
      %parallel_loop3A_365 = tpu.vector_load %arg9[%parallel_loop3A_363, %parallel_loop3A_364] {strides = array<i32>} : memref<8x256xi32, #tpu.memory_space<vmem>>, vector<16xi32>,
      %parallel_loop3A_366 = tpu.vector_load_idx %arg5[%parallel_loop3A_365] : memref<8352xf32, #tpu.memory_space<vmem>>[vector<16xi32>], vector<16xf32>,
      %parallel_loop3A_367 = arith.constant 0 : i32
      %parallel_loop3A_368 = arith.index_cast %parallel_loop3A_367 : i32 to index
      %parallel_loop3A_369 = arith.index_cast %parallel_loop3A_152 : i32 to index
      %parallel_loop3A_370 = arith.constant 160 : index
      %parallel_loop3A_371 = tpu.vector_load %arg11[%parallel_loop3A_368, %parallel_loop3A_369, %parallel_loop3A_370] {strides = array<i32>} : memref<3x8x256xf32, #tpu.memory_space<vmem>>, vector<16xf32>,
      tpu.vector_store %arg11[%parallel_loop3A_368, %parallel_loop3A_369, %parallel_loop3A_370], %parallel_loop3A_366 {strides = array<i32>} : memref<3x8x256xf32, #tpu.memory_space<vmem>>, vector<16xf32>,
      %parallel_loop3A_372 = tpu.vector_load_idx %arg6[%parallel_loop3A_365] : memref<8352xf32, #tpu.memory_space<vmem>>[vector<16xi32>], vector<16xf32>,
      %parallel_loop3A_373 = arith.constant 1 : i32
      %parallel_loop3A_374 = arith.index_cast %parallel_loop3A_373 : i32 to index
      %parallel_loop3A_375 = arith.index_cast %parallel_loop3A_152 : i32 to index
      %parallel_loop3A_376 = arith.constant 160 : index
      %parallel_loop3A_377 = tpu.vector_load %arg11[%parallel_loop3A_374, %parallel_loop3A_375, %parallel_loop3A_376] {strides = array<i32>} : memref<3x8x256xf32, #tpu.memory_space<vmem>>, vector<16xf32>,
      tpu.vector_store %arg11[%parallel_loop3A_374, %parallel_loop3A_375, %parallel_loop3A_376], %parallel_loop3A_372 {strides = array<i32>} : memref<3x8x256xf32, #tpu.memory_space<vmem>>, vector<16xf32>,
      %parallel_loop3A_378 = tpu.vector_load_idx %arg7[%parallel_loop3A_365] : memref<8352xf32, #tpu.memory_space<vmem>>[vector<16xi32>], vector<16xf32>,
      %parallel_loop3A_379 = arith.constant 2 : i32
      %parallel_loop3A_380 = arith.index_cast %parallel_loop3A_379 : i32 to index
      %parallel_loop3A_381 = arith.index_cast %parallel_loop3A_152 : i32 to index
      %parallel_loop3A_382 = arith.constant 160 : index
      %parallel_loop3A_383 = tpu.vector_load %arg11[%parallel_loop3A_380, %parallel_loop3A_381, %parallel_loop3A_382] {strides = array<i32>} : memref<3x8x256xf32, #tpu.memory_space<vmem>>, vector<16xf32>,
      tpu.vector_store %arg11[%parallel_loop3A_380, %parallel_loop3A_381, %parallel_loop3A_382], %parallel_loop3A_378 {strides = array<i32>} : memref<3x8x256xf32, #tpu.memory_space<vmem>>, vector<16xf32>,
      %parallel_loop3A_384 = arith.index_cast %parallel_loop3A_152 : i32 to index
      %parallel_loop3A_385 = arith.constant 176 : index
      %parallel_loop3A_386 = tpu.vector_load %arg9[%parallel_loop3A_384, %parallel_loop3A_385] {strides = array<i32>} : memref<8x256xi32, #tpu.memory_space<vmem>>, vector<16xi32>,
      %parallel_loop3A_387 = tpu.vector_load_idx %arg5[%parallel_loop3A_386] : memref<8352xf32, #tpu.memory_space<vmem>>[vector<16xi32>], vector<16xf32>,
      %parallel_loop3A_388 = arith.constant 0 : i32
      %parallel_loop3A_389 = arith.index_cast %parallel_loop3A_388 : i32 to index
      %parallel_loop3A_390 = arith.index_cast %parallel_loop3A_152 : i32 to index
      %parallel_loop3A_391 = arith.constant 176 : index
      %parallel_loop3A_392 = tpu.vector_load %arg11[%parallel_loop3A_389, %parallel_loop3A_390, %parallel_loop3A_391] {strides = array<i32>} : memref<3x8x256xf32, #tpu.memory_space<vmem>>, vector<16xf32>,
      tpu.vector_store %arg11[%parallel_loop3A_389, %parallel_loop3A_390, %parallel_loop3A_391], %parallel_loop3A_387 {strides = array<i32>} : memref<3x8x256xf32, #tpu.memory_space<vmem>>, vector<16xf32>,
      %parallel_loop3A_393 = tpu.vector_load_idx %arg6[%parallel_loop3A_386] : memref<8352xf32, #tpu.memory_space<vmem>>[vector<16xi32>], vector<16xf32>,
      %parallel_loop3A_394 = arith.constant 1 : i32
      %parallel_loop3A_395 = arith.index_cast %parallel_loop3A_394 : i32 to index
      %parallel_loop3A_396 = arith.index_cast %parallel_loop3A_152 : i32 to index
      %parallel_loop3A_397 = arith.constant 176 : index
      %parallel_loop3A_398 = tpu.vector_load %arg11[%parallel_loop3A_395, %parallel_loop3A_396, %parallel_loop3A_397] {strides = array<i32>} : memref<3x8x256xf32, #tpu.memory_space<vmem>>, vector<16xf32>,
      tpu.vector_store %arg11[%parallel_loop3A_395, %parallel_loop3A_396, %parallel_loop3A_397], %parallel_loop3A_393 {strides = array<i32>} : memref<3x8x256xf32, #tpu.memory_space<vmem>>, vector<16xf32>,
      %parallel_loop3A_399 = tpu.vector_load_idx %arg7[%parallel_loop3A_386] : memref<8352xf32, #tpu.memory_space<vmem>>[vector<16xi32>], vector<16xf32>,
      %parallel_loop3A_400 = arith.constant 2 : i32
      %parallel_loop3A_401 = arith.index_cast %parallel_loop3A_400 : i32 to index
      %parallel_loop3A_402 = arith.index_cast %parallel_loop3A_152 : i32 to index
      %parallel_loop3A_403 = arith.constant 176 : index
      %parallel_loop3A_404 = tpu.vector_load %arg11[%parallel_loop3A_401, %parallel_loop3A_402, %parallel_loop3A_403] {strides = array<i32>} : memref<3x8x256xf32, #tpu.memory_space<vmem>>, vector<16xf32>,
      tpu.vector_store %arg11[%parallel_loop3A_401, %parallel_loop3A_402, %parallel_loop3A_403], %parallel_loop3A_399 {strides = array<i32>} : memref<3x8x256xf32, #tpu.memory_space<vmem>>, vector<16xf32>,
      %parallel_loop3A_405 = arith.index_cast %parallel_loop3A_152 : i32 to index
      %parallel_loop3A_406 = arith.constant 192 : index
      %parallel_loop3A_407 = tpu.vector_load %arg9[%parallel_loop3A_405, %parallel_loop3A_406] {strides = array<i32>} : memref<8x256xi32, #tpu.memory_space<vmem>>, vector<16xi32>,
      %parallel_loop3A_408 = tpu.vector_load_idx %arg5[%parallel_loop3A_407] : memref<8352xf32, #tpu.memory_space<vmem>>[vector<16xi32>], vector<16xf32>,
      %parallel_loop3A_409 = arith.constant 0 : i32
      %parallel_loop3A_410 = arith.index_cast %parallel_loop3A_409 : i32 to index
      %parallel_loop3A_411 = arith.index_cast %parallel_loop3A_152 : i32 to index
      %parallel_loop3A_412 = arith.constant 192 : index
      %parallel_loop3A_413 = tpu.vector_load %arg11[%parallel_loop3A_410, %parallel_loop3A_411, %parallel_loop3A_412] {strides = array<i32>} : memref<3x8x256xf32, #tpu.memory_space<vmem>>, vector<16xf32>,
      tpu.vector_store %arg11[%parallel_loop3A_410, %parallel_loop3A_411, %parallel_loop3A_412], %parallel_loop3A_408 {strides = array<i32>} : memref<3x8x256xf32, #tpu.memory_space<vmem>>, vector<16xf32>,
      %parallel_loop3A_414 = tpu.vector_load_idx %arg6[%parallel_loop3A_407] : memref<8352xf32, #tpu.memory_space<vmem>>[vector<16xi32>], vector<16xf32>,
      %parallel_loop3A_415 = arith.constant 1 : i32
      %parallel_loop3A_416 = arith.index_cast %parallel_loop3A_415 : i32 to index
      %parallel_loop3A_417 = arith.index_cast %parallel_loop3A_152 : i32 to index
      %parallel_loop3A_418 = arith.constant 192 : index
      %parallel_loop3A_419 = tpu.vector_load %arg11[%parallel_loop3A_416, %parallel_loop3A_417, %parallel_loop3A_418] {strides = array<i32>} : memref<3x8x256xf32, #tpu.memory_space<vmem>>, vector<16xf32>,
      tpu.vector_store %arg11[%parallel_loop3A_416, %parallel_loop3A_417, %parallel_loop3A_418], %parallel_loop3A_414 {strides = array<i32>} : memref<3x8x256xf32, #tpu.memory_space<vmem>>, vector<16xf32>,
      %parallel_loop3A_420 = tpu.vector_load_idx %arg7[%parallel_loop3A_407] : memref<8352xf32, #tpu.memory_space<vmem>>[vector<16xi32>], vector<16xf32>,
      %parallel_loop3A_421 = arith.constant 2 : i32
      %parallel_loop3A_422 = arith.index_cast %parallel_loop3A_421 : i32 to index
      %parallel_loop3A_423 = arith.index_cast %parallel_loop3A_152 : i32 to index
      %parallel_loop3A_424 = arith.constant 192 : index
      %parallel_loop3A_425 = tpu.vector_load %arg11[%parallel_loop3A_422, %parallel_loop3A_423, %parallel_loop3A_424] {strides = array<i32>} : memref<3x8x256xf32, #tpu.memory_space<vmem>>, vector<16xf32>,
      tpu.vector_store %arg11[%parallel_loop3A_422, %parallel_loop3A_423, %parallel_loop3A_424], %parallel_loop3A_420 {strides = array<i32>} : memref<3x8x256xf32, #tpu.memory_space<vmem>>, vector<16xf32>,
      %parallel_loop3A_426 = arith.index_cast %parallel_loop3A_152 : i32 to index
      %parallel_loop3A_427 = arith.constant 208 : index
      %parallel_loop3A_428 = tpu.vector_load %arg9[%parallel_loop3A_426, %parallel_loop3A_427] {strides = array<i32>} : memref<8x256xi32, #tpu.memory_space<vmem>>, vector<16xi32>,
      %parallel_loop3A_429 = tpu.vector_load_idx %arg5[%parallel_loop3A_428] : memref<8352xf32, #tpu.memory_space<vmem>>[vector<16xi32>], vector<16xf32>,
      %parallel_loop3A_430 = arith.constant 0 : i32
      %parallel_loop3A_431 = arith.index_cast %parallel_loop3A_430 : i32 to index
      %parallel_loop3A_432 = arith.index_cast %parallel_loop3A_152 : i32 to index
      %parallel_loop3A_433 = arith.constant 208 : index
      %parallel_loop3A_434 = tpu.vector_load %arg11[%parallel_loop3A_431, %parallel_loop3A_432, %parallel_loop3A_433] {strides = array<i32>} : memref<3x8x256xf32, #tpu.memory_space<vmem>>, vector<16xf32>,
      tpu.vector_store %arg11[%parallel_loop3A_431, %parallel_loop3A_432, %parallel_loop3A_433], %parallel_loop3A_429 {strides = array<i32>} : memref<3x8x256xf32, #tpu.memory_space<vmem>>, vector<16xf32>,
      %parallel_loop3A_435 = tpu.vector_load_idx %arg6[%parallel_loop3A_428] : memref<8352xf32, #tpu.memory_space<vmem>>[vector<16xi32>], vector<16xf32>,
      %parallel_loop3A_436 = arith.constant 1 : i32
      %parallel_loop3A_437 = arith.index_cast %parallel_loop3A_436 : i32 to index
      %parallel_loop3A_438 = arith.index_cast %parallel_loop3A_152 : i32 to index
      %parallel_loop3A_439 = arith.constant 208 : index
      %parallel_loop3A_440 = tpu.vector_load %arg11[%parallel_loop3A_437, %parallel_loop3A_438, %parallel_loop3A_439] {strides = array<i32>} : memref<3x8x256xf32, #tpu.memory_space<vmem>>, vector<16xf32>,
      tpu.vector_store %arg11[%parallel_loop3A_437, %parallel_loop3A_438, %parallel_loop3A_439], %parallel_loop3A_435 {strides = array<i32>} : memref<3x8x256xf32, #tpu.memory_space<vmem>>, vector<16xf32>,
      %parallel_loop3A_441 = tpu.vector_load_idx %arg7[%parallel_loop3A_428] : memref<8352xf32, #tpu.memory_space<vmem>>[vector<16xi32>], vector<16xf32>,
      %parallel_loop3A_442 = arith.constant 2 : i32
      %parallel_loop3A_443 = arith.index_cast %parallel_loop3A_442 : i32 to index
      %parallel_loop3A_444 = arith.index_cast %parallel_loop3A_152 : i32 to index
      %parallel_loop3A_445 = arith.constant 208 : index
      %parallel_loop3A_446 = tpu.vector_load %arg11[%parallel_loop3A_443, %parallel_loop3A_444, %parallel_loop3A_445] {strides = array<i32>} : memref<3x8x256xf32, #tpu.memory_space<vmem>>, vector<16xf32>,
      tpu.vector_store %arg11[%parallel_loop3A_443, %parallel_loop3A_444, %parallel_loop3A_445], %parallel_loop3A_441 {strides = array<i32>} : memref<3x8x256xf32, #tpu.memory_space<vmem>>, vector<16xf32>,
      %parallel_loop3A_447 = arith.index_cast %parallel_loop3A_152 : i32 to index
      %parallel_loop3A_448 = arith.constant 224 : index
      %parallel_loop3A_449 = tpu.vector_load %arg9[%parallel_loop3A_447, %parallel_loop3A_448] {strides = array<i32>} : memref<8x256xi32, #tpu.memory_space<vmem>>, vector<16xi32>,
      %parallel_loop3A_450 = tpu.vector_load_idx %arg5[%parallel_loop3A_449] : memref<8352xf32, #tpu.memory_space<vmem>>[vector<16xi32>], vector<16xf32>,
      %parallel_loop3A_451 = arith.constant 0 : i32
      %parallel_loop3A_452 = arith.index_cast %parallel_loop3A_451 : i32 to index
      %parallel_loop3A_453 = arith.index_cast %parallel_loop3A_152 : i32 to index
      %parallel_loop3A_454 = arith.constant 224 : index
      %parallel_loop3A_455 = tpu.vector_load %arg11[%parallel_loop3A_452, %parallel_loop3A_453, %parallel_loop3A_454] {strides = array<i32>} : memref<3x8x256xf32, #tpu.memory_space<vmem>>, vector<16xf32>,
      tpu.vector_store %arg11[%parallel_loop3A_452, %parallel_loop3A_453, %parallel_loop3A_454], %parallel_loop3A_450 {strides = array<i32>} : memref<3x8x256xf32, #tpu.memory_space<vmem>>, vector<16xf32>,
      %parallel_loop3A_456 = tpu.vector_load_idx %arg6[%parallel_loop3A_449] : memref<8352xf32, #tpu.memory_space<vmem>>[vector<16xi32>], vector<16xf32>,
      %parallel_loop3A_457 = arith.constant 1 : i32
      %parallel_loop3A_458 = arith.index_cast %parallel_loop3A_457 : i32 to index
      %parallel_loop3A_459 = arith.index_cast %parallel_loop3A_152 : i32 to index
      %parallel_loop3A_460 = arith.constant 224 : index
      %parallel_loop3A_461 = tpu.vector_load %arg11[%parallel_loop3A_458, %parallel_loop3A_459, %parallel_loop3A_460] {strides = array<i32>} : memref<3x8x256xf32, #tpu.memory_space<vmem>>, vector<16xf32>,
      tpu.vector_store %arg11[%parallel_loop3A_458, %parallel_loop3A_459, %parallel_loop3A_460], %parallel_loop3A_456 {strides = array<i32>} : memref<3x8x256xf32, #tpu.memory_space<vmem>>, vector<16xf32>,
      %parallel_loop3A_462 = tpu.vector_load_idx %arg7[%parallel_loop3A_449] : memref<8352xf32, #tpu.memory_space<vmem>>[vector<16xi32>], vector<16xf32>,
      %parallel_loop3A_463 = arith.constant 2 : i32
      %parallel_loop3A_464 = arith.index_cast %parallel_loop3A_463 : i32 to index
      %parallel_loop3A_465 = arith.index_cast %parallel_loop3A_152 : i32 to index
      %parallel_loop3A_466 = arith.constant 224 : index
      %parallel_loop3A_467 = tpu.vector_load %arg11[%parallel_loop3A_464, %parallel_loop3A_465, %parallel_loop3A_466] {strides = array<i32>} : memref<3x8x256xf32, #tpu.memory_space<vmem>>, vector<16xf32>,
      tpu.vector_store %arg11[%parallel_loop3A_464, %parallel_loop3A_465, %parallel_loop3A_466], %parallel_loop3A_462 {strides = array<i32>} : memref<3x8x256xf32, #tpu.memory_space<vmem>>, vector<16xf32>,
      %parallel_loop3A_468 = arith.index_cast %parallel_loop3A_152 : i32 to index
      %parallel_loop3A_469 = arith.constant 240 : index
      %parallel_loop3A_470 = tpu.vector_load %arg9[%parallel_loop3A_468, %parallel_loop3A_469] {strides = array<i32>} : memref<8x256xi32, #tpu.memory_space<vmem>>, vector<16xi32>,
      %parallel_loop3A_471 = tpu.vector_load_idx %arg5[%parallel_loop3A_470] : memref<8352xf32, #tpu.memory_space<vmem>>[vector<16xi32>], vector<16xf32>,
      %parallel_loop3A_472 = arith.constant 0 : i32
      %parallel_loop3A_473 = arith.index_cast %parallel_loop3A_472 : i32 to index
      %parallel_loop3A_474 = arith.index_cast %parallel_loop3A_152 : i32 to index
      %parallel_loop3A_475 = arith.constant 240 : index
      %parallel_loop3A_476 = tpu.vector_load %arg11[%parallel_loop3A_473, %parallel_loop3A_474, %parallel_loop3A_475] {strides = array<i32>} : memref<3x8x256xf32, #tpu.memory_space<vmem>>, vector<16xf32>,
      tpu.vector_store %arg11[%parallel_loop3A_473, %parallel_loop3A_474, %parallel_loop3A_475], %parallel_loop3A_471 {strides = array<i32>} : memref<3x8x256xf32, #tpu.memory_space<vmem>>, vector<16xf32>,
      %parallel_loop3A_477 = tpu.vector_load_idx %arg6[%parallel_loop3A_470] : memref<8352xf32, #tpu.memory_space<vmem>>[vector<16xi32>], vector<16xf32>,
      %parallel_loop3A_478 = arith.constant 1 : i32
      %parallel_loop3A_479 = arith.index_cast %parallel_loop3A_478 : i32 to index
      %parallel_loop3A_480 = arith.index_cast %parallel_loop3A_152 : i32 to index
      %parallel_loop3A_481 = arith.constant 240 : index
      %parallel_loop3A_482 = tpu.vector_load %arg11[%parallel_loop3A_479, %parallel_loop3A_480, %parallel_loop3A_481] {strides = array<i32>} : memref<3x8x256xf32, #tpu.memory_space<vmem>>, vector<16xf32>,
      tpu.vector_store %arg11[%parallel_loop3A_479, %parallel_loop3A_480, %parallel_loop3A_481], %parallel_loop3A_477 {strides = array<i32>} : memref<3x8x256xf32, #tpu.memory_space<vmem>>, vector<16xf32>,
      %parallel_loop3A_483 = tpu.vector_load_idx %arg7[%parallel_loop3A_470] : memref<8352xf32, #tpu.memory_space<vmem>>[vector<16xi32>], vector<16xf32>,
      %parallel_loop3A_484 = arith.constant 2 : i32
      %parallel_loop3A_485 = arith.index_cast %parallel_loop3A_484 : i32 to index
      %parallel_loop3A_486 = arith.index_cast %parallel_loop3A_152 : i32 to index
      %parallel_loop3A_487 = arith.constant 240 : index
      %parallel_loop3A_488 = tpu.vector_load %arg11[%parallel_loop3A_485, %parallel_loop3A_486, %parallel_loop3A_487] {strides = array<i32>} : memref<3x8x256xf32, #tpu.memory_space<vmem>>, vector<16xf32>,
      tpu.vector_store %arg11[%parallel_loop3A_485, %parallel_loop3A_486, %parallel_loop3A_487], %parallel_loop3A_483 {strides = array<i32>} : memref<3x8x256xf32, #tpu.memory_space<vmem>>, vector<16xf32>,
    } {sc.loop_unroll_factor = 4 : i64, sc.parallel_access}
    %add3A_128 = arith.constant 256 : i32
    %add3A_129 = arith.addi %mul3A_2, %add3A_128 : i32
    %dma_start3A_130 = arith.constant 0 : i32
    %dma_start3A_131 = arith.constant 192 : i32
    %dma_start3A_132 = tpu.memref_slice %arg4[%dma_start3A_130, %dma_start3A_131, %add3A_129] : memref<3x200x16384xf32, #tpu.memory_space<hbm>> -> memref<3x8x256xf32, #tpu.memory_space<hbm>>
    %dma_start3A_133 = arith.constant 0 : i32
    %dma_start3A_134 = arith.constant 192 : i32
    %dma_start3A_135 = tpu.memref_slice %arg4[%dma_start3A_133, %dma_start3A_134, %add3A_129] : memref<3x200x16384xf32, #tpu.memory_space<hbm>> -> memref<3x8x256xf32, #tpu.memory_space<hbm>>
    tpu.enqueue_dma source(%arg11 : memref<3x8x256xf32, #tpu.memory_space<vmem>>) target(%dma_start3A_135 : memref<3x8x256xf32, #tpu.memory_space<hbm>>) target_semaphore(%arg15 : memref<!tpu.dma_semaphore, #tpu.memory_space<semaphore_mem>>)
    %dma_wait3A_136 = arith.constant 0 : i32
    %dma_wait3A_137 = arith.constant 0 : i32
    %dma_wait3A_138 = arith.constant 0 : i32
    %dma_wait3A_139 = tpu.memref_slice %arg4[%dma_wait3A_136, %dma_wait3A_137, %dma_wait3A_138] : memref<3x200x16384xf32, #tpu.memory_space<hbm>> -> memref<3x8x256xf32, #tpu.memory_space<hbm>>
    %dma_wait3A_140 = arith.constant 0 : i32
    %dma_wait3A_141 = arith.constant 0 : i32
    %dma_wait3A_142 = arith.constant 0 : i32
    %dma_wait3A_143 = tpu.memref_slice %arg4[%dma_wait3A_140, %dma_wait3A_141, %dma_wait3A_142] : memref<3x200x16384xf32, #tpu.memory_space<hbm>> -> memref<3x8x256xf32, #tpu.memory_space<hbm>>
    tpu.wait_dma2 semaphore(%arg14 : memref<!tpu.dma_semaphore, #tpu.memory_space<semaphore_mem>>) src(%arg10 : memref<3x8x256xf32, #tpu.memory_space<vmem>>) dst(%dma_wait3A_143 : memref<3x8x256xf32, #tpu.memory_space<hbm>>)
    %dma_wait3A_144 = arith.constant 0 : i32
    %dma_wait3A_145 = arith.constant 0 : i32
    %dma_wait3A_146 = arith.constant 0 : i32
    %dma_wait3A_147 = tpu.memref_slice %arg4[%dma_wait3A_144, %dma_wait3A_145, %dma_wait3A_146] : memref<3x200x16384xf32, #tpu.memory_space<hbm>> -> memref<3x8x256xf32, #tpu.memory_space<hbm>>
    %dma_wait3A_148 = arith.constant 0 : i32
    %dma_wait3A_149 = arith.constant 0 : i32
    %dma_wait3A_150 = arith.constant 0 : i32
    %dma_wait3A_151 = tpu.memref_slice %arg4[%dma_wait3A_148, %dma_wait3A_149, %dma_wait3A_150] : memref<3x200x16384xf32, #tpu.memory_space<hbm>> -> memref<3x8x256xf32, #tpu.memory_space<hbm>>
    tpu.wait_dma2 semaphore(%arg15 : memref<!tpu.dma_semaphore, #tpu.memory_space<semaphore_mem>>) src(%arg11 : memref<3x8x256xf32, #tpu.memory_space<vmem>>) dst(%dma_wait3A_151 : memref<3x8x256xf32, #tpu.memory_space<hbm>>)
    return
  }
}

</mosaic_0001>

<sc_bundles>
// kernel: kernel.3.cloned.1.call-start
scs
__scs_entry_jumppad:
0x0: {  	(pc) =	sbr.rel $0x88, $3  }
0x1: {  	(tag) =	ssettag $0x0;
	lr =	simm.s32 $0x1  }
0x2: {  	[smem:$0x3F9F] =	sst lr;
	_ =	strace $0xD0000000  }
0x3: {  	_ = 	snop  }
0x4: {  	_ = 	snop  }
0x5: {  	_ = 	snop  }
0x6: {  	_ = 	snop  }
0x7: {  	_ = 	snop  }
__scs_overlays_trampoline_lowered:
0x8: {  	[smem:$0x3FAE] =	sst s0  }
0x9: {  	[smem:$0x3FAF] =	sst s1  }
0xa: {  	[smem:$0x3FB0] =	sst s2  }
0xb: {  	[smem:$0x3FB1] =	sst s3  }
0xc: {  	[smem:$0x3FB2] =	sst s4  }
0xd: {  	[smem:$0x3FB3] =	sst s5  }
0xe: {  	[smem:$0x3FB4] =	sst s6  }
0xf: {  	[smem:$0x3FB5] =	sst s7  }
0x10: {  	[smem:$0x3FB6] =	sst s8  }
0x11: {  	[smem:$0x3FB7] =	sst s9;
	s0 =	simm.s32 @!p0 $0x0  }
0x12: {  	s1 =	sld [smem:$0x3F9D];
	s0 =	simm.s32 @p0 $0x1  }
0x13: {  	[smem:$0x3FB8] =	sst s0;
	s0 =	simm.s32 @!p1 $0x0  }
0x14: {  	s2 =	sld [smem:$0x3F9C];
	s0 =	simm.s32 @p1 $0x1  }
0x15: {  	[smem:$0x3FB9] =	sst s0;
	s0 =	simm.s32 @!p2 $0x0  }
0x16: {  	s3 =	sld [smem:$0x3FDB];
	s0 =	simm.s32 @p2 $0x1  }
0x17: {  	s4 =	simm.s32 $0x1BF5;
	[smem:$0x3FBB] =	sst s0  }
0x18: {  	s0 =	sld [smem:$0x3F9E];
	_ =	swait.ge [sflag:s4], $0x0  }
0x19: {  	s7 =	sld [smem:$0x3F9F]  }
0x1a: {  	s8 =	sadd.s32 $0xFFFFE003, lr  }
0x1b: {  	s9 =	sadd.s32 $0xFFFFFEF7, lr;
	s5 =	simm.s32 $0xFFFFFFFF;
	p2 =	slt.u32 s8, $0xFFFFF086  }
0x1c: {  	p1 =	slt.u32 s9, $0xF7A;
	s5 =	simm.s32 @!p2 $0x0  }
0x1d: {  	s5 =	simm.s32 @p1 $0x1;
	p0 =	seq.s32 s7, s2  }
0x1e: {  	s7 =	smul.u32 @!p0 $0xF7A, s2;
	p2 =	seq.s32 @!p0 s5, $0x0  }
0x1f: {  	s9 =	smul.u32 $0xF7A, s1;
	s8 =	simm.s32 @!p0 $0x1BF5;
	p2 =	por !p2, p0  }
0x20: {  	[sflag:s8] =	ssyncset.s32 @!p0 $0xFFFFF086;
	s6 =	sadd.s32 @!p0 s3, s7;
	s7 =	simm.s32 @!p0 $0x108  }
0x21: {  	s3 =	sadd.s32 s3, s9;
	s6 =	sadd.s32 @!p0 $0x88, s6;
	s7 =	simm.s32 @p2 $0x1082  }
0x22: {  	[simem:s7], [sflag:s8] =	dma.local @!p0 [hbm:s6], $0xF7A  }
0x23: {  	s9 =	sor.u32 $0xD0000000, s2;
	s6 =	simm.s32 $0x108;
	_ =	swait.ge @!p0 [sflag:s8], $0x0  }
0x24: {  	s3 =	sadd.s32 $0x88, s3;
	s6 =	simm.s32 @!p1 $0x1082;
	[sflag:s4] =	ssyncset.s32 $0xFFFFF086  }
0x25: {  	[simem:s6], [sflag:s4] =	dma.local [hbm:s3], $0xF7A  }
0x26: {  	[smem:$0x3F9F] =	sst s1;
	(tag) =	ssettag s2;
	_ =	strace s9  }
0x27: {  	s1 =	sld [smem:$0x3FAF]  }
0x28: {  	s2 =	sld [smem:$0x3FB0]  }
0x29: {  	s4 =	sld [smem:$0x3FB2]  }
0x2a: {  	p0 =	seq.s32 s5, $0x0;
	s5 =	sld [smem:$0x3FB3]  }
0x2b: {  	s6 =	sld [smem:$0x3FB4]  }
0x2c: {  	s7 =	sld [smem:$0x3FB5]  }
0x2d: {  	s3 =	simm.s32 $0x108;
	s8 =	sld [smem:$0x3FB6]  }
0x2e: {  	s3 =	simm.s32 @!p0 $0x1082;
	s9 =	sld [smem:$0x3FB7]  }
0x2f: {  	lr =	sadd.s32 s0, s3;
	s0 =	sld [smem:$0x3FAE]  }
0x30: {  	s3 =	sld [smem:$0x3FB1]  }
0x31: {  	[smem:$0x3FBA] =	sst s10  }
0x32: {  	s10 =	sld [smem:$0x3FB8];
	_ =	sdelay $0x3  }
0x33: {  	p0 =	seq.s32 s10, $0x1;
	s10 =	sld [smem:$0x3FBA];
	_ =	sdelay $0x3  }
0x34: {  	[smem:$0x3FBA] =	sst s10  }
0x35: {  	s10 =	sld [smem:$0x3FB9];
	_ =	sdelay $0x3  }
0x36: {  	p1 =	seq.s32 s10, $0x1;
	s10 =	sld [smem:$0x3FBA];
	_ =	sdelay $0x3  }
0x37: {  	[smem:$0x3FBA] =	sst s10  }
0x38: {  	s10 =	sld [smem:$0x3FBB]  }
0x39: {  	_ = 	snop;
	(pc) =	sbr.ind lr, $3  }
0x3a: {  	_ = 	snop  }
0x3b: {  	_ = 	snop  }
0x3c: {  	p2 =	seq.s32 s10, $0x1;
	s10 =	sld [smem:$0x3FBA]  }
0x3d: {  	_ =	shalt  }
0x3e: {  	_ =	shalt  }
0x3f: {  	_ =	shalt  }
0x40: {  	_ =	shalt  }
0x41: {  	_ =	shalt  }
0x42: {  	_ =	shalt  }
0x43: {  	_ =	shalt  }
0x44: {  	_ =	shalt  }
0x45: {  	_ =	shalt  }
0x46: {  	_ =	shalt  }
0x47: {  	_ =	shalt  }
0x48: {  	_ =	shalt  }
0x49: {  	_ =	shalt  }
0x4a: {  	_ =	shalt  }
0x4b: {  	_ =	shalt  }
0x4c: {  	_ =	shalt  }
0x4d: {  	_ =	shalt  }
0x4e: {  	_ =	shalt  }
0x4f: {  	_ =	shalt  }
0x50: {  	_ =	shalt  }
0x51: {  	_ =	shalt  }
0x52: {  	_ =	shalt  }
0x53: {  	_ =	shalt  }
0x54: {  	_ =	shalt  }
0x55: {  	_ =	shalt  }
0x56: {  	_ =	shalt  }
0x57: {  	_ =	shalt  }
0x58: {  	_ =	shalt  }
0x59: {  	_ =	shalt  }
0x5a: {  	_ =	shalt  }
0x5b: {  	_ =	shalt  }
0x5c: {  	_ =	shalt  }
0x5d: {  	_ =	shalt  }
0x5e: {  	_ =	shalt  }
0x5f: {  	_ =	shalt  }
0x60: {  	_ =	shalt  }
0x61: {  	_ =	shalt  }
0x62: {  	_ =	shalt  }
0x63: {  	_ =	shalt  }
0x64: {  	_ =	shalt  }
0x65: {  	_ =	shalt  }
0x66: {  	_ =	shalt  }
0x67: {  	_ =	shalt  }
0x68: {  	_ =	shalt  }
0x69: {  	_ =	shalt  }
0x6a: {  	_ =	shalt  }
0x6b: {  	_ =	shalt  }
0x6c: {  	_ =	shalt  }
0x6d: {  	_ =	shalt  }
0x6e: {  	_ =	shalt  }
0x6f: {  	_ =	shalt  }
0x70: {  	_ =	shalt  }
0x71: {  	_ =	shalt  }
0x72: {  	_ =	shalt  }
0x73: {  	_ =	shalt  }
0x74: {  	_ =	shalt  }
0x75: {  	_ =	shalt  }
0x76: {  	_ =	shalt  }
0x77: {  	_ =	shalt  }
0x78: {  	_ =	shalt  }
0x79: {  	_ =	shalt  }
0x7a: {  	_ =	shalt  }
0x7b: {  	_ =	shalt  }
0x7c: {  	_ =	shalt  }
0x7d: {  	_ =	shalt  }
0x7e: {  	_ =	shalt  }
0x7f: {  	_ =	shalt  }
0x80: {  	_ =	shalt  }
0x81: {  	_ =	shalt  }
0x82: {  	_ =	shalt  }
0x83: {  	_ =	shalt  }
0x84: {  	_ =	shalt  }
0x85: {  	_ =	shalt  }
0x86: {  	_ =	shalt  }
0x87: {  	_ =	shalt  }
.Lfunc_end0:
.L_simem_size_0:
called_computation_lowered:
.L_overlay_start_0:
0x88: {  	s2 =	sld [smem:$0x3FD9]  }
0x89: {  	s3 =	sld [smem:$0x3FFE];
	_ =	sdelay $0x1  }
0x8a: {  	s1 =	srdreg.scid  }
0x8b: {  	s0 =	sand.u32 $0x1, s1  }
0x8c: {  	s17 =	sshll.u32 s0, $0xA;
	s2 =	sadd.s32 s3, s2  }
0x8d: {  	s2 =	sadd.s32 s2, s17  }
0x8e: {  	[smem:$0x3FC6] =	sst s2  }
0x8f: {  	_ = 	snop  }
0x90: {  	s2 =	sld [smem:$0x3FC9]  }
0x91: {  	s18 =	sld [smem:$0x3FD0];
	(tm) =	ssettm $0x1  }
0x92: {  	s4 =	sld [smem:$0x3FFB];
	_ =	sdelay $0x3  }
0x93: {  	_ =	strace s4  }
0x94: {  	s4 =	sld [smem:$0x3FFC];
	_ =	sdelay $0x3  }
0x95: {  	_ =	strace s4  }
0x96: {  	s4 =	sld [smem:$0x3FFD];
	_ =	sdelay $0x3  }
0x97: {  	_ =	strace s4  }
0x98: {  	_ =	strace $0x8FFFFFFF  }
0x99: {  	s19 =	sld [smem:$0x3FDB];
	_ =	sdelay $0x1  }
0x9a: {  	s5 =	simm.s32 $_scs_section_size  }
0x9b: {  	s6 =	simm.s32 $_size__tile_overlayer_lowered;
	s7 =	simm.s32 $_tile_overlayer_lowered  }
0x9c: {  	s22 =	simm.s32 $0x1BFF;
	s21 =	sshll.u32 s7, $0x1;
	s4 =	sadd.s32 s5, s19  }
0x9d: {  	s8 =	simm.s32 $0x0;
	s20 =	sshll.u32 s6, $0x1;
	s6 =	sadd.s32 s21, s4  }
0x9e: {  	[timem:s8], [sflag:s22] =	dma.local [hbm:s6], s20  }
0x9f: {  	_ =	swait.ge [sflag:s22], s20  }
0xa0: {  	s5 =	ssub.s32 $0x0, s20;
	[sflag:s22] =	ssyncset.done $0x0  }
0xa1: {  	[sflag:s22] =	ssyncadd.s32 s5;
	_ =	sdelay $0x1  }
0xa2: {  	s23 =	simm.s32 $0x1B8B  }
0xa3: {  	_ =	swait.ge [sflag:s23], $0x1  }
0xa4: {  	[sflag:s23] =	ssyncset.done $0x0  }
0xa5: {  	s25 =	simm.s32 $0x1B8E;
	s24 =	sld [smem:$0x3FFE];
	[sflag:s23] =	ssyncadd.s32 $0xFFFFFFFF  }
0xa6: {  	s26 =	simm.s32 $execute0_lowered;
	[smem:$0x3FD2] =	sst s25  }
0xa7: {  	s6 =	sshll.u32 s26, $0x1;
	_ =	strace $0x80000046;
	[dreg:$0x1] =	wrdreg $0xFFFFFFFF  }
0xa8: {  	s28 =	simm.s32 $_size_execute0_lowered;
	s4 =	sadd.s32 s4, s6;
	[dreg:$0x0] =	wrdreg $0x0  }
0xa9: {  	s6 =	sshll.u32 s28, $0x1;
	[dreg:$0x2] =	wrdreg s4  }
0xaa: {  	[dreg:$0x3] =	wrdreg s6  }
0xab: {  	[dreg:$0x4] =	wrdreg $0xC0  }
0xac: {  	_ =	task [dreg:s8], $0x5FFFF  }
0xad: {  	[dreg:$0x1] =	wrdreg $0xFFFFFFFF  }
0xae: {  	[dreg:$0x0] =	wrdreg $0x60  }
0xaf: {  	[dreg:$0x2] =	wrdreg s2  }
0xb0: {  	[dreg:$0x3] =	wrdreg s24  }
0xb1: {  	[dreg:$0x4] =	wrdreg s18  }
0xb2: {  	[dreg:$0x5] =	wrdreg $0x9  }
0xb3: {  	_ =	task.clear_ibuf [dreg:s8], $0x6FFFF;
	_ =	strace $0x90000046  }
0xb4: {  	s29 =	simm.s32 $0x9;
	_ =	strace $0x80000048  }
0xb5: {  	_ =	swait.ge [sflag:s29], $0x1  }
0xb6: {  	[sflag:s29] =	ssyncadd.s32 $0xFFFFFFFF  }
0xb7: {  	_ =	strace $0x90000048  }
0xb8: {  	_ =	sfence  }
0xb9: {  	s30 =	sld [smem:$0x0];
	_ =	sdelay $0x2  }
0xba: {  	s31 =	sshll.u32 s1, $0xD;
	s1 =	sshrl.u32 s1, $0x2  }
0xbb: {  	s3 =	sand.u32 $0x4000, s31;
	s1 =	sadd.s32 s1, s30  }
0xbc: {  	s0 =	sor.u32 s3, s0;
	s1 =	sshll.u32 s1, $0x11  }
0xbd: {  	s0 =	sor.u32 s1, s0  }
0xbe: {  	s0 =	sadd.s32 $0x8F2B, s0  }
0xbf: {  	[sflag:s0] =	ssyncadd.remote.s32 $0x1  }
0xc0: {  	_ =	sfence.sel $0xFFFF  }
0xc1: {  	[dreg:$0x0] =	wrdreg $0xFFFFFFFF;
	(pc) =	sbr.abs _section_cstart, $3  }
0xc2: {  	[dreg:$0x1] =	wrdreg $0xFFFFFFFF  }
0xc3: {  	_ =	task.clear_ibuf [dreg:s8], $0x2FFFF;
	_ =	strace $0x9FFFFFFF  }
0xc4: {  	(tm) =	ssettm $0x7FFFFFFF  }
0xc5: {  	_ =	shalt  }
tec
execute0_lowered:
.L_overlay_start_1:
0x0: {  	(tag) =	ssettag $0x1  }
0x1: {  	s0 =	rddreg [dreg:$0x0]  }
0x2: {  	s1 =	rddreg [dreg:$0x1]  }
0x3: {  	s10 =	rddreg [dreg:$0x2];
	s2 =	simm.s32 $0x0  }
0x4: {  	s3 =	srdreg.scid;
	s6 =	stileid.u32;
	s15 =	simm.s32 $0x2100  }
0x5: {  	s16 =	simm.s32 $0x4200;
	s17 =	simm.s32 $0x6300;
	s18 =	simm.s32 $0x6B00  }
0x6: {  	s19 =	simm.s32 $0x5;
	s20 =	simm.s32 $0x1;
	s21 =	simm.s32 $0x800  }
0x7: {  	s22 =	simm.s32 $0x320000;
	s23 =	simm.s32 $0x7300;
	s24 =	simm.s32 $0x2  }
0x8: {  	s25 =	simm.s32 $0x8B00;
	s26 =	simm.s32 $0x3;
	s28 =	simm.s32 $0x4  }
0x9: {  	s29 =	simm.s32 $0x0;
	[smem:$0x7FF] =	sst s2;
	s3 =	sand.u32 $0x1, s3  }
0xa: {  	s6 =	sshll.u32 s6, $0x9;
	s31 =	sadd.s32 $0x400, s1;
	_ =	strace $0x80000047  }
0xb: {  	s4 =	ssub.s32 $0x2, s3;
	s5 =	sshll.u32 s3, $0xD;
	[dreg:$0x4] =	wrdreg s31  }
0xc: {  	s7 =	sshrl.u32 s4, $0x1;
	s8 =	sor.u32 s6, s5;
	s5 =	sadd.s32 $0xC28, s1  }
0xd: {  	s14 =	ssub.s32 s4, s7;
	s4 =	sadd.s32 $0x814, s1;
	s11 =	sor.u32 $0x100, s8  }
0xe: {  	s6 =	sadd.s32 s0, s8;
	s8 =	sadd.s32 s10, s8;
	s7 =	sadd.s32 s0, s11  }
0xf: {  	s9 =	sadd.s32 $0x4000, s6;
	s10 =	sadd.s32 s10, s11;
	s11 =	sadd.s32 $0x4100, s6  }
0x10: {  	s12 =	sadd.s32 $0x60000, s8;
	s13 =	sadd.s32 $0x60100, s8;
	s14 =	smax.u32 s14, $0x1  }
.LBB2_1:
0x11: {  	s0 =	rddreg [dreg:$0x4]  }
0x12: {  	[tilespmem:s2], [sflag:$0x5] =	stream.linear.gather [hbm4b:s0+s2], $0x20A0, $0x38;
	[tilespmem:$0xA300] =	vst v63  }
0x13: {  	_ = 	snop  }
0x14: {  	[tilespmem:s15], [sflag:$0x5] =	stream.linear.gather [hbm4b:s4+s2], $0x20A0, $0x38;
	[tilespmem:$0xA300] =	vst v63  }
0x15: {  	_ = 	snop  }
0x16: {  	[tilespmem:s16], [sflag:$0x5] =	stream.linear.gather [hbm4b:s5+s2], $0x20A0, $0x38;
	[tilespmem:$0xA300] =	vst v63  }
0x17: {  	_ = 	snop  }
0x18: {  	[tilespmem:s17], [sflag:$0x1] =	stream.linear.gather [hbm4b:s6+s2], $0x800, $0x38;
	[tilespmem:$0xA300] =	vst v63  }
0x19: {  	_ = 	snop  }
0x1a: {  	[tilespmem:s18], [sflag:$0x2] =	stream.linear.gather [hbm4b:s7+s2], $0x800, $0x38;
	[tilespmem:$0xA300] =	vst v63  }
0x1b: {  	_ =	swait.ge [sflag:s19], $0x20A0  }
0x1c: {  	[sflag:s19] =	ssyncset.done $0x0  }
0x1d: {  	[sflag:s19] =	ssyncadd.s32 $0xFFFFDF60  }
0x1e: {  	_ =	swait.ge [sflag:s19], $0x20A0  }
0x1f: {  	[sflag:s19] =	ssyncset.done $0x0  }
0x20: {  	[sflag:s19] =	ssyncadd.s32 $0xFFFFDF60  }
0x21: {  	_ =	swait.ge [sflag:s19], $0x20A0  }
0x22: {  	[sflag:s19] =	ssyncset.done $0x0  }
0x23: {  	[sflag:s19] =	ssyncadd.s32 $0xFFFFDF60  }
0x24: {  	_ =	swait.ge [sflag:s20], $0x800  }
0x25: {  	[sflag:s20] =	ssyncset.done $0x0  }
0x26: {  	p0 =	por $0x1, $0x1;
	s0 =	simm.s32 $0x0;
	[sflag:s20] =	ssyncadd.s32 $0xFFFFF800  }
.LBB2_2:
0x27: {  	v0 =	vld [tilespmem:s0+$0x6300]  }
0x28: {  	v1 =	vld [tilespmem:s0+$0x6380]  }
0x29: {  	v2 =	vld [tilespmem:s0+$0x6400]  }
0x2a: {  	v3 =	vld [tilespmem:s0+$0x6480];
	_ =	sdelay $0x4  }
0x2b: {  	v4 =	vld.idx.msk [tilespmem:v0+s2+$0x0], $0xffff  }
0x2c: {  	v5 =	vld.idx.msk [tilespmem:v1+s2+$0x0], $0xffff  }
0x2d: {  	v6 =	vld.idx.msk [tilespmem:v2+s2+$0x0], $0xffff  }
0x2e: {  	v7 =	vld.idx.msk [tilespmem:v3+s2+$0x0], $0xffff  }
0x2f: {  	v59 =	vld [tilespmem:s0+$0x6310]  }
0x30: {  	v60 =	vld [tilespmem:s0+$0x6390];
	[tilespmem:s0+$0x7300] =	vst v4  }
0x31: {  	[tilespmem:s0+$0x7380] =	vst v5;
	v4 =	vld.idx.msk [tilespmem:v0+s15+$0x0], $0xffff  }
0x32: {  	[tilespmem:s0+$0x7400] =	vst v6;
	v5 =	vld.idx.msk [tilespmem:v1+s15+$0x0], $0xffff  }
0x33: {  	[tilespmem:s0+$0x7480] =	vst v7;
	v6 =	vld.idx.msk [tilespmem:v2+s15+$0x0], $0xffff  }
0x34: {  	v7 =	vld.idx.msk [tilespmem:v3+s15+$0x0], $0xffff  }
0x35: {  	v61 =	vld [tilespmem:s0+$0x6410]  }
0x36: {  	v62 =	vld [tilespmem:s0+$0x6490];
	[tilespmem:s0+$0x7B00] =	vst v4  }
0x37: {  	[tilespmem:s0+$0x7B80] =	vst v5;
	v0 =	vld.idx.msk [tilespmem:v0+s16+$0x0], $0xffff  }
0x38: {  	[tilespmem:s0+$0x7C00] =	vst v6;
	v1 =	vld.idx.msk [tilespmem:v1+s16+$0x0], $0xffff  }
0x39: {  	[tilespmem:s0+$0x7C80] =	vst v7;
	v2 =	vld.idx.msk [tilespmem:v2+s16+$0x0], $0xffff  }
0x3a: {  	v3 =	vld.idx.msk [tilespmem:v3+s16+$0x0], $0xffff;
	_ =	sdelay $0x1  }
0x3b: {  	[tilespmem:s0+$0x8300] =	vst v0  }
0x3c: {  	[tilespmem:s0+$0x8380] =	vst v1;
	v4 =	vld.idx.msk [tilespmem:v59+s2+$0x0], $0xffff  }
0x3d: {  	[tilespmem:s0+$0x8400] =	vst v2;
	v5 =	vld.idx.msk [tilespmem:v60+s2+$0x0], $0xffff  }
0x3e: {  	[tilespmem:s0+$0x8480] =	vst v3;
	v6 =	vld.idx.msk [tilespmem:v61+s2+$0x0], $0xffff  }
0x3f: {  	v7 =	vld.idx.msk [tilespmem:v62+s2+$0x0], $0xffff  }
0x40: {  	v63 =	vld [tilespmem:s0+$0x6320]  }
0x41: {  	v9 =	vld [tilespmem:s0+$0x63A0];
	[tilespmem:s0+$0x7310] =	vst v4  }
0x42: {  	[tilespmem:s0+$0x7390] =	vst v5;
	v4 =	vld.idx.msk [tilespmem:v59+s15+$0x0], $0xffff  }
0x43: {  	[tilespmem:s0+$0x7410] =	vst v6;
	v5 =	vld.idx.msk [tilespmem:v60+s15+$0x0], $0xffff  }
0x44: {  	[tilespmem:s0+$0x7490] =	vst v7;
	v6 =	vld.idx.msk [tilespmem:v61+s15+$0x0], $0xffff  }
0x45: {  	v7 =	vld.idx.msk [tilespmem:v62+s15+$0x0], $0xffff  }
0x46: {  	v10 =	vld [tilespmem:s0+$0x6420]  }
0x47: {  	v11 =	vld [tilespmem:s0+$0x64A0];
	[tilespmem:s0+$0x7B10] =	vst v4  }
0x48: {  	[tilespmem:s0+$0x7B90] =	vst v5;
	v0 =	vld.idx.msk [tilespmem:v59+s16+$0x0], $0xffff  }
0x49: {  	[tilespmem:s0+$0x7C10] =	vst v6;
	v1 =	vld.idx.msk [tilespmem:v60+s16+$0x0], $0xffff  }
0x4a: {  	[tilespmem:s0+$0x7C90] =	vst v7;
	v2 =	vld.idx.msk [tilespmem:v61+s16+$0x0], $0xffff  }
0x4b: {  	v3 =	vld.idx.msk [tilespmem:v62+s16+$0x0], $0xffff;
	_ =	sdelay $0x1  }
0x4c: {  	[tilespmem:s0+$0x8310] =	vst v0  }
0x4d: {  	[tilespmem:s0+$0x8390] =	vst v1;
	v4 =	vld.idx.msk [tilespmem:v63+s2+$0x0], $0xffff  }
0x4e: {  	[tilespmem:s0+$0x8410] =	vst v2;
	v5 =	vld.idx.msk [tilespmem:v9+s2+$0x0], $0xffff  }
0x4f: {  	[tilespmem:s0+$0x8490] =	vst v3;
	v6 =	vld.idx.msk [tilespmem:v10+s2+$0x0], $0xffff  }
0x50: {  	v7 =	vld.idx.msk [tilespmem:v11+s2+$0x0], $0xffff  }
0x51: {  	v12 =	vld [tilespmem:s0+$0x6330]  }
0x52: {  	v13 =	vld [tilespmem:s0+$0x63B0];
	[tilespmem:s0+$0x7320] =	vst v4  }
0x53: {  	[tilespmem:s0+$0x73A0] =	vst v5;
	v4 =	vld.idx.msk [tilespmem:v63+s15+$0x0], $0xffff  }
0x54: {  	[tilespmem:s0+$0x7420] =	vst v6;
	v5 =	vld.idx.msk [tilespmem:v9+s15+$0x0], $0xffff  }
0x55: {  	[tilespmem:s0+$0x74A0] =	vst v7;
	v6 =	vld.idx.msk [tilespmem:v10+s15+$0x0], $0xffff  }
0x56: {  	v7 =	vld.idx.msk [tilespmem:v11+s15+$0x0], $0xffff  }
0x57: {  	v14 =	vld [tilespmem:s0+$0x6430]  }
0x58: {  	v15 =	vld [tilespmem:s0+$0x64B0];
	[tilespmem:s0+$0x7B20] =	vst v4  }
0x59: {  	[tilespmem:s0+$0x7BA0] =	vst v5;
	v0 =	vld.idx.msk [tilespmem:v63+s16+$0x0], $0xffff  }
0x5a: {  	[tilespmem:s0+$0x7C20] =	vst v6;
	v1 =	vld.idx.msk [tilespmem:v9+s16+$0x0], $0xffff  }
0x5b: {  	[tilespmem:s0+$0x7CA0] =	vst v7;
	v2 =	vld.idx.msk [tilespmem:v10+s16+$0x0], $0xffff  }
0x5c: {  	v3 =	vld.idx.msk [tilespmem:v11+s16+$0x0], $0xffff;
	_ =	sdelay $0x1  }
0x5d: {  	[tilespmem:s0+$0x8320] =	vst v0  }
0x5e: {  	[tilespmem:s0+$0x83A0] =	vst v1;
	v4 =	vld.idx.msk [tilespmem:v12+s2+$0x0], $0xffff  }
0x5f: {  	[tilespmem:s0+$0x8420] =	vst v2;
	v5 =	vld.idx.msk [tilespmem:v13+s2+$0x0], $0xffff  }
0x60: {  	[tilespmem:s0+$0x84A0] =	vst v3;
	v6 =	vld.idx.msk [tilespmem:v14+s2+$0x0], $0xffff  }
0x61: {  	v7 =	vld.idx.msk [tilespmem:v15+s2+$0x0], $0xffff  }
0x62: {  	v16 =	vld [tilespmem:s0+$0x6340]  }
0x63: {  	v17 =	vld [tilespmem:s0+$0x63C0];
	[tilespmem:s0+$0x7330] =	vst v4  }
0x64: {  	[tilespmem:s0+$0x73B0] =	vst v5;
	v4 =	vld.idx.msk [tilespmem:v12+s15+$0x0], $0xffff  }
0x65: {  	[tilespmem:s0+$0x7430] =	vst v6;
	v5 =	vld.idx.msk [tilespmem:v13+s15+$0x0], $0xffff  }
0x66: {  	[tilespmem:s0+$0x74B0] =	vst v7;
	v6 =	vld.idx.msk [tilespmem:v14+s15+$0x0], $0xffff  }
0x67: {  	v7 =	vld.idx.msk [tilespmem:v15+s15+$0x0], $0xffff  }
0x68: {  	v18 =	vld [tilespmem:s0+$0x6440]  }
0x69: {  	v19 =	vld [tilespmem:s0+$0x64C0];
	[tilespmem:s0+$0x7B30] =	vst v4  }
0x6a: {  	[tilespmem:s0+$0x7BB0] =	vst v5;
	v0 =	vld.idx.msk [tilespmem:v12+s16+$0x0], $0xffff  }
0x6b: {  	[tilespmem:s0+$0x7C30] =	vst v6;
	v1 =	vld.idx.msk [tilespmem:v13+s16+$0x0], $0xffff  }
0x6c: {  	[tilespmem:s0+$0x7CB0] =	vst v7;
	v2 =	vld.idx.msk [tilespmem:v14+s16+$0x0], $0xffff  }
0x6d: {  	v3 =	vld.idx.msk [tilespmem:v15+s16+$0x0], $0xffff;
	_ =	sdelay $0x1  }
0x6e: {  	[tilespmem:s0+$0x8330] =	vst v0  }
0x6f: {  	[tilespmem:s0+$0x83B0] =	vst v1;
	v4 =	vld.idx.msk [tilespmem:v16+s2+$0x0], $0xffff  }
0x70: {  	[tilespmem:s0+$0x8430] =	vst v2;
	v5 =	vld.idx.msk [tilespmem:v17+s2+$0x0], $0xffff  }
0x71: {  	[tilespmem:s0+$0x84B0] =	vst v3;
	v6 =	vld.idx.msk [tilespmem:v18+s2+$0x0], $0xffff  }
0x72: {  	v7 =	vld.idx.msk [tilespmem:v19+s2+$0x0], $0xffff  }
0x73: {  	v20 =	vld [tilespmem:s0+$0x6350]  }
0x74: {  	v21 =	vld [tilespmem:s0+$0x63D0];
	[tilespmem:s0+$0x7340] =	vst v4  }
0x75: {  	[tilespmem:s0+$0x73C0] =	vst v5;
	v4 =	vld.idx.msk [tilespmem:v16+s15+$0x0], $0xffff  }
0x76: {  	[tilespmem:s0+$0x7440] =	vst v6;
	v5 =	vld.idx.msk [tilespmem:v17+s15+$0x0], $0xffff  }
0x77: {  	[tilespmem:s0+$0x74C0] =	vst v7;
	v6 =	vld.idx.msk [tilespmem:v18+s15+$0x0], $0xffff  }
0x78: {  	v7 =	vld.idx.msk [tilespmem:v19+s15+$0x0], $0xffff  }
0x79: {  	v22 =	vld [tilespmem:s0+$0x6450]  }
0x7a: {  	v23 =	vld [tilespmem:s0+$0x64D0];
	[tilespmem:s0+$0x7B40] =	vst v4  }
0x7b: {  	[tilespmem:s0+$0x7BC0] =	vst v5;
	v0 =	vld.idx.msk [tilespmem:v16+s16+$0x0], $0xffff  }
0x7c: {  	[tilespmem:s0+$0x7C40] =	vst v6;
	v1 =	vld.idx.msk [tilespmem:v17+s16+$0x0], $0xffff  }
0x7d: {  	[tilespmem:s0+$0x7CC0] =	vst v7;
	v2 =	vld.idx.msk [tilespmem:v18+s16+$0x0], $0xffff  }
0x7e: {  	v3 =	vld.idx.msk [tilespmem:v19+s16+$0x0], $0xffff;
	_ =	sdelay $0x1  }
0x7f: {  	[tilespmem:s0+$0x8340] =	vst v0  }
0x80: {  	[tilespmem:s0+$0x83C0] =	vst v1;
	v4 =	vld.idx.msk [tilespmem:v20+s2+$0x0], $0xffff  }
0x81: {  	[tilespmem:s0+$0x8440] =	vst v2;
	v5 =	vld.idx.msk [tilespmem:v21+s2+$0x0], $0xffff  }
0x82: {  	[tilespmem:s0+$0x84C0] =	vst v3;
	v6 =	vld.idx.msk [tilespmem:v22+s2+$0x0], $0xffff  }
0x83: {  	v7 =	vld.idx.msk [tilespmem:v23+s2+$0x0], $0xffff  }
0x84: {  	v24 =	vld [tilespmem:s0+$0x6360]  }
0x85: {  	v25 =	vld [tilespmem:s0+$0x63E0];
	[tilespmem:s0+$0x7350] =	vst v4  }
0x86: {  	[tilespmem:s0+$0x73D0] =	vst v5;
	v4 =	vld.idx.msk [tilespmem:v20+s15+$0x0], $0xffff  }
0x87: {  	[tilespmem:s0+$0x7450] =	vst v6;
	v5 =	vld.idx.msk [tilespmem:v21+s15+$0x0], $0xffff  }
0x88: {  	[tilespmem:s0+$0x74D0] =	vst v7;
	v6 =	vld.idx.msk [tilespmem:v22+s15+$0x0], $0xffff  }
0x89: {  	v7 =	vld.idx.msk [tilespmem:v23+s15+$0x0], $0xffff  }
0x8a: {  	v26 =	vld [tilespmem:s0+$0x6460]  }
0x8b: {  	v27 =	vld [tilespmem:s0+$0x64E0];
	[tilespmem:s0+$0x7B50] =	vst v4  }
0x8c: {  	[tilespmem:s0+$0x7BD0] =	vst v5;
	v0 =	vld.idx.msk [tilespmem:v20+s16+$0x0], $0xffff  }
0x8d: {  	[tilespmem:s0+$0x7C50] =	vst v6;
	v1 =	vld.idx.msk [tilespmem:v21+s16+$0x0], $0xffff  }
0x8e: {  	[tilespmem:s0+$0x7CD0] =	vst v7;
	v2 =	vld.idx.msk [tilespmem:v22+s16+$0x0], $0xffff  }
0x8f: {  	v3 =	vld.idx.msk [tilespmem:v23+s16+$0x0], $0xffff;
	_ =	sdelay $0x1  }
0x90: {  	[tilespmem:s0+$0x8350] =	vst v0  }
0x91: {  	[tilespmem:s0+$0x83D0] =	vst v1;
	v4 =	vld.idx.msk [tilespmem:v24+s2+$0x0], $0xffff  }
0x92: {  	[tilespmem:s0+$0x8450] =	vst v2;
	v5 =	vld.idx.msk [tilespmem:v25+s2+$0x0], $0xffff  }
0x93: {  	[tilespmem:s0+$0x84D0] =	vst v3;
	v6 =	vld.idx.msk [tilespmem:v26+s2+$0x0], $0xffff  }
0x94: {  	v7 =	vld.idx.msk [tilespmem:v27+s2+$0x0], $0xffff  }
0x95: {  	v28 =	vld [tilespmem:s0+$0x6370]  }
0x96: {  	v29 =	vld [tilespmem:s0+$0x63F0];
	[tilespmem:s0+$0x7360] =	vst v4  }
0x97: {  	[tilespmem:s0+$0x73E0] =	vst v5;
	v4 =	vld.idx.msk [tilespmem:v24+s15+$0x0], $0xffff  }
0x98: {  	[tilespmem:s0+$0x7460] =	vst v6;
	v5 =	vld.idx.msk [tilespmem:v25+s15+$0x0], $0xffff  }
0x99: {  	[tilespmem:s0+$0x74E0] =	vst v7;
	v6 =	vld.idx.msk [tilespmem:v26+s15+$0x0], $0xffff  }
0x9a: {  	v7 =	vld.idx.msk [tilespmem:v27+s15+$0x0], $0xffff  }
0x9b: {  	v30 =	vld [tilespmem:s0+$0x6470]  }
0x9c: {  	v31 =	vld [tilespmem:s0+$0x64F0];
	[tilespmem:s0+$0x7B60] =	vst v4  }
0x9d: {  	[tilespmem:s0+$0x7BE0] =	vst v5;
	v0 =	vld.idx.msk [tilespmem:v24+s16+$0x0], $0xffff  }
0x9e: {  	[tilespmem:s0+$0x7C60] =	vst v6;
	v1 =	vld.idx.msk [tilespmem:v25+s16+$0x0], $0xffff  }
0x9f: {  	[tilespmem:s0+$0x7CE0] =	vst v7;
	v2 =	vld.idx.msk [tilespmem:v26+s16+$0x0], $0xffff  }
0xa0: {  	v3 =	vld.idx.msk [tilespmem:v27+s16+$0x0], $0xffff;
	_ =	sdelay $0x1  }
0xa1: {  	[tilespmem:s0+$0x8360] =	vst v0  }
0xa2: {  	[tilespmem:s0+$0x83E0] =	vst v1;
	v4 =	vld.idx.msk [tilespmem:v28+s2+$0x0], $0xffff  }
0xa3: {  	[tilespmem:s0+$0x8460] =	vst v2;
	v5 =	vld.idx.msk [tilespmem:v29+s2+$0x0], $0xffff  }
0xa4: {  	[tilespmem:s0+$0x84E0] =	vst v3;
	v6 =	vld.idx.msk [tilespmem:v30+s2+$0x0], $0xffff  }
0xa5: {  	v7 =	vld.idx.msk [tilespmem:v31+s2+$0x0], $0xffff  }
0xa6: {  	v32 =	vld [tilespmem:s0+$0x6700]  }
0xa7: {  	v33 =	vld [tilespmem:s0+$0x6780];
	[tilespmem:s0+$0x7370] =	vst v4  }
0xa8: {  	[tilespmem:s0+$0x73F0] =	vst v5;
	v4 =	vld.idx.msk [tilespmem:v28+s15+$0x0], $0xffff  }
0xa9: {  	[tilespmem:s0+$0x7470] =	vst v6;
	v5 =	vld.idx.msk [tilespmem:v29+s15+$0x0], $0xffff  }
0xaa: {  	[tilespmem:s0+$0x74F0] =	vst v7;
	v6 =	vld.idx.msk [tilespmem:v30+s15+$0x0], $0xffff  }
0xab: {  	v7 =	vld.idx.msk [tilespmem:v31+s15+$0x0], $0xffff  }
0xac: {  	v34 =	vld [tilespmem:s0+$0x6800]  }
0xad: {  	v35 =	vld [tilespmem:s0+$0x6880];
	[tilespmem:s0+$0x7B70] =	vst v4  }
0xae: {  	[tilespmem:s0+$0x7BF0] =	vst v5;
	v0 =	vld.idx.msk [tilespmem:v28+s16+$0x0], $0xffff  }
0xaf: {  	[tilespmem:s0+$0x7C70] =	vst v6;
	v1 =	vld.idx.msk [tilespmem:v29+s16+$0x0], $0xffff  }
0xb0: {  	[tilespmem:s0+$0x7CF0] =	vst v7;
	v2 =	vld.idx.msk [tilespmem:v30+s16+$0x0], $0xffff  }
0xb1: {  	v3 =	vld.idx.msk [tilespmem:v31+s16+$0x0], $0xffff;
	_ =	sdelay $0x1  }
0xb2: {  	[tilespmem:s0+$0x8370] =	vst v0  }
0xb3: {  	[tilespmem:s0+$0x83F0] =	vst v1;
	v4 =	vld.idx.msk [tilespmem:v32+s2+$0x0], $0xffff  }
0xb4: {  	[tilespmem:s0+$0x8470] =	vst v2;
	v5 =	vld.idx.msk [tilespmem:v33+s2+$0x0], $0xffff  }
0xb5: {  	[tilespmem:s0+$0x84F0] =	vst v3;
	v6 =	vld.idx.msk [tilespmem:v34+s2+$0x0], $0xffff  }
0xb6: {  	v7 =	vld.idx.msk [tilespmem:v35+s2+$0x0], $0xffff  }
0xb7: {  	v36 =	vld [tilespmem:s0+$0x6710]  }
0xb8: {  	v37 =	vld [tilespmem:s0+$0x6790];
	[tilespmem:s0+$0x7700] =	vst v4  }
0xb9: {  	[tilespmem:s0+$0x7780] =	vst v5;
	v4 =	vld.idx.msk [tilespmem:v32+s15+$0x0], $0xffff  }
0xba: {  	[tilespmem:s0+$0x7800] =	vst v6;
	v5 =	vld.idx.msk [tilespmem:v33+s15+$0x0], $0xffff  }
0xbb: {  	[tilespmem:s0+$0x7880] =	vst v7;
	v6 =	vld.idx.msk [tilespmem:v34+s15+$0x0], $0xffff  }
0xbc: {  	v7 =	vld.idx.msk [tilespmem:v35+s15+$0x0], $0xffff  }
0xbd: {  	v38 =	vld [tilespmem:s0+$0x6810]  }
0xbe: {  	v39 =	vld [tilespmem:s0+$0x6890];
	[tilespmem:s0+$0x7F00] =	vst v4  }
0xbf: {  	[tilespmem:s0+$0x7F80] =	vst v5;
	v0 =	vld.idx.msk [tilespmem:v32+s16+$0x0], $0xffff  }
0xc0: {  	[tilespmem:s0+$0x8000] =	vst v6;
	v1 =	vld.idx.msk [tilespmem:v33+s16+$0x0], $0xffff  }
0xc1: {  	[tilespmem:s0+$0x8080] =	vst v7;
	v2 =	vld.idx.msk [tilespmem:v34+s16+$0x0], $0xffff  }
0xc2: {  	v3 =	vld.idx.msk [tilespmem:v35+s16+$0x0], $0xffff;
	_ =	sdelay $0x1  }
0xc3: {  	[tilespmem:s0+$0x8700] =	vst v0  }
0xc4: {  	[tilespmem:s0+$0x8780] =	vst v1;
	v4 =	vld.idx.msk [tilespmem:v36+s2+$0x0], $0xffff  }
0xc5: {  	[tilespmem:s0+$0x8800] =	vst v2;
	v5 =	vld.idx.msk [tilespmem:v37+s2+$0x0], $0xffff  }
0xc6: {  	[tilespmem:s0+$0x8880] =	vst v3;
	v6 =	vld.idx.msk [tilespmem:v38+s2+$0x0], $0xffff  }
0xc7: {  	v7 =	vld.idx.msk [tilespmem:v39+s2+$0x0], $0xffff  }
0xc8: {  	v40 =	vld [tilespmem:s0+$0x6720]  }
0xc9: {  	v41 =	vld [tilespmem:s0+$0x67A0];
	[tilespmem:s0+$0x7710] =	vst v4  }
0xca: {  	[tilespmem:s0+$0x7790] =	vst v5;
	v4 =	vld.idx.msk [tilespmem:v36+s15+$0x0], $0xffff  }
0xcb: {  	[tilespmem:s0+$0x7810] =	vst v6;
	v5 =	vld.idx.msk [tilespmem:v37+s15+$0x0], $0xffff  }
0xcc: {  	[tilespmem:s0+$0x7890] =	vst v7;
	v6 =	vld.idx.msk [tilespmem:v38+s15+$0x0], $0xffff  }
0xcd: {  	v7 =	vld.idx.msk [tilespmem:v39+s15+$0x0], $0xffff  }
0xce: {  	v42 =	vld [tilespmem:s0+$0x6820]  }
0xcf: {  	v43 =	vld [tilespmem:s0+$0x68A0];
	[tilespmem:s0+$0x7F10] =	vst v4  }
0xd0: {  	[tilespmem:s0+$0x7F90] =	vst v5;
	v0 =	vld.idx.msk [tilespmem:v36+s16+$0x0], $0xffff  }
0xd1: {  	[tilespmem:s0+$0x8010] =	vst v6;
	v1 =	vld.idx.msk [tilespmem:v37+s16+$0x0], $0xffff  }
0xd2: {  	[tilespmem:s0+$0x8090] =	vst v7;
	v2 =	vld.idx.msk [tilespmem:v38+s16+$0x0], $0xffff  }
0xd3: {  	v3 =	vld.idx.msk [tilespmem:v39+s16+$0x0], $0xffff;
	_ =	sdelay $0x1  }
0xd4: {  	[tilespmem:s0+$0x8710] =	vst v0  }
0xd5: {  	[tilespmem:s0+$0x8790] =	vst v1;
	v4 =	vld.idx.msk [tilespmem:v40+s2+$0x0], $0xffff  }
0xd6: {  	[tilespmem:s0+$0x8810] =	vst v2;
	v5 =	vld.idx.msk [tilespmem:v41+s2+$0x0], $0xffff  }
0xd7: {  	[tilespmem:s0+$0x8890] =	vst v3;
	v6 =	vld.idx.msk [tilespmem:v42+s2+$0x0], $0xffff  }
0xd8: {  	v7 =	vld.idx.msk [tilespmem:v43+s2+$0x0], $0xffff  }
0xd9: {  	v44 =	vld [tilespmem:s0+$0x6730]  }
0xda: {  	v45 =	vld [tilespmem:s0+$0x67B0];
	[tilespmem:s0+$0x7720] =	vst v4  }
0xdb: {  	[tilespmem:s0+$0x77A0] =	vst v5;
	v4 =	vld.idx.msk [tilespmem:v40+s15+$0x0], $0xffff  }
0xdc: {  	[tilespmem:s0+$0x7820] =	vst v6;
	v5 =	vld.idx.msk [tilespmem:v41+s15+$0x0], $0xffff  }
0xdd: {  	[tilespmem:s0+$0x78A0] =	vst v7;
	v6 =	vld.idx.msk [tilespmem:v42+s15+$0x0], $0xffff  }
0xde: {  	v7 =	vld.idx.msk [tilespmem:v43+s15+$0x0], $0xffff  }
0xdf: {  	v46 =	vld [tilespmem:s0+$0x6830]  }
0xe0: {  	v47 =	vld [tilespmem:s0+$0x68B0];
	[tilespmem:s0+$0x7F20] =	vst v4  }
0xe1: {  	[tilespmem:s0+$0x7FA0] =	vst v5;
	v0 =	vld.idx.msk [tilespmem:v40+s16+$0x0], $0xffff  }
0xe2: {  	[tilespmem:s0+$0x8020] =	vst v6;
	v1 =	vld.idx.msk [tilespmem:v41+s16+$0x0], $0xffff  }
0xe3: {  	[tilespmem:s0+$0x80A0] =	vst v7;
	v2 =	vld.idx.msk [tilespmem:v42+s16+$0x0], $0xffff  }
0xe4: {  	v3 =	vld.idx.msk [tilespmem:v43+s16+$0x0], $0xffff;
	_ =	sdelay $0x1  }
0xe5: {  	[tilespmem:s0+$0x8720] =	vst v0  }
0xe6: {  	[tilespmem:s0+$0x87A0] =	vst v1;
	v4 =	vld.idx.msk [tilespmem:v44+s2+$0x0], $0xffff  }
0xe7: {  	[tilespmem:s0+$0x8820] =	vst v2;
	v5 =	vld.idx.msk [tilespmem:v45+s2+$0x0], $0xffff  }
0xe8: {  	[tilespmem:s0+$0x88A0] =	vst v3;
	v6 =	vld.idx.msk [tilespmem:v46+s2+$0x0], $0xffff  }
0xe9: {  	v7 =	vld.idx.msk [tilespmem:v47+s2+$0x0], $0xffff  }
0xea: {  	v48 =	vld [tilespmem:s0+$0x6740]  }
0xeb: {  	v49 =	vld [tilespmem:s0+$0x67C0];
	[tilespmem:s0+$0x7730] =	vst v4  }
0xec: {  	[tilespmem:s0+$0x77B0] =	vst v5;
	v4 =	vld.idx.msk [tilespmem:v44+s15+$0x0], $0xffff  }
0xed: {  	[tilespmem:s0+$0x7830] =	vst v6;
	v5 =	vld.idx.msk [tilespmem:v45+s15+$0x0], $0xffff  }
0xee: {  	[tilespmem:s0+$0x78B0] =	vst v7;
	v6 =	vld.idx.msk [tilespmem:v46+s15+$0x0], $0xffff  }
0xef: {  	v7 =	vld.idx.msk [tilespmem:v47+s15+$0x0], $0xffff  }
0xf0: {  	v50 =	vld [tilespmem:s0+$0x6840]  }
0xf1: {  	v51 =	vld [tilespmem:s0+$0x68C0];
	[tilespmem:s0+$0x7F30] =	vst v4  }
0xf2: {  	[tilespmem:s0+$0x7FB0] =	vst v5;
	v0 =	vld.idx.msk [tilespmem:v44+s16+$0x0], $0xffff  }
0xf3: {  	[tilespmem:s0+$0x8030] =	vst v6;
	v1 =	vld.idx.msk [tilespmem:v45+s16+$0x0], $0xffff  }
0xf4: {  	[tilespmem:s0+$0x80B0] =	vst v7;
	v2 =	vld.idx.msk [tilespmem:v46+s16+$0x0], $0xffff  }
0xf5: {  	v3 =	vld.idx.msk [tilespmem:v47+s16+$0x0], $0xffff;
	_ =	sdelay $0x1  }
0xf6: {  	[tilespmem:s0+$0x8730] =	vst v0  }
0xf7: {  	[tilespmem:s0+$0x87B0] =	vst v1;
	v4 =	vld.idx.msk [tilespmem:v48+s2+$0x0], $0xffff  }
0xf8: {  	[tilespmem:s0+$0x8830] =	vst v2;
	v5 =	vld.idx.msk [tilespmem:v49+s2+$0x0], $0xffff  }
0xf9: {  	[tilespmem:s0+$0x88B0] =	vst v3;
	v6 =	vld.idx.msk [tilespmem:v50+s2+$0x0], $0xffff  }
0xfa: {  	v7 =	vld.idx.msk [tilespmem:v51+s2+$0x0], $0xffff  }
0xfb: {  	v52 =	vld [tilespmem:s0+$0x6750]  }
0xfc: {  	v53 =	vld [tilespmem:s0+$0x67D0];
	[tilespmem:s0+$0x7740] =	vst v4  }
0xfd: {  	[tilespmem:s0+$0x77C0] =	vst v5;
	v4 =	vld.idx.msk [tilespmem:v48+s15+$0x0], $0xffff  }
0xfe: {  	[tilespmem:s0+$0x7840] =	vst v6;
	v5 =	vld.idx.msk [tilespmem:v49+s15+$0x0], $0xffff  }
0xff: {  	[tilespmem:s0+$0x78C0] =	vst v7;
	v6 =	vld.idx.msk [tilespmem:v50+s15+$0x0], $0xffff  }
0x100: {  	v7 =	vld.idx.msk [tilespmem:v51+s15+$0x0], $0xffff  }
0x101: {  	v54 =	vld [tilespmem:s0+$0x6850]  }
0x102: {  	v55 =	vld [tilespmem:s0+$0x68D0];
	[tilespmem:s0+$0x7F40] =	vst v4  }
0x103: {  	[tilespmem:s0+$0x7FC0] =	vst v5;
	v0 =	vld.idx.msk [tilespmem:v48+s16+$0x0], $0xffff  }
0x104: {  	[tilespmem:s0+$0x8040] =	vst v6;
	v1 =	vld.idx.msk [tilespmem:v49+s16+$0x0], $0xffff  }
0x105: {  	[tilespmem:s0+$0x80C0] =	vst v7;
	v2 =	vld.idx.msk [tilespmem:v50+s16+$0x0], $0xffff  }
0x106: {  	v3 =	vld.idx.msk [tilespmem:v51+s16+$0x0], $0xffff;
	_ =	sdelay $0x1  }
0x107: {  	[tilespmem:s0+$0x8740] =	vst v0  }
0x108: {  	[tilespmem:s0+$0x87C0] =	vst v1;
	v4 =	vld.idx.msk [tilespmem:v52+s2+$0x0], $0xffff  }
0x109: {  	[tilespmem:s0+$0x8840] =	vst v2;
	v5 =	vld.idx.msk [tilespmem:v53+s2+$0x0], $0xffff  }
0x10a: {  	[tilespmem:s0+$0x88C0] =	vst v3;
	v6 =	vld.idx.msk [tilespmem:v54+s2+$0x0], $0xffff  }
0x10b: {  	v7 =	vld.idx.msk [tilespmem:v55+s2+$0x0], $0xffff  }
0x10c: {  	v56 =	vld [tilespmem:s0+$0x6760]  }
0x10d: {  	v57 =	vld [tilespmem:s0+$0x67E0];
	[tilespmem:s0+$0x7750] =	vst v4  }
0x10e: {  	[tilespmem:s0+$0x77D0] =	vst v5;
	v4 =	vld.idx.msk [tilespmem:v52+s15+$0x0], $0xffff  }
0x10f: {  	[tilespmem:s0+$0x7850] =	vst v6;
	v5 =	vld.idx.msk [tilespmem:v53+s15+$0x0], $0xffff  }
0x110: {  	[tilespmem:s0+$0x78D0] =	vst v7;
	v6 =	vld.idx.msk [tilespmem:v54+s15+$0x0], $0xffff  }
0x111: {  	v7 =	vld.idx.msk [tilespmem:v55+s15+$0x0], $0xffff  }
0x112: {  	v58 =	vld [tilespmem:s0+$0x6860]  }
0x113: {  	v59 =	vld [tilespmem:s0+$0x68E0];
	[tilespmem:s0+$0x7F50] =	vst v4  }
0x114: {  	[tilespmem:s0+$0x7FD0] =	vst v5;
	v0 =	vld.idx.msk [tilespmem:v52+s16+$0x0], $0xffff  }
0x115: {  	[tilespmem:s0+$0x8050] =	vst v6;
	v1 =	vld.idx.msk [tilespmem:v53+s16+$0x0], $0xffff  }
0x116: {  	[tilespmem:s0+$0x80D0] =	vst v7;
	v2 =	vld.idx.msk [tilespmem:v54+s16+$0x0], $0xffff  }
0x117: {  	v3 =	vld.idx.msk [tilespmem:v55+s16+$0x0], $0xffff;
	_ =	sdelay $0x1  }
0x118: {  	[tilespmem:s0+$0x8750] =	vst v0  }
0x119: {  	[tilespmem:s0+$0x87D0] =	vst v1;
	v4 =	vld.idx.msk [tilespmem:v56+s2+$0x0], $0xffff  }
0x11a: {  	[tilespmem:s0+$0x8850] =	vst v2;
	v5 =	vld.idx.msk [tilespmem:v57+s2+$0x0], $0xffff  }
0x11b: {  	[tilespmem:s0+$0x88D0] =	vst v3;
	v6 =	vld.idx.msk [tilespmem:v58+s2+$0x0], $0xffff  }
0x11c: {  	v7 =	vld.idx.msk [tilespmem:v59+s2+$0x0], $0xffff  }
0x11d: {  	v60 =	vld [tilespmem:s0+$0x6770]  }
0x11e: {  	v61 =	vld [tilespmem:s0+$0x67F0];
	[tilespmem:s0+$0x7760] =	vst v4  }
0x11f: {  	[tilespmem:s0+$0x77E0] =	vst v5;
	v4 =	vld.idx.msk [tilespmem:v56+s15+$0x0], $0xffff  }
0x120: {  	[tilespmem:s0+$0x7860] =	vst v6;
	v5 =	vld.idx.msk [tilespmem:v57+s15+$0x0], $0xffff  }
0x121: {  	[tilespmem:s0+$0x78E0] =	vst v7;
	v6 =	vld.idx.msk [tilespmem:v58+s15+$0x0], $0xffff  }
0x122: {  	v7 =	vld.idx.msk [tilespmem:v59+s15+$0x0], $0xffff  }
0x123: {  	v62 =	vld [tilespmem:s0+$0x6870]  }
0x124: {  	v63 =	vld [tilespmem:s0+$0x68F0];
	[tilespmem:s0+$0x7F60] =	vst v4  }
0x125: {  	[tilespmem:s0+$0x7FE0] =	vst v5;
	v0 =	vld.idx.msk [tilespmem:v56+s16+$0x0], $0xffff  }
0x126: {  	[tilespmem:s0+$0x8060] =	vst v6;
	v1 =	vld.idx.msk [tilespmem:v57+s16+$0x0], $0xffff  }
0x127: {  	[tilespmem:s0+$0x80E0] =	vst v7;
	v2 =	vld.idx.msk [tilespmem:v58+s16+$0x0], $0xffff  }
0x128: {  	v3 =	vld.idx.msk [tilespmem:v59+s16+$0x0], $0xffff;
	_ =	sdelay $0x1  }
0x129: {  	[tilespmem:s0+$0x8760] =	vst v0  }
0x12a: {  	[tilespmem:s0+$0x87E0] =	vst v1;
	v4 =	vld.idx.msk [tilespmem:v60+s2+$0x0], $0xffff  }
0x12b: {  	[tilespmem:s0+$0x8860] =	vst v2;
	v5 =	vld.idx.msk [tilespmem:v61+s2+$0x0], $0xffff  }
0x12c: {  	[tilespmem:s0+$0x88E0] =	vst v3;
	v6 =	vld.idx.msk [tilespmem:v62+s2+$0x0], $0xffff  }
0x12d: {  	v7 =	vld.idx.msk [tilespmem:v63+s2+$0x0], $0xffff;
	_ =	sdelay $0x1  }
0x12e: {  	[tilespmem:s0+$0x7770] =	vst v4  }
0x12f: {  	[tilespmem:s0+$0x77F0] =	vst v5;
	v4 =	vld.idx.msk [tilespmem:v60+s15+$0x0], $0xffff  }
0x130: {  	[tilespmem:s0+$0x7870] =	vst v6;
	v5 =	vld.idx.msk [tilespmem:v61+s15+$0x0], $0xffff  }
0x131: {  	[tilespmem:s0+$0x78F0] =	vst v7;
	v6 =	vld.idx.msk [tilespmem:v62+s15+$0x0], $0xffff  }
0x132: {  	v7 =	vld.idx.msk [tilespmem:v63+s15+$0x0], $0xffff;
	_ =	sdelay $0x1  }
0x133: {  	[tilespmem:s0+$0x7F70] =	vst v4  }
0x134: {  	[tilespmem:s0+$0x7FF0] =	vst v5;
	v0 =	vld.idx.msk [tilespmem:v60+s16+$0x0], $0xffff  }
0x135: {  	[tilespmem:s0+$0x8070] =	vst v6;
	v1 =	vld.idx.msk [tilespmem:v61+s16+$0x0], $0xffff  }
0x136: {  	[tilespmem:s0+$0x80F0] =	vst v7;
	v2 =	vld.idx.msk [tilespmem:v62+s16+$0x0], $0xffff  }
0x137: {  	p1 =	por p0, p0;
	v3 =	vld.idx.msk [tilespmem:v63+s16+$0x0], $0xffff  }
.Ltmp0:
0x138: {  	_ = 	snop;
	(pc) =	sbr.rel @p1 .LBB2_2-.Ltmp0, $4  }
0x139: {  	[tilespmem:s0+$0x8770] =	vst v0  }
0x13a: {  	[tilespmem:s0+$0x87F0] =	vst v1  }
0x13b: {  	[tilespmem:s0+$0x8870] =	vst v2  }
0x13c: {  	p0 =	por $0x0, $0x0;
	[tilespmem:s0+$0x88F0] =	vst v3;
	s0 =	simm.s32 $0x200  }
0x13d: {  	[hbm4b:s8+s21] =	stream.strided.scatter [tilespmem:s23], [sflag:$0x3], $0x1800, s22, s21, $0x38;
	[tilespmem:$0xA300] =	vst v63  }
0x13e: {  	s0 =	simm.s32 $0x0  }
0x13f: {  	[tilespmem:s17], [sflag:$0x1] =	stream.linear.gather [hbm4b:s9+s0], $0x800, $0x38;
	[tilespmem:$0xA300] =	vst v63  }
0x140: {  	_ =	swait.ge [sflag:s24], $0x800  }
0x141: {  	[sflag:s24] =	ssyncset.done $0x0  }
0x142: {  	p0 =	por $0x1, $0x1;
	[sflag:s24] =	ssyncadd.s32 $0xFFFFF800  }
.LBB2_4:
0x143: {  	v0 =	vld [tilespmem:s0+$0x6B00]  }
0x144: {  	v1 =	vld [tilespmem:s0+$0x6B80]  }
0x145: {  	v2 =	vld [tilespmem:s0+$0x6C00]  }
0x146: {  	v3 =	vld [tilespmem:s0+$0x6C80];
	_ =	sdelay $0x4  }
0x147: {  	v4 =	vld.idx.msk [tilespmem:v0+s2+$0x0], $0xffff  }
0x148: {  	v5 =	vld.idx.msk [tilespmem:v1+s2+$0x0], $0xffff  }
0x149: {  	v6 =	vld.idx.msk [tilespmem:v2+s2+$0x0], $0xffff  }
0x14a: {  	v7 =	vld.idx.msk [tilespmem:v3+s2+$0x0], $0xffff  }
0x14b: {  	v59 =	vld [tilespmem:s0+$0x6B10]  }
0x14c: {  	v60 =	vld [tilespmem:s0+$0x6B90];
	[tilespmem:s0+$0x8B00] =	vst v4  }
0x14d: {  	[tilespmem:s0+$0x8B80] =	vst v5;
	v4 =	vld.idx.msk [tilespmem:v0+s15+$0x0], $0xffff  }
0x14e: {  	[tilespmem:s0+$0x8C00] =	vst v6;
	v5 =	vld.idx.msk [tilespmem:v1+s15+$0x0], $0xffff  }
0x14f: {  	[tilespmem:s0+$0x8C80] =	vst v7;
	v6 =	vld.idx.msk [tilespmem:v2+s15+$0x0], $0xffff  }
0x150: {  	v7 =	vld.idx.msk [tilespmem:v3+s15+$0x0], $0xffff  }
0x151: {  	v61 =	vld [tilespmem:s0+$0x6C10]  }
0x152: {  	v62 =	vld [tilespmem:s0+$0x6C90];
	[tilespmem:s0+$0x9300] =	vst v4  }
0x153: {  	[tilespmem:s0+$0x9380] =	vst v5;
	v0 =	vld.idx.msk [tilespmem:v0+s16+$0x0], $0xffff  }
0x154: {  	[tilespmem:s0+$0x9400] =	vst v6;
	v1 =	vld.idx.msk [tilespmem:v1+s16+$0x0], $0xffff  }
0x155: {  	[tilespmem:s0+$0x9480] =	vst v7;
	v2 =	vld.idx.msk [tilespmem:v2+s16+$0x0], $0xffff  }
0x156: {  	v3 =	vld.idx.msk [tilespmem:v3+s16+$0x0], $0xffff;
	_ =	sdelay $0x1  }
0x157: {  	[tilespmem:s0+$0x9B00] =	vst v0  }
0x158: {  	[tilespmem:s0+$0x9B80] =	vst v1;
	v4 =	vld.idx.msk [tilespmem:v59+s2+$0x0], $0xffff  }
0x159: {  	[tilespmem:s0+$0x9C00] =	vst v2;
	v5 =	vld.idx.msk [tilespmem:v60+s2+$0x0], $0xffff  }
0x15a: {  	[tilespmem:s0+$0x9C80] =	vst v3;
	v6 =	vld.idx.msk [tilespmem:v61+s2+$0x0], $0xffff  }
0x15b: {  	v7 =	vld.idx.msk [tilespmem:v62+s2+$0x0], $0xffff  }
0x15c: {  	v63 =	vld [tilespmem:s0+$0x6B20]  }
0x15d: {  	v9 =	vld [tilespmem:s0+$0x6BA0];
	[tilespmem:s0+$0x8B10] =	vst v4  }
0x15e: {  	[tilespmem:s0+$0x8B90] =	vst v5;
	v4 =	vld.idx.msk [tilespmem:v59+s15+$0x0], $0xffff  }
0x15f: {  	[tilespmem:s0+$0x8C10] =	vst v6;
	v5 =	vld.idx.msk [tilespmem:v60+s15+$0x0], $0xffff  }
0x160: {  	[tilespmem:s0+$0x8C90] =	vst v7;
	v6 =	vld.idx.msk [tilespmem:v61+s15+$0x0], $0xffff  }
0x161: {  	v7 =	vld.idx.msk [tilespmem:v62+s15+$0x0], $0xffff  }
0x162: {  	v10 =	vld [tilespmem:s0+$0x6C20]  }
0x163: {  	v11 =	vld [tilespmem:s0+$0x6CA0];
	[tilespmem:s0+$0x9310] =	vst v4  }
0x164: {  	[tilespmem:s0+$0x9390] =	vst v5;
	v0 =	vld.idx.msk [tilespmem:v59+s16+$0x0], $0xffff  }
0x165: {  	[tilespmem:s0+$0x9410] =	vst v6;
	v1 =	vld.idx.msk [tilespmem:v60+s16+$0x0], $0xffff  }
0x166: {  	[tilespmem:s0+$0x9490] =	vst v7;
	v2 =	vld.idx.msk [tilespmem:v61+s16+$0x0], $0xffff  }
0x167: {  	v3 =	vld.idx.msk [tilespmem:v62+s16+$0x0], $0xffff;
	_ =	sdelay $0x1  }
0x168: {  	[tilespmem:s0+$0x9B10] =	vst v0  }
0x169: {  	[tilespmem:s0+$0x9B90] =	vst v1;
	v4 =	vld.idx.msk [tilespmem:v63+s2+$0x0], $0xffff  }
0x16a: {  	[tilespmem:s0+$0x9C10] =	vst v2;
	v5 =	vld.idx.msk [tilespmem:v9+s2+$0x0], $0xffff  }
0x16b: {  	[tilespmem:s0+$0x9C90] =	vst v3;
	v6 =	vld.idx.msk [tilespmem:v10+s2+$0x0], $0xffff  }
0x16c: {  	v7 =	vld.idx.msk [tilespmem:v11+s2+$0x0], $0xffff  }
0x16d: {  	v12 =	vld [tilespmem:s0+$0x6B30]  }
0x16e: {  	v13 =	vld [tilespmem:s0+$0x6BB0];
	[tilespmem:s0+$0x8B20] =	vst v4  }
0x16f: {  	[tilespmem:s0+$0x8BA0] =	vst v5;
	v4 =	vld.idx.msk [tilespmem:v63+s15+$0x0], $0xffff  }
0x170: {  	[tilespmem:s0+$0x8C20] =	vst v6;
	v5 =	vld.idx.msk [tilespmem:v9+s15+$0x0], $0xffff  }
0x171: {  	[tilespmem:s0+$0x8CA0] =	vst v7;
	v6 =	vld.idx.msk [tilespmem:v10+s15+$0x0], $0xffff  }
0x172: {  	v7 =	vld.idx.msk [tilespmem:v11+s15+$0x0], $0xffff  }
0x173: {  	v14 =	vld [tilespmem:s0+$0x6C30]  }
0x174: {  	v15 =	vld [tilespmem:s0+$0x6CB0];
	[tilespmem:s0+$0x9320] =	vst v4  }
0x175: {  	[tilespmem:s0+$0x93A0] =	vst v5;
	v0 =	vld.idx.msk [tilespmem:v63+s16+$0x0], $0xffff  }
0x176: {  	[tilespmem:s0+$0x9420] =	vst v6;
	v1 =	vld.idx.msk [tilespmem:v9+s16+$0x0], $0xffff  }
0x177: {  	[tilespmem:s0+$0x94A0] =	vst v7;
	v2 =	vld.idx.msk [tilespmem:v10+s16+$0x0], $0xffff  }
0x178: {  	v3 =	vld.idx.msk [tilespmem:v11+s16+$0x0], $0xffff;
	_ =	sdelay $0x1  }
0x179: {  	[tilespmem:s0+$0x9B20] =	vst v0  }
0x17a: {  	[tilespmem:s0+$0x9BA0] =	vst v1;
	v4 =	vld.idx.msk [tilespmem:v12+s2+$0x0], $0xffff  }
0x17b: {  	[tilespmem:s0+$0x9C20] =	vst v2;
	v5 =	vld.idx.msk [tilespmem:v13+s2+$0x0], $0xffff  }
0x17c: {  	[tilespmem:s0+$0x9CA0] =	vst v3;
	v6 =	vld.idx.msk [tilespmem:v14+s2+$0x0], $0xffff  }
0x17d: {  	v7 =	vld.idx.msk [tilespmem:v15+s2+$0x0], $0xffff  }
0x17e: {  	v16 =	vld [tilespmem:s0+$0x6B40]  }
0x17f: {  	v17 =	vld [tilespmem:s0+$0x6BC0];
	[tilespmem:s0+$0x8B30] =	vst v4  }
0x180: {  	[tilespmem:s0+$0x8BB0] =	vst v5;
	v4 =	vld.idx.msk [tilespmem:v12+s15+$0x0], $0xffff  }
0x181: {  	[tilespmem:s0+$0x8C30] =	vst v6;
	v5 =	vld.idx.msk [tilespmem:v13+s15+$0x0], $0xffff  }
0x182: {  	[tilespmem:s0+$0x8CB0] =	vst v7;
	v6 =	vld.idx.msk [tilespmem:v14+s15+$0x0], $0xffff  }
0x183: {  	v7 =	vld.idx.msk [tilespmem:v15+s15+$0x0], $0xffff  }
0x184: {  	v18 =	vld [tilespmem:s0+$0x6C40]  }
0x185: {  	v19 =	vld [tilespmem:s0+$0x6CC0];
	[tilespmem:s0+$0x9330] =	vst v4  }
0x186: {  	[tilespmem:s0+$0x93B0] =	vst v5;
	v0 =	vld.idx.msk [tilespmem:v12+s16+$0x0], $0xffff  }
0x187: {  	[tilespmem:s0+$0x9430] =	vst v6;
	v1 =	vld.idx.msk [tilespmem:v13+s16+$0x0], $0xffff  }
0x188: {  	[tilespmem:s0+$0x94B0] =	vst v7;
	v2 =	vld.idx.msk [tilespmem:v14+s16+$0x0], $0xffff  }
0x189: {  	v3 =	vld.idx.msk [tilespmem:v15+s16+$0x0], $0xffff;
	_ =	sdelay $0x1  }
0x18a: {  	[tilespmem:s0+$0x9B30] =	vst v0  }
0x18b: {  	[tilespmem:s0+$0x9BB0] =	vst v1;
	v4 =	vld.idx.msk [tilespmem:v16+s2+$0x0], $0xffff  }
0x18c: {  	[tilespmem:s0+$0x9C30] =	vst v2;
	v5 =	vld.idx.msk [tilespmem:v17+s2+$0x0], $0xffff  }
0x18d: {  	[tilespmem:s0+$0x9CB0] =	vst v3;
	v6 =	vld.idx.msk [tilespmem:v18+s2+$0x0], $0xffff  }
0x18e: {  	v7 =	vld.idx.msk [tilespmem:v19+s2+$0x0], $0xffff  }
0x18f: {  	v20 =	vld [tilespmem:s0+$0x6B50]  }
0x190: {  	v21 =	vld [tilespmem:s0+$0x6BD0];
	[tilespmem:s0+$0x8B40] =	vst v4  }
0x191: {  	[tilespmem:s0+$0x8BC0] =	vst v5;
	v4 =	vld.idx.msk [tilespmem:v16+s15+$0x0], $0xffff  }
0x192: {  	[tilespmem:s0+$0x8C40] =	vst v6;
	v5 =	vld.idx.msk [tilespmem:v17+s15+$0x0], $0xffff  }
0x193: {  	[tilespmem:s0+$0x8CC0] =	vst v7;
	v6 =	vld.idx.msk [tilespmem:v18+s15+$0x0], $0xffff  }
0x194: {  	v7 =	vld.idx.msk [tilespmem:v19+s15+$0x0], $0xffff  }
0x195: {  	v22 =	vld [tilespmem:s0+$0x6C50]  }
0x196: {  	v23 =	vld [tilespmem:s0+$0x6CD0];
	[tilespmem:s0+$0x9340] =	vst v4  }
0x197: {  	[tilespmem:s0+$0x93C0] =	vst v5;
	v0 =	vld.idx.msk [tilespmem:v16+s16+$0x0], $0xffff  }
0x198: {  	[tilespmem:s0+$0x9440] =	vst v6;
	v1 =	vld.idx.msk [tilespmem:v17+s16+$0x0], $0xffff  }
0x199: {  	[tilespmem:s0+$0x94C0] =	vst v7;
	v2 =	vld.idx.msk [tilespmem:v18+s16+$0x0], $0xffff  }
0x19a: {  	v3 =	vld.idx.msk [tilespmem:v19+s16+$0x0], $0xffff;
	_ =	sdelay $0x1  }
0x19b: {  	[tilespmem:s0+$0x9B40] =	vst v0  }
0x19c: {  	[tilespmem:s0+$0x9BC0] =	vst v1;
	v4 =	vld.idx.msk [tilespmem:v20+s2+$0x0], $0xffff  }
0x19d: {  	[tilespmem:s0+$0x9C40] =	vst v2;
	v5 =	vld.idx.msk [tilespmem:v21+s2+$0x0], $0xffff  }
0x19e: {  	[tilespmem:s0+$0x9CC0] =	vst v3;
	v6 =	vld.idx.msk [tilespmem:v22+s2+$0x0], $0xffff  }
0x19f: {  	v7 =	vld.idx.msk [tilespmem:v23+s2+$0x0], $0xffff  }
0x1a0: {  	v24 =	vld [tilespmem:s0+$0x6B60]  }
0x1a1: {  	v25 =	vld [tilespmem:s0+$0x6BE0];
	[tilespmem:s0+$0x8B50] =	vst v4  }
0x1a2: {  	[tilespmem:s0+$0x8BD0] =	vst v5;
	v4 =	vld.idx.msk [tilespmem:v20+s15+$0x0], $0xffff  }
0x1a3: {  	[tilespmem:s0+$0x8C50] =	vst v6;
	v5 =	vld.idx.msk [tilespmem:v21+s15+$0x0], $0xffff  }
0x1a4: {  	[tilespmem:s0+$0x8CD0] =	vst v7;
	v6 =	vld.idx.msk [tilespmem:v22+s15+$0x0], $0xffff  }
0x1a5: {  	v7 =	vld.idx.msk [tilespmem:v23+s15+$0x0], $0xffff  }
0x1a6: {  	v26 =	vld [tilespmem:s0+$0x6C60]  }
0x1a7: {  	v27 =	vld [tilespmem:s0+$0x6CE0];
	[tilespmem:s0+$0x9350] =	vst v4  }
0x1a8: {  	[tilespmem:s0+$0x93D0] =	vst v5;
	v0 =	vld.idx.msk [tilespmem:v20+s16+$0x0], $0xffff  }
0x1a9: {  	[tilespmem:s0+$0x9450] =	vst v6;
	v1 =	vld.idx.msk [tilespmem:v21+s16+$0x0], $0xffff  }
0x1aa: {  	[tilespmem:s0+$0x94D0] =	vst v7;
	v2 =	vld.idx.msk [tilespmem:v22+s16+$0x0], $0xffff  }
0x1ab: {  	v3 =	vld.idx.msk [tilespmem:v23+s16+$0x0], $0xffff;
	_ =	sdelay $0x1  }
0x1ac: {  	[tilespmem:s0+$0x9B50] =	vst v0  }
0x1ad: {  	[tilespmem:s0+$0x9BD0] =	vst v1;
	v4 =	vld.idx.msk [tilespmem:v24+s2+$0x0], $0xffff  }
0x1ae: {  	[tilespmem:s0+$0x9C50] =	vst v2;
	v5 =	vld.idx.msk [tilespmem:v25+s2+$0x0], $0xffff  }
0x1af: {  	[tilespmem:s0+$0x9CD0] =	vst v3;
	v6 =	vld.idx.msk [tilespmem:v26+s2+$0x0], $0xffff  }
0x1b0: {  	v7 =	vld.idx.msk [tilespmem:v27+s2+$0x0], $0xffff  }
0x1b1: {  	v28 =	vld [tilespmem:s0+$0x6B70]  }
0x1b2: {  	v29 =	vld [tilespmem:s0+$0x6BF0];
	[tilespmem:s0+$0x8B60] =	vst v4  }
0x1b3: {  	[tilespmem:s0+$0x8BE0] =	vst v5;
	v4 =	vld.idx.msk [tilespmem:v24+s15+$0x0], $0xffff  }
0x1b4: {  	[tilespmem:s0+$0x8C60] =	vst v6;
	v5 =	vld.idx.msk [tilespmem:v25+s15+$0x0], $0xffff  }
0x1b5: {  	[tilespmem:s0+$0x8CE0] =	vst v7;
	v6 =	vld.idx.msk [tilespmem:v26+s15+$0x0], $0xffff  }
0x1b6: {  	v7 =	vld.idx.msk [tilespmem:v27+s15+$0x0], $0xffff  }
0x1b7: {  	v30 =	vld [tilespmem:s0+$0x6C70]  }
0x1b8: {  	v31 =	vld [tilespmem:s0+$0x6CF0];
	[tilespmem:s0+$0x9360] =	vst v4  }
0x1b9: {  	[tilespmem:s0+$0x93E0] =	vst v5;
	v0 =	vld.idx.msk [tilespmem:v24+s16+$0x0], $0xffff  }
0x1ba: {  	[tilespmem:s0+$0x9460] =	vst v6;
	v1 =	vld.idx.msk [tilespmem:v25+s16+$0x0], $0xffff  }
0x1bb: {  	[tilespmem:s0+$0x94E0] =	vst v7;
	v2 =	vld.idx.msk [tilespmem:v26+s16+$0x0], $0xffff  }
0x1bc: {  	v3 =	vld.idx.msk [tilespmem:v27+s16+$0x0], $0xffff;
	_ =	sdelay $0x1  }
0x1bd: {  	[tilespmem:s0+$0x9B60] =	vst v0  }
0x1be: {  	[tilespmem:s0+$0x9BE0] =	vst v1;
	v4 =	vld.idx.msk [tilespmem:v28+s2+$0x0], $0xffff  }
0x1bf: {  	[tilespmem:s0+$0x9C60] =	vst v2;
	v5 =	vld.idx.msk [tilespmem:v29+s2+$0x0], $0xffff  }
0x1c0: {  	[tilespmem:s0+$0x9CE0] =	vst v3;
	v6 =	vld.idx.msk [tilespmem:v30+s2+$0x0], $0xffff  }
0x1c1: {  	v7 =	vld.idx.msk [tilespmem:v31+s2+$0x0], $0xffff  }
0x1c2: {  	v32 =	vld [tilespmem:s0+$0x6F00]  }
0x1c3: {  	v33 =	vld [tilespmem:s0+$0x6F80];
	[tilespmem:s0+$0x8B70] =	vst v4  }
0x1c4: {  	[tilespmem:s0+$0x8BF0] =	vst v5;
	v4 =	vld.idx.msk [tilespmem:v28+s15+$0x0], $0xffff  }
0x1c5: {  	[tilespmem:s0+$0x8C70] =	vst v6;
	v5 =	vld.idx.msk [tilespmem:v29+s15+$0x0], $0xffff  }
0x1c6: {  	[tilespmem:s0+$0x8CF0] =	vst v7;
	v6 =	vld.idx.msk [tilespmem:v30+s15+$0x0], $0xffff  }
0x1c7: {  	v7 =	vld.idx.msk [tilespmem:v31+s15+$0x0], $0xffff  }
0x1c8: {  	v34 =	vld [tilespmem:s0+$0x7000]  }
0x1c9: {  	v35 =	vld [tilespmem:s0+$0x7080];
	[tilespmem:s0+$0x9370] =	vst v4  }
0x1ca: {  	[tilespmem:s0+$0x93F0] =	vst v5;
	v0 =	vld.idx.msk [tilespmem:v28+s16+$0x0], $0xffff  }
0x1cb: {  	[tilespmem:s0+$0x9470] =	vst v6;
	v1 =	vld.idx.msk [tilespmem:v29+s16+$0x0], $0xffff  }
0x1cc: {  	[tilespmem:s0+$0x94F0] =	vst v7;
	v2 =	vld.idx.msk [tilespmem:v30+s16+$0x0], $0xffff  }
0x1cd: {  	v3 =	vld.idx.msk [tilespmem:v31+s16+$0x0], $0xffff;
	_ =	sdelay $0x1  }
0x1ce: {  	[tilespmem:s0+$0x9B70] =	vst v0  }
0x1cf: {  	[tilespmem:s0+$0x9BF0] =	vst v1;
	v4 =	vld.idx.msk [tilespmem:v32+s2+$0x0], $0xffff  }
0x1d0: {  	[tilespmem:s0+$0x9C70] =	vst v2;
	v5 =	vld.idx.msk [tilespmem:v33+s2+$0x0], $0xffff  }
0x1d1: {  	[tilespmem:s0+$0x9CF0] =	vst v3;
	v6 =	vld.idx.msk [tilespmem:v34+s2+$0x0], $0xffff  }
0x1d2: {  	v7 =	vld.idx.msk [tilespmem:v35+s2+$0x0], $0xffff  }
0x1d3: {  	v36 =	vld [tilespmem:s0+$0x6F10]  }
0x1d4: {  	v37 =	vld [tilespmem:s0+$0x6F90];
	[tilespmem:s0+$0x8F00] =	vst v4  }
0x1d5: {  	[tilespmem:s0+$0x8F80] =	vst v5;
	v4 =	vld.idx.msk [tilespmem:v32+s15+$0x0], $0xffff  }
0x1d6: {  	[tilespmem:s0+$0x9000] =	vst v6;
	v5 =	vld.idx.msk [tilespmem:v33+s15+$0x0], $0xffff  }
0x1d7: {  	[tilespmem:s0+$0x9080] =	vst v7;
	v6 =	vld.idx.msk [tilespmem:v34+s15+$0x0], $0xffff  }
0x1d8: {  	v7 =	vld.idx.msk [tilespmem:v35+s15+$0x0], $0xffff  }
0x1d9: {  	v38 =	vld [tilespmem:s0+$0x7010]  }
0x1da: {  	v39 =	vld [tilespmem:s0+$0x7090];
	[tilespmem:s0+$0x9700] =	vst v4  }
0x1db: {  	[tilespmem:s0+$0x9780] =	vst v5;
	v0 =	vld.idx.msk [tilespmem:v32+s16+$0x0], $0xffff  }
0x1dc: {  	[tilespmem:s0+$0x9800] =	vst v6;
	v1 =	vld.idx.msk [tilespmem:v33+s16+$0x0], $0xffff  }
0x1dd: {  	[tilespmem:s0+$0x9880] =	vst v7;
	v2 =	vld.idx.msk [tilespmem:v34+s16+$0x0], $0xffff  }
0x1de: {  	v3 =	vld.idx.msk [tilespmem:v35+s16+$0x0], $0xffff;
	_ =	sdelay $0x1  }
0x1df: {  	[tilespmem:s0+$0x9F00] =	vst v0  }
0x1e0: {  	[tilespmem:s0+$0x9F80] =	vst v1;
	v4 =	vld.idx.msk [tilespmem:v36+s2+$0x0], $0xffff  }
0x1e1: {  	[tilespmem:s0+$0xA000] =	vst v2;
	v5 =	vld.idx.msk [tilespmem:v37+s2+$0x0], $0xffff  }
0x1e2: {  	[tilespmem:s0+$0xA080] =	vst v3;
	v6 =	vld.idx.msk [tilespmem:v38+s2+$0x0], $0xffff  }
0x1e3: {  	v7 =	vld.idx.msk [tilespmem:v39+s2+$0x0], $0xffff  }
0x1e4: {  	v40 =	vld [tilespmem:s0+$0x6F20]  }
0x1e5: {  	v41 =	vld [tilespmem:s0+$0x6FA0];
	[tilespmem:s0+$0x8F10] =	vst v4  }
0x1e6: {  	[tilespmem:s0+$0x8F90] =	vst v5;
	v4 =	vld.idx.msk [tilespmem:v36+s15+$0x0], $0xffff  }
0x1e7: {  	[tilespmem:s0+$0x9010] =	vst v6;
	v5 =	vld.idx.msk [tilespmem:v37+s15+$0x0], $0xffff  }
0x1e8: {  	[tilespmem:s0+$0x9090] =	vst v7;
	v6 =	vld.idx.msk [tilespmem:v38+s15+$0x0], $0xffff  }
0x1e9: {  	v7 =	vld.idx.msk [tilespmem:v39+s15+$0x0], $0xffff  }
0x1ea: {  	v42 =	vld [tilespmem:s0+$0x7020]  }
0x1eb: {  	v43 =	vld [tilespmem:s0+$0x70A0];
	[tilespmem:s0+$0x9710] =	vst v4  }
0x1ec: {  	[tilespmem:s0+$0x9790] =	vst v5;
	v0 =	vld.idx.msk [tilespmem:v36+s16+$0x0], $0xffff  }
0x1ed: {  	[tilespmem:s0+$0x9810] =	vst v6;
	v1 =	vld.idx.msk [tilespmem:v37+s16+$0x0], $0xffff  }
0x1ee: {  	[tilespmem:s0+$0x9890] =	vst v7;
	v2 =	vld.idx.msk [tilespmem:v38+s16+$0x0], $0xffff  }
0x1ef: {  	v3 =	vld.idx.msk [tilespmem:v39+s16+$0x0], $0xffff;
	_ =	sdelay $0x1  }
0x1f0: {  	[tilespmem:s0+$0x9F10] =	vst v0  }
0x1f1: {  	[tilespmem:s0+$0x9F90] =	vst v1;
	v4 =	vld.idx.msk [tilespmem:v40+s2+$0x0], $0xffff  }
0x1f2: {  	[tilespmem:s0+$0xA010] =	vst v2;
	v5 =	vld.idx.msk [tilespmem:v41+s2+$0x0], $0xffff  }
0x1f3: {  	[tilespmem:s0+$0xA090] =	vst v3;
	v6 =	vld.idx.msk [tilespmem:v42+s2+$0x0], $0xffff  }
0x1f4: {  	v7 =	vld.idx.msk [tilespmem:v43+s2+$0x0], $0xffff  }
0x1f5: {  	v44 =	vld [tilespmem:s0+$0x6F30]  }
0x1f6: {  	v45 =	vld [tilespmem:s0+$0x6FB0];
	[tilespmem:s0+$0x8F20] =	vst v4  }
0x1f7: {  	[tilespmem:s0+$0x8FA0] =	vst v5;
	v4 =	vld.idx.msk [tilespmem:v40+s15+$0x0], $0xffff  }
0x1f8: {  	[tilespmem:s0+$0x9020] =	vst v6;
	v5 =	vld.idx.msk [tilespmem:v41+s15+$0x0], $0xffff  }
0x1f9: {  	[tilespmem:s0+$0x90A0] =	vst v7;
	v6 =	vld.idx.msk [tilespmem:v42+s15+$0x0], $0xffff  }
0x1fa: {  	v7 =	vld.idx.msk [tilespmem:v43+s15+$0x0], $0xffff  }
0x1fb: {  	v46 =	vld [tilespmem:s0+$0x7030]  }
0x1fc: {  	v47 =	vld [tilespmem:s0+$0x70B0];
	[tilespmem:s0+$0x9720] =	vst v4  }
0x1fd: {  	[tilespmem:s0+$0x97A0] =	vst v5;
	v0 =	vld.idx.msk [tilespmem:v40+s16+$0x0], $0xffff  }
0x1fe: {  	[tilespmem:s0+$0x9820] =	vst v6;
	v1 =	vld.idx.msk [tilespmem:v41+s16+$0x0], $0xffff  }
0x1ff: {  	[tilespmem:s0+$0x98A0] =	vst v7;
	v2 =	vld.idx.msk [tilespmem:v42+s16+$0x0], $0xffff  }
0x200: {  	v3 =	vld.idx.msk [tilespmem:v43+s16+$0x0], $0xffff;
	_ =	sdelay $0x1  }
0x201: {  	[tilespmem:s0+$0x9F20] =	vst v0  }
0x202: {  	[tilespmem:s0+$0x9FA0] =	vst v1;
	v4 =	vld.idx.msk [tilespmem:v44+s2+$0x0], $0xffff  }
0x203: {  	[tilespmem:s0+$0xA020] =	vst v2;
	v5 =	vld.idx.msk [tilespmem:v45+s2+$0x0], $0xffff  }
0x204: {  	[tilespmem:s0+$0xA0A0] =	vst v3;
	v6 =	vld.idx.msk [tilespmem:v46+s2+$0x0], $0xffff  }
0x205: {  	v7 =	vld.idx.msk [tilespmem:v47+s2+$0x0], $0xffff  }
0x206: {  	v48 =	vld [tilespmem:s0+$0x6F40]  }
0x207: {  	v49 =	vld [tilespmem:s0+$0x6FC0];
	[tilespmem:s0+$0x8F30] =	vst v4  }
0x208: {  	[tilespmem:s0+$0x8FB0] =	vst v5;
	v4 =	vld.idx.msk [tilespmem:v44+s15+$0x0], $0xffff  }
0x209: {  	[tilespmem:s0+$0x9030] =	vst v6;
	v5 =	vld.idx.msk [tilespmem:v45+s15+$0x0], $0xffff  }
0x20a: {  	[tilespmem:s0+$0x90B0] =	vst v7;
	v6 =	vld.idx.msk [tilespmem:v46+s15+$0x0], $0xffff  }
0x20b: {  	v7 =	vld.idx.msk [tilespmem:v47+s15+$0x0], $0xffff  }
0x20c: {  	v50 =	vld [tilespmem:s0+$0x7040]  }
0x20d: {  	v51 =	vld [tilespmem:s0+$0x70C0];
	[tilespmem:s0+$0x9730] =	vst v4  }
0x20e: {  	[tilespmem:s0+$0x97B0] =	vst v5;
	v0 =	vld.idx.msk [tilespmem:v44+s16+$0x0], $0xffff  }
0x20f: {  	[tilespmem:s0+$0x9830] =	vst v6;
	v1 =	vld.idx.msk [tilespmem:v45+s16+$0x0], $0xffff  }
0x210: {  	[tilespmem:s0+$0x98B0] =	vst v7;
	v2 =	vld.idx.msk [tilespmem:v46+s16+$0x0], $0xffff  }
0x211: {  	v3 =	vld.idx.msk [tilespmem:v47+s16+$0x0], $0xffff;
	_ =	sdelay $0x1  }
0x212: {  	[tilespmem:s0+$0x9F30] =	vst v0  }
0x213: {  	[tilespmem:s0+$0x9FB0] =	vst v1;
	v4 =	vld.idx.msk [tilespmem:v48+s2+$0x0], $0xffff  }
0x214: {  	[tilespmem:s0+$0xA030] =	vst v2;
	v5 =	vld.idx.msk [tilespmem:v49+s2+$0x0], $0xffff  }
0x215: {  	[tilespmem:s0+$0xA0B0] =	vst v3;
	v6 =	vld.idx.msk [tilespmem:v50+s2+$0x0], $0xffff  }
0x216: {  	v7 =	vld.idx.msk [tilespmem:v51+s2+$0x0], $0xffff  }
0x217: {  	v52 =	vld [tilespmem:s0+$0x6F50]  }
0x218: {  	v53 =	vld [tilespmem:s0+$0x6FD0];
	[tilespmem:s0+$0x8F40] =	vst v4  }
0x219: {  	[tilespmem:s0+$0x8FC0] =	vst v5;
	v4 =	vld.idx.msk [tilespmem:v48+s15+$0x0], $0xffff  }
0x21a: {  	[tilespmem:s0+$0x9040] =	vst v6;
	v5 =	vld.idx.msk [tilespmem:v49+s15+$0x0], $0xffff  }
0x21b: {  	[tilespmem:s0+$0x90C0] =	vst v7;
	v6 =	vld.idx.msk [tilespmem:v50+s15+$0x0], $0xffff  }
0x21c: {  	v7 =	vld.idx.msk [tilespmem:v51+s15+$0x0], $0xffff  }
0x21d: {  	v54 =	vld [tilespmem:s0+$0x7050]  }
0x21e: {  	v55 =	vld [tilespmem:s0+$0x70D0];
	[tilespmem:s0+$0x9740] =	vst v4  }
0x21f: {  	[tilespmem:s0+$0x97C0] =	vst v5;
	v0 =	vld.idx.msk [tilespmem:v48+s16+$0x0], $0xffff  }
0x220: {  	[tilespmem:s0+$0x9840] =	vst v6;
	v1 =	vld.idx.msk [tilespmem:v49+s16+$0x0], $0xffff  }
0x221: {  	[tilespmem:s0+$0x98C0] =	vst v7;
	v2 =	vld.idx.msk [tilespmem:v50+s16+$0x0], $0xffff  }
0x222: {  	v3 =	vld.idx.msk [tilespmem:v51+s16+$0x0], $0xffff;
	_ =	sdelay $0x1  }
0x223: {  	[tilespmem:s0+$0x9F40] =	vst v0  }
0x224: {  	[tilespmem:s0+$0x9FC0] =	vst v1;
	v4 =	vld.idx.msk [tilespmem:v52+s2+$0x0], $0xffff  }
0x225: {  	[tilespmem:s0+$0xA040] =	vst v2;
	v5 =	vld.idx.msk [tilespmem:v53+s2+$0x0], $0xffff  }
0x226: {  	[tilespmem:s0+$0xA0C0] =	vst v3;
	v6 =	vld.idx.msk [tilespmem:v54+s2+$0x0], $0xffff  }
0x227: {  	v7 =	vld.idx.msk [tilespmem:v55+s2+$0x0], $0xffff  }
0x228: {  	v56 =	vld [tilespmem:s0+$0x6F60]  }
0x229: {  	v57 =	vld [tilespmem:s0+$0x6FE0];
	[tilespmem:s0+$0x8F50] =	vst v4  }
0x22a: {  	[tilespmem:s0+$0x8FD0] =	vst v5;
	v4 =	vld.idx.msk [tilespmem:v52+s15+$0x0], $0xffff  }
0x22b: {  	[tilespmem:s0+$0x9050] =	vst v6;
	v5 =	vld.idx.msk [tilespmem:v53+s15+$0x0], $0xffff  }
0x22c: {  	[tilespmem:s0+$0x90D0] =	vst v7;
	v6 =	vld.idx.msk [tilespmem:v54+s15+$0x0], $0xffff  }
0x22d: {  	v7 =	vld.idx.msk [tilespmem:v55+s15+$0x0], $0xffff  }
0x22e: {  	v58 =	vld [tilespmem:s0+$0x7060]  }
0x22f: {  	v59 =	vld [tilespmem:s0+$0x70E0];
	[tilespmem:s0+$0x9750] =	vst v4  }
0x230: {  	[tilespmem:s0+$0x97D0] =	vst v5;
	v0 =	vld.idx.msk [tilespmem:v52+s16+$0x0], $0xffff  }
0x231: {  	[tilespmem:s0+$0x9850] =	vst v6;
	v1 =	vld.idx.msk [tilespmem:v53+s16+$0x0], $0xffff  }
0x232: {  	[tilespmem:s0+$0x98D0] =	vst v7;
	v2 =	vld.idx.msk [tilespmem:v54+s16+$0x0], $0xffff  }
0x233: {  	v3 =	vld.idx.msk [tilespmem:v55+s16+$0x0], $0xffff;
	_ =	sdelay $0x1  }
0x234: {  	[tilespmem:s0+$0x9F50] =	vst v0  }
0x235: {  	[tilespmem:s0+$0x9FD0] =	vst v1;
	v4 =	vld.idx.msk [tilespmem:v56+s2+$0x0], $0xffff  }
0x236: {  	[tilespmem:s0+$0xA050] =	vst v2;
	v5 =	vld.idx.msk [tilespmem:v57+s2+$0x0], $0xffff  }
0x237: {  	[tilespmem:s0+$0xA0D0] =	vst v3;
	v6 =	vld.idx.msk [tilespmem:v58+s2+$0x0], $0xffff  }
0x238: {  	v7 =	vld.idx.msk [tilespmem:v59+s2+$0x0], $0xffff  }
0x239: {  	v60 =	vld [tilespmem:s0+$0x6F70]  }
0x23a: {  	v61 =	vld [tilespmem:s0+$0x6FF0];
	[tilespmem:s0+$0x8F60] =	vst v4  }
0x23b: {  	[tilespmem:s0+$0x8FE0] =	vst v5;
	v4 =	vld.idx.msk [tilespmem:v56+s15+$0x0], $0xffff  }
0x23c: {  	[tilespmem:s0+$0x9060] =	vst v6;
	v5 =	vld.idx.msk [tilespmem:v57+s15+$0x0], $0xffff  }
0x23d: {  	[tilespmem:s0+$0x90E0] =	vst v7;
	v6 =	vld.idx.msk [tilespmem:v58+s15+$0x0], $0xffff  }
0x23e: {  	v7 =	vld.idx.msk [tilespmem:v59+s15+$0x0], $0xffff  }
0x23f: {  	v62 =	vld [tilespmem:s0+$0x7070]  }
0x240: {  	v63 =	vld [tilespmem:s0+$0x70F0];
	[tilespmem:s0+$0x9760] =	vst v4  }
0x241: {  	[tilespmem:s0+$0x97E0] =	vst v5;
	v0 =	vld.idx.msk [tilespmem:v56+s16+$0x0], $0xffff  }
0x242: {  	[tilespmem:s0+$0x9860] =	vst v6;
	v1 =	vld.idx.msk [tilespmem:v57+s16+$0x0], $0xffff  }
0x243: {  	[tilespmem:s0+$0x98E0] =	vst v7;
	v2 =	vld.idx.msk [tilespmem:v58+s16+$0x0], $0xffff  }
0x244: {  	v3 =	vld.idx.msk [tilespmem:v59+s16+$0x0], $0xffff;
	_ =	sdelay $0x1  }
0x245: {  	[tilespmem:s0+$0x9F60] =	vst v0  }
0x246: {  	[tilespmem:s0+$0x9FE0] =	vst v1;
	v4 =	vld.idx.msk [tilespmem:v60+s2+$0x0], $0xffff  }
0x247: {  	[tilespmem:s0+$0xA060] =	vst v2;
	v5 =	vld.idx.msk [tilespmem:v61+s2+$0x0], $0xffff  }
0x248: {  	[tilespmem:s0+$0xA0E0] =	vst v3;
	v6 =	vld.idx.msk [tilespmem:v62+s2+$0x0], $0xffff  }
0x249: {  	v7 =	vld.idx.msk [tilespmem:v63+s2+$0x0], $0xffff;
	_ =	sdelay $0x1  }
0x24a: {  	[tilespmem:s0+$0x8F70] =	vst v4  }
0x24b: {  	[tilespmem:s0+$0x8FF0] =	vst v5;
	v4 =	vld.idx.msk [tilespmem:v60+s15+$0x0], $0xffff  }
0x24c: {  	[tilespmem:s0+$0x9070] =	vst v6;
	v5 =	vld.idx.msk [tilespmem:v61+s15+$0x0], $0xffff  }
0x24d: {  	[tilespmem:s0+$0x90F0] =	vst v7;
	v6 =	vld.idx.msk [tilespmem:v62+s15+$0x0], $0xffff  }
0x24e: {  	v7 =	vld.idx.msk [tilespmem:v63+s15+$0x0], $0xffff;
	_ =	sdelay $0x1  }
0x24f: {  	[tilespmem:s0+$0x9770] =	vst v4  }
0x250: {  	[tilespmem:s0+$0x97F0] =	vst v5;
	v0 =	vld.idx.msk [tilespmem:v60+s16+$0x0], $0xffff  }
0x251: {  	[tilespmem:s0+$0x9870] =	vst v6;
	v1 =	vld.idx.msk [tilespmem:v61+s16+$0x0], $0xffff  }
0x252: {  	[tilespmem:s0+$0x98F0] =	vst v7;
	v2 =	vld.idx.msk [tilespmem:v62+s16+$0x0], $0xffff  }
0x253: {  	p1 =	por p0, p0;
	v3 =	vld.idx.msk [tilespmem:v63+s16+$0x0], $0xffff  }
.Ltmp1:
0x254: {  	_ = 	snop;
	(pc) =	sbr.rel @p1 .LBB2_4-.Ltmp1, $4  }
0x255: {  	[tilespmem:s0+$0x9F70] =	vst v0  }
0x256: {  	[tilespmem:s0+$0x9FF0] =	vst v1  }
0x257: {  	[tilespmem:s0+$0xA070] =	vst v2  }
0x258: {  	p0 =	por $0x0, $0x0;
	[tilespmem:s0+$0xA0F0] =	vst v3;
	s0 =	simm.s32 $0x200  }
0x259: {  	[hbm4b:s10+s21] =	stream.strided.scatter [tilespmem:s25], [sflag:$0x4], $0x1800, s22, s21, $0x38;
	[tilespmem:$0xA300] =	vst v63  }
0x25a: {  	s30 =	simm.s32 $0x0  }
0x25b: {  	[tilespmem:s18], [sflag:$0x2] =	stream.linear.gather [hbm4b:s11+s30], $0x800, $0x38;
	[tilespmem:$0xA300] =	vst v63  }
.LBB2_6:
0x25c: {  	_ =	swait.ge [sflag:s20], $0x800  }
0x25d: {  	[sflag:s20] =	ssyncset.done $0x0  }
0x25e: {  	[sflag:s20] =	ssyncadd.s32 $0xFFFFF800  }
0x25f: {  	_ =	swait.ge [sflag:s26], $0x1800  }
0x260: {  	[sflag:s26] =	ssyncset.done $0x0  }
0x261: {  	p0 =	por $0x1, $0x1;
	s0 =	simm.s32 $0x0;
	[sflag:s26] =	ssyncadd.s32 $0xFFFFE800  }
.LBB2_7:
0x262: {  	v0 =	vld [tilespmem:s0+$0x6300]  }
0x263: {  	v1 =	vld [tilespmem:s0+$0x6380]  }
0x264: {  	v2 =	vld [tilespmem:s0+$0x6400]  }
0x265: {  	v3 =	vld [tilespmem:s0+$0x6480];
	_ =	sdelay $0x4  }
0x266: {  	v4 =	vld.idx.msk [tilespmem:v0+s2+$0x0], $0xffff  }
0x267: {  	v5 =	vld.idx.msk [tilespmem:v1+s2+$0x0], $0xffff  }
0x268: {  	v6 =	vld.idx.msk [tilespmem:v2+s2+$0x0], $0xffff  }
0x269: {  	v7 =	vld.idx.msk [tilespmem:v3+s2+$0x0], $0xffff  }
0x26a: {  	v59 =	vld [tilespmem:s0+$0x6310]  }
0x26b: {  	v60 =	vld [tilespmem:s0+$0x6390];
	[tilespmem:s0+$0x7300] =	vst v4  }
0x26c: {  	[tilespmem:s0+$0x7380] =	vst v5;
	v4 =	vld.idx.msk [tilespmem:v0+s15+$0x0], $0xffff  }
0x26d: {  	[tilespmem:s0+$0x7400] =	vst v6;
	v5 =	vld.idx.msk [tilespmem:v1+s15+$0x0], $0xffff  }
0x26e: {  	[tilespmem:s0+$0x7480] =	vst v7;
	v6 =	vld.idx.msk [tilespmem:v2+s15+$0x0], $0xffff  }
0x26f: {  	v7 =	vld.idx.msk [tilespmem:v3+s15+$0x0], $0xffff  }
0x270: {  	v61 =	vld [tilespmem:s0+$0x6410]  }
0x271: {  	v62 =	vld [tilespmem:s0+$0x6490];
	[tilespmem:s0+$0x7B00] =	vst v4  }
0x272: {  	[tilespmem:s0+$0x7B80] =	vst v5;
	v0 =	vld.idx.msk [tilespmem:v0+s16+$0x0], $0xffff  }
0x273: {  	[tilespmem:s0+$0x7C00] =	vst v6;
	v1 =	vld.idx.msk [tilespmem:v1+s16+$0x0], $0xffff  }
0x274: {  	[tilespmem:s0+$0x7C80] =	vst v7;
	v2 =	vld.idx.msk [tilespmem:v2+s16+$0x0], $0xffff  }
0x275: {  	v3 =	vld.idx.msk [tilespmem:v3+s16+$0x0], $0xffff;
	_ =	sdelay $0x1  }
0x276: {  	[tilespmem:s0+$0x8300] =	vst v0  }
0x277: {  	[tilespmem:s0+$0x8380] =	vst v1;
	v4 =	vld.idx.msk [tilespmem:v59+s2+$0x0], $0xffff  }
0x278: {  	[tilespmem:s0+$0x8400] =	vst v2;
	v5 =	vld.idx.msk [tilespmem:v60+s2+$0x0], $0xffff  }
0x279: {  	[tilespmem:s0+$0x8480] =	vst v3;
	v6 =	vld.idx.msk [tilespmem:v61+s2+$0x0], $0xffff  }
0x27a: {  	v7 =	vld.idx.msk [tilespmem:v62+s2+$0x0], $0xffff  }
0x27b: {  	v63 =	vld [tilespmem:s0+$0x6320]  }
0x27c: {  	v9 =	vld [tilespmem:s0+$0x63A0];
	[tilespmem:s0+$0x7310] =	vst v4  }
0x27d: {  	[tilespmem:s0+$0x7390] =	vst v5;
	v4 =	vld.idx.msk [tilespmem:v59+s15+$0x0], $0xffff  }
0x27e: {  	[tilespmem:s0+$0x7410] =	vst v6;
	v5 =	vld.idx.msk [tilespmem:v60+s15+$0x0], $0xffff  }
0x27f: {  	[tilespmem:s0+$0x7490] =	vst v7;
	v6 =	vld.idx.msk [tilespmem:v61+s15+$0x0], $0xffff  }
0x280: {  	v7 =	vld.idx.msk [tilespmem:v62+s15+$0x0], $0xffff  }
0x281: {  	v10 =	vld [tilespmem:s0+$0x6420]  }
0x282: {  	v11 =	vld [tilespmem:s0+$0x64A0];
	[tilespmem:s0+$0x7B10] =	vst v4  }
0x283: {  	[tilespmem:s0+$0x7B90] =	vst v5;
	v0 =	vld.idx.msk [tilespmem:v59+s16+$0x0], $0xffff  }
0x284: {  	[tilespmem:s0+$0x7C10] =	vst v6;
	v1 =	vld.idx.msk [tilespmem:v60+s16+$0x0], $0xffff  }
0x285: {  	[tilespmem:s0+$0x7C90] =	vst v7;
	v2 =	vld.idx.msk [tilespmem:v61+s16+$0x0], $0xffff  }
0x286: {  	v3 =	vld.idx.msk [tilespmem:v62+s16+$0x0], $0xffff;
	_ =	sdelay $0x1  }
0x287: {  	[tilespmem:s0+$0x8310] =	vst v0  }
0x288: {  	[tilespmem:s0+$0x8390] =	vst v1;
	v4 =	vld.idx.msk [tilespmem:v63+s2+$0x0], $0xffff  }
0x289: {  	[tilespmem:s0+$0x8410] =	vst v2;
	v5 =	vld.idx.msk [tilespmem:v9+s2+$0x0], $0xffff  }
0x28a: {  	[tilespmem:s0+$0x8490] =	vst v3;
	v6 =	vld.idx.msk [tilespmem:v10+s2+$0x0], $0xffff  }
0x28b: {  	v7 =	vld.idx.msk [tilespmem:v11+s2+$0x0], $0xffff  }
0x28c: {  	v12 =	vld [tilespmem:s0+$0x6330]  }
0x28d: {  	v13 =	vld [tilespmem:s0+$0x63B0];
	[tilespmem:s0+$0x7320] =	vst v4  }
0x28e: {  	[tilespmem:s0+$0x73A0] =	vst v5;
	v4 =	vld.idx.msk [tilespmem:v63+s15+$0x0], $0xffff  }
0x28f: {  	[tilespmem:s0+$0x7420] =	vst v6;
	v5 =	vld.idx.msk [tilespmem:v9+s15+$0x0], $0xffff  }
0x290: {  	[tilespmem:s0+$0x74A0] =	vst v7;
	v6 =	vld.idx.msk [tilespmem:v10+s15+$0x0], $0xffff  }
0x291: {  	v7 =	vld.idx.msk [tilespmem:v11+s15+$0x0], $0xffff  }
0x292: {  	v14 =	vld [tilespmem:s0+$0x6430]  }
0x293: {  	v15 =	vld [tilespmem:s0+$0x64B0];
	[tilespmem:s0+$0x7B20] =	vst v4  }
0x294: {  	[tilespmem:s0+$0x7BA0] =	vst v5;
	v0 =	vld.idx.msk [tilespmem:v63+s16+$0x0], $0xffff  }
0x295: {  	[tilespmem:s0+$0x7C20] =	vst v6;
	v1 =	vld.idx.msk [tilespmem:v9+s16+$0x0], $0xffff  }
0x296: {  	[tilespmem:s0+$0x7CA0] =	vst v7;
	v2 =	vld.idx.msk [tilespmem:v10+s16+$0x0], $0xffff  }
0x297: {  	v3 =	vld.idx.msk [tilespmem:v11+s16+$0x0], $0xffff;
	_ =	sdelay $0x1  }
0x298: {  	[tilespmem:s0+$0x8320] =	vst v0  }
0x299: {  	[tilespmem:s0+$0x83A0] =	vst v1;
	v4 =	vld.idx.msk [tilespmem:v12+s2+$0x0], $0xffff  }
0x29a: {  	[tilespmem:s0+$0x8420] =	vst v2;
	v5 =	vld.idx.msk [tilespmem:v13+s2+$0x0], $0xffff  }
0x29b: {  	[tilespmem:s0+$0x84A0] =	vst v3;
	v6 =	vld.idx.msk [tilespmem:v14+s2+$0x0], $0xffff  }
0x29c: {  	v7 =	vld.idx.msk [tilespmem:v15+s2+$0x0], $0xffff  }
0x29d: {  	v16 =	vld [tilespmem:s0+$0x6340]  }
0x29e: {  	v17 =	vld [tilespmem:s0+$0x63C0];
	[tilespmem:s0+$0x7330] =	vst v4  }
0x29f: {  	[tilespmem:s0+$0x73B0] =	vst v5;
	v4 =	vld.idx.msk [tilespmem:v12+s15+$0x0], $0xffff  }
0x2a0: {  	[tilespmem:s0+$0x7430] =	vst v6;
	v5 =	vld.idx.msk [tilespmem:v13+s15+$0x0], $0xffff  }
0x2a1: {  	[tilespmem:s0+$0x74B0] =	vst v7;
	v6 =	vld.idx.msk [tilespmem:v14+s15+$0x0], $0xffff  }
0x2a2: {  	v7 =	vld.idx.msk [tilespmem:v15+s15+$0x0], $0xffff  }
0x2a3: {  	v18 =	vld [tilespmem:s0+$0x6440]  }
0x2a4: {  	v19 =	vld [tilespmem:s0+$0x64C0];
	[tilespmem:s0+$0x7B30] =	vst v4  }
0x2a5: {  	[tilespmem:s0+$0x7BB0] =	vst v5;
	v0 =	vld.idx.msk [tilespmem:v12+s16+$0x0], $0xffff  }
0x2a6: {  	[tilespmem:s0+$0x7C30] =	vst v6;
	v1 =	vld.idx.msk [tilespmem:v13+s16+$0x0], $0xffff  }
0x2a7: {  	[tilespmem:s0+$0x7CB0] =	vst v7;
	v2 =	vld.idx.msk [tilespmem:v14+s16+$0x0], $0xffff  }
0x2a8: {  	v3 =	vld.idx.msk [tilespmem:v15+s16+$0x0], $0xffff;
	_ =	sdelay $0x1  }
0x2a9: {  	[tilespmem:s0+$0x8330] =	vst v0  }
0x2aa: {  	[tilespmem:s0+$0x83B0] =	vst v1;
	v4 =	vld.idx.msk [tilespmem:v16+s2+$0x0], $0xffff  }
0x2ab: {  	[tilespmem:s0+$0x8430] =	vst v2;
	v5 =	vld.idx.msk [tilespmem:v17+s2+$0x0], $0xffff  }
0x2ac: {  	[tilespmem:s0+$0x84B0] =	vst v3;
	v6 =	vld.idx.msk [tilespmem:v18+s2+$0x0], $0xffff  }
0x2ad: {  	v7 =	vld.idx.msk [tilespmem:v19+s2+$0x0], $0xffff  }
0x2ae: {  	v20 =	vld [tilespmem:s0+$0x6350]  }
0x2af: {  	v21 =	vld [tilespmem:s0+$0x63D0];
	[tilespmem:s0+$0x7340] =	vst v4  }
0x2b0: {  	[tilespmem:s0+$0x73C0] =	vst v5;
	v4 =	vld.idx.msk [tilespmem:v16+s15+$0x0], $0xffff  }
0x2b1: {  	[tilespmem:s0+$0x7440] =	vst v6;
	v5 =	vld.idx.msk [tilespmem:v17+s15+$0x0], $0xffff  }
0x2b2: {  	[tilespmem:s0+$0x74C0] =	vst v7;
	v6 =	vld.idx.msk [tilespmem:v18+s15+$0x0], $0xffff  }
0x2b3: {  	v7 =	vld.idx.msk [tilespmem:v19+s15+$0x0], $0xffff  }
0x2b4: {  	v22 =	vld [tilespmem:s0+$0x6450]  }
0x2b5: {  	v23 =	vld [tilespmem:s0+$0x64D0];
	[tilespmem:s0+$0x7B40] =	vst v4  }
0x2b6: {  	[tilespmem:s0+$0x7BC0] =	vst v5;
	v0 =	vld.idx.msk [tilespmem:v16+s16+$0x0], $0xffff  }
0x2b7: {  	[tilespmem:s0+$0x7C40] =	vst v6;
	v1 =	vld.idx.msk [tilespmem:v17+s16+$0x0], $0xffff  }
0x2b8: {  	[tilespmem:s0+$0x7CC0] =	vst v7;
	v2 =	vld.idx.msk [tilespmem:v18+s16+$0x0], $0xffff  }
0x2b9: {  	v3 =	vld.idx.msk [tilespmem:v19+s16+$0x0], $0xffff;
	_ =	sdelay $0x1  }
0x2ba: {  	[tilespmem:s0+$0x8340] =	vst v0  }
0x2bb: {  	[tilespmem:s0+$0x83C0] =	vst v1;
	v4 =	vld.idx.msk [tilespmem:v20+s2+$0x0], $0xffff  }
0x2bc: {  	[tilespmem:s0+$0x8440] =	vst v2;
	v5 =	vld.idx.msk [tilespmem:v21+s2+$0x0], $0xffff  }
0x2bd: {  	[tilespmem:s0+$0x84C0] =	vst v3;
	v6 =	vld.idx.msk [tilespmem:v22+s2+$0x0], $0xffff  }
0x2be: {  	v7 =	vld.idx.msk [tilespmem:v23+s2+$0x0], $0xffff  }
0x2bf: {  	v24 =	vld [tilespmem:s0+$0x6360]  }
0x2c0: {  	v25 =	vld [tilespmem:s0+$0x63E0];
	[tilespmem:s0+$0x7350] =	vst v4  }
0x2c1: {  	[tilespmem:s0+$0x73D0] =	vst v5;
	v4 =	vld.idx.msk [tilespmem:v20+s15+$0x0], $0xffff  }
0x2c2: {  	[tilespmem:s0+$0x7450] =	vst v6;
	v5 =	vld.idx.msk [tilespmem:v21+s15+$0x0], $0xffff  }
0x2c3: {  	[tilespmem:s0+$0x74D0] =	vst v7;
	v6 =	vld.idx.msk [tilespmem:v22+s15+$0x0], $0xffff  }
0x2c4: {  	v7 =	vld.idx.msk [tilespmem:v23+s15+$0x0], $0xffff  }
0x2c5: {  	v26 =	vld [tilespmem:s0+$0x6460]  }
0x2c6: {  	v27 =	vld [tilespmem:s0+$0x64E0];
	[tilespmem:s0+$0x7B50] =	vst v4  }
0x2c7: {  	[tilespmem:s0+$0x7BD0] =	vst v5;
	v0 =	vld.idx.msk [tilespmem:v20+s16+$0x0], $0xffff  }
0x2c8: {  	[tilespmem:s0+$0x7C50] =	vst v6;
	v1 =	vld.idx.msk [tilespmem:v21+s16+$0x0], $0xffff  }
0x2c9: {  	[tilespmem:s0+$0x7CD0] =	vst v7;
	v2 =	vld.idx.msk [tilespmem:v22+s16+$0x0], $0xffff  }
0x2ca: {  	v3 =	vld.idx.msk [tilespmem:v23+s16+$0x0], $0xffff;
	_ =	sdelay $0x1  }
0x2cb: {  	[tilespmem:s0+$0x8350] =	vst v0  }
0x2cc: {  	[tilespmem:s0+$0x83D0] =	vst v1;
	v4 =	vld.idx.msk [tilespmem:v24+s2+$0x0], $0xffff  }
0x2cd: {  	[tilespmem:s0+$0x8450] =	vst v2;
	v5 =	vld.idx.msk [tilespmem:v25+s2+$0x0], $0xffff  }
0x2ce: {  	[tilespmem:s0+$0x84D0] =	vst v3;
	v6 =	vld.idx.msk [tilespmem:v26+s2+$0x0], $0xffff  }
0x2cf: {  	v7 =	vld.idx.msk [tilespmem:v27+s2+$0x0], $0xffff  }
0x2d0: {  	v28 =	vld [tilespmem:s0+$0x6370]  }
0x2d1: {  	v29 =	vld [tilespmem:s0+$0x63F0];
	[tilespmem:s0+$0x7360] =	vst v4  }
0x2d2: {  	[tilespmem:s0+$0x73E0] =	vst v5;
	v4 =	vld.idx.msk [tilespmem:v24+s15+$0x0], $0xffff  }
0x2d3: {  	[tilespmem:s0+$0x7460] =	vst v6;
	v5 =	vld.idx.msk [tilespmem:v25+s15+$0x0], $0xffff  }
0x2d4: {  	[tilespmem:s0+$0x74E0] =	vst v7;
	v6 =	vld.idx.msk [tilespmem:v26+s15+$0x0], $0xffff  }
0x2d5: {  	v7 =	vld.idx.msk [tilespmem:v27+s15+$0x0], $0xffff  }
0x2d6: {  	v30 =	vld [tilespmem:s0+$0x6470]  }
0x2d7: {  	v31 =	vld [tilespmem:s0+$0x64F0];
	[tilespmem:s0+$0x7B60] =	vst v4  }
0x2d8: {  	[tilespmem:s0+$0x7BE0] =	vst v5;
	v0 =	vld.idx.msk [tilespmem:v24+s16+$0x0], $0xffff  }
0x2d9: {  	[tilespmem:s0+$0x7C60] =	vst v6;
	v1 =	vld.idx.msk [tilespmem:v25+s16+$0x0], $0xffff  }
0x2da: {  	[tilespmem:s0+$0x7CE0] =	vst v7;
	v2 =	vld.idx.msk [tilespmem:v26+s16+$0x0], $0xffff  }
0x2db: {  	v3 =	vld.idx.msk [tilespmem:v27+s16+$0x0], $0xffff;
	_ =	sdelay $0x1  }
0x2dc: {  	[tilespmem:s0+$0x8360] =	vst v0  }
0x2dd: {  	[tilespmem:s0+$0x83E0] =	vst v1;
	v4 =	vld.idx.msk [tilespmem:v28+s2+$0x0], $0xffff  }
0x2de: {  	[tilespmem:s0+$0x8460] =	vst v2;
	v5 =	vld.idx.msk [tilespmem:v29+s2+$0x0], $0xffff  }
0x2df: {  	[tilespmem:s0+$0x84E0] =	vst v3;
	v6 =	vld.idx.msk [tilespmem:v30+s2+$0x0], $0xffff  }
0x2e0: {  	v7 =	vld.idx.msk [tilespmem:v31+s2+$0x0], $0xffff  }
0x2e1: {  	v32 =	vld [tilespmem:s0+$0x6700]  }
0x2e2: {  	v33 =	vld [tilespmem:s0+$0x6780];
	[tilespmem:s0+$0x7370] =	vst v4  }
0x2e3: {  	[tilespmem:s0+$0x73F0] =	vst v5;
	v4 =	vld.idx.msk [tilespmem:v28+s15+$0x0], $0xffff  }
0x2e4: {  	[tilespmem:s0+$0x7470] =	vst v6;
	v5 =	vld.idx.msk [tilespmem:v29+s15+$0x0], $0xffff  }
0x2e5: {  	[tilespmem:s0+$0x74F0] =	vst v7;
	v6 =	vld.idx.msk [tilespmem:v30+s15+$0x0], $0xffff  }
0x2e6: {  	v7 =	vld.idx.msk [tilespmem:v31+s15+$0x0], $0xffff  }
0x2e7: {  	v34 =	vld [tilespmem:s0+$0x6800]  }
0x2e8: {  	v35 =	vld [tilespmem:s0+$0x6880];
	[tilespmem:s0+$0x7B70] =	vst v4  }
0x2e9: {  	[tilespmem:s0+$0x7BF0] =	vst v5;
	v0 =	vld.idx.msk [tilespmem:v28+s16+$0x0], $0xffff  }
0x2ea: {  	[tilespmem:s0+$0x7C70] =	vst v6;
	v1 =	vld.idx.msk [tilespmem:v29+s16+$0x0], $0xffff  }
0x2eb: {  	[tilespmem:s0+$0x7CF0] =	vst v7;
	v2 =	vld.idx.msk [tilespmem:v30+s16+$0x0], $0xffff  }
0x2ec: {  	v3 =	vld.idx.msk [tilespmem:v31+s16+$0x0], $0xffff;
	_ =	sdelay $0x1  }
0x2ed: {  	[tilespmem:s0+$0x8370] =	vst v0  }
0x2ee: {  	[tilespmem:s0+$0x83F0] =	vst v1;
	v4 =	vld.idx.msk [tilespmem:v32+s2+$0x0], $0xffff  }
0x2ef: {  	[tilespmem:s0+$0x8470] =	vst v2;
	v5 =	vld.idx.msk [tilespmem:v33+s2+$0x0], $0xffff  }
0x2f0: {  	[tilespmem:s0+$0x84F0] =	vst v3;
	v6 =	vld.idx.msk [tilespmem:v34+s2+$0x0], $0xffff  }
0x2f1: {  	v7 =	vld.idx.msk [tilespmem:v35+s2+$0x0], $0xffff  }
0x2f2: {  	v36 =	vld [tilespmem:s0+$0x6710]  }
0x2f3: {  	v37 =	vld [tilespmem:s0+$0x6790];
	[tilespmem:s0+$0x7700] =	vst v4  }
0x2f4: {  	[tilespmem:s0+$0x7780] =	vst v5;
	v4 =	vld.idx.msk [tilespmem:v32+s15+$0x0], $0xffff  }
0x2f5: {  	[tilespmem:s0+$0x7800] =	vst v6;
	v5 =	vld.idx.msk [tilespmem:v33+s15+$0x0], $0xffff  }
0x2f6: {  	[tilespmem:s0+$0x7880] =	vst v7;
	v6 =	vld.idx.msk [tilespmem:v34+s15+$0x0], $0xffff  }
0x2f7: {  	v7 =	vld.idx.msk [tilespmem:v35+s15+$0x0], $0xffff  }
0x2f8: {  	v38 =	vld [tilespmem:s0+$0x6810]  }
0x2f9: {  	v39 =	vld [tilespmem:s0+$0x6890];
	[tilespmem:s0+$0x7F00] =	vst v4  }
0x2fa: {  	[tilespmem:s0+$0x7F80] =	vst v5;
	v0 =	vld.idx.msk [tilespmem:v32+s16+$0x0], $0xffff  }
0x2fb: {  	[tilespmem:s0+$0x8000] =	vst v6;
	v1 =	vld.idx.msk [tilespmem:v33+s16+$0x0], $0xffff  }
0x2fc: {  	[tilespmem:s0+$0x8080] =	vst v7;
	v2 =	vld.idx.msk [tilespmem:v34+s16+$0x0], $0xffff  }
0x2fd: {  	v3 =	vld.idx.msk [tilespmem:v35+s16+$0x0], $0xffff;
	_ =	sdelay $0x1  }
0x2fe: {  	[tilespmem:s0+$0x8700] =	vst v0  }
0x2ff: {  	[tilespmem:s0+$0x8780] =	vst v1;
	v4 =	vld.idx.msk [tilespmem:v36+s2+$0x0], $0xffff  }
0x300: {  	[tilespmem:s0+$0x8800] =	vst v2;
	v5 =	vld.idx.msk [tilespmem:v37+s2+$0x0], $0xffff  }
0x301: {  	[tilespmem:s0+$0x8880] =	vst v3;
	v6 =	vld.idx.msk [tilespmem:v38+s2+$0x0], $0xffff  }
0x302: {  	v7 =	vld.idx.msk [tilespmem:v39+s2+$0x0], $0xffff  }
0x303: {  	v40 =	vld [tilespmem:s0+$0x6720]  }
0x304: {  	v41 =	vld [tilespmem:s0+$0x67A0];
	[tilespmem:s0+$0x7710] =	vst v4  }
0x305: {  	[tilespmem:s0+$0x7790] =	vst v5;
	v4 =	vld.idx.msk [tilespmem:v36+s15+$0x0], $0xffff  }
0x306: {  	[tilespmem:s0+$0x7810] =	vst v6;
	v5 =	vld.idx.msk [tilespmem:v37+s15+$0x0], $0xffff  }
0x307: {  	[tilespmem:s0+$0x7890] =	vst v7;
	v6 =	vld.idx.msk [tilespmem:v38+s15+$0x0], $0xffff  }
0x308: {  	v7 =	vld.idx.msk [tilespmem:v39+s15+$0x0], $0xffff  }
0x309: {  	v42 =	vld [tilespmem:s0+$0x6820]  }
0x30a: {  	v43 =	vld [tilespmem:s0+$0x68A0];
	[tilespmem:s0+$0x7F10] =	vst v4  }
0x30b: {  	[tilespmem:s0+$0x7F90] =	vst v5;
	v0 =	vld.idx.msk [tilespmem:v36+s16+$0x0], $0xffff  }
0x30c: {  	[tilespmem:s0+$0x8010] =	vst v6;
	v1 =	vld.idx.msk [tilespmem:v37+s16+$0x0], $0xffff  }
0x30d: {  	[tilespmem:s0+$0x8090] =	vst v7;
	v2 =	vld.idx.msk [tilespmem:v38+s16+$0x0], $0xffff  }
0x30e: {  	v3 =	vld.idx.msk [tilespmem:v39+s16+$0x0], $0xffff;
	_ =	sdelay $0x1  }
0x30f: {  	[tilespmem:s0+$0x8710] =	vst v0  }
0x310: {  	[tilespmem:s0+$0x8790] =	vst v1;
	v4 =	vld.idx.msk [tilespmem:v40+s2+$0x0], $0xffff  }
0x311: {  	[tilespmem:s0+$0x8810] =	vst v2;
	v5 =	vld.idx.msk [tilespmem:v41+s2+$0x0], $0xffff  }
0x312: {  	[tilespmem:s0+$0x8890] =	vst v3;
	v6 =	vld.idx.msk [tilespmem:v42+s2+$0x0], $0xffff  }
0x313: {  	v7 =	vld.idx.msk [tilespmem:v43+s2+$0x0], $0xffff  }
0x314: {  	v44 =	vld [tilespmem:s0+$0x6730]  }
0x315: {  	v45 =	vld [tilespmem:s0+$0x67B0];
	[tilespmem:s0+$0x7720] =	vst v4  }
0x316: {  	[tilespmem:s0+$0x77A0] =	vst v5;
	v4 =	vld.idx.msk [tilespmem:v40+s15+$0x0], $0xffff  }
0x317: {  	[tilespmem:s0+$0x7820] =	vst v6;
	v5 =	vld.idx.msk [tilespmem:v41+s15+$0x0], $0xffff  }
0x318: {  	[tilespmem:s0+$0x78A0] =	vst v7;
	v6 =	vld.idx.msk [tilespmem:v42+s15+$0x0], $0xffff  }
0x319: {  	v7 =	vld.idx.msk [tilespmem:v43+s15+$0x0], $0xffff  }
0x31a: {  	v46 =	vld [tilespmem:s0+$0x6830]  }
0x31b: {  	v47 =	vld [tilespmem:s0+$0x68B0];
	[tilespmem:s0+$0x7F20] =	vst v4  }
0x31c: {  	[tilespmem:s0+$0x7FA0] =	vst v5;
	v0 =	vld.idx.msk [tilespmem:v40+s16+$0x0], $0xffff  }
0x31d: {  	[tilespmem:s0+$0x8020] =	vst v6;
	v1 =	vld.idx.msk [tilespmem:v41+s16+$0x0], $0xffff  }
0x31e: {  	[tilespmem:s0+$0x80A0] =	vst v7;
	v2 =	vld.idx.msk [tilespmem:v42+s16+$0x0], $0xffff  }
0x31f: {  	v3 =	vld.idx.msk [tilespmem:v43+s16+$0x0], $0xffff;
	_ =	sdelay $0x1  }
0x320: {  	[tilespmem:s0+$0x8720] =	vst v0  }
0x321: {  	[tilespmem:s0+$0x87A0] =	vst v1;
	v4 =	vld.idx.msk [tilespmem:v44+s2+$0x0], $0xffff  }
0x322: {  	[tilespmem:s0+$0x8820] =	vst v2;
	v5 =	vld.idx.msk [tilespmem:v45+s2+$0x0], $0xffff  }
0x323: {  	[tilespmem:s0+$0x88A0] =	vst v3;
	v6 =	vld.idx.msk [tilespmem:v46+s2+$0x0], $0xffff  }
0x324: {  	v7 =	vld.idx.msk [tilespmem:v47+s2+$0x0], $0xffff  }
0x325: {  	v48 =	vld [tilespmem:s0+$0x6740]  }
0x326: {  	v49 =	vld [tilespmem:s0+$0x67C0];
	[tilespmem:s0+$0x7730] =	vst v4  }
0x327: {  	[tilespmem:s0+$0x77B0] =	vst v5;
	v4 =	vld.idx.msk [tilespmem:v44+s15+$0x0], $0xffff  }
0x328: {  	[tilespmem:s0+$0x7830] =	vst v6;
	v5 =	vld.idx.msk [tilespmem:v45+s15+$0x0], $0xffff  }
0x329: {  	[tilespmem:s0+$0x78B0] =	vst v7;
	v6 =	vld.idx.msk [tilespmem:v46+s15+$0x0], $0xffff  }
0x32a: {  	v7 =	vld.idx.msk [tilespmem:v47+s15+$0x0], $0xffff  }
0x32b: {  	v50 =	vld [tilespmem:s0+$0x6840]  }
0x32c: {  	v51 =	vld [tilespmem:s0+$0x68C0];
	[tilespmem:s0+$0x7F30] =	vst v4  }
0x32d: {  	[tilespmem:s0+$0x7FB0] =	vst v5;
	v0 =	vld.idx.msk [tilespmem:v44+s16+$0x0], $0xffff  }
0x32e: {  	[tilespmem:s0+$0x8030] =	vst v6;
	v1 =	vld.idx.msk [tilespmem:v45+s16+$0x0], $0xffff  }
0x32f: {  	[tilespmem:s0+$0x80B0] =	vst v7;
	v2 =	vld.idx.msk [tilespmem:v46+s16+$0x0], $0xffff  }
0x330: {  	v3 =	vld.idx.msk [tilespmem:v47+s16+$0x0], $0xffff;
	_ =	sdelay $0x1  }
0x331: {  	[tilespmem:s0+$0x8730] =	vst v0  }
0x332: {  	[tilespmem:s0+$0x87B0] =	vst v1;
	v4 =	vld.idx.msk [tilespmem:v48+s2+$0x0], $0xffff  }
0x333: {  	[tilespmem:s0+$0x8830] =	vst v2;
	v5 =	vld.idx.msk [tilespmem:v49+s2+$0x0], $0xffff  }
0x334: {  	[tilespmem:s0+$0x88B0] =	vst v3;
	v6 =	vld.idx.msk [tilespmem:v50+s2+$0x0], $0xffff  }
0x335: {  	v7 =	vld.idx.msk [tilespmem:v51+s2+$0x0], $0xffff  }
0x336: {  	v52 =	vld [tilespmem:s0+$0x6750]  }
0x337: {  	v53 =	vld [tilespmem:s0+$0x67D0];
	[tilespmem:s0+$0x7740] =	vst v4  }
0x338: {  	[tilespmem:s0+$0x77C0] =	vst v5;
	v4 =	vld.idx.msk [tilespmem:v48+s15+$0x0], $0xffff  }
0x339: {  	[tilespmem:s0+$0x7840] =	vst v6;
	v5 =	vld.idx.msk [tilespmem:v49+s15+$0x0], $0xffff  }
0x33a: {  	[tilespmem:s0+$0x78C0] =	vst v7;
	v6 =	vld.idx.msk [tilespmem:v50+s15+$0x0], $0xffff  }
0x33b: {  	v7 =	vld.idx.msk [tilespmem:v51+s15+$0x0], $0xffff  }
0x33c: {  	v54 =	vld [tilespmem:s0+$0x6850]  }
0x33d: {  	v55 =	vld [tilespmem:s0+$0x68D0];
	[tilespmem:s0+$0x7F40] =	vst v4  }
0x33e: {  	[tilespmem:s0+$0x7FC0] =	vst v5;
	v0 =	vld.idx.msk [tilespmem:v48+s16+$0x0], $0xffff  }
0x33f: {  	[tilespmem:s0+$0x8040] =	vst v6;
	v1 =	vld.idx.msk [tilespmem:v49+s16+$0x0], $0xffff  }
0x340: {  	[tilespmem:s0+$0x80C0] =	vst v7;
	v2 =	vld.idx.msk [tilespmem:v50+s16+$0x0], $0xffff  }
0x341: {  	v3 =	vld.idx.msk [tilespmem:v51+s16+$0x0], $0xffff;
	_ =	sdelay $0x1  }
0x342: {  	[tilespmem:s0+$0x8740] =	vst v0  }
0x343: {  	[tilespmem:s0+$0x87C0] =	vst v1;
	v4 =	vld.idx.msk [tilespmem:v52+s2+$0x0], $0xffff  }
0x344: {  	[tilespmem:s0+$0x8840] =	vst v2;
	v5 =	vld.idx.msk [tilespmem:v53+s2+$0x0], $0xffff  }
0x345: {  	[tilespmem:s0+$0x88C0] =	vst v3;
	v6 =	vld.idx.msk [tilespmem:v54+s2+$0x0], $0xffff  }
0x346: {  	v7 =	vld.idx.msk [tilespmem:v55+s2+$0x0], $0xffff  }
0x347: {  	v56 =	vld [tilespmem:s0+$0x6760]  }
0x348: {  	v57 =	vld [tilespmem:s0+$0x67E0];
	[tilespmem:s0+$0x7750] =	vst v4  }
0x349: {  	[tilespmem:s0+$0x77D0] =	vst v5;
	v4 =	vld.idx.msk [tilespmem:v52+s15+$0x0], $0xffff  }
0x34a: {  	[tilespmem:s0+$0x7850] =	vst v6;
	v5 =	vld.idx.msk [tilespmem:v53+s15+$0x0], $0xffff  }
0x34b: {  	[tilespmem:s0+$0x78D0] =	vst v7;
	v6 =	vld.idx.msk [tilespmem:v54+s15+$0x0], $0xffff  }
0x34c: {  	v7 =	vld.idx.msk [tilespmem:v55+s15+$0x0], $0xffff  }
0x34d: {  	v58 =	vld [tilespmem:s0+$0x6860]  }
0x34e: {  	v59 =	vld [tilespmem:s0+$0x68E0];
	[tilespmem:s0+$0x7F50] =	vst v4  }
0x34f: {  	[tilespmem:s0+$0x7FD0] =	vst v5;
	v0 =	vld.idx.msk [tilespmem:v52+s16+$0x0], $0xffff  }
0x350: {  	[tilespmem:s0+$0x8050] =	vst v6;
	v1 =	vld.idx.msk [tilespmem:v53+s16+$0x0], $0xffff  }
0x351: {  	[tilespmem:s0+$0x80D0] =	vst v7;
	v2 =	vld.idx.msk [tilespmem:v54+s16+$0x0], $0xffff  }
0x352: {  	v3 =	vld.idx.msk [tilespmem:v55+s16+$0x0], $0xffff;
	_ =	sdelay $0x1  }
0x353: {  	[tilespmem:s0+$0x8750] =	vst v0  }
0x354: {  	[tilespmem:s0+$0x87D0] =	vst v1;
	v4 =	vld.idx.msk [tilespmem:v56+s2+$0x0], $0xffff  }
0x355: {  	[tilespmem:s0+$0x8850] =	vst v2;
	v5 =	vld.idx.msk [tilespmem:v57+s2+$0x0], $0xffff  }
0x356: {  	[tilespmem:s0+$0x88D0] =	vst v3;
	v6 =	vld.idx.msk [tilespmem:v58+s2+$0x0], $0xffff  }
0x357: {  	v7 =	vld.idx.msk [tilespmem:v59+s2+$0x0], $0xffff  }
0x358: {  	v60 =	vld [tilespmem:s0+$0x6770]  }
0x359: {  	v61 =	vld [tilespmem:s0+$0x67F0];
	[tilespmem:s0+$0x7760] =	vst v4  }
0x35a: {  	[tilespmem:s0+$0x77E0] =	vst v5;
	v4 =	vld.idx.msk [tilespmem:v56+s15+$0x0], $0xffff  }
0x35b: {  	[tilespmem:s0+$0x7860] =	vst v6;
	v5 =	vld.idx.msk [tilespmem:v57+s15+$0x0], $0xffff  }
0x35c: {  	[tilespmem:s0+$0x78E0] =	vst v7;
	v6 =	vld.idx.msk [tilespmem:v58+s15+$0x0], $0xffff  }
0x35d: {  	v7 =	vld.idx.msk [tilespmem:v59+s15+$0x0], $0xffff  }
0x35e: {  	v62 =	vld [tilespmem:s0+$0x6870]  }
0x35f: {  	v63 =	vld [tilespmem:s0+$0x68F0];
	[tilespmem:s0+$0x7F60] =	vst v4  }
0x360: {  	[tilespmem:s0+$0x7FE0] =	vst v5;
	v0 =	vld.idx.msk [tilespmem:v56+s16+$0x0], $0xffff  }
0x361: {  	[tilespmem:s0+$0x8060] =	vst v6;
	v1 =	vld.idx.msk [tilespmem:v57+s16+$0x0], $0xffff  }
0x362: {  	[tilespmem:s0+$0x80E0] =	vst v7;
	v2 =	vld.idx.msk [tilespmem:v58+s16+$0x0], $0xffff  }
0x363: {  	v3 =	vld.idx.msk [tilespmem:v59+s16+$0x0], $0xffff;
	_ =	sdelay $0x1  }
0x364: {  	[tilespmem:s0+$0x8760] =	vst v0  }
0x365: {  	[tilespmem:s0+$0x87E0] =	vst v1;
	v4 =	vld.idx.msk [tilespmem:v60+s2+$0x0], $0xffff  }
0x366: {  	[tilespmem:s0+$0x8860] =	vst v2;
	v5 =	vld.idx.msk [tilespmem:v61+s2+$0x0], $0xffff  }
0x367: {  	[tilespmem:s0+$0x88E0] =	vst v3;
	v6 =	vld.idx.msk [tilespmem:v62+s2+$0x0], $0xffff  }
0x368: {  	v7 =	vld.idx.msk [tilespmem:v63+s2+$0x0], $0xffff;
	_ =	sdelay $0x1  }
0x369: {  	[tilespmem:s0+$0x7770] =	vst v4  }
0x36a: {  	[tilespmem:s0+$0x77F0] =	vst v5;
	v4 =	vld.idx.msk [tilespmem:v60+s15+$0x0], $0xffff  }
0x36b: {  	[tilespmem:s0+$0x7870] =	vst v6;
	v5 =	vld.idx.msk [tilespmem:v61+s15+$0x0], $0xffff  }
0x36c: {  	[tilespmem:s0+$0x78F0] =	vst v7;
	v6 =	vld.idx.msk [tilespmem:v62+s15+$0x0], $0xffff  }
0x36d: {  	v7 =	vld.idx.msk [tilespmem:v63+s15+$0x0], $0xffff;
	_ =	sdelay $0x1  }
0x36e: {  	[tilespmem:s0+$0x7F70] =	vst v4  }
0x36f: {  	[tilespmem:s0+$0x7FF0] =	vst v5;
	v0 =	vld.idx.msk [tilespmem:v60+s16+$0x0], $0xffff  }
0x370: {  	[tilespmem:s0+$0x8070] =	vst v6;
	v1 =	vld.idx.msk [tilespmem:v61+s16+$0x0], $0xffff  }
0x371: {  	[tilespmem:s0+$0x80F0] =	vst v7;
	v2 =	vld.idx.msk [tilespmem:v62+s16+$0x0], $0xffff  }
0x372: {  	p1 =	por p0, p0;
	v3 =	vld.idx.msk [tilespmem:v63+s16+$0x0], $0xffff  }
.Ltmp2:
0x373: {  	_ = 	snop;
	(pc) =	sbr.rel @p1 .LBB2_7-.Ltmp2, $4  }
0x374: {  	[tilespmem:s0+$0x8770] =	vst v0  }
0x375: {  	[tilespmem:s0+$0x87F0] =	vst v1  }
0x376: {  	[tilespmem:s0+$0x8870] =	vst v2  }
0x377: {  	p0 =	por $0x0, $0x0;
	[tilespmem:s0+$0x88F0] =	vst v3;
	s0 =	simm.s32 $0x200  }
0x378: {  	s0 =	sshll.u32 s30, $0xE  }
0x379: {  	s31 =	sadd.s32 $0x4000, s0  }
0x37a: {  	s0 =	sadd.s32 $0x8000, s0;
	s1 =	sadd.s32 s31, s8  }
0x37b: {  	[hbm4b:s1+s21] =	stream.strided.scatter [tilespmem:s23], [sflag:$0x3], $0x1800, s22, s21, $0x38;
	[tilespmem:$0xA300] =	vst v63  }
0x37c: {  	s3 =	sadd.s32 s0, s6;
	s1 =	simm.s32 $0x0  }
0x37d: {  	[tilespmem:s17], [sflag:$0x1] =	stream.linear.gather [hbm4b:s3+s1], $0x800, $0x38;
	[tilespmem:$0xA300] =	vst v63  }
0x37e: {  	_ =	swait.ge [sflag:s24], $0x800  }
0x37f: {  	[sflag:s24] =	ssyncset.done $0x0  }
0x380: {  	[sflag:s24] =	ssyncadd.s32 $0xFFFFF800  }
0x381: {  	_ =	swait.ge [sflag:s28], $0x1800  }
0x382: {  	[sflag:s28] =	ssyncset.done $0x0  }
0x383: {  	p0 =	por $0x1, $0x1;
	[sflag:s28] =	ssyncadd.s32 $0xFFFFE800  }
.LBB2_9:
0x384: {  	v0 =	vld [tilespmem:s1+$0x6B00]  }
0x385: {  	v1 =	vld [tilespmem:s1+$0x6B80]  }
0x386: {  	v2 =	vld [tilespmem:s1+$0x6C00]  }
0x387: {  	v3 =	vld [tilespmem:s1+$0x6C80];
	_ =	sdelay $0x4  }
0x388: {  	v4 =	vld.idx.msk [tilespmem:v0+s2+$0x0], $0xffff  }
0x389: {  	v5 =	vld.idx.msk [tilespmem:v1+s2+$0x0], $0xffff  }
0x38a: {  	v6 =	vld.idx.msk [tilespmem:v2+s2+$0x0], $0xffff  }
0x38b: {  	v7 =	vld.idx.msk [tilespmem:v3+s2+$0x0], $0xffff  }
0x38c: {  	v59 =	vld [tilespmem:s1+$0x6B10]  }
0x38d: {  	v60 =	vld [tilespmem:s1+$0x6B90];
	[tilespmem:s1+$0x8B00] =	vst v4  }
0x38e: {  	[tilespmem:s1+$0x8B80] =	vst v5;
	v4 =	vld.idx.msk [tilespmem:v0+s15+$0x0], $0xffff  }
0x38f: {  	[tilespmem:s1+$0x8C00] =	vst v6;
	v5 =	vld.idx.msk [tilespmem:v1+s15+$0x0], $0xffff  }
0x390: {  	[tilespmem:s1+$0x8C80] =	vst v7;
	v6 =	vld.idx.msk [tilespmem:v2+s15+$0x0], $0xffff  }
0x391: {  	v7 =	vld.idx.msk [tilespmem:v3+s15+$0x0], $0xffff  }
0x392: {  	v61 =	vld [tilespmem:s1+$0x6C10]  }
0x393: {  	v62 =	vld [tilespmem:s1+$0x6C90];
	[tilespmem:s1+$0x9300] =	vst v4  }
0x394: {  	[tilespmem:s1+$0x9380] =	vst v5;
	v0 =	vld.idx.msk [tilespmem:v0+s16+$0x0], $0xffff  }
0x395: {  	[tilespmem:s1+$0x9400] =	vst v6;
	v1 =	vld.idx.msk [tilespmem:v1+s16+$0x0], $0xffff  }
0x396: {  	[tilespmem:s1+$0x9480] =	vst v7;
	v2 =	vld.idx.msk [tilespmem:v2+s16+$0x0], $0xffff  }
0x397: {  	v3 =	vld.idx.msk [tilespmem:v3+s16+$0x0], $0xffff;
	_ =	sdelay $0x1  }
0x398: {  	[tilespmem:s1+$0x9B00] =	vst v0  }
0x399: {  	[tilespmem:s1+$0x9B80] =	vst v1;
	v4 =	vld.idx.msk [tilespmem:v59+s2+$0x0], $0xffff  }
0x39a: {  	[tilespmem:s1+$0x9C00] =	vst v2;
	v5 =	vld.idx.msk [tilespmem:v60+s2+$0x0], $0xffff  }
0x39b: {  	[tilespmem:s1+$0x9C80] =	vst v3;
	v6 =	vld.idx.msk [tilespmem:v61+s2+$0x0], $0xffff  }
0x39c: {  	v7 =	vld.idx.msk [tilespmem:v62+s2+$0x0], $0xffff  }
0x39d: {  	v63 =	vld [tilespmem:s1+$0x6B20]  }
0x39e: {  	v9 =	vld [tilespmem:s1+$0x6BA0];
	[tilespmem:s1+$0x8B10] =	vst v4  }
0x39f: {  	[tilespmem:s1+$0x8B90] =	vst v5;
	v4 =	vld.idx.msk [tilespmem:v59+s15+$0x0], $0xffff  }
0x3a0: {  	[tilespmem:s1+$0x8C10] =	vst v6;
	v5 =	vld.idx.msk [tilespmem:v60+s15+$0x0], $0xffff  }
0x3a1: {  	[tilespmem:s1+$0x8C90] =	vst v7;
	v6 =	vld.idx.msk [tilespmem:v61+s15+$0x0], $0xffff  }
0x3a2: {  	v7 =	vld.idx.msk [tilespmem:v62+s15+$0x0], $0xffff  }
0x3a3: {  	v10 =	vld [tilespmem:s1+$0x6C20]  }
0x3a4: {  	v11 =	vld [tilespmem:s1+$0x6CA0];
	[tilespmem:s1+$0x9310] =	vst v4  }
0x3a5: {  	[tilespmem:s1+$0x9390] =	vst v5;
	v0 =	vld.idx.msk [tilespmem:v59+s16+$0x0], $0xffff  }
0x3a6: {  	[tilespmem:s1+$0x9410] =	vst v6;
	v1 =	vld.idx.msk [tilespmem:v60+s16+$0x0], $0xffff  }
0x3a7: {  	[tilespmem:s1+$0x9490] =	vst v7;
	v2 =	vld.idx.msk [tilespmem:v61+s16+$0x0], $0xffff  }
0x3a8: {  	v3 =	vld.idx.msk [tilespmem:v62+s16+$0x0], $0xffff;
	_ =	sdelay $0x1  }
0x3a9: {  	[tilespmem:s1+$0x9B10] =	vst v0  }
0x3aa: {  	[tilespmem:s1+$0x9B90] =	vst v1;
	v4 =	vld.idx.msk [tilespmem:v63+s2+$0x0], $0xffff  }
0x3ab: {  	[tilespmem:s1+$0x9C10] =	vst v2;
	v5 =	vld.idx.msk [tilespmem:v9+s2+$0x0], $0xffff  }
0x3ac: {  	[tilespmem:s1+$0x9C90] =	vst v3;
	v6 =	vld.idx.msk [tilespmem:v10+s2+$0x0], $0xffff  }
0x3ad: {  	v7 =	vld.idx.msk [tilespmem:v11+s2+$0x0], $0xffff  }
0x3ae: {  	v12 =	vld [tilespmem:s1+$0x6B30]  }
0x3af: {  	v13 =	vld [tilespmem:s1+$0x6BB0];
	[tilespmem:s1+$0x8B20] =	vst v4  }
0x3b0: {  	[tilespmem:s1+$0x8BA0] =	vst v5;
	v4 =	vld.idx.msk [tilespmem:v63+s15+$0x0], $0xffff  }
0x3b1: {  	[tilespmem:s1+$0x8C20] =	vst v6;
	v5 =	vld.idx.msk [tilespmem:v9+s15+$0x0], $0xffff  }
0x3b2: {  	[tilespmem:s1+$0x8CA0] =	vst v7;
	v6 =	vld.idx.msk [tilespmem:v10+s15+$0x0], $0xffff  }
0x3b3: {  	v7 =	vld.idx.msk [tilespmem:v11+s15+$0x0], $0xffff  }
0x3b4: {  	v14 =	vld [tilespmem:s1+$0x6C30]  }
0x3b5: {  	v15 =	vld [tilespmem:s1+$0x6CB0];
	[tilespmem:s1+$0x9320] =	vst v4  }
0x3b6: {  	[tilespmem:s1+$0x93A0] =	vst v5;
	v0 =	vld.idx.msk [tilespmem:v63+s16+$0x0], $0xffff  }
0x3b7: {  	[tilespmem:s1+$0x9420] =	vst v6;
	v1 =	vld.idx.msk [tilespmem:v9+s16+$0x0], $0xffff  }
0x3b8: {  	[tilespmem:s1+$0x94A0] =	vst v7;
	v2 =	vld.idx.msk [tilespmem:v10+s16+$0x0], $0xffff  }
0x3b9: {  	v3 =	vld.idx.msk [tilespmem:v11+s16+$0x0], $0xffff;
	_ =	sdelay $0x1  }
0x3ba: {  	[tilespmem:s1+$0x9B20] =	vst v0  }
0x3bb: {  	[tilespmem:s1+$0x9BA0] =	vst v1;
	v4 =	vld.idx.msk [tilespmem:v12+s2+$0x0], $0xffff  }
0x3bc: {  	[tilespmem:s1+$0x9C20] =	vst v2;
	v5 =	vld.idx.msk [tilespmem:v13+s2+$0x0], $0xffff  }
0x3bd: {  	[tilespmem:s1+$0x9CA0] =	vst v3;
	v6 =	vld.idx.msk [tilespmem:v14+s2+$0x0], $0xffff  }
0x3be: {  	v7 =	vld.idx.msk [tilespmem:v15+s2+$0x0], $0xffff  }
0x3bf: {  	v16 =	vld [tilespmem:s1+$0x6B40]  }
0x3c0: {  	v17 =	vld [tilespmem:s1+$0x6BC0];
	[tilespmem:s1+$0x8B30] =	vst v4  }
0x3c1: {  	[tilespmem:s1+$0x8BB0] =	vst v5;
	v4 =	vld.idx.msk [tilespmem:v12+s15+$0x0], $0xffff  }
0x3c2: {  	[tilespmem:s1+$0x8C30] =	vst v6;
	v5 =	vld.idx.msk [tilespmem:v13+s15+$0x0], $0xffff  }
0x3c3: {  	[tilespmem:s1+$0x8CB0] =	vst v7;
	v6 =	vld.idx.msk [tilespmem:v14+s15+$0x0], $0xffff  }
0x3c4: {  	v7 =	vld.idx.msk [tilespmem:v15+s15+$0x0], $0xffff  }
0x3c5: {  	v18 =	vld [tilespmem:s1+$0x6C40]  }
0x3c6: {  	v19 =	vld [tilespmem:s1+$0x6CC0];
	[tilespmem:s1+$0x9330] =	vst v4  }
0x3c7: {  	[tilespmem:s1+$0x93B0] =	vst v5;
	v0 =	vld.idx.msk [tilespmem:v12+s16+$0x0], $0xffff  }
0x3c8: {  	[tilespmem:s1+$0x9430] =	vst v6;
	v1 =	vld.idx.msk [tilespmem:v13+s16+$0x0], $0xffff  }
0x3c9: {  	[tilespmem:s1+$0x94B0] =	vst v7;
	v2 =	vld.idx.msk [tilespmem:v14+s16+$0x0], $0xffff  }
0x3ca: {  	v3 =	vld.idx.msk [tilespmem:v15+s16+$0x0], $0xffff;
	_ =	sdelay $0x1  }
0x3cb: {  	[tilespmem:s1+$0x9B30] =	vst v0  }
0x3cc: {  	[tilespmem:s1+$0x9BB0] =	vst v1;
	v4 =	vld.idx.msk [tilespmem:v16+s2+$0x0], $0xffff  }
0x3cd: {  	[tilespmem:s1+$0x9C30] =	vst v2;
	v5 =	vld.idx.msk [tilespmem:v17+s2+$0x0], $0xffff  }
0x3ce: {  	[tilespmem:s1+$0x9CB0] =	vst v3;
	v6 =	vld.idx.msk [tilespmem:v18+s2+$0x0], $0xffff  }
0x3cf: {  	v7 =	vld.idx.msk [tilespmem:v19+s2+$0x0], $0xffff  }
0x3d0: {  	v20 =	vld [tilespmem:s1+$0x6B50]  }
0x3d1: {  	v21 =	vld [tilespmem:s1+$0x6BD0];
	[tilespmem:s1+$0x8B40] =	vst v4  }
0x3d2: {  	[tilespmem:s1+$0x8BC0] =	vst v5;
	v4 =	vld.idx.msk [tilespmem:v16+s15+$0x0], $0xffff  }
0x3d3: {  	[tilespmem:s1+$0x8C40] =	vst v6;
	v5 =	vld.idx.msk [tilespmem:v17+s15+$0x0], $0xffff  }
0x3d4: {  	[tilespmem:s1+$0x8CC0] =	vst v7;
	v6 =	vld.idx.msk [tilespmem:v18+s15+$0x0], $0xffff  }
0x3d5: {  	v7 =	vld.idx.msk [tilespmem:v19+s15+$0x0], $0xffff  }
0x3d6: {  	v22 =	vld [tilespmem:s1+$0x6C50]  }
0x3d7: {  	v23 =	vld [tilespmem:s1+$0x6CD0];
	[tilespmem:s1+$0x9340] =	vst v4  }
0x3d8: {  	[tilespmem:s1+$0x93C0] =	vst v5;
	v0 =	vld.idx.msk [tilespmem:v16+s16+$0x0], $0xffff  }
0x3d9: {  	[tilespmem:s1+$0x9440] =	vst v6;
	v1 =	vld.idx.msk [tilespmem:v17+s16+$0x0], $0xffff  }
0x3da: {  	[tilespmem:s1+$0x94C0] =	vst v7;
	v2 =	vld.idx.msk [tilespmem:v18+s16+$0x0], $0xffff  }
0x3db: {  	v3 =	vld.idx.msk [tilespmem:v19+s16+$0x0], $0xffff;
	_ =	sdelay $0x1  }
0x3dc: {  	[tilespmem:s1+$0x9B40] =	vst v0  }
0x3dd: {  	[tilespmem:s1+$0x9BC0] =	vst v1;
	v4 =	vld.idx.msk [tilespmem:v20+s2+$0x0], $0xffff  }
0x3de: {  	[tilespmem:s1+$0x9C40] =	vst v2;
	v5 =	vld.idx.msk [tilespmem:v21+s2+$0x0], $0xffff  }
0x3df: {  	[tilespmem:s1+$0x9CC0] =	vst v3;
	v6 =	vld.idx.msk [tilespmem:v22+s2+$0x0], $0xffff  }
0x3e0: {  	v7 =	vld.idx.msk [tilespmem:v23+s2+$0x0], $0xffff  }
0x3e1: {  	v24 =	vld [tilespmem:s1+$0x6B60]  }
0x3e2: {  	v25 =	vld [tilespmem:s1+$0x6BE0];
	[tilespmem:s1+$0x8B50] =	vst v4  }
0x3e3: {  	[tilespmem:s1+$0x8BD0] =	vst v5;
	v4 =	vld.idx.msk [tilespmem:v20+s15+$0x0], $0xffff  }
0x3e4: {  	[tilespmem:s1+$0x8C50] =	vst v6;
	v5 =	vld.idx.msk [tilespmem:v21+s15+$0x0], $0xffff  }
0x3e5: {  	[tilespmem:s1+$0x8CD0] =	vst v7;
	v6 =	vld.idx.msk [tilespmem:v22+s15+$0x0], $0xffff  }
0x3e6: {  	v7 =	vld.idx.msk [tilespmem:v23+s15+$0x0], $0xffff  }
0x3e7: {  	v26 =	vld [tilespmem:s1+$0x6C60]  }
0x3e8: {  	v27 =	vld [tilespmem:s1+$0x6CE0];
	[tilespmem:s1+$0x9350] =	vst v4  }
0x3e9: {  	[tilespmem:s1+$0x93D0] =	vst v5;
	v0 =	vld.idx.msk [tilespmem:v20+s16+$0x0], $0xffff  }
0x3ea: {  	[tilespmem:s1+$0x9450] =	vst v6;
	v1 =	vld.idx.msk [tilespmem:v21+s16+$0x0], $0xffff  }
0x3eb: {  	[tilespmem:s1+$0x94D0] =	vst v7;
	v2 =	vld.idx.msk [tilespmem:v22+s16+$0x0], $0xffff  }
0x3ec: {  	v3 =	vld.idx.msk [tilespmem:v23+s16+$0x0], $0xffff;
	_ =	sdelay $0x1  }
0x3ed: {  	[tilespmem:s1+$0x9B50] =	vst v0  }
0x3ee: {  	[tilespmem:s1+$0x9BD0] =	vst v1;
	v4 =	vld.idx.msk [tilespmem:v24+s2+$0x0], $0xffff  }
0x3ef: {  	[tilespmem:s1+$0x9C50] =	vst v2;
	v5 =	vld.idx.msk [tilespmem:v25+s2+$0x0], $0xffff  }
0x3f0: {  	[tilespmem:s1+$0x9CD0] =	vst v3;
	v6 =	vld.idx.msk [tilespmem:v26+s2+$0x0], $0xffff  }
0x3f1: {  	v7 =	vld.idx.msk [tilespmem:v27+s2+$0x0], $0xffff  }
0x3f2: {  	v28 =	vld [tilespmem:s1+$0x6B70]  }
0x3f3: {  	v29 =	vld [tilespmem:s1+$0x6BF0];
	[tilespmem:s1+$0x8B60] =	vst v4  }
0x3f4: {  	[tilespmem:s1+$0x8BE0] =	vst v5;
	v4 =	vld.idx.msk [tilespmem:v24+s15+$0x0], $0xffff  }
0x3f5: {  	[tilespmem:s1+$0x8C60] =	vst v6;
	v5 =	vld.idx.msk [tilespmem:v25+s15+$0x0], $0xffff  }
0x3f6: {  	[tilespmem:s1+$0x8CE0] =	vst v7;
	v6 =	vld.idx.msk [tilespmem:v26+s15+$0x0], $0xffff  }
0x3f7: {  	v7 =	vld.idx.msk [tilespmem:v27+s15+$0x0], $0xffff  }
0x3f8: {  	v30 =	vld [tilespmem:s1+$0x6C70]  }
0x3f9: {  	v31 =	vld [tilespmem:s1+$0x6CF0];
	[tilespmem:s1+$0x9360] =	vst v4  }
0x3fa: {  	[tilespmem:s1+$0x93E0] =	vst v5;
	v0 =	vld.idx.msk [tilespmem:v24+s16+$0x0], $0xffff  }
0x3fb: {  	[tilespmem:s1+$0x9460] =	vst v6;
	v1 =	vld.idx.msk [tilespmem:v25+s16+$0x0], $0xffff  }
0x3fc: {  	[tilespmem:s1+$0x94E0] =	vst v7;
	v2 =	vld.idx.msk [tilespmem:v26+s16+$0x0], $0xffff  }
0x3fd: {  	v3 =	vld.idx.msk [tilespmem:v27+s16+$0x0], $0xffff;
	_ =	sdelay $0x1  }
0x3fe: {  	[tilespmem:s1+$0x9B60] =	vst v0  }
0x3ff: {  	[tilespmem:s1+$0x9BE0] =	vst v1;
	v4 =	vld.idx.msk [tilespmem:v28+s2+$0x0], $0xffff  }
0x400: {  	[tilespmem:s1+$0x9C60] =	vst v2;
	v5 =	vld.idx.msk [tilespmem:v29+s2+$0x0], $0xffff  }
0x401: {  	[tilespmem:s1+$0x9CE0] =	vst v3;
	v6 =	vld.idx.msk [tilespmem:v30+s2+$0x0], $0xffff  }
0x402: {  	v7 =	vld.idx.msk [tilespmem:v31+s2+$0x0], $0xffff  }
0x403: {  	v32 =	vld [tilespmem:s1+$0x6F00]  }
0x404: {  	v33 =	vld [tilespmem:s1+$0x6F80];
	[tilespmem:s1+$0x8B70] =	vst v4  }
0x405: {  	[tilespmem:s1+$0x8BF0] =	vst v5;
	v4 =	vld.idx.msk [tilespmem:v28+s15+$0x0], $0xffff  }
0x406: {  	[tilespmem:s1+$0x8C70] =	vst v6;
	v5 =	vld.idx.msk [tilespmem:v29+s15+$0x0], $0xffff  }
0x407: {  	[tilespmem:s1+$0x8CF0] =	vst v7;
	v6 =	vld.idx.msk [tilespmem:v30+s15+$0x0], $0xffff  }
0x408: {  	v7 =	vld.idx.msk [tilespmem:v31+s15+$0x0], $0xffff  }
0x409: {  	v34 =	vld [tilespmem:s1+$0x7000]  }
0x40a: {  	v35 =	vld [tilespmem:s1+$0x7080];
	[tilespmem:s1+$0x9370] =	vst v4  }
0x40b: {  	[tilespmem:s1+$0x93F0] =	vst v5;
	v0 =	vld.idx.msk [tilespmem:v28+s16+$0x0], $0xffff  }
0x40c: {  	[tilespmem:s1+$0x9470] =	vst v6;
	v1 =	vld.idx.msk [tilespmem:v29+s16+$0x0], $0xffff  }
0x40d: {  	[tilespmem:s1+$0x94F0] =	vst v7;
	v2 =	vld.idx.msk [tilespmem:v30+s16+$0x0], $0xffff  }
0x40e: {  	v3 =	vld.idx.msk [tilespmem:v31+s16+$0x0], $0xffff;
	_ =	sdelay $0x1  }
0x40f: {  	[tilespmem:s1+$0x9B70] =	vst v0  }
0x410: {  	[tilespmem:s1+$0x9BF0] =	vst v1;
	v4 =	vld.idx.msk [tilespmem:v32+s2+$0x0], $0xffff  }
0x411: {  	[tilespmem:s1+$0x9C70] =	vst v2;
	v5 =	vld.idx.msk [tilespmem:v33+s2+$0x0], $0xffff  }
0x412: {  	[tilespmem:s1+$0x9CF0] =	vst v3;
	v6 =	vld.idx.msk [tilespmem:v34+s2+$0x0], $0xffff  }
0x413: {  	v7 =	vld.idx.msk [tilespmem:v35+s2+$0x0], $0xffff  }
0x414: {  	v36 =	vld [tilespmem:s1+$0x6F10]  }
0x415: {  	v37 =	vld [tilespmem:s1+$0x6F90];
	[tilespmem:s1+$0x8F00] =	vst v4  }
0x416: {  	[tilespmem:s1+$0x8F80] =	vst v5;
	v4 =	vld.idx.msk [tilespmem:v32+s15+$0x0], $0xffff  }
0x417: {  	[tilespmem:s1+$0x9000] =	vst v6;
	v5 =	vld.idx.msk [tilespmem:v33+s15+$0x0], $0xffff  }
0x418: {  	[tilespmem:s1+$0x9080] =	vst v7;
	v6 =	vld.idx.msk [tilespmem:v34+s15+$0x0], $0xffff  }
0x419: {  	v7 =	vld.idx.msk [tilespmem:v35+s15+$0x0], $0xffff  }
0x41a: {  	v38 =	vld [tilespmem:s1+$0x7010]  }
0x41b: {  	v39 =	vld [tilespmem:s1+$0x7090];
	[tilespmem:s1+$0x9700] =	vst v4  }
0x41c: {  	[tilespmem:s1+$0x9780] =	vst v5;
	v0 =	vld.idx.msk [tilespmem:v32+s16+$0x0], $0xffff  }
0x41d: {  	[tilespmem:s1+$0x9800] =	vst v6;
	v1 =	vld.idx.msk [tilespmem:v33+s16+$0x0], $0xffff  }
0x41e: {  	[tilespmem:s1+$0x9880] =	vst v7;
	v2 =	vld.idx.msk [tilespmem:v34+s16+$0x0], $0xffff  }
0x41f: {  	v3 =	vld.idx.msk [tilespmem:v35+s16+$0x0], $0xffff;
	_ =	sdelay $0x1  }
0x420: {  	[tilespmem:s1+$0x9F00] =	vst v0  }
0x421: {  	[tilespmem:s1+$0x9F80] =	vst v1;
	v4 =	vld.idx.msk [tilespmem:v36+s2+$0x0], $0xffff  }
0x422: {  	[tilespmem:s1+$0xA000] =	vst v2;
	v5 =	vld.idx.msk [tilespmem:v37+s2+$0x0], $0xffff  }
0x423: {  	[tilespmem:s1+$0xA080] =	vst v3;
	v6 =	vld.idx.msk [tilespmem:v38+s2+$0x0], $0xffff  }
0x424: {  	v7 =	vld.idx.msk [tilespmem:v39+s2+$0x0], $0xffff  }
0x425: {  	v40 =	vld [tilespmem:s1+$0x6F20]  }
0x426: {  	v41 =	vld [tilespmem:s1+$0x6FA0];
	[tilespmem:s1+$0x8F10] =	vst v4  }
0x427: {  	[tilespmem:s1+$0x8F90] =	vst v5;
	v4 =	vld.idx.msk [tilespmem:v36+s15+$0x0], $0xffff  }
0x428: {  	[tilespmem:s1+$0x9010] =	vst v6;
	v5 =	vld.idx.msk [tilespmem:v37+s15+$0x0], $0xffff  }
0x429: {  	[tilespmem:s1+$0x9090] =	vst v7;
	v6 =	vld.idx.msk [tilespmem:v38+s15+$0x0], $0xffff  }
0x42a: {  	v7 =	vld.idx.msk [tilespmem:v39+s15+$0x0], $0xffff  }
0x42b: {  	v42 =	vld [tilespmem:s1+$0x7020]  }
0x42c: {  	v43 =	vld [tilespmem:s1+$0x70A0];
	[tilespmem:s1+$0x9710] =	vst v4  }
0x42d: {  	[tilespmem:s1+$0x9790] =	vst v5;
	v0 =	vld.idx.msk [tilespmem:v36+s16+$0x0], $0xffff  }
0x42e: {  	[tilespmem:s1+$0x9810] =	vst v6;
	v1 =	vld.idx.msk [tilespmem:v37+s16+$0x0], $0xffff  }
0x42f: {  	[tilespmem:s1+$0x9890] =	vst v7;
	v2 =	vld.idx.msk [tilespmem:v38+s16+$0x0], $0xffff  }
0x430: {  	v3 =	vld.idx.msk [tilespmem:v39+s16+$0x0], $0xffff;
	_ =	sdelay $0x1  }
0x431: {  	[tilespmem:s1+$0x9F10] =	vst v0  }
0x432: {  	[tilespmem:s1+$0x9F90] =	vst v1;
	v4 =	vld.idx.msk [tilespmem:v40+s2+$0x0], $0xffff  }
0x433: {  	[tilespmem:s1+$0xA010] =	vst v2;
	v5 =	vld.idx.msk [tilespmem:v41+s2+$0x0], $0xffff  }
0x434: {  	[tilespmem:s1+$0xA090] =	vst v3;
	v6 =	vld.idx.msk [tilespmem:v42+s2+$0x0], $0xffff  }
0x435: {  	v7 =	vld.idx.msk [tilespmem:v43+s2+$0x0], $0xffff  }
0x436: {  	v44 =	vld [tilespmem:s1+$0x6F30]  }
0x437: {  	v45 =	vld [tilespmem:s1+$0x6FB0];
	[tilespmem:s1+$0x8F20] =	vst v4  }
0x438: {  	[tilespmem:s1+$0x8FA0] =	vst v5;
	v4 =	vld.idx.msk [tilespmem:v40+s15+$0x0], $0xffff  }
0x439: {  	[tilespmem:s1+$0x9020] =	vst v6;
	v5 =	vld.idx.msk [tilespmem:v41+s15+$0x0], $0xffff  }
0x43a: {  	[tilespmem:s1+$0x90A0] =	vst v7;
	v6 =	vld.idx.msk [tilespmem:v42+s15+$0x0], $0xffff  }
0x43b: {  	v7 =	vld.idx.msk [tilespmem:v43+s15+$0x0], $0xffff  }
0x43c: {  	v46 =	vld [tilespmem:s1+$0x7030]  }
0x43d: {  	v47 =	vld [tilespmem:s1+$0x70B0];
	[tilespmem:s1+$0x9720] =	vst v4  }
0x43e: {  	[tilespmem:s1+$0x97A0] =	vst v5;
	v0 =	vld.idx.msk [tilespmem:v40+s16+$0x0], $0xffff  }
0x43f: {  	[tilespmem:s1+$0x9820] =	vst v6;
	v1 =	vld.idx.msk [tilespmem:v41+s16+$0x0], $0xffff  }
0x440: {  	[tilespmem:s1+$0x98A0] =	vst v7;
	v2 =	vld.idx.msk [tilespmem:v42+s16+$0x0], $0xffff  }
0x441: {  	v3 =	vld.idx.msk [tilespmem:v43+s16+$0x0], $0xffff;
	_ =	sdelay $0x1  }
0x442: {  	[tilespmem:s1+$0x9F20] =	vst v0  }
0x443: {  	[tilespmem:s1+$0x9FA0] =	vst v1;
	v4 =	vld.idx.msk [tilespmem:v44+s2+$0x0], $0xffff  }
0x444: {  	[tilespmem:s1+$0xA020] =	vst v2;
	v5 =	vld.idx.msk [tilespmem:v45+s2+$0x0], $0xffff  }
0x445: {  	[tilespmem:s1+$0xA0A0] =	vst v3;
	v6 =	vld.idx.msk [tilespmem:v46+s2+$0x0], $0xffff  }
0x446: {  	v7 =	vld.idx.msk [tilespmem:v47+s2+$0x0], $0xffff  }
0x447: {  	v48 =	vld [tilespmem:s1+$0x6F40]  }
0x448: {  	v49 =	vld [tilespmem:s1+$0x6FC0];
	[tilespmem:s1+$0x8F30] =	vst v4  }
0x449: {  	[tilespmem:s1+$0x8FB0] =	vst v5;
	v4 =	vld.idx.msk [tilespmem:v44+s15+$0x0], $0xffff  }
0x44a: {  	[tilespmem:s1+$0x9030] =	vst v6;
	v5 =	vld.idx.msk [tilespmem:v45+s15+$0x0], $0xffff  }
0x44b: {  	[tilespmem:s1+$0x90B0] =	vst v7;
	v6 =	vld.idx.msk [tilespmem:v46+s15+$0x0], $0xffff  }
0x44c: {  	v7 =	vld.idx.msk [tilespmem:v47+s15+$0x0], $0xffff  }
0x44d: {  	v50 =	vld [tilespmem:s1+$0x7040]  }
0x44e: {  	v51 =	vld [tilespmem:s1+$0x70C0];
	[tilespmem:s1+$0x9730] =	vst v4  }
0x44f: {  	[tilespmem:s1+$0x97B0] =	vst v5;
	v0 =	vld.idx.msk [tilespmem:v44+s16+$0x0], $0xffff  }
0x450: {  	[tilespmem:s1+$0x9830] =	vst v6;
	v1 =	vld.idx.msk [tilespmem:v45+s16+$0x0], $0xffff  }
0x451: {  	[tilespmem:s1+$0x98B0] =	vst v7;
	v2 =	vld.idx.msk [tilespmem:v46+s16+$0x0], $0xffff  }
0x452: {  	v3 =	vld.idx.msk [tilespmem:v47+s16+$0x0], $0xffff;
	_ =	sdelay $0x1  }
0x453: {  	[tilespmem:s1+$0x9F30] =	vst v0  }
0x454: {  	[tilespmem:s1+$0x9FB0] =	vst v1;
	v4 =	vld.idx.msk [tilespmem:v48+s2+$0x0], $0xffff  }
0x455: {  	[tilespmem:s1+$0xA030] =	vst v2;
	v5 =	vld.idx.msk [tilespmem:v49+s2+$0x0], $0xffff  }
0x456: {  	[tilespmem:s1+$0xA0B0] =	vst v3;
	v6 =	vld.idx.msk [tilespmem:v50+s2+$0x0], $0xffff  }
0x457: {  	v7 =	vld.idx.msk [tilespmem:v51+s2+$0x0], $0xffff  }
0x458: {  	v52 =	vld [tilespmem:s1+$0x6F50]  }
0x459: {  	v53 =	vld [tilespmem:s1+$0x6FD0];
	[tilespmem:s1+$0x8F40] =	vst v4  }
0x45a: {  	[tilespmem:s1+$0x8FC0] =	vst v5;
	v4 =	vld.idx.msk [tilespmem:v48+s15+$0x0], $0xffff  }
0x45b: {  	[tilespmem:s1+$0x9040] =	vst v6;
	v5 =	vld.idx.msk [tilespmem:v49+s15+$0x0], $0xffff  }
0x45c: {  	[tilespmem:s1+$0x90C0] =	vst v7;
	v6 =	vld.idx.msk [tilespmem:v50+s15+$0x0], $0xffff  }
0x45d: {  	v7 =	vld.idx.msk [tilespmem:v51+s15+$0x0], $0xffff  }
0x45e: {  	v54 =	vld [tilespmem:s1+$0x7050]  }
0x45f: {  	v55 =	vld [tilespmem:s1+$0x70D0];
	[tilespmem:s1+$0x9740] =	vst v4  }
0x460: {  	[tilespmem:s1+$0x97C0] =	vst v5;
	v0 =	vld.idx.msk [tilespmem:v48+s16+$0x0], $0xffff  }
0x461: {  	[tilespmem:s1+$0x9840] =	vst v6;
	v1 =	vld.idx.msk [tilespmem:v49+s16+$0x0], $0xffff  }
0x462: {  	[tilespmem:s1+$0x98C0] =	vst v7;
	v2 =	vld.idx.msk [tilespmem:v50+s16+$0x0], $0xffff  }
0x463: {  	v3 =	vld.idx.msk [tilespmem:v51+s16+$0x0], $0xffff;
	_ =	sdelay $0x1  }
0x464: {  	[tilespmem:s1+$0x9F40] =	vst v0  }
0x465: {  	[tilespmem:s1+$0x9FC0] =	vst v1;
	v4 =	vld.idx.msk [tilespmem:v52+s2+$0x0], $0xffff  }
0x466: {  	[tilespmem:s1+$0xA040] =	vst v2;
	v5 =	vld.idx.msk [tilespmem:v53+s2+$0x0], $0xffff  }
0x467: {  	[tilespmem:s1+$0xA0C0] =	vst v3;
	v6 =	vld.idx.msk [tilespmem:v54+s2+$0x0], $0xffff  }
0x468: {  	v7 =	vld.idx.msk [tilespmem:v55+s2+$0x0], $0xffff  }
0x469: {  	v56 =	vld [tilespmem:s1+$0x6F60]  }
0x46a: {  	v57 =	vld [tilespmem:s1+$0x6FE0];
	[tilespmem:s1+$0x8F50] =	vst v4  }
0x46b: {  	[tilespmem:s1+$0x8FD0] =	vst v5;
	v4 =	vld.idx.msk [tilespmem:v52+s15+$0x0], $0xffff  }
0x46c: {  	[tilespmem:s1+$0x9050] =	vst v6;
	v5 =	vld.idx.msk [tilespmem:v53+s15+$0x0], $0xffff  }
0x46d: {  	[tilespmem:s1+$0x90D0] =	vst v7;
	v6 =	vld.idx.msk [tilespmem:v54+s15+$0x0], $0xffff  }
0x46e: {  	v7 =	vld.idx.msk [tilespmem:v55+s15+$0x0], $0xffff  }
0x46f: {  	v58 =	vld [tilespmem:s1+$0x7060]  }
0x470: {  	v59 =	vld [tilespmem:s1+$0x70E0];
	[tilespmem:s1+$0x9750] =	vst v4  }
0x471: {  	[tilespmem:s1+$0x97D0] =	vst v5;
	v0 =	vld.idx.msk [tilespmem:v52+s16+$0x0], $0xffff  }
0x472: {  	[tilespmem:s1+$0x9850] =	vst v6;
	v1 =	vld.idx.msk [tilespmem:v53+s16+$0x0], $0xffff  }
0x473: {  	[tilespmem:s1+$0x98D0] =	vst v7;
	v2 =	vld.idx.msk [tilespmem:v54+s16+$0x0], $0xffff  }
0x474: {  	v3 =	vld.idx.msk [tilespmem:v55+s16+$0x0], $0xffff;
	_ =	sdelay $0x1  }
0x475: {  	[tilespmem:s1+$0x9F50] =	vst v0  }
0x476: {  	[tilespmem:s1+$0x9FD0] =	vst v1;
	v4 =	vld.idx.msk [tilespmem:v56+s2+$0x0], $0xffff  }
0x477: {  	[tilespmem:s1+$0xA050] =	vst v2;
	v5 =	vld.idx.msk [tilespmem:v57+s2+$0x0], $0xffff  }
0x478: {  	[tilespmem:s1+$0xA0D0] =	vst v3;
	v6 =	vld.idx.msk [tilespmem:v58+s2+$0x0], $0xffff  }
0x479: {  	v7 =	vld.idx.msk [tilespmem:v59+s2+$0x0], $0xffff  }
0x47a: {  	v60 =	vld [tilespmem:s1+$0x6F70]  }
0x47b: {  	v61 =	vld [tilespmem:s1+$0x6FF0];
	[tilespmem:s1+$0x8F60] =	vst v4  }
0x47c: {  	[tilespmem:s1+$0x8FE0] =	vst v5;
	v4 =	vld.idx.msk [tilespmem:v56+s15+$0x0], $0xffff  }
0x47d: {  	[tilespmem:s1+$0x9060] =	vst v6;
	v5 =	vld.idx.msk [tilespmem:v57+s15+$0x0], $0xffff  }
0x47e: {  	[tilespmem:s1+$0x90E0] =	vst v7;
	v6 =	vld.idx.msk [tilespmem:v58+s15+$0x0], $0xffff  }
0x47f: {  	v7 =	vld.idx.msk [tilespmem:v59+s15+$0x0], $0xffff  }
0x480: {  	v62 =	vld [tilespmem:s1+$0x7070]  }
0x481: {  	v63 =	vld [tilespmem:s1+$0x70F0];
	[tilespmem:s1+$0x9760] =	vst v4  }
0x482: {  	[tilespmem:s1+$0x97E0] =	vst v5;
	v0 =	vld.idx.msk [tilespmem:v56+s16+$0x0], $0xffff  }
0x483: {  	[tilespmem:s1+$0x9860] =	vst v6;
	v1 =	vld.idx.msk [tilespmem:v57+s16+$0x0], $0xffff  }
0x484: {  	[tilespmem:s1+$0x98E0] =	vst v7;
	v2 =	vld.idx.msk [tilespmem:v58+s16+$0x0], $0xffff  }
0x485: {  	v3 =	vld.idx.msk [tilespmem:v59+s16+$0x0], $0xffff;
	_ =	sdelay $0x1  }
0x486: {  	[tilespmem:s1+$0x9F60] =	vst v0  }
0x487: {  	[tilespmem:s1+$0x9FE0] =	vst v1;
	v4 =	vld.idx.msk [tilespmem:v60+s2+$0x0], $0xffff  }
0x488: {  	[tilespmem:s1+$0xA060] =	vst v2;
	v5 =	vld.idx.msk [tilespmem:v61+s2+$0x0], $0xffff  }
0x489: {  	[tilespmem:s1+$0xA0E0] =	vst v3;
	v6 =	vld.idx.msk [tilespmem:v62+s2+$0x0], $0xffff  }
0x48a: {  	v7 =	vld.idx.msk [tilespmem:v63+s2+$0x0], $0xffff;
	_ =	sdelay $0x1  }
0x48b: {  	[tilespmem:s1+$0x8F70] =	vst v4  }
0x48c: {  	[tilespmem:s1+$0x8FF0] =	vst v5;
	v4 =	vld.idx.msk [tilespmem:v60+s15+$0x0], $0xffff  }
0x48d: {  	[tilespmem:s1+$0x9070] =	vst v6;
	v5 =	vld.idx.msk [tilespmem:v61+s15+$0x0], $0xffff  }
0x48e: {  	[tilespmem:s1+$0x90F0] =	vst v7;
	v6 =	vld.idx.msk [tilespmem:v62+s15+$0x0], $0xffff  }
0x48f: {  	v7 =	vld.idx.msk [tilespmem:v63+s15+$0x0], $0xffff;
	_ =	sdelay $0x1  }
0x490: {  	[tilespmem:s1+$0x9770] =	vst v4  }
0x491: {  	[tilespmem:s1+$0x97F0] =	vst v5;
	v0 =	vld.idx.msk [tilespmem:v60+s16+$0x0], $0xffff  }
0x492: {  	[tilespmem:s1+$0x9870] =	vst v6;
	v1 =	vld.idx.msk [tilespmem:v61+s16+$0x0], $0xffff  }
0x493: {  	[tilespmem:s1+$0x98F0] =	vst v7;
	v2 =	vld.idx.msk [tilespmem:v62+s16+$0x0], $0xffff  }
0x494: {  	p1 =	por p0, p0;
	v3 =	vld.idx.msk [tilespmem:v63+s16+$0x0], $0xffff  }
.Ltmp3:
0x495: {  	_ = 	snop;
	(pc) =	sbr.rel @p1 .LBB2_9-.Ltmp3, $4  }
0x496: {  	[tilespmem:s1+$0x9F70] =	vst v0  }
0x497: {  	[tilespmem:s1+$0x9FF0] =	vst v1  }
0x498: {  	[tilespmem:s1+$0xA070] =	vst v2  }
0x499: {  	p0 =	por $0x0, $0x0;
	[tilespmem:s1+$0xA0F0] =	vst v3;
	s1 =	simm.s32 $0x200  }
0x49a: {  	s30 =	sadd.s32 $0x1, s30  }
0x49b: {  	p0 =	sne.s32 s30, $0x17  }
.Ltmp4:
0x49c: {  	_ = 	snop;
	(pc) =	sbr.rel @p0 .LBB2_6-.Ltmp4, $4  }
0x49d: {  	s1 =	sadd.s32 s31, s10  }
0x49e: {  	[hbm4b:s1+s21] =	stream.strided.scatter [tilespmem:s25], [sflag:$0x4], $0x1800, s22, s21, $0x38;
	[tilespmem:$0xA300] =	vst v63  }
0x49f: {  	s0 =	sadd.s32 s0, s7  }
0x4a0: {  	[tilespmem:s18], [sflag:$0x2] =	stream.linear.gather [hbm4b:s0+s2], $0x800, $0x38;
	[tilespmem:$0xA300] =	vst v63  }
0x4a1: {  	_ =	swait.ge [sflag:s20], $0x800  }
0x4a2: {  	[sflag:s20] =	ssyncset.done $0x0  }
0x4a3: {  	[sflag:s20] =	ssyncadd.s32 $0xFFFFF800  }
0x4a4: {  	_ =	swait.ge [sflag:s26], $0x1800  }
0x4a5: {  	[sflag:s26] =	ssyncset.done $0x0  }
0x4a6: {  	s0 =	simm.s32 $0x0;
	p0 =	por $0x1, $0x1;
	[sflag:s26] =	ssyncadd.s32 $0xFFFFE800  }
.LBB2_12:
0x4a7: {  	v0 =	vld [tilespmem:s0+$0x6300]  }
0x4a8: {  	v1 =	vld [tilespmem:s0+$0x6380]  }
0x4a9: {  	v2 =	vld [tilespmem:s0+$0x6400]  }
0x4aa: {  	v3 =	vld [tilespmem:s0+$0x6480];
	_ =	sdelay $0x4  }
0x4ab: {  	v4 =	vld.idx.msk [tilespmem:v0+s2+$0x0], $0xffff  }
0x4ac: {  	v5 =	vld.idx.msk [tilespmem:v1+s2+$0x0], $0xffff  }
0x4ad: {  	v6 =	vld.idx.msk [tilespmem:v2+s2+$0x0], $0xffff  }
0x4ae: {  	v7 =	vld.idx.msk [tilespmem:v3+s2+$0x0], $0xffff  }
0x4af: {  	v59 =	vld [tilespmem:s0+$0x6310]  }
0x4b0: {  	v60 =	vld [tilespmem:s0+$0x6390];
	[tilespmem:s0+$0x7300] =	vst v4  }
0x4b1: {  	[tilespmem:s0+$0x7380] =	vst v5;
	v4 =	vld.idx.msk [tilespmem:v0+s15+$0x0], $0xffff  }
0x4b2: {  	[tilespmem:s0+$0x7400] =	vst v6;
	v5 =	vld.idx.msk [tilespmem:v1+s15+$0x0], $0xffff  }
0x4b3: {  	[tilespmem:s0+$0x7480] =	vst v7;
	v6 =	vld.idx.msk [tilespmem:v2+s15+$0x0], $0xffff  }
0x4b4: {  	v7 =	vld.idx.msk [tilespmem:v3+s15+$0x0], $0xffff  }
0x4b5: {  	v61 =	vld [tilespmem:s0+$0x6410]  }
0x4b6: {  	v62 =	vld [tilespmem:s0+$0x6490];
	[tilespmem:s0+$0x7B00] =	vst v4  }
0x4b7: {  	[tilespmem:s0+$0x7B80] =	vst v5;
	v0 =	vld.idx.msk [tilespmem:v0+s16+$0x0], $0xffff  }
0x4b8: {  	[tilespmem:s0+$0x7C00] =	vst v6;
	v1 =	vld.idx.msk [tilespmem:v1+s16+$0x0], $0xffff  }
0x4b9: {  	[tilespmem:s0+$0x7C80] =	vst v7;
	v2 =	vld.idx.msk [tilespmem:v2+s16+$0x0], $0xffff  }
0x4ba: {  	v3 =	vld.idx.msk [tilespmem:v3+s16+$0x0], $0xffff;
	_ =	sdelay $0x1  }
0x4bb: {  	[tilespmem:s0+$0x8300] =	vst v0  }
0x4bc: {  	[tilespmem:s0+$0x8380] =	vst v1;
	v4 =	vld.idx.msk [tilespmem:v59+s2+$0x0], $0xffff  }
0x4bd: {  	[tilespmem:s0+$0x8400] =	vst v2;
	v5 =	vld.idx.msk [tilespmem:v60+s2+$0x0], $0xffff  }
0x4be: {  	[tilespmem:s0+$0x8480] =	vst v3;
	v6 =	vld.idx.msk [tilespmem:v61+s2+$0x0], $0xffff  }
0x4bf: {  	v7 =	vld.idx.msk [tilespmem:v62+s2+$0x0], $0xffff  }
0x4c0: {  	v63 =	vld [tilespmem:s0+$0x6320]  }
0x4c1: {  	v9 =	vld [tilespmem:s0+$0x63A0];
	[tilespmem:s0+$0x7310] =	vst v4  }
0x4c2: {  	[tilespmem:s0+$0x7390] =	vst v5;
	v4 =	vld.idx.msk [tilespmem:v59+s15+$0x0], $0xffff  }
0x4c3: {  	[tilespmem:s0+$0x7410] =	vst v6;
	v5 =	vld.idx.msk [tilespmem:v60+s15+$0x0], $0xffff  }
0x4c4: {  	[tilespmem:s0+$0x7490] =	vst v7;
	v6 =	vld.idx.msk [tilespmem:v61+s15+$0x0], $0xffff  }
0x4c5: {  	v7 =	vld.idx.msk [tilespmem:v62+s15+$0x0], $0xffff  }
0x4c6: {  	v10 =	vld [tilespmem:s0+$0x6420]  }
0x4c7: {  	v11 =	vld [tilespmem:s0+$0x64A0];
	[tilespmem:s0+$0x7B10] =	vst v4  }
0x4c8: {  	[tilespmem:s0+$0x7B90] =	vst v5;
	v0 =	vld.idx.msk [tilespmem:v59+s16+$0x0], $0xffff  }
0x4c9: {  	[tilespmem:s0+$0x7C10] =	vst v6;
	v1 =	vld.idx.msk [tilespmem:v60+s16+$0x0], $0xffff  }
0x4ca: {  	[tilespmem:s0+$0x7C90] =	vst v7;
	v2 =	vld.idx.msk [tilespmem:v61+s16+$0x0], $0xffff  }
0x4cb: {  	v3 =	vld.idx.msk [tilespmem:v62+s16+$0x0], $0xffff;
	_ =	sdelay $0x1  }
0x4cc: {  	[tilespmem:s0+$0x8310] =	vst v0  }
0x4cd: {  	[tilespmem:s0+$0x8390] =	vst v1;
	v4 =	vld.idx.msk [tilespmem:v63+s2+$0x0], $0xffff  }
0x4ce: {  	[tilespmem:s0+$0x8410] =	vst v2;
	v5 =	vld.idx.msk [tilespmem:v9+s2+$0x0], $0xffff  }
0x4cf: {  	[tilespmem:s0+$0x8490] =	vst v3;
	v6 =	vld.idx.msk [tilespmem:v10+s2+$0x0], $0xffff  }
0x4d0: {  	v7 =	vld.idx.msk [tilespmem:v11+s2+$0x0], $0xffff  }
0x4d1: {  	v12 =	vld [tilespmem:s0+$0x6330]  }
0x4d2: {  	v13 =	vld [tilespmem:s0+$0x63B0];
	[tilespmem:s0+$0x7320] =	vst v4  }
0x4d3: {  	[tilespmem:s0+$0x73A0] =	vst v5;
	v4 =	vld.idx.msk [tilespmem:v63+s15+$0x0], $0xffff  }
0x4d4: {  	[tilespmem:s0+$0x7420] =	vst v6;
	v5 =	vld.idx.msk [tilespmem:v9+s15+$0x0], $0xffff  }
0x4d5: {  	[tilespmem:s0+$0x74A0] =	vst v7;
	v6 =	vld.idx.msk [tilespmem:v10+s15+$0x0], $0xffff  }
0x4d6: {  	v7 =	vld.idx.msk [tilespmem:v11+s15+$0x0], $0xffff  }
0x4d7: {  	v14 =	vld [tilespmem:s0+$0x6430]  }
0x4d8: {  	v15 =	vld [tilespmem:s0+$0x64B0];
	[tilespmem:s0+$0x7B20] =	vst v4  }
0x4d9: {  	[tilespmem:s0+$0x7BA0] =	vst v5;
	v0 =	vld.idx.msk [tilespmem:v63+s16+$0x0], $0xffff  }
0x4da: {  	[tilespmem:s0+$0x7C20] =	vst v6;
	v1 =	vld.idx.msk [tilespmem:v9+s16+$0x0], $0xffff  }
0x4db: {  	[tilespmem:s0+$0x7CA0] =	vst v7;
	v2 =	vld.idx.msk [tilespmem:v10+s16+$0x0], $0xffff  }
0x4dc: {  	v3 =	vld.idx.msk [tilespmem:v11+s16+$0x0], $0xffff;
	_ =	sdelay $0x1  }
0x4dd: {  	[tilespmem:s0+$0x8320] =	vst v0  }
0x4de: {  	[tilespmem:s0+$0x83A0] =	vst v1;
	v4 =	vld.idx.msk [tilespmem:v12+s2+$0x0], $0xffff  }
0x4df: {  	[tilespmem:s0+$0x8420] =	vst v2;
	v5 =	vld.idx.msk [tilespmem:v13+s2+$0x0], $0xffff  }
0x4e0: {  	[tilespmem:s0+$0x84A0] =	vst v3;
	v6 =	vld.idx.msk [tilespmem:v14+s2+$0x0], $0xffff  }
0x4e1: {  	v7 =	vld.idx.msk [tilespmem:v15+s2+$0x0], $0xffff  }
0x4e2: {  	v16 =	vld [tilespmem:s0+$0x6340]  }
0x4e3: {  	v17 =	vld [tilespmem:s0+$0x63C0];
	[tilespmem:s0+$0x7330] =	vst v4  }
0x4e4: {  	[tilespmem:s0+$0x73B0] =	vst v5;
	v4 =	vld.idx.msk [tilespmem:v12+s15+$0x0], $0xffff  }
0x4e5: {  	[tilespmem:s0+$0x7430] =	vst v6;
	v5 =	vld.idx.msk [tilespmem:v13+s15+$0x0], $0xffff  }
0x4e6: {  	[tilespmem:s0+$0x74B0] =	vst v7;
	v6 =	vld.idx.msk [tilespmem:v14+s15+$0x0], $0xffff  }
0x4e7: {  	v7 =	vld.idx.msk [tilespmem:v15+s15+$0x0], $0xffff  }
0x4e8: {  	v18 =	vld [tilespmem:s0+$0x6440]  }
0x4e9: {  	v19 =	vld [tilespmem:s0+$0x64C0];
	[tilespmem:s0+$0x7B30] =	vst v4  }
0x4ea: {  	[tilespmem:s0+$0x7BB0] =	vst v5;
	v0 =	vld.idx.msk [tilespmem:v12+s16+$0x0], $0xffff  }
0x4eb: {  	[tilespmem:s0+$0x7C30] =	vst v6;
	v1 =	vld.idx.msk [tilespmem:v13+s16+$0x0], $0xffff  }
0x4ec: {  	[tilespmem:s0+$0x7CB0] =	vst v7;
	v2 =	vld.idx.msk [tilespmem:v14+s16+$0x0], $0xffff  }
0x4ed: {  	v3 =	vld.idx.msk [tilespmem:v15+s16+$0x0], $0xffff;
	_ =	sdelay $0x1  }
0x4ee: {  	[tilespmem:s0+$0x8330] =	vst v0  }
0x4ef: {  	[tilespmem:s0+$0x83B0] =	vst v1;
	v4 =	vld.idx.msk [tilespmem:v16+s2+$0x0], $0xffff  }
0x4f0: {  	[tilespmem:s0+$0x8430] =	vst v2;
	v5 =	vld.idx.msk [tilespmem:v17+s2+$0x0], $0xffff  }
0x4f1: {  	[tilespmem:s0+$0x84B0] =	vst v3;
	v6 =	vld.idx.msk [tilespmem:v18+s2+$0x0], $0xffff  }
0x4f2: {  	v7 =	vld.idx.msk [tilespmem:v19+s2+$0x0], $0xffff  }
0x4f3: {  	v20 =	vld [tilespmem:s0+$0x6350]  }
0x4f4: {  	v21 =	vld [tilespmem:s0+$0x63D0];
	[tilespmem:s0+$0x7340] =	vst v4  }
0x4f5: {  	[tilespmem:s0+$0x73C0] =	vst v5;
	v4 =	vld.idx.msk [tilespmem:v16+s15+$0x0], $0xffff  }
0x4f6: {  	[tilespmem:s0+$0x7440] =	vst v6;
	v5 =	vld.idx.msk [tilespmem:v17+s15+$0x0], $0xffff  }
0x4f7: {  	[tilespmem:s0+$0x74C0] =	vst v7;
	v6 =	vld.idx.msk [tilespmem:v18+s15+$0x0], $0xffff  }
0x4f8: {  	v7 =	vld.idx.msk [tilespmem:v19+s15+$0x0], $0xffff  }
0x4f9: {  	v22 =	vld [tilespmem:s0+$0x6450]  }
0x4fa: {  	v23 =	vld [tilespmem:s0+$0x64D0];
	[tilespmem:s0+$0x7B40] =	vst v4  }
0x4fb: {  	[tilespmem:s0+$0x7BC0] =	vst v5;
	v0 =	vld.idx.msk [tilespmem:v16+s16+$0x0], $0xffff  }
0x4fc: {  	[tilespmem:s0+$0x7C40] =	vst v6;
	v1 =	vld.idx.msk [tilespmem:v17+s16+$0x0], $0xffff  }
0x4fd: {  	[tilespmem:s0+$0x7CC0] =	vst v7;
	v2 =	vld.idx.msk [tilespmem:v18+s16+$0x0], $0xffff  }
0x4fe: {  	v3 =	vld.idx.msk [tilespmem:v19+s16+$0x0], $0xffff;
	_ =	sdelay $0x1  }
0x4ff: {  	[tilespmem:s0+$0x8340] =	vst v0  }
0x500: {  	[tilespmem:s0+$0x83C0] =	vst v1;
	v4 =	vld.idx.msk [tilespmem:v20+s2+$0x0], $0xffff  }
0x501: {  	[tilespmem:s0+$0x8440] =	vst v2;
	v5 =	vld.idx.msk [tilespmem:v21+s2+$0x0], $0xffff  }
0x502: {  	[tilespmem:s0+$0x84C0] =	vst v3;
	v6 =	vld.idx.msk [tilespmem:v22+s2+$0x0], $0xffff  }
0x503: {  	v7 =	vld.idx.msk [tilespmem:v23+s2+$0x0], $0xffff  }
0x504: {  	v24 =	vld [tilespmem:s0+$0x6360]  }
0x505: {  	v25 =	vld [tilespmem:s0+$0x63E0];
	[tilespmem:s0+$0x7350] =	vst v4  }
0x506: {  	[tilespmem:s0+$0x73D0] =	vst v5;
	v4 =	vld.idx.msk [tilespmem:v20+s15+$0x0], $0xffff  }
0x507: {  	[tilespmem:s0+$0x7450] =	vst v6;
	v5 =	vld.idx.msk [tilespmem:v21+s15+$0x0], $0xffff  }
0x508: {  	[tilespmem:s0+$0x74D0] =	vst v7;
	v6 =	vld.idx.msk [tilespmem:v22+s15+$0x0], $0xffff  }
0x509: {  	v7 =	vld.idx.msk [tilespmem:v23+s15+$0x0], $0xffff  }
0x50a: {  	v26 =	vld [tilespmem:s0+$0x6460]  }
0x50b: {  	v27 =	vld [tilespmem:s0+$0x64E0];
	[tilespmem:s0+$0x7B50] =	vst v4  }
0x50c: {  	[tilespmem:s0+$0x7BD0] =	vst v5;
	v0 =	vld.idx.msk [tilespmem:v20+s16+$0x0], $0xffff  }
0x50d: {  	[tilespmem:s0+$0x7C50] =	vst v6;
	v1 =	vld.idx.msk [tilespmem:v21+s16+$0x0], $0xffff  }
0x50e: {  	[tilespmem:s0+$0x7CD0] =	vst v7;
	v2 =	vld.idx.msk [tilespmem:v22+s16+$0x0], $0xffff  }
0x50f: {  	v3 =	vld.idx.msk [tilespmem:v23+s16+$0x0], $0xffff;
	_ =	sdelay $0x1  }
0x510: {  	[tilespmem:s0+$0x8350] =	vst v0  }
0x511: {  	[tilespmem:s0+$0x83D0] =	vst v1;
	v4 =	vld.idx.msk [tilespmem:v24+s2+$0x0], $0xffff  }
0x512: {  	[tilespmem:s0+$0x8450] =	vst v2;
	v5 =	vld.idx.msk [tilespmem:v25+s2+$0x0], $0xffff  }
0x513: {  	[tilespmem:s0+$0x84D0] =	vst v3;
	v6 =	vld.idx.msk [tilespmem:v26+s2+$0x0], $0xffff  }
0x514: {  	v7 =	vld.idx.msk [tilespmem:v27+s2+$0x0], $0xffff  }
0x515: {  	v28 =	vld [tilespmem:s0+$0x6370]  }
0x516: {  	v29 =	vld [tilespmem:s0+$0x63F0];
	[tilespmem:s0+$0x7360] =	vst v4  }
0x517: {  	[tilespmem:s0+$0x73E0] =	vst v5;
	v4 =	vld.idx.msk [tilespmem:v24+s15+$0x0], $0xffff  }
0x518: {  	[tilespmem:s0+$0x7460] =	vst v6;
	v5 =	vld.idx.msk [tilespmem:v25+s15+$0x0], $0xffff  }
0x519: {  	[tilespmem:s0+$0x74E0] =	vst v7;
	v6 =	vld.idx.msk [tilespmem:v26+s15+$0x0], $0xffff  }
0x51a: {  	v7 =	vld.idx.msk [tilespmem:v27+s15+$0x0], $0xffff  }
0x51b: {  	v30 =	vld [tilespmem:s0+$0x6470]  }
0x51c: {  	v31 =	vld [tilespmem:s0+$0x64F0];
	[tilespmem:s0+$0x7B60] =	vst v4  }
0x51d: {  	[tilespmem:s0+$0x7BE0] =	vst v5;
	v0 =	vld.idx.msk [tilespmem:v24+s16+$0x0], $0xffff  }
0x51e: {  	[tilespmem:s0+$0x7C60] =	vst v6;
	v1 =	vld.idx.msk [tilespmem:v25+s16+$0x0], $0xffff  }
0x51f: {  	[tilespmem:s0+$0x7CE0] =	vst v7;
	v2 =	vld.idx.msk [tilespmem:v26+s16+$0x0], $0xffff  }
0x520: {  	v3 =	vld.idx.msk [tilespmem:v27+s16+$0x0], $0xffff;
	_ =	sdelay $0x1  }
0x521: {  	[tilespmem:s0+$0x8360] =	vst v0  }
0x522: {  	[tilespmem:s0+$0x83E0] =	vst v1;
	v4 =	vld.idx.msk [tilespmem:v28+s2+$0x0], $0xffff  }
0x523: {  	[tilespmem:s0+$0x8460] =	vst v2;
	v5 =	vld.idx.msk [tilespmem:v29+s2+$0x0], $0xffff  }
0x524: {  	[tilespmem:s0+$0x84E0] =	vst v3;
	v6 =	vld.idx.msk [tilespmem:v30+s2+$0x0], $0xffff  }
0x525: {  	v7 =	vld.idx.msk [tilespmem:v31+s2+$0x0], $0xffff  }
0x526: {  	v32 =	vld [tilespmem:s0+$0x6700]  }
0x527: {  	v33 =	vld [tilespmem:s0+$0x6780];
	[tilespmem:s0+$0x7370] =	vst v4  }
0x528: {  	[tilespmem:s0+$0x73F0] =	vst v5;
	v4 =	vld.idx.msk [tilespmem:v28+s15+$0x0], $0xffff  }
0x529: {  	[tilespmem:s0+$0x7470] =	vst v6;
	v5 =	vld.idx.msk [tilespmem:v29+s15+$0x0], $0xffff  }
0x52a: {  	[tilespmem:s0+$0x74F0] =	vst v7;
	v6 =	vld.idx.msk [tilespmem:v30+s15+$0x0], $0xffff  }
0x52b: {  	v7 =	vld.idx.msk [tilespmem:v31+s15+$0x0], $0xffff  }
0x52c: {  	v34 =	vld [tilespmem:s0+$0x6800]  }
0x52d: {  	v35 =	vld [tilespmem:s0+$0x6880];
	[tilespmem:s0+$0x7B70] =	vst v4  }
0x52e: {  	[tilespmem:s0+$0x7BF0] =	vst v5;
	v0 =	vld.idx.msk [tilespmem:v28+s16+$0x0], $0xffff  }
0x52f: {  	[tilespmem:s0+$0x7C70] =	vst v6;
	v1 =	vld.idx.msk [tilespmem:v29+s16+$0x0], $0xffff  }
0x530: {  	[tilespmem:s0+$0x7CF0] =	vst v7;
	v2 =	vld.idx.msk [tilespmem:v30+s16+$0x0], $0xffff  }
0x531: {  	v3 =	vld.idx.msk [tilespmem:v31+s16+$0x0], $0xffff;
	_ =	sdelay $0x1  }
0x532: {  	[tilespmem:s0+$0x8370] =	vst v0  }
0x533: {  	[tilespmem:s0+$0x83F0] =	vst v1;
	v4 =	vld.idx.msk [tilespmem:v32+s2+$0x0], $0xffff  }
0x534: {  	[tilespmem:s0+$0x8470] =	vst v2;
	v5 =	vld.idx.msk [tilespmem:v33+s2+$0x0], $0xffff  }
0x535: {  	[tilespmem:s0+$0x84F0] =	vst v3;
	v6 =	vld.idx.msk [tilespmem:v34+s2+$0x0], $0xffff  }
0x536: {  	v7 =	vld.idx.msk [tilespmem:v35+s2+$0x0], $0xffff  }
0x537: {  	v36 =	vld [tilespmem:s0+$0x6710]  }
0x538: {  	v37 =	vld [tilespmem:s0+$0x6790];
	[tilespmem:s0+$0x7700] =	vst v4  }
0x539: {  	[tilespmem:s0+$0x7780] =	vst v5;
	v4 =	vld.idx.msk [tilespmem:v32+s15+$0x0], $0xffff  }
0x53a: {  	[tilespmem:s0+$0x7800] =	vst v6;
	v5 =	vld.idx.msk [tilespmem:v33+s15+$0x0], $0xffff  }
0x53b: {  	[tilespmem:s0+$0x7880] =	vst v7;
	v6 =	vld.idx.msk [tilespmem:v34+s15+$0x0], $0xffff  }
0x53c: {  	v7 =	vld.idx.msk [tilespmem:v35+s15+$0x0], $0xffff  }
0x53d: {  	v38 =	vld [tilespmem:s0+$0x6810]  }
0x53e: {  	v39 =	vld [tilespmem:s0+$0x6890];
	[tilespmem:s0+$0x7F00] =	vst v4  }
0x53f: {  	[tilespmem:s0+$0x7F80] =	vst v5;
	v0 =	vld.idx.msk [tilespmem:v32+s16+$0x0], $0xffff  }
0x540: {  	[tilespmem:s0+$0x8000] =	vst v6;
	v1 =	vld.idx.msk [tilespmem:v33+s16+$0x0], $0xffff  }
0x541: {  	[tilespmem:s0+$0x8080] =	vst v7;
	v2 =	vld.idx.msk [tilespmem:v34+s16+$0x0], $0xffff  }
0x542: {  	v3 =	vld.idx.msk [tilespmem:v35+s16+$0x0], $0xffff;
	_ =	sdelay $0x1  }
0x543: {  	[tilespmem:s0+$0x8700] =	vst v0  }
0x544: {  	[tilespmem:s0+$0x8780] =	vst v1;
	v4 =	vld.idx.msk [tilespmem:v36+s2+$0x0], $0xffff  }
0x545: {  	[tilespmem:s0+$0x8800] =	vst v2;
	v5 =	vld.idx.msk [tilespmem:v37+s2+$0x0], $0xffff  }
0x546: {  	[tilespmem:s0+$0x8880] =	vst v3;
	v6 =	vld.idx.msk [tilespmem:v38+s2+$0x0], $0xffff  }
0x547: {  	v7 =	vld.idx.msk [tilespmem:v39+s2+$0x0], $0xffff  }
0x548: {  	v40 =	vld [tilespmem:s0+$0x6720]  }
0x549: {  	v41 =	vld [tilespmem:s0+$0x67A0];
	[tilespmem:s0+$0x7710] =	vst v4  }
0x54a: {  	[tilespmem:s0+$0x7790] =	vst v5;
	v4 =	vld.idx.msk [tilespmem:v36+s15+$0x0], $0xffff  }
0x54b: {  	[tilespmem:s0+$0x7810] =	vst v6;
	v5 =	vld.idx.msk [tilespmem:v37+s15+$0x0], $0xffff  }
0x54c: {  	[tilespmem:s0+$0x7890] =	vst v7;
	v6 =	vld.idx.msk [tilespmem:v38+s15+$0x0], $0xffff  }
0x54d: {  	v7 =	vld.idx.msk [tilespmem:v39+s15+$0x0], $0xffff  }
0x54e: {  	v42 =	vld [tilespmem:s0+$0x6820]  }
0x54f: {  	v43 =	vld [tilespmem:s0+$0x68A0];
	[tilespmem:s0+$0x7F10] =	vst v4  }
0x550: {  	[tilespmem:s0+$0x7F90] =	vst v5;
	v0 =	vld.idx.msk [tilespmem:v36+s16+$0x0], $0xffff  }
0x551: {  	[tilespmem:s0+$0x8010] =	vst v6;
	v1 =	vld.idx.msk [tilespmem:v37+s16+$0x0], $0xffff  }
0x552: {  	[tilespmem:s0+$0x8090] =	vst v7;
	v2 =	vld.idx.msk [tilespmem:v38+s16+$0x0], $0xffff  }
0x553: {  	v3 =	vld.idx.msk [tilespmem:v39+s16+$0x0], $0xffff;
	_ =	sdelay $0x1  }
0x554: {  	[tilespmem:s0+$0x8710] =	vst v0  }
0x555: {  	[tilespmem:s0+$0x8790] =	vst v1;
	v4 =	vld.idx.msk [tilespmem:v40+s2+$0x0], $0xffff  }
0x556: {  	[tilespmem:s0+$0x8810] =	vst v2;
	v5 =	vld.idx.msk [tilespmem:v41+s2+$0x0], $0xffff  }
0x557: {  	[tilespmem:s0+$0x8890] =	vst v3;
	v6 =	vld.idx.msk [tilespmem:v42+s2+$0x0], $0xffff  }
0x558: {  	v7 =	vld.idx.msk [tilespmem:v43+s2+$0x0], $0xffff  }
0x559: {  	v44 =	vld [tilespmem:s0+$0x6730]  }
0x55a: {  	v45 =	vld [tilespmem:s0+$0x67B0];
	[tilespmem:s0+$0x7720] =	vst v4  }
0x55b: {  	[tilespmem:s0+$0x77A0] =	vst v5;
	v4 =	vld.idx.msk [tilespmem:v40+s15+$0x0], $0xffff  }
0x55c: {  	[tilespmem:s0+$0x7820] =	vst v6;
	v5 =	vld.idx.msk [tilespmem:v41+s15+$0x0], $0xffff  }
0x55d: {  	[tilespmem:s0+$0x78A0] =	vst v7;
	v6 =	vld.idx.msk [tilespmem:v42+s15+$0x0], $0xffff  }
0x55e: {  	v7 =	vld.idx.msk [tilespmem:v43+s15+$0x0], $0xffff  }
0x55f: {  	v46 =	vld [tilespmem:s0+$0x6830]  }
0x560: {  	v47 =	vld [tilespmem:s0+$0x68B0];
	[tilespmem:s0+$0x7F20] =	vst v4  }
0x561: {  	[tilespmem:s0+$0x7FA0] =	vst v5;
	v0 =	vld.idx.msk [tilespmem:v40+s16+$0x0], $0xffff  }
0x562: {  	[tilespmem:s0+$0x8020] =	vst v6;
	v1 =	vld.idx.msk [tilespmem:v41+s16+$0x0], $0xffff  }
0x563: {  	[tilespmem:s0+$0x80A0] =	vst v7;
	v2 =	vld.idx.msk [tilespmem:v42+s16+$0x0], $0xffff  }
0x564: {  	v3 =	vld.idx.msk [tilespmem:v43+s16+$0x0], $0xffff;
	_ =	sdelay $0x1  }
0x565: {  	[tilespmem:s0+$0x8720] =	vst v0  }
0x566: {  	[tilespmem:s0+$0x87A0] =	vst v1;
	v4 =	vld.idx.msk [tilespmem:v44+s2+$0x0], $0xffff  }
0x567: {  	[tilespmem:s0+$0x8820] =	vst v2;
	v5 =	vld.idx.msk [tilespmem:v45+s2+$0x0], $0xffff  }
0x568: {  	[tilespmem:s0+$0x88A0] =	vst v3;
	v6 =	vld.idx.msk [tilespmem:v46+s2+$0x0], $0xffff  }
0x569: {  	v7 =	vld.idx.msk [tilespmem:v47+s2+$0x0], $0xffff  }
0x56a: {  	v48 =	vld [tilespmem:s0+$0x6740]  }
0x56b: {  	v49 =	vld [tilespmem:s0+$0x67C0];
	[tilespmem:s0+$0x7730] =	vst v4  }
0x56c: {  	[tilespmem:s0+$0x77B0] =	vst v5;
	v4 =	vld.idx.msk [tilespmem:v44+s15+$0x0], $0xffff  }
0x56d: {  	[tilespmem:s0+$0x7830] =	vst v6;
	v5 =	vld.idx.msk [tilespmem:v45+s15+$0x0], $0xffff  }
0x56e: {  	[tilespmem:s0+$0x78B0] =	vst v7;
	v6 =	vld.idx.msk [tilespmem:v46+s15+$0x0], $0xffff  }
0x56f: {  	v7 =	vld.idx.msk [tilespmem:v47+s15+$0x0], $0xffff  }
0x570: {  	v50 =	vld [tilespmem:s0+$0x6840]  }
0x571: {  	v51 =	vld [tilespmem:s0+$0x68C0];
	[tilespmem:s0+$0x7F30] =	vst v4  }
0x572: {  	[tilespmem:s0+$0x7FB0] =	vst v5;
	v0 =	vld.idx.msk [tilespmem:v44+s16+$0x0], $0xffff  }
0x573: {  	[tilespmem:s0+$0x8030] =	vst v6;
	v1 =	vld.idx.msk [tilespmem:v45+s16+$0x0], $0xffff  }
0x574: {  	[tilespmem:s0+$0x80B0] =	vst v7;
	v2 =	vld.idx.msk [tilespmem:v46+s16+$0x0], $0xffff  }
0x575: {  	v3 =	vld.idx.msk [tilespmem:v47+s16+$0x0], $0xffff;
	_ =	sdelay $0x1  }
0x576: {  	[tilespmem:s0+$0x8730] =	vst v0  }
0x577: {  	[tilespmem:s0+$0x87B0] =	vst v1;
	v4 =	vld.idx.msk [tilespmem:v48+s2+$0x0], $0xffff  }
0x578: {  	[tilespmem:s0+$0x8830] =	vst v2;
	v5 =	vld.idx.msk [tilespmem:v49+s2+$0x0], $0xffff  }
0x579: {  	[tilespmem:s0+$0x88B0] =	vst v3;
	v6 =	vld.idx.msk [tilespmem:v50+s2+$0x0], $0xffff  }
0x57a: {  	v7 =	vld.idx.msk [tilespmem:v51+s2+$0x0], $0xffff  }
0x57b: {  	v52 =	vld [tilespmem:s0+$0x6750]  }
0x57c: {  	v53 =	vld [tilespmem:s0+$0x67D0];
	[tilespmem:s0+$0x7740] =	vst v4  }
0x57d: {  	[tilespmem:s0+$0x77C0] =	vst v5;
	v4 =	vld.idx.msk [tilespmem:v48+s15+$0x0], $0xffff  }
0x57e: {  	[tilespmem:s0+$0x7840] =	vst v6;
	v5 =	vld.idx.msk [tilespmem:v49+s15+$0x0], $0xffff  }
0x57f: {  	[tilespmem:s0+$0x78C0] =	vst v7;
	v6 =	vld.idx.msk [tilespmem:v50+s15+$0x0], $0xffff  }
0x580: {  	v7 =	vld.idx.msk [tilespmem:v51+s15+$0x0], $0xffff  }
0x581: {  	v54 =	vld [tilespmem:s0+$0x6850]  }
0x582: {  	v55 =	vld [tilespmem:s0+$0x68D0];
	[tilespmem:s0+$0x7F40] =	vst v4  }
0x583: {  	[tilespmem:s0+$0x7FC0] =	vst v5;
	v0 =	vld.idx.msk [tilespmem:v48+s16+$0x0], $0xffff  }
0x584: {  	[tilespmem:s0+$0x8040] =	vst v6;
	v1 =	vld.idx.msk [tilespmem:v49+s16+$0x0], $0xffff  }
0x585: {  	[tilespmem:s0+$0x80C0] =	vst v7;
	v2 =	vld.idx.msk [tilespmem:v50+s16+$0x0], $0xffff  }
0x586: {  	v3 =	vld.idx.msk [tilespmem:v51+s16+$0x0], $0xffff;
	_ =	sdelay $0x1  }
0x587: {  	[tilespmem:s0+$0x8740] =	vst v0  }
0x588: {  	[tilespmem:s0+$0x87C0] =	vst v1;
	v4 =	vld.idx.msk [tilespmem:v52+s2+$0x0], $0xffff  }
0x589: {  	[tilespmem:s0+$0x8840] =	vst v2;
	v5 =	vld.idx.msk [tilespmem:v53+s2+$0x0], $0xffff  }
0x58a: {  	[tilespmem:s0+$0x88C0] =	vst v3;
	v6 =	vld.idx.msk [tilespmem:v54+s2+$0x0], $0xffff  }
0x58b: {  	v7 =	vld.idx.msk [tilespmem:v55+s2+$0x0], $0xffff  }
0x58c: {  	v56 =	vld [tilespmem:s0+$0x6760]  }
0x58d: {  	v57 =	vld [tilespmem:s0+$0x67E0];
	[tilespmem:s0+$0x7750] =	vst v4  }
0x58e: {  	[tilespmem:s0+$0x77D0] =	vst v5;
	v4 =	vld.idx.msk [tilespmem:v52+s15+$0x0], $0xffff  }
0x58f: {  	[tilespmem:s0+$0x7850] =	vst v6;
	v5 =	vld.idx.msk [tilespmem:v53+s15+$0x0], $0xffff  }
0x590: {  	[tilespmem:s0+$0x78D0] =	vst v7;
	v6 =	vld.idx.msk [tilespmem:v54+s15+$0x0], $0xffff  }
0x591: {  	v7 =	vld.idx.msk [tilespmem:v55+s15+$0x0], $0xffff  }
0x592: {  	v58 =	vld [tilespmem:s0+$0x6860]  }
0x593: {  	v59 =	vld [tilespmem:s0+$0x68E0];
	[tilespmem:s0+$0x7F50] =	vst v4  }
0x594: {  	[tilespmem:s0+$0x7FD0] =	vst v5;
	v0 =	vld.idx.msk [tilespmem:v52+s16+$0x0], $0xffff  }
0x595: {  	[tilespmem:s0+$0x8050] =	vst v6;
	v1 =	vld.idx.msk [tilespmem:v53+s16+$0x0], $0xffff  }
0x596: {  	[tilespmem:s0+$0x80D0] =	vst v7;
	v2 =	vld.idx.msk [tilespmem:v54+s16+$0x0], $0xffff  }
0x597: {  	v3 =	vld.idx.msk [tilespmem:v55+s16+$0x0], $0xffff;
	_ =	sdelay $0x1  }
0x598: {  	[tilespmem:s0+$0x8750] =	vst v0  }
0x599: {  	[tilespmem:s0+$0x87D0] =	vst v1;
	v4 =	vld.idx.msk [tilespmem:v56+s2+$0x0], $0xffff  }
0x59a: {  	[tilespmem:s0+$0x8850] =	vst v2;
	v5 =	vld.idx.msk [tilespmem:v57+s2+$0x0], $0xffff  }
0x59b: {  	[tilespmem:s0+$0x88D0] =	vst v3;
	v6 =	vld.idx.msk [tilespmem:v58+s2+$0x0], $0xffff  }
0x59c: {  	v7 =	vld.idx.msk [tilespmem:v59+s2+$0x0], $0xffff  }
0x59d: {  	v60 =	vld [tilespmem:s0+$0x6770]  }
0x59e: {  	v61 =	vld [tilespmem:s0+$0x67F0];
	[tilespmem:s0+$0x7760] =	vst v4  }
0x59f: {  	[tilespmem:s0+$0x77E0] =	vst v5;
	v4 =	vld.idx.msk [tilespmem:v56+s15+$0x0], $0xffff  }
0x5a0: {  	[tilespmem:s0+$0x7860] =	vst v6;
	v5 =	vld.idx.msk [tilespmem:v57+s15+$0x0], $0xffff  }
0x5a1: {  	[tilespmem:s0+$0x78E0] =	vst v7;
	v6 =	vld.idx.msk [tilespmem:v58+s15+$0x0], $0xffff  }
0x5a2: {  	v7 =	vld.idx.msk [tilespmem:v59+s15+$0x0], $0xffff  }
0x5a3: {  	v62 =	vld [tilespmem:s0+$0x6870]  }
0x5a4: {  	v63 =	vld [tilespmem:s0+$0x68F0];
	[tilespmem:s0+$0x7F60] =	vst v4  }
0x5a5: {  	[tilespmem:s0+$0x7FE0] =	vst v5;
	v0 =	vld.idx.msk [tilespmem:v56+s16+$0x0], $0xffff  }
0x5a6: {  	[tilespmem:s0+$0x8060] =	vst v6;
	v1 =	vld.idx.msk [tilespmem:v57+s16+$0x0], $0xffff  }
0x5a7: {  	[tilespmem:s0+$0x80E0] =	vst v7;
	v2 =	vld.idx.msk [tilespmem:v58+s16+$0x0], $0xffff  }
0x5a8: {  	v3 =	vld.idx.msk [tilespmem:v59+s16+$0x0], $0xffff;
	_ =	sdelay $0x1  }
0x5a9: {  	[tilespmem:s0+$0x8760] =	vst v0  }
0x5aa: {  	[tilespmem:s0+$0x87E0] =	vst v1;
	v4 =	vld.idx.msk [tilespmem:v60+s2+$0x0], $0xffff  }
0x5ab: {  	[tilespmem:s0+$0x8860] =	vst v2;
	v5 =	vld.idx.msk [tilespmem:v61+s2+$0x0], $0xffff  }
0x5ac: {  	[tilespmem:s0+$0x88E0] =	vst v3;
	v6 =	vld.idx.msk [tilespmem:v62+s2+$0x0], $0xffff  }
0x5ad: {  	v7 =	vld.idx.msk [tilespmem:v63+s2+$0x0], $0xffff;
	_ =	sdelay $0x1  }
0x5ae: {  	[tilespmem:s0+$0x7770] =	vst v4  }
0x5af: {  	[tilespmem:s0+$0x77F0] =	vst v5;
	v4 =	vld.idx.msk [tilespmem:v60+s15+$0x0], $0xffff  }
0x5b0: {  	[tilespmem:s0+$0x7870] =	vst v6;
	v5 =	vld.idx.msk [tilespmem:v61+s15+$0x0], $0xffff  }
0x5b1: {  	[tilespmem:s0+$0x78F0] =	vst v7;
	v6 =	vld.idx.msk [tilespmem:v62+s15+$0x0], $0xffff  }
0x5b2: {  	v7 =	vld.idx.msk [tilespmem:v63+s15+$0x0], $0xffff;
	_ =	sdelay $0x1  }
0x5b3: {  	[tilespmem:s0+$0x7F70] =	vst v4  }
0x5b4: {  	[tilespmem:s0+$0x7FF0] =	vst v5;
	v0 =	vld.idx.msk [tilespmem:v60+s16+$0x0], $0xffff  }
0x5b5: {  	[tilespmem:s0+$0x8070] =	vst v6;
	v1 =	vld.idx.msk [tilespmem:v61+s16+$0x0], $0xffff  }
0x5b6: {  	[tilespmem:s0+$0x80F0] =	vst v7;
	v2 =	vld.idx.msk [tilespmem:v62+s16+$0x0], $0xffff  }
0x5b7: {  	p1 =	por p0, p0;
	v3 =	vld.idx.msk [tilespmem:v63+s16+$0x0], $0xffff  }
.Ltmp5:
0x5b8: {  	_ = 	snop;
	(pc) =	sbr.rel @p1 .LBB2_12-.Ltmp5, $4  }
0x5b9: {  	[tilespmem:s0+$0x8770] =	vst v0  }
0x5ba: {  	[tilespmem:s0+$0x87F0] =	vst v1  }
0x5bb: {  	[tilespmem:s0+$0x8870] =	vst v2  }
0x5bc: {  	p0 =	por $0x0, $0x0;
	[tilespmem:s0+$0x88F0] =	vst v3;
	s0 =	simm.s32 $0x200  }
0x5bd: {  	[hbm4b:s12+s21] =	stream.strided.scatter [tilespmem:s23], [sflag:$0x3], $0x1800, s22, s21, $0x38;
	[tilespmem:$0xA300] =	vst v63  }
0x5be: {  	_ =	swait.ge [sflag:s24], $0x800  }
0x5bf: {  	[sflag:s24] =	ssyncset.done $0x0  }
0x5c0: {  	[sflag:s24] =	ssyncadd.s32 $0xFFFFF800  }
0x5c1: {  	_ =	swait.ge [sflag:s28], $0x1800  }
0x5c2: {  	[sflag:s28] =	ssyncset.done $0x0  }
0x5c3: {  	s0 =	simm.s32 $0x0;
	p0 =	por $0x1, $0x1;
	[sflag:s28] =	ssyncadd.s32 $0xFFFFE800  }
.LBB2_14:
0x5c4: {  	v0 =	vld [tilespmem:s0+$0x6B00]  }
0x5c5: {  	v1 =	vld [tilespmem:s0+$0x6B80]  }
0x5c6: {  	v2 =	vld [tilespmem:s0+$0x6C00]  }
0x5c7: {  	v3 =	vld [tilespmem:s0+$0x6C80];
	_ =	sdelay $0x4  }
0x5c8: {  	v4 =	vld.idx.msk [tilespmem:v0+s2+$0x0], $0xffff  }
0x5c9: {  	v5 =	vld.idx.msk [tilespmem:v1+s2+$0x0], $0xffff  }
0x5ca: {  	v6 =	vld.idx.msk [tilespmem:v2+s2+$0x0], $0xffff  }
0x5cb: {  	v7 =	vld.idx.msk [tilespmem:v3+s2+$0x0], $0xffff  }
0x5cc: {  	v59 =	vld [tilespmem:s0+$0x6B10]  }
0x5cd: {  	v60 =	vld [tilespmem:s0+$0x6B90];
	[tilespmem:s0+$0x8B00] =	vst v4  }
0x5ce: {  	[tilespmem:s0+$0x8B80] =	vst v5;
	v4 =	vld.idx.msk [tilespmem:v0+s15+$0x0], $0xffff  }
0x5cf: {  	[tilespmem:s0+$0x8C00] =	vst v6;
	v5 =	vld.idx.msk [tilespmem:v1+s15+$0x0], $0xffff  }
0x5d0: {  	[tilespmem:s0+$0x8C80] =	vst v7;
	v6 =	vld.idx.msk [tilespmem:v2+s15+$0x0], $0xffff  }
0x5d1: {  	v7 =	vld.idx.msk [tilespmem:v3+s15+$0x0], $0xffff  }
0x5d2: {  	v61 =	vld [tilespmem:s0+$0x6C10]  }
0x5d3: {  	v62 =	vld [tilespmem:s0+$0x6C90];
	[tilespmem:s0+$0x9300] =	vst v4  }
0x5d4: {  	[tilespmem:s0+$0x9380] =	vst v5;
	v0 =	vld.idx.msk [tilespmem:v0+s16+$0x0], $0xffff  }
0x5d5: {  	[tilespmem:s0+$0x9400] =	vst v6;
	v1 =	vld.idx.msk [tilespmem:v1+s16+$0x0], $0xffff  }
0x5d6: {  	[tilespmem:s0+$0x9480] =	vst v7;
	v2 =	vld.idx.msk [tilespmem:v2+s16+$0x0], $0xffff  }
0x5d7: {  	v3 =	vld.idx.msk [tilespmem:v3+s16+$0x0], $0xffff;
	_ =	sdelay $0x1  }
0x5d8: {  	[tilespmem:s0+$0x9B00] =	vst v0  }
0x5d9: {  	[tilespmem:s0+$0x9B80] =	vst v1;
	v4 =	vld.idx.msk [tilespmem:v59+s2+$0x0], $0xffff  }
0x5da: {  	[tilespmem:s0+$0x9C00] =	vst v2;
	v5 =	vld.idx.msk [tilespmem:v60+s2+$0x0], $0xffff  }
0x5db: {  	[tilespmem:s0+$0x9C80] =	vst v3;
	v6 =	vld.idx.msk [tilespmem:v61+s2+$0x0], $0xffff  }
0x5dc: {  	v7 =	vld.idx.msk [tilespmem:v62+s2+$0x0], $0xffff  }
0x5dd: {  	v63 =	vld [tilespmem:s0+$0x6B20]  }
0x5de: {  	v9 =	vld [tilespmem:s0+$0x6BA0];
	[tilespmem:s0+$0x8B10] =	vst v4  }
0x5df: {  	[tilespmem:s0+$0x8B90] =	vst v5;
	v4 =	vld.idx.msk [tilespmem:v59+s15+$0x0], $0xffff  }
0x5e0: {  	[tilespmem:s0+$0x8C10] =	vst v6;
	v5 =	vld.idx.msk [tilespmem:v60+s15+$0x0], $0xffff  }
0x5e1: {  	[tilespmem:s0+$0x8C90] =	vst v7;
	v6 =	vld.idx.msk [tilespmem:v61+s15+$0x0], $0xffff  }
0x5e2: {  	v7 =	vld.idx.msk [tilespmem:v62+s15+$0x0], $0xffff  }
0x5e3: {  	v10 =	vld [tilespmem:s0+$0x6C20]  }
0x5e4: {  	v11 =	vld [tilespmem:s0+$0x6CA0];
	[tilespmem:s0+$0x9310] =	vst v4  }
0x5e5: {  	[tilespmem:s0+$0x9390] =	vst v5;
	v0 =	vld.idx.msk [tilespmem:v59+s16+$0x0], $0xffff  }
0x5e6: {  	[tilespmem:s0+$0x9410] =	vst v6;
	v1 =	vld.idx.msk [tilespmem:v60+s16+$0x0], $0xffff  }
0x5e7: {  	[tilespmem:s0+$0x9490] =	vst v7;
	v2 =	vld.idx.msk [tilespmem:v61+s16+$0x0], $0xffff  }
0x5e8: {  	v3 =	vld.idx.msk [tilespmem:v62+s16+$0x0], $0xffff;
	_ =	sdelay $0x1  }
0x5e9: {  	[tilespmem:s0+$0x9B10] =	vst v0  }
0x5ea: {  	[tilespmem:s0+$0x9B90] =	vst v1;
	v4 =	vld.idx.msk [tilespmem:v63+s2+$0x0], $0xffff  }
0x5eb: {  	[tilespmem:s0+$0x9C10] =	vst v2;
	v5 =	vld.idx.msk [tilespmem:v9+s2+$0x0], $0xffff  }
0x5ec: {  	[tilespmem:s0+$0x9C90] =	vst v3;
	v6 =	vld.idx.msk [tilespmem:v10+s2+$0x0], $0xffff  }
0x5ed: {  	v7 =	vld.idx.msk [tilespmem:v11+s2+$0x0], $0xffff  }
0x5ee: {  	v12 =	vld [tilespmem:s0+$0x6B30]  }
0x5ef: {  	v13 =	vld [tilespmem:s0+$0x6BB0];
	[tilespmem:s0+$0x8B20] =	vst v4  }
0x5f0: {  	[tilespmem:s0+$0x8BA0] =	vst v5;
	v4 =	vld.idx.msk [tilespmem:v63+s15+$0x0], $0xffff  }
0x5f1: {  	[tilespmem:s0+$0x8C20] =	vst v6;
	v5 =	vld.idx.msk [tilespmem:v9+s15+$0x0], $0xffff  }
0x5f2: {  	[tilespmem:s0+$0x8CA0] =	vst v7;
	v6 =	vld.idx.msk [tilespmem:v10+s15+$0x0], $0xffff  }
0x5f3: {  	v7 =	vld.idx.msk [tilespmem:v11+s15+$0x0], $0xffff  }
0x5f4: {  	v14 =	vld [tilespmem:s0+$0x6C30]  }
0x5f5: {  	v15 =	vld [tilespmem:s0+$0x6CB0];
	[tilespmem:s0+$0x9320] =	vst v4  }
0x5f6: {  	[tilespmem:s0+$0x93A0] =	vst v5;
	v0 =	vld.idx.msk [tilespmem:v63+s16+$0x0], $0xffff  }
0x5f7: {  	[tilespmem:s0+$0x9420] =	vst v6;
	v1 =	vld.idx.msk [tilespmem:v9+s16+$0x0], $0xffff  }
0x5f8: {  	[tilespmem:s0+$0x94A0] =	vst v7;
	v2 =	vld.idx.msk [tilespmem:v10+s16+$0x0], $0xffff  }
0x5f9: {  	v3 =	vld.idx.msk [tilespmem:v11+s16+$0x0], $0xffff;
	_ =	sdelay $0x1  }
0x5fa: {  	[tilespmem:s0+$0x9B20] =	vst v0  }
0x5fb: {  	[tilespmem:s0+$0x9BA0] =	vst v1;
	v4 =	vld.idx.msk [tilespmem:v12+s2+$0x0], $0xffff  }
0x5fc: {  	[tilespmem:s0+$0x9C20] =	vst v2;
	v5 =	vld.idx.msk [tilespmem:v13+s2+$0x0], $0xffff  }
0x5fd: {  	[tilespmem:s0+$0x9CA0] =	vst v3;
	v6 =	vld.idx.msk [tilespmem:v14+s2+$0x0], $0xffff  }
0x5fe: {  	v7 =	vld.idx.msk [tilespmem:v15+s2+$0x0], $0xffff  }
0x5ff: {  	v16 =	vld [tilespmem:s0+$0x6B40]  }
0x600: {  	v17 =	vld [tilespmem:s0+$0x6BC0];
	[tilespmem:s0+$0x8B30] =	vst v4  }
0x601: {  	[tilespmem:s0+$0x8BB0] =	vst v5;
	v4 =	vld.idx.msk [tilespmem:v12+s15+$0x0], $0xffff  }
0x602: {  	[tilespmem:s0+$0x8C30] =	vst v6;
	v5 =	vld.idx.msk [tilespmem:v13+s15+$0x0], $0xffff  }
0x603: {  	[tilespmem:s0+$0x8CB0] =	vst v7;
	v6 =	vld.idx.msk [tilespmem:v14+s15+$0x0], $0xffff  }
0x604: {  	v7 =	vld.idx.msk [tilespmem:v15+s15+$0x0], $0xffff  }
0x605: {  	v18 =	vld [tilespmem:s0+$0x6C40]  }
0x606: {  	v19 =	vld [tilespmem:s0+$0x6CC0];
	[tilespmem:s0+$0x9330] =	vst v4  }
0x607: {  	[tilespmem:s0+$0x93B0] =	vst v5;
	v0 =	vld.idx.msk [tilespmem:v12+s16+$0x0], $0xffff  }
0x608: {  	[tilespmem:s0+$0x9430] =	vst v6;
	v1 =	vld.idx.msk [tilespmem:v13+s16+$0x0], $0xffff  }
0x609: {  	[tilespmem:s0+$0x94B0] =	vst v7;
	v2 =	vld.idx.msk [tilespmem:v14+s16+$0x0], $0xffff  }
0x60a: {  	v3 =	vld.idx.msk [tilespmem:v15+s16+$0x0], $0xffff;
	_ =	sdelay $0x1  }
0x60b: {  	[tilespmem:s0+$0x9B30] =	vst v0  }
0x60c: {  	[tilespmem:s0+$0x9BB0] =	vst v1;
	v4 =	vld.idx.msk [tilespmem:v16+s2+$0x0], $0xffff  }
0x60d: {  	[tilespmem:s0+$0x9C30] =	vst v2;
	v5 =	vld.idx.msk [tilespmem:v17+s2+$0x0], $0xffff  }
0x60e: {  	[tilespmem:s0+$0x9CB0] =	vst v3;
	v6 =	vld.idx.msk [tilespmem:v18+s2+$0x0], $0xffff  }
0x60f: {  	v7 =	vld.idx.msk [tilespmem:v19+s2+$0x0], $0xffff  }
0x610: {  	v20 =	vld [tilespmem:s0+$0x6B50]  }
0x611: {  	v21 =	vld [tilespmem:s0+$0x6BD0];
	[tilespmem:s0+$0x8B40] =	vst v4  }
0x612: {  	[tilespmem:s0+$0x8BC0] =	vst v5;
	v4 =	vld.idx.msk [tilespmem:v16+s15+$0x0], $0xffff  }
0x613: {  	[tilespmem:s0+$0x8C40] =	vst v6;
	v5 =	vld.idx.msk [tilespmem:v17+s15+$0x0], $0xffff  }
0x614: {  	[tilespmem:s0+$0x8CC0] =	vst v7;
	v6 =	vld.idx.msk [tilespmem:v18+s15+$0x0], $0xffff  }
0x615: {  	v7 =	vld.idx.msk [tilespmem:v19+s15+$0x0], $0xffff  }
0x616: {  	v22 =	vld [tilespmem:s0+$0x6C50]  }
0x617: {  	v23 =	vld [tilespmem:s0+$0x6CD0];
	[tilespmem:s0+$0x9340] =	vst v4  }
0x618: {  	[tilespmem:s0+$0x93C0] =	vst v5;
	v0 =	vld.idx.msk [tilespmem:v16+s16+$0x0], $0xffff  }
0x619: {  	[tilespmem:s0+$0x9440] =	vst v6;
	v1 =	vld.idx.msk [tilespmem:v17+s16+$0x0], $0xffff  }
0x61a: {  	[tilespmem:s0+$0x94C0] =	vst v7;
	v2 =	vld.idx.msk [tilespmem:v18+s16+$0x0], $0xffff  }
0x61b: {  	v3 =	vld.idx.msk [tilespmem:v19+s16+$0x0], $0xffff;
	_ =	sdelay $0x1  }
0x61c: {  	[tilespmem:s0+$0x9B40] =	vst v0  }
0x61d: {  	[tilespmem:s0+$0x9BC0] =	vst v1;
	v4 =	vld.idx.msk [tilespmem:v20+s2+$0x0], $0xffff  }
0x61e: {  	[tilespmem:s0+$0x9C40] =	vst v2;
	v5 =	vld.idx.msk [tilespmem:v21+s2+$0x0], $0xffff  }
0x61f: {  	[tilespmem:s0+$0x9CC0] =	vst v3;
	v6 =	vld.idx.msk [tilespmem:v22+s2+$0x0], $0xffff  }
0x620: {  	v7 =	vld.idx.msk [tilespmem:v23+s2+$0x0], $0xffff  }
0x621: {  	v24 =	vld [tilespmem:s0+$0x6B60]  }
0x622: {  	v25 =	vld [tilespmem:s0+$0x6BE0];
	[tilespmem:s0+$0x8B50] =	vst v4  }
0x623: {  	[tilespmem:s0+$0x8BD0] =	vst v5;
	v4 =	vld.idx.msk [tilespmem:v20+s15+$0x0], $0xffff  }
0x624: {  	[tilespmem:s0+$0x8C50] =	vst v6;
	v5 =	vld.idx.msk [tilespmem:v21+s15+$0x0], $0xffff  }
0x625: {  	[tilespmem:s0+$0x8CD0] =	vst v7;
	v6 =	vld.idx.msk [tilespmem:v22+s15+$0x0], $0xffff  }
0x626: {  	v7 =	vld.idx.msk [tilespmem:v23+s15+$0x0], $0xffff  }
0x627: {  	v26 =	vld [tilespmem:s0+$0x6C60]  }
0x628: {  	v27 =	vld [tilespmem:s0+$0x6CE0];
	[tilespmem:s0+$0x9350] =	vst v4  }
0x629: {  	[tilespmem:s0+$0x93D0] =	vst v5;
	v0 =	vld.idx.msk [tilespmem:v20+s16+$0x0], $0xffff  }
0x62a: {  	[tilespmem:s0+$0x9450] =	vst v6;
	v1 =	vld.idx.msk [tilespmem:v21+s16+$0x0], $0xffff  }
0x62b: {  	[tilespmem:s0+$0x94D0] =	vst v7;
	v2 =	vld.idx.msk [tilespmem:v22+s16+$0x0], $0xffff  }
0x62c: {  	v3 =	vld.idx.msk [tilespmem:v23+s16+$0x0], $0xffff;
	_ =	sdelay $0x1  }
0x62d: {  	[tilespmem:s0+$0x9B50] =	vst v0  }
0x62e: {  	[tilespmem:s0+$0x9BD0] =	vst v1;
	v4 =	vld.idx.msk [tilespmem:v24+s2+$0x0], $0xffff  }
0x62f: {  	[tilespmem:s0+$0x9C50] =	vst v2;
	v5 =	vld.idx.msk [tilespmem:v25+s2+$0x0], $0xffff  }
0x630: {  	[tilespmem:s0+$0x9CD0] =	vst v3;
	v6 =	vld.idx.msk [tilespmem:v26+s2+$0x0], $0xffff  }
0x631: {  	v7 =	vld.idx.msk [tilespmem:v27+s2+$0x0], $0xffff  }
0x632: {  	v28 =	vld [tilespmem:s0+$0x6B70]  }
0x633: {  	v29 =	vld [tilespmem:s0+$0x6BF0];
	[tilespmem:s0+$0x8B60] =	vst v4  }
0x634: {  	[tilespmem:s0+$0x8BE0] =	vst v5;
	v4 =	vld.idx.msk [tilespmem:v24+s15+$0x0], $0xffff  }
0x635: {  	[tilespmem:s0+$0x8C60] =	vst v6;
	v5 =	vld.idx.msk [tilespmem:v25+s15+$0x0], $0xffff  }
0x636: {  	[tilespmem:s0+$0x8CE0] =	vst v7;
	v6 =	vld.idx.msk [tilespmem:v26+s15+$0x0], $0xffff  }
0x637: {  	v7 =	vld.idx.msk [tilespmem:v27+s15+$0x0], $0xffff  }
0x638: {  	v30 =	vld [tilespmem:s0+$0x6C70]  }
0x639: {  	v31 =	vld [tilespmem:s0+$0x6CF0];
	[tilespmem:s0+$0x9360] =	vst v4  }
0x63a: {  	[tilespmem:s0+$0x93E0] =	vst v5;
	v0 =	vld.idx.msk [tilespmem:v24+s16+$0x0], $0xffff  }
0x63b: {  	[tilespmem:s0+$0x9460] =	vst v6;
	v1 =	vld.idx.msk [tilespmem:v25+s16+$0x0], $0xffff  }
0x63c: {  	[tilespmem:s0+$0x94E0] =	vst v7;
	v2 =	vld.idx.msk [tilespmem:v26+s16+$0x0], $0xffff  }
0x63d: {  	v3 =	vld.idx.msk [tilespmem:v27+s16+$0x0], $0xffff;
	_ =	sdelay $0x1  }
0x63e: {  	[tilespmem:s0+$0x9B60] =	vst v0  }
0x63f: {  	[tilespmem:s0+$0x9BE0] =	vst v1;
	v4 =	vld.idx.msk [tilespmem:v28+s2+$0x0], $0xffff  }
0x640: {  	[tilespmem:s0+$0x9C60] =	vst v2;
	v5 =	vld.idx.msk [tilespmem:v29+s2+$0x0], $0xffff  }
0x641: {  	[tilespmem:s0+$0x9CE0] =	vst v3;
	v6 =	vld.idx.msk [tilespmem:v30+s2+$0x0], $0xffff  }
0x642: {  	v7 =	vld.idx.msk [tilespmem:v31+s2+$0x0], $0xffff  }
0x643: {  	v32 =	vld [tilespmem:s0+$0x6F00]  }
0x644: {  	v33 =	vld [tilespmem:s0+$0x6F80];
	[tilespmem:s0+$0x8B70] =	vst v4  }
0x645: {  	[tilespmem:s0+$0x8BF0] =	vst v5;
	v4 =	vld.idx.msk [tilespmem:v28+s15+$0x0], $0xffff  }
0x646: {  	[tilespmem:s0+$0x8C70] =	vst v6;
	v5 =	vld.idx.msk [tilespmem:v29+s15+$0x0], $0xffff  }
0x647: {  	[tilespmem:s0+$0x8CF0] =	vst v7;
	v6 =	vld.idx.msk [tilespmem:v30+s15+$0x0], $0xffff  }
0x648: {  	v7 =	vld.idx.msk [tilespmem:v31+s15+$0x0], $0xffff  }
0x649: {  	v34 =	vld [tilespmem:s0+$0x7000]  }
0x64a: {  	v35 =	vld [tilespmem:s0+$0x7080];
	[tilespmem:s0+$0x9370] =	vst v4  }
0x64b: {  	[tilespmem:s0+$0x93F0] =	vst v5;
	v0 =	vld.idx.msk [tilespmem:v28+s16+$0x0], $0xffff  }
0x64c: {  	[tilespmem:s0+$0x9470] =	vst v6;
	v1 =	vld.idx.msk [tilespmem:v29+s16+$0x0], $0xffff  }
0x64d: {  	[tilespmem:s0+$0x94F0] =	vst v7;
	v2 =	vld.idx.msk [tilespmem:v30+s16+$0x0], $0xffff  }
0x64e: {  	v3 =	vld.idx.msk [tilespmem:v31+s16+$0x0], $0xffff;
	_ =	sdelay $0x1  }
0x64f: {  	[tilespmem:s0+$0x9B70] =	vst v0  }
0x650: {  	[tilespmem:s0+$0x9BF0] =	vst v1;
	v4 =	vld.idx.msk [tilespmem:v32+s2+$0x0], $0xffff  }
0x651: {  	[tilespmem:s0+$0x9C70] =	vst v2;
	v5 =	vld.idx.msk [tilespmem:v33+s2+$0x0], $0xffff  }
0x652: {  	[tilespmem:s0+$0x9CF0] =	vst v3;
	v6 =	vld.idx.msk [tilespmem:v34+s2+$0x0], $0xffff  }
0x653: {  	v7 =	vld.idx.msk [tilespmem:v35+s2+$0x0], $0xffff  }
0x654: {  	v36 =	vld [tilespmem:s0+$0x6F10]  }
0x655: {  	v37 =	vld [tilespmem:s0+$0x6F90];
	[tilespmem:s0+$0x8F00] =	vst v4  }
0x656: {  	[tilespmem:s0+$0x8F80] =	vst v5;
	v4 =	vld.idx.msk [tilespmem:v32+s15+$0x0], $0xffff  }
0x657: {  	[tilespmem:s0+$0x9000] =	vst v6;
	v5 =	vld.idx.msk [tilespmem:v33+s15+$0x0], $0xffff  }
0x658: {  	[tilespmem:s0+$0x9080] =	vst v7;
	v6 =	vld.idx.msk [tilespmem:v34+s15+$0x0], $0xffff  }
0x659: {  	v7 =	vld.idx.msk [tilespmem:v35+s15+$0x0], $0xffff  }
0x65a: {  	v38 =	vld [tilespmem:s0+$0x7010]  }
0x65b: {  	v39 =	vld [tilespmem:s0+$0x7090];
	[tilespmem:s0+$0x9700] =	vst v4  }
0x65c: {  	[tilespmem:s0+$0x9780] =	vst v5;
	v0 =	vld.idx.msk [tilespmem:v32+s16+$0x0], $0xffff  }
0x65d: {  	[tilespmem:s0+$0x9800] =	vst v6;
	v1 =	vld.idx.msk [tilespmem:v33+s16+$0x0], $0xffff  }
0x65e: {  	[tilespmem:s0+$0x9880] =	vst v7;
	v2 =	vld.idx.msk [tilespmem:v34+s16+$0x0], $0xffff  }
0x65f: {  	v3 =	vld.idx.msk [tilespmem:v35+s16+$0x0], $0xffff;
	_ =	sdelay $0x1  }
0x660: {  	[tilespmem:s0+$0x9F00] =	vst v0  }
0x661: {  	[tilespmem:s0+$0x9F80] =	vst v1;
	v4 =	vld.idx.msk [tilespmem:v36+s2+$0x0], $0xffff  }
0x662: {  	[tilespmem:s0+$0xA000] =	vst v2;
	v5 =	vld.idx.msk [tilespmem:v37+s2+$0x0], $0xffff  }
0x663: {  	[tilespmem:s0+$0xA080] =	vst v3;
	v6 =	vld.idx.msk [tilespmem:v38+s2+$0x0], $0xffff  }
0x664: {  	v7 =	vld.idx.msk [tilespmem:v39+s2+$0x0], $0xffff  }
0x665: {  	v40 =	vld [tilespmem:s0+$0x6F20]  }
0x666: {  	v41 =	vld [tilespmem:s0+$0x6FA0];
	[tilespmem:s0+$0x8F10] =	vst v4  }
0x667: {  	[tilespmem:s0+$0x8F90] =	vst v5;
	v4 =	vld.idx.msk [tilespmem:v36+s15+$0x0], $0xffff  }
0x668: {  	[tilespmem:s0+$0x9010] =	vst v6;
	v5 =	vld.idx.msk [tilespmem:v37+s15+$0x0], $0xffff  }
0x669: {  	[tilespmem:s0+$0x9090] =	vst v7;
	v6 =	vld.idx.msk [tilespmem:v38+s15+$0x0], $0xffff  }
0x66a: {  	v7 =	vld.idx.msk [tilespmem:v39+s15+$0x0], $0xffff  }
0x66b: {  	v42 =	vld [tilespmem:s0+$0x7020]  }
0x66c: {  	v43 =	vld [tilespmem:s0+$0x70A0];
	[tilespmem:s0+$0x9710] =	vst v4  }
0x66d: {  	[tilespmem:s0+$0x9790] =	vst v5;
	v0 =	vld.idx.msk [tilespmem:v36+s16+$0x0], $0xffff  }
0x66e: {  	[tilespmem:s0+$0x9810] =	vst v6;
	v1 =	vld.idx.msk [tilespmem:v37+s16+$0x0], $0xffff  }
0x66f: {  	[tilespmem:s0+$0x9890] =	vst v7;
	v2 =	vld.idx.msk [tilespmem:v38+s16+$0x0], $0xffff  }
0x670: {  	v3 =	vld.idx.msk [tilespmem:v39+s16+$0x0], $0xffff;
	_ =	sdelay $0x1  }
0x671: {  	[tilespmem:s0+$0x9F10] =	vst v0  }
0x672: {  	[tilespmem:s0+$0x9F90] =	vst v1;
	v4 =	vld.idx.msk [tilespmem:v40+s2+$0x0], $0xffff  }
0x673: {  	[tilespmem:s0+$0xA010] =	vst v2;
	v5 =	vld.idx.msk [tilespmem:v41+s2+$0x0], $0xffff  }
0x674: {  	[tilespmem:s0+$0xA090] =	vst v3;
	v6 =	vld.idx.msk [tilespmem:v42+s2+$0x0], $0xffff  }
0x675: {  	v7 =	vld.idx.msk [tilespmem:v43+s2+$0x0], $0xffff  }
0x676: {  	v44 =	vld [tilespmem:s0+$0x6F30]  }
0x677: {  	v45 =	vld [tilespmem:s0+$0x6FB0];
	[tilespmem:s0+$0x8F20] =	vst v4  }
0x678: {  	[tilespmem:s0+$0x8FA0] =	vst v5;
	v4 =	vld.idx.msk [tilespmem:v40+s15+$0x0], $0xffff  }
0x679: {  	[tilespmem:s0+$0x9020] =	vst v6;
	v5 =	vld.idx.msk [tilespmem:v41+s15+$0x0], $0xffff  }
0x67a: {  	[tilespmem:s0+$0x90A0] =	vst v7;
	v6 =	vld.idx.msk [tilespmem:v42+s15+$0x0], $0xffff  }
0x67b: {  	v7 =	vld.idx.msk [tilespmem:v43+s15+$0x0], $0xffff  }
0x67c: {  	v46 =	vld [tilespmem:s0+$0x7030]  }
0x67d: {  	v47 =	vld [tilespmem:s0+$0x70B0];
	[tilespmem:s0+$0x9720] =	vst v4  }
0x67e: {  	[tilespmem:s0+$0x97A0] =	vst v5;
	v0 =	vld.idx.msk [tilespmem:v40+s16+$0x0], $0xffff  }
0x67f: {  	[tilespmem:s0+$0x9820] =	vst v6;
	v1 =	vld.idx.msk [tilespmem:v41+s16+$0x0], $0xffff  }
0x680: {  	[tilespmem:s0+$0x98A0] =	vst v7;
	v2 =	vld.idx.msk [tilespmem:v42+s16+$0x0], $0xffff  }
0x681: {  	v3 =	vld.idx.msk [tilespmem:v43+s16+$0x0], $0xffff;
	_ =	sdelay $0x1  }
0x682: {  	[tilespmem:s0+$0x9F20] =	vst v0  }
0x683: {  	[tilespmem:s0+$0x9FA0] =	vst v1;
	v4 =	vld.idx.msk [tilespmem:v44+s2+$0x0], $0xffff  }
0x684: {  	[tilespmem:s0+$0xA020] =	vst v2;
	v5 =	vld.idx.msk [tilespmem:v45+s2+$0x0], $0xffff  }
0x685: {  	[tilespmem:s0+$0xA0A0] =	vst v3;
	v6 =	vld.idx.msk [tilespmem:v46+s2+$0x0], $0xffff  }
0x686: {  	v7 =	vld.idx.msk [tilespmem:v47+s2+$0x0], $0xffff  }
0x687: {  	v48 =	vld [tilespmem:s0+$0x6F40]  }
0x688: {  	v49 =	vld [tilespmem:s0+$0x6FC0];
	[tilespmem:s0+$0x8F30] =	vst v4  }
0x689: {  	[tilespmem:s0+$0x8FB0] =	vst v5;
	v4 =	vld.idx.msk [tilespmem:v44+s15+$0x0], $0xffff  }
0x68a: {  	[tilespmem:s0+$0x9030] =	vst v6;
	v5 =	vld.idx.msk [tilespmem:v45+s15+$0x0], $0xffff  }
0x68b: {  	[tilespmem:s0+$0x90B0] =	vst v7;
	v6 =	vld.idx.msk [tilespmem:v46+s15+$0x0], $0xffff  }
0x68c: {  	v7 =	vld.idx.msk [tilespmem:v47+s15+$0x0], $0xffff  }
0x68d: {  	v50 =	vld [tilespmem:s0+$0x7040]  }
0x68e: {  	v51 =	vld [tilespmem:s0+$0x70C0];
	[tilespmem:s0+$0x9730] =	vst v4  }
0x68f: {  	[tilespmem:s0+$0x97B0] =	vst v5;
	v0 =	vld.idx.msk [tilespmem:v44+s16+$0x0], $0xffff  }
0x690: {  	[tilespmem:s0+$0x9830] =	vst v6;
	v1 =	vld.idx.msk [tilespmem:v45+s16+$0x0], $0xffff  }
0x691: {  	[tilespmem:s0+$0x98B0] =	vst v7;
	v2 =	vld.idx.msk [tilespmem:v46+s16+$0x0], $0xffff  }
0x692: {  	v3 =	vld.idx.msk [tilespmem:v47+s16+$0x0], $0xffff;
	_ =	sdelay $0x1  }
0x693: {  	[tilespmem:s0+$0x9F30] =	vst v0  }
0x694: {  	[tilespmem:s0+$0x9FB0] =	vst v1;
	v4 =	vld.idx.msk [tilespmem:v48+s2+$0x0], $0xffff  }
0x695: {  	[tilespmem:s0+$0xA030] =	vst v2;
	v5 =	vld.idx.msk [tilespmem:v49+s2+$0x0], $0xffff  }
0x696: {  	[tilespmem:s0+$0xA0B0] =	vst v3;
	v6 =	vld.idx.msk [tilespmem:v50+s2+$0x0], $0xffff  }
0x697: {  	v7 =	vld.idx.msk [tilespmem:v51+s2+$0x0], $0xffff  }
0x698: {  	v52 =	vld [tilespmem:s0+$0x6F50]  }
0x699: {  	v53 =	vld [tilespmem:s0+$0x6FD0];
	[tilespmem:s0+$0x8F40] =	vst v4  }
0x69a: {  	[tilespmem:s0+$0x8FC0] =	vst v5;
	v4 =	vld.idx.msk [tilespmem:v48+s15+$0x0], $0xffff  }
0x69b: {  	[tilespmem:s0+$0x9040] =	vst v6;
	v5 =	vld.idx.msk [tilespmem:v49+s15+$0x0], $0xffff  }
0x69c: {  	[tilespmem:s0+$0x90C0] =	vst v7;
	v6 =	vld.idx.msk [tilespmem:v50+s15+$0x0], $0xffff  }
0x69d: {  	v7 =	vld.idx.msk [tilespmem:v51+s15+$0x0], $0xffff  }
0x69e: {  	v54 =	vld [tilespmem:s0+$0x7050]  }
0x69f: {  	v55 =	vld [tilespmem:s0+$0x70D0];
	[tilespmem:s0+$0x9740] =	vst v4  }
0x6a0: {  	[tilespmem:s0+$0x97C0] =	vst v5;
	v0 =	vld.idx.msk [tilespmem:v48+s16+$0x0], $0xffff  }
0x6a1: {  	[tilespmem:s0+$0x9840] =	vst v6;
	v1 =	vld.idx.msk [tilespmem:v49+s16+$0x0], $0xffff  }
0x6a2: {  	[tilespmem:s0+$0x98C0] =	vst v7;
	v2 =	vld.idx.msk [tilespmem:v50+s16+$0x0], $0xffff  }
0x6a3: {  	v3 =	vld.idx.msk [tilespmem:v51+s16+$0x0], $0xffff;
	_ =	sdelay $0x1  }
0x6a4: {  	[tilespmem:s0+$0x9F40] =	vst v0  }
0x6a5: {  	[tilespmem:s0+$0x9FC0] =	vst v1;
	v4 =	vld.idx.msk [tilespmem:v52+s2+$0x0], $0xffff  }
0x6a6: {  	[tilespmem:s0+$0xA040] =	vst v2;
	v5 =	vld.idx.msk [tilespmem:v53+s2+$0x0], $0xffff  }
0x6a7: {  	[tilespmem:s0+$0xA0C0] =	vst v3;
	v6 =	vld.idx.msk [tilespmem:v54+s2+$0x0], $0xffff  }
0x6a8: {  	v7 =	vld.idx.msk [tilespmem:v55+s2+$0x0], $0xffff  }
0x6a9: {  	v56 =	vld [tilespmem:s0+$0x6F60]  }
0x6aa: {  	v57 =	vld [tilespmem:s0+$0x6FE0];
	[tilespmem:s0+$0x8F50] =	vst v4  }
0x6ab: {  	[tilespmem:s0+$0x8FD0] =	vst v5;
	v4 =	vld.idx.msk [tilespmem:v52+s15+$0x0], $0xffff  }
0x6ac: {  	[tilespmem:s0+$0x9050] =	vst v6;
	v5 =	vld.idx.msk [tilespmem:v53+s15+$0x0], $0xffff  }
0x6ad: {  	[tilespmem:s0+$0x90D0] =	vst v7;
	v6 =	vld.idx.msk [tilespmem:v54+s15+$0x0], $0xffff  }
0x6ae: {  	v7 =	vld.idx.msk [tilespmem:v55+s15+$0x0], $0xffff  }
0x6af: {  	v58 =	vld [tilespmem:s0+$0x7060]  }
0x6b0: {  	v59 =	vld [tilespmem:s0+$0x70E0];
	[tilespmem:s0+$0x9750] =	vst v4  }
0x6b1: {  	[tilespmem:s0+$0x97D0] =	vst v5;
	v0 =	vld.idx.msk [tilespmem:v52+s16+$0x0], $0xffff  }
0x6b2: {  	[tilespmem:s0+$0x9850] =	vst v6;
	v1 =	vld.idx.msk [tilespmem:v53+s16+$0x0], $0xffff  }
0x6b3: {  	[tilespmem:s0+$0x98D0] =	vst v7;
	v2 =	vld.idx.msk [tilespmem:v54+s16+$0x0], $0xffff  }
0x6b4: {  	v3 =	vld.idx.msk [tilespmem:v55+s16+$0x0], $0xffff;
	_ =	sdelay $0x1  }
0x6b5: {  	[tilespmem:s0+$0x9F50] =	vst v0  }
0x6b6: {  	[tilespmem:s0+$0x9FD0] =	vst v1;
	v4 =	vld.idx.msk [tilespmem:v56+s2+$0x0], $0xffff  }
0x6b7: {  	[tilespmem:s0+$0xA050] =	vst v2;
	v5 =	vld.idx.msk [tilespmem:v57+s2+$0x0], $0xffff  }
0x6b8: {  	[tilespmem:s0+$0xA0D0] =	vst v3;
	v6 =	vld.idx.msk [tilespmem:v58+s2+$0x0], $0xffff  }
0x6b9: {  	v7 =	vld.idx.msk [tilespmem:v59+s2+$0x0], $0xffff  }
0x6ba: {  	v60 =	vld [tilespmem:s0+$0x6F70]  }
0x6bb: {  	v61 =	vld [tilespmem:s0+$0x6FF0];
	[tilespmem:s0+$0x8F60] =	vst v4  }
0x6bc: {  	[tilespmem:s0+$0x8FE0] =	vst v5;
	v4 =	vld.idx.msk [tilespmem:v56+s15+$0x0], $0xffff  }
0x6bd: {  	[tilespmem:s0+$0x9060] =	vst v6;
	v5 =	vld.idx.msk [tilespmem:v57+s15+$0x0], $0xffff  }
0x6be: {  	[tilespmem:s0+$0x90E0] =	vst v7;
	v6 =	vld.idx.msk [tilespmem:v58+s15+$0x0], $0xffff  }
0x6bf: {  	v7 =	vld.idx.msk [tilespmem:v59+s15+$0x0], $0xffff  }
0x6c0: {  	v62 =	vld [tilespmem:s0+$0x7070]  }
0x6c1: {  	v63 =	vld [tilespmem:s0+$0x70F0];
	[tilespmem:s0+$0x9760] =	vst v4  }
0x6c2: {  	[tilespmem:s0+$0x97E0] =	vst v5;
	v0 =	vld.idx.msk [tilespmem:v56+s16+$0x0], $0xffff  }
0x6c3: {  	[tilespmem:s0+$0x9860] =	vst v6;
	v1 =	vld.idx.msk [tilespmem:v57+s16+$0x0], $0xffff  }
0x6c4: {  	[tilespmem:s0+$0x98E0] =	vst v7;
	v2 =	vld.idx.msk [tilespmem:v58+s16+$0x0], $0xffff  }
0x6c5: {  	v3 =	vld.idx.msk [tilespmem:v59+s16+$0x0], $0xffff;
	_ =	sdelay $0x1  }
0x6c6: {  	[tilespmem:s0+$0x9F60] =	vst v0  }
0x6c7: {  	[tilespmem:s0+$0x9FE0] =	vst v1;
	v4 =	vld.idx.msk [tilespmem:v60+s2+$0x0], $0xffff  }
0x6c8: {  	[tilespmem:s0+$0xA060] =	vst v2;
	v5 =	vld.idx.msk [tilespmem:v61+s2+$0x0], $0xffff  }
0x6c9: {  	[tilespmem:s0+$0xA0E0] =	vst v3;
	v6 =	vld.idx.msk [tilespmem:v62+s2+$0x0], $0xffff  }
0x6ca: {  	v7 =	vld.idx.msk [tilespmem:v63+s2+$0x0], $0xffff;
	_ =	sdelay $0x1  }
0x6cb: {  	[tilespmem:s0+$0x8F70] =	vst v4  }
0x6cc: {  	[tilespmem:s0+$0x8FF0] =	vst v5;
	v4 =	vld.idx.msk [tilespmem:v60+s15+$0x0], $0xffff  }
0x6cd: {  	[tilespmem:s0+$0x9070] =	vst v6;
	v5 =	vld.idx.msk [tilespmem:v61+s15+$0x0], $0xffff  }
0x6ce: {  	[tilespmem:s0+$0x90F0] =	vst v7;
	v6 =	vld.idx.msk [tilespmem:v62+s15+$0x0], $0xffff  }
0x6cf: {  	v7 =	vld.idx.msk [tilespmem:v63+s15+$0x0], $0xffff;
	_ =	sdelay $0x1  }
0x6d0: {  	[tilespmem:s0+$0x9770] =	vst v4  }
0x6d1: {  	[tilespmem:s0+$0x97F0] =	vst v5;
	v0 =	vld.idx.msk [tilespmem:v60+s16+$0x0], $0xffff  }
0x6d2: {  	[tilespmem:s0+$0x9870] =	vst v6;
	v1 =	vld.idx.msk [tilespmem:v61+s16+$0x0], $0xffff  }
0x6d3: {  	[tilespmem:s0+$0x98F0] =	vst v7;
	v2 =	vld.idx.msk [tilespmem:v62+s16+$0x0], $0xffff  }
0x6d4: {  	p1 =	por p0, p0;
	v3 =	vld.idx.msk [tilespmem:v63+s16+$0x0], $0xffff  }
.Ltmp6:
0x6d5: {  	_ = 	snop;
	(pc) =	sbr.rel @p1 .LBB2_14-.Ltmp6, $4  }
0x6d6: {  	[tilespmem:s0+$0x9F70] =	vst v0  }
0x6d7: {  	[tilespmem:s0+$0x9FF0] =	vst v1  }
0x6d8: {  	[tilespmem:s0+$0xA070] =	vst v2  }
0x6d9: {  	p0 =	por $0x0, $0x0;
	[tilespmem:s0+$0xA0F0] =	vst v3;
	s0 =	simm.s32 $0x200  }
0x6da: {  	[hbm4b:s13+s21] =	stream.strided.scatter [tilespmem:s25], [sflag:$0x4], $0x1800, s22, s21, $0x38;
	[tilespmem:$0xA300] =	vst v63  }
0x6db: {  	s29 =	sadd.s32 $0x1, s29  }
0x6dc: {  	_ =	swait.ge [sflag:s26], $0x1800;
	p0 =	sne.s32 s29, s14  }
.Ltmp7:
0x6dd: {  	[sflag:s26] =	ssyncset.done $0x0;
	(pc) =	sbr.rel @p0 .LBB2_1-.Ltmp7, $4  }
0x6de: {  	[sflag:s26] =	ssyncadd.s32 $0xFFFFE800  }
0x6df: {  	_ =	swait.ge [sflag:s28], $0x1800  }
0x6e0: {  	[sflag:s28] =	ssyncset.done $0x0  }
0x6e1: {  	[sflag:s28] =	ssyncadd.s32 $0xFFFFE800  }
0x6e2: {  	_ =	sfence.sel $0x180000  }
0x6e3: {  	[bflag:$0x0] =	sbarrier.arrive $0xFFFF  }
0x6e4: {  	_ =	strace $0x90000047  }
0x6e5: {  	s0 =	stileid.u32;
	[bflag:$0x2] =	sbarrier.arrive $0xFFFF  }
0x6e6: {  	p0 =	sne.s32 s0, $0x0;
	s0 =	rddreg [dreg:$0x3]  }
0x6e7: {  	s0 =	sadd.s32 @!p0 $0x100000, s0  }
0x6e8: {  	[sflag:s0] =	ssyncadd.tile.s32 @!p0 $0x1;
	_ =	shalt  }
.Lfunc_end2:
_tile_overlayer_lowered:
.L_overlay_start_2:
0x6e9: {  	(tag) =	ssettag $0x2  }
0x6ea: {  	s0 =	rddreg [dreg:$0x0];
	s2 =	stileid.u32  }
0x6eb: {  	s1 =	rddreg [dreg:$0x1];
	p0 =	sne.s32 s2, $0x0  }
0x6ec: {  	s3 =	rddreg [dreg:$0x2];
	[bflag:$0x3] =	sbarrier.arrive $0xFFFF;
	s2 =	simm.s32 @!p0 $0x1C06  }
0x6ed: {  	[timem:s3], [sflag:s2] =	dma.local @!p0 [hbm:s0], s1  }
0x6ee: {  	s0 =	simm.s32 @!p0 $0x6  }
0x6ef: {  	_ =	swait.ge @!p0 [sflag:s0], s1  }
0x6f0: {  	s1 =	ssub.s32 @!p0 $0x0, s1;
	[sflag:s0] =	ssyncset.done @!p0 $0x0  }
0x6f1: {  	[sflag:s0] =	ssyncadd.s32 @!p0 s1  }
0x6f2: {  	[bflag:$0x3] =	sbarrier.arrive $0xFFFF  }
0x6f3: {  	_ =	shalt  }

</sc_bundles>
